<compile_context>
chip_gen: v7x
topology: tpu7x:2x2x1
jax: 0.10.2.dev20260603
libtpu: 0.0.44.dev20260713+nightly
codegen_flags: <defaults>
</compile_context>

<pallas_src>
import functools

import jax
import jax.numpy as jnp
from jax import lax
from jax.experimental import pallas as pl
from jax.experimental.pallas import tpu as pltpu
from jax.experimental.pallas import tpu_sc as plsc

V_DIM = 1_000_000
D_DIM = 64
B = 16384
L = 50
N = B * L

NC = 2
NS = 16
NW = NC * NS
PER_W = N // NW
CHUNK = 128
NCH = PER_W // CHUNK
NB = 8
NG = NCH // NB
LANES = 16
SG_COLS = 16

_mesh = plsc.VectorSubcoreMesh(core_axis_name="c", subcore_axis_name="s")


@functools.partial(
    pl.kernel,
    out_type=[
        jax.ShapeDtypeStruct((N, D_DIM), jnp.float32),
        jax.ShapeDtypeStruct((N,), jnp.float32),
    ],
    mesh=_mesh,
    scratch_types=[
        pltpu.VMEM((NCH, CHUNK), jnp.int32),
        pltpu.VMEM((NB, CHUNK, D_DIM), jnp.float32),
        pltpu.VMEM((NB, CHUNK), jnp.int32),
        pltpu.VMEM((NB, CHUNK, SG_COLS), jnp.float32),
        pltpu.VMEM((CHUNK,), jnp.float32),
    ]
    + [pltpu.SemaphoreType.DMA] * (2 * NB),
    compiler_params=pltpu.CompilerParams(
        use_tc_tiling_on_sc=False, needs_layout_passes=False),
)
def _sc_gather(x_hbm, mu_hbm, sg_hbm, mu_out, sg_out, idx_v, mu_rows,
               idx_hi_v, sg_rows, sg_vals, *sems):
    mu_sems = sems[:NB]
    sg_sems = sems[NB:]
    wid = lax.axis_index("s") * NC + lax.axis_index("c")
    base = wid * PER_W
    pltpu.sync_copy(x_hbm.at[wid], idx_v)

    @pl.loop(0, NG)
    def _group(g):
        c0 = g * NB
        gathers = []
        for b in range(NB):
            c = c0 + b
            g_mu = pltpu.async_copy(mu_hbm.at[idx_v.at[c]], mu_rows.at[b],
                                    mu_sems[b])
            for q in range(CHUNK // LANES):
                iv = idx_v[c, pl.ds(q * LANES, LANES)]
                idx_hi_v[b, pl.ds(q * LANES, LANES)] = (
                    lax.shift_right_logical(iv, 4))
            g_sg = pltpu.async_copy(sg_hbm.at[idx_hi_v.at[b]], sg_rows.at[b],
                                    sg_sems[b])
            gathers.append((g_mu, g_sg))
        for b in range(NB):
            c = c0 + b
            out_base = base + c * CHUNK
            g_mu, g_sg = gathers[b]
            g_mu.wait()
            pltpu.sync_copy(mu_rows.at[b], mu_out.at[pl.ds(out_base, CHUNK)])
            g_sg.wait()
            for q in range(CHUNK // LANES):
                rows = jnp.arange(LANES, dtype=jnp.int32) + (q * LANES)
                cols = idx_v[c, pl.ds(q * LANES, LANES)] & (SG_COLS - 1)
                sg_vals[pl.ds(q * LANES, LANES)] = plsc.load_gather(
                    sg_rows.at[b], (rows, cols))
            pltpu.sync_copy(sg_vals, sg_out.at[pl.ds(out_base, CHUNK)])


def _softplus_body(x_ref, o_ref):
    o_ref[...] = jax.nn.softplus(x_ref[...])


_SP_ROWS = N // 128
_SP_BLOCK = 800


def _softplus_tc(raw):
    x2 = raw.reshape(_SP_ROWS, 128)
    out = pl.pallas_call(
        _softplus_body,
        out_shape=jax.ShapeDtypeStruct((_SP_ROWS, 128), jnp.float32),
        grid=(_SP_ROWS // _SP_BLOCK,),
        in_specs=[pl.BlockSpec((_SP_BLOCK, 128), lambda i: (i, 0))],
        out_specs=pl.BlockSpec((_SP_BLOCK, 128), lambda i: (i, 0)),
    )(x2)
    return out


def kernel(x, mu_table, sigma_table):
    idx = x.astype(jnp.int32).reshape(NW, NCH, CHUNK)
    sg2 = sigma_table.reshape(V_DIM // SG_COLS, SG_COLS)
    mu_flat, sg_flat = _sc_gather(idx, mu_table, sg2)
    mu = mu_flat.reshape(B, L, D_DIM)
    sp = _softplus_tc(sg_flat)
    sigma = sp.reshape(B, L)[:, :, None]
    return (mu, sigma)

# --- scband reference (transcript-rebuilt; emitter-appended) ---
"""Pipeline reference for scband-prior-89043261980877 (READ-ONLY COPY).

The authoritative reference and input builder live on the scoring server;
editing this copy changes nothing except your own understanding.
"""

import jax, jax.numpy as jnp
import numpy as np

V_DIM = 1000000
D_DIM = 64
B = 16384
L = 50

def setup_inputs(seed: int = 0) -> dict:
    key = jax.random.key(seed)
    k1, k2, k3 = jax.random.split(key, 3)
    x = jax.random.randint(k1, (B, L), 0, V_DIM)
    mu_table = jax.random.normal(k2, (V_DIM, D_DIM), dtype=jnp.float32)
    sigma_table = jax.random.normal(k3, (V_DIM, 1), dtype=jnp.float32)
    return {"x": x, "mu_table": mu_table, "sigma_table": sigma_table}

def reference(x, mu_table, sigma_table):
    # mu = nn.Embedding lookup
    mu = jnp.take(mu_table, x, axis=0)
    # sigma = softplus(nn.Embedding lookup)
    sigma = jax.nn.softplus(jnp.take(sigma_table, x, axis=0))
    return (mu, sigma)

if __name__ == "__main__":
    import jax
    _d = setup_inputs()
    print(jax.jit(kernel)(*tuple(_d.values())))

</pallas_src>

<mosaic_0001>
#map = affine_map<(d0, d1) -> (0, 0, 0)>
#map1 = affine_map<(d0, d1) -> (0, 0)>
#map2 = affine_map<(d0, d1) -> (0)>
module attributes {stable_mosaic.version = 14 : i64} {
  func.func @_sc_gather(%arg0: i32, %arg1: i32, %arg2: memref<32x200x128xi32, #tpu.memory_space<hbm>>, %arg3: memref<1000000x64xf32, #tpu.memory_space<hbm>>, %arg4: memref<62500x16xf32, #tpu.memory_space<hbm>>, %arg5: memref<819200x64xf32, #tpu.memory_space<hbm>>, %arg6: memref<819200xf32, #tpu.memory_space<hbm>>, %arg7: memref<200x128xi32, #tpu.memory_space<vmem>>, %arg8: memref<8x128x64xf32, #tpu.memory_space<vmem>>, %arg9: memref<8x128xi32, #tpu.memory_space<vmem>>, %arg10: memref<8x128x16xf32, #tpu.memory_space<vmem>>, %arg11: memref<128xf32, #tpu.memory_space<vmem>>, %arg12: memref<!tpu.dma_semaphore, #tpu.memory_space<semaphore_mem>>, %arg13: memref<!tpu.dma_semaphore, #tpu.memory_space<semaphore_mem>>, %arg14: memref<!tpu.dma_semaphore, #tpu.memory_space<semaphore_mem>>, %arg15: memref<!tpu.dma_semaphore, #tpu.memory_space<semaphore_mem>>, %arg16: memref<!tpu.dma_semaphore, #tpu.memory_space<semaphore_mem>>, %arg17: memref<!tpu.dma_semaphore, #tpu.memory_space<semaphore_mem>>, %arg18: memref<!tpu.dma_semaphore, #tpu.memory_space<semaphore_mem>>, %arg19: memref<!tpu.dma_semaphore, #tpu.memory_space<semaphore_mem>>, %arg20: memref<!tpu.dma_semaphore, #tpu.memory_space<semaphore_mem>>, %arg21: memref<!tpu.dma_semaphore, #tpu.memory_space<semaphore_mem>>, %arg22: memref<!tpu.dma_semaphore, #tpu.memory_space<semaphore_mem>>, %arg23: memref<!tpu.dma_semaphore, #tpu.memory_space<semaphore_mem>>, %arg24: memref<!tpu.dma_semaphore, #tpu.memory_space<semaphore_mem>>, %arg25: memref<!tpu.dma_semaphore, #tpu.memory_space<semaphore_mem>>, %arg26: memref<!tpu.dma_semaphore, #tpu.memory_space<semaphore_mem>>, %arg27: memref<!tpu.dma_semaphore, #tpu.memory_space<semaphore_mem>>) attributes {dimension_semantics = [#tpu.dimension_semantics<core_parallel>, #tpu.dimension_semantics<subcore_parallel>], iteration_bounds = array<i64: 2, 16>, scalar_prefetch = 0 : i64, scratch_operands = 21 : i64, tpu.core_type = #tpu.core_type<sc_vector_subcore>, window_params = [{transform_indices = #map}, {transform_indices = #map1}, {transform_indices = #map1}, {transform_indices = #map1}, {transform_indices = #map2}]} {
    %mul3A = arith.constant 2 : i32
    %mul3A_0 = arith.muli %arg1, %mul3A : i32
    %add3A = arith.addi %mul3A_0, %arg0 : i32
    %mul3A_1 = arith.constant 25600 : i32
    %mul3A_2 = arith.muli %add3A, %mul3A_1 : i32
    "tpu.region"() ({
      %run_scoped3A = tpu.sem_alloc : memref<!tpu.dma_semaphore, #tpu.memory_space<semaphore_mem>>
      %dma_start3A = arith.constant 0 : i32
      %dma_start3A_7 = arith.constant 0 : i32
      %dma_start3A_8 = tpu.memref_slice %arg2[%add3A, %dma_start3A, %dma_start3A_7] : memref<32x200x128xi32, #tpu.memory_space<hbm>> -> memref<1x200x128xi32, #tpu.memory_space<hbm>>
      %dma_start3A_9 = tpu.memref_squeeze %dma_start3A_8 : memref<1x200x128xi32, #tpu.memory_space<hbm>> -> memref<200x128xi32, #tpu.memory_space<hbm>>
      %dma_start3A_10 = arith.constant 0 : i32
      %dma_start3A_11 = arith.constant 0 : i32
      %dma_start3A_12 = tpu.memref_slice %arg2[%add3A, %dma_start3A_10, %dma_start3A_11] : memref<32x200x128xi32, #tpu.memory_space<hbm>> -> memref<1x200x128xi32, #tpu.memory_space<hbm>>
      %dma_start3A_13 = tpu.memref_squeeze %dma_start3A_12 : memref<1x200x128xi32, #tpu.memory_space<hbm>> -> memref<200x128xi32, #tpu.memory_space<hbm>>
      tpu.enqueue_dma source(%dma_start3A_13 : memref<200x128xi32, #tpu.memory_space<hbm>>) target(%arg7 : memref<200x128xi32, #tpu.memory_space<vmem>>) target_semaphore(%run_scoped3A : memref<!tpu.dma_semaphore, #tpu.memory_space<semaphore_mem>>)
      %dma_wait3A = arith.constant 0 : i32
      %dma_wait3A_14 = arith.constant 0 : i32
      %dma_wait3A_15 = tpu.memref_slice %arg2[%add3A, %dma_wait3A, %dma_wait3A_14] : memref<32x200x128xi32, #tpu.memory_space<hbm>> -> memref<1x200x128xi32, #tpu.memory_space<hbm>>
      %dma_wait3A_16 = tpu.memref_squeeze %dma_wait3A_15 : memref<1x200x128xi32, #tpu.memory_space<hbm>> -> memref<200x128xi32, #tpu.memory_space<hbm>>
      %dma_wait3A_17 = arith.constant 0 : i32
      %dma_wait3A_18 = arith.constant 0 : i32
      %dma_wait3A_19 = tpu.memref_slice %arg2[%add3A, %dma_wait3A_17, %dma_wait3A_18] : memref<32x200x128xi32, #tpu.memory_space<hbm>> -> memref<1x200x128xi32, #tpu.memory_space<hbm>>
      %dma_wait3A_20 = tpu.memref_squeeze %dma_wait3A_19 : memref<1x200x128xi32, #tpu.memory_space<hbm>> -> memref<200x128xi32, #tpu.memory_space<hbm>>
      tpu.wait_dma2 semaphore(%run_scoped3A : memref<!tpu.dma_semaphore, #tpu.memory_space<semaphore_mem>>) src(%dma_wait3A_20 : memref<200x128xi32, #tpu.memory_space<hbm>>) dst(%arg7 : memref<200x128xi32, #tpu.memory_space<vmem>>)
      tpu.yield
    }) : () -> ()
    %scan3A = arith.constant 0 : i32
    %scan3A_3 = arith.constant 25 : i32
    %scan3A_4 = arith.addi %scan3A, %scan3A_3 : i32
    %scan3A_5 = arith.constant 1 : i32
    scf.for %scan3A_7 = %scan3A to %scan3A_4 step %scan3A_5  : i32 {
      %mul3A_8 = arith.constant 1 : i32
      %mul3A_9 = arith.muli %scan3A_7, %mul3A_8 : i32
      %add3A_10 = arith.constant 0 : i32
      %add3A_11 = arith.addi %add3A_10, %mul3A_9 : i32
      %mul3A_12 = arith.constant 8 : i32
      %mul3A_13 = arith.muli %add3A_11, %mul3A_12 : i32
      %add3A_14 = arith.constant 0 : i32
      %add3A_15 = arith.addi %mul3A_13, %add3A_14 : i32
      %dma_start3A = arith.constant 0 : i32
      %dma_start3A_16 = arith.constant 0 : i32
      %dma_start3A_17 = arith.constant 0 : i32
      %dma_start3A_18 = tpu.memref_slice %arg8[%dma_start3A, %dma_start3A_16, %dma_start3A_17] : memref<8x128x64xf32, #tpu.memory_space<vmem>> -> memref<1x128x64xf32, #tpu.memory_space<vmem>>
      %dma_start3A_19 = tpu.memref_squeeze %dma_start3A_18 : memref<1x128x64xf32, #tpu.memory_space<vmem>> -> memref<128x64xf32, #tpu.memory_space<vmem>>
      %dma_start3A_20 = arith.constant 0 : i32
      %dma_start3A_21 = tpu.memref_slice %arg7[%add3A_15, %dma_start3A_20] : memref<200x128xi32, #tpu.memory_space<vmem>> -> memref<1x128xi32, #tpu.memory_space<vmem>>
      %dma_start3A_22 = tpu.memref_squeeze %dma_start3A_21 : memref<1x128xi32, #tpu.memory_space<vmem>> -> memref<128xi32, #tpu.memory_space<vmem>>
      %dma_start3A_23 = arith.constant 0 : i32
      %dma_start3A_24 = arith.constant 0 : i32
      %dma_start3A_25 = tpu.memref_slice %arg3[%dma_start3A_23, %dma_start3A_24] : memref<1000000x64xf32, #tpu.memory_space<hbm>> -> memref<1000000x64xf32, #tpu.memory_space<hbm>>
      tpu.enqueue_indirect_dma source(%dma_start3A_25 : memref<1000000x64xf32, #tpu.memory_space<hbm>>) target(%dma_start3A_19 : memref<128x64xf32, #tpu.memory_space<vmem>>) offsets(%dma_start3A_22 : memref<128xi32, #tpu.memory_space<vmem>>) semaphore(%arg12 : memref<!tpu.dma_semaphore, #tpu.memory_space<semaphore_mem>>)
      %get3A = arith.index_cast %add3A_15 : i32 to index
      %get3A_26 = arith.constant 0 : index
      %get3A_27 = tpu.vector_load %arg7[%get3A, %get3A_26] {strides = array<i32>} : memref<200x128xi32, #tpu.memory_space<vmem>>, vector<16xi32>,
      %shift_right_logical3A = arith.constant 4 : i32
      %shift_right_logical3A_28 = vector.broadcast %shift_right_logical3A : i32 to vector<16xi32>
      %shift_right_logical3A_29 = arith.shrui %get3A_27, %shift_right_logical3A_28 : vector<16xi32>
      %swap3A = arith.constant 0 : i32
      %swap3A_30 = arith.index_cast %swap3A : i32 to index
      %swap3A_31 = arith.constant 0 : index
      %swap3A_32 = tpu.vector_load %arg9[%swap3A_30, %swap3A_31] {strides = array<i32>} : memref<8x128xi32, #tpu.memory_space<vmem>>, vector<16xi32>,
      tpu.vector_store %arg9[%swap3A_30, %swap3A_31], %shift_right_logical3A_29 {strides = array<i32>} : memref<8x128xi32, #tpu.memory_space<vmem>>, vector<16xi32>,
      %get3A_33 = arith.index_cast %add3A_15 : i32 to index
      %get3A_34 = arith.constant 16 : index
      %get3A_35 = tpu.vector_load %arg7[%get3A_33, %get3A_34] {strides = array<i32>} : memref<200x128xi32, #tpu.memory_space<vmem>>, vector<16xi32>,
      %shift_right_logical3A_36 = arith.constant 4 : i32
      %shift_right_logical3A_37 = vector.broadcast %shift_right_logical3A_36 : i32 to vector<16xi32>
      %shift_right_logical3A_38 = arith.shrui %get3A_35, %shift_right_logical3A_37 : vector<16xi32>
      %swap3A_39 = arith.constant 0 : i32
      %swap3A_40 = arith.index_cast %swap3A_39 : i32 to index
      %swap3A_41 = arith.constant 16 : index
      %swap3A_42 = tpu.vector_load %arg9[%swap3A_40, %swap3A_41] {strides = array<i32>} : memref<8x128xi32, #tpu.memory_space<vmem>>, vector<16xi32>,
      tpu.vector_store %arg9[%swap3A_40, %swap3A_41], %shift_right_logical3A_38 {strides = array<i32>} : memref<8x128xi32, #tpu.memory_space<vmem>>, vector<16xi32>,
      %get3A_43 = arith.index_cast %add3A_15 : i32 to index
      %get3A_44 = arith.constant 32 : index
      %get3A_45 = tpu.vector_load %arg7[%get3A_43, %get3A_44] {strides = array<i32>} : memref<200x128xi32, #tpu.memory_space<vmem>>, vector<16xi32>,
      %shift_right_logical3A_46 = arith.constant 4 : i32
      %shift_right_logical3A_47 = vector.broadcast %shift_right_logical3A_46 : i32 to vector<16xi32>
      %shift_right_logical3A_48 = arith.shrui %get3A_45, %shift_right_logical3A_47 : vector<16xi32>
      %swap3A_49 = arith.constant 0 : i32
      %swap3A_50 = arith.index_cast %swap3A_49 : i32 to index
      %swap3A_51 = arith.constant 32 : index
      %swap3A_52 = tpu.vector_load %arg9[%swap3A_50, %swap3A_51] {strides = array<i32>} : memref<8x128xi32, #tpu.memory_space<vmem>>, vector<16xi32>,
      tpu.vector_store %arg9[%swap3A_50, %swap3A_51], %shift_right_logical3A_48 {strides = array<i32>} : memref<8x128xi32, #tpu.memory_space<vmem>>, vector<16xi32>,
      %get3A_53 = arith.index_cast %add3A_15 : i32 to index
      %get3A_54 = arith.constant 48 : index
      %get3A_55 = tpu.vector_load %arg7[%get3A_53, %get3A_54] {strides = array<i32>} : memref<200x128xi32, #tpu.memory_space<vmem>>, vector<16xi32>,
      %shift_right_logical3A_56 = arith.constant 4 : i32
      %shift_right_logical3A_57 = vector.broadcast %shift_right_logical3A_56 : i32 to vector<16xi32>
      %shift_right_logical3A_58 = arith.shrui %get3A_55, %shift_right_logical3A_57 : vector<16xi32>
      %swap3A_59 = arith.constant 0 : i32
      %swap3A_60 = arith.index_cast %swap3A_59 : i32 to index
      %swap3A_61 = arith.constant 48 : index
      %swap3A_62 = tpu.vector_load %arg9[%swap3A_60, %swap3A_61] {strides = array<i32>} : memref<8x128xi32, #tpu.memory_space<vmem>>, vector<16xi32>,
      tpu.vector_store %arg9[%swap3A_60, %swap3A_61], %shift_right_logical3A_58 {strides = array<i32>} : memref<8x128xi32, #tpu.memory_space<vmem>>, vector<16xi32>,
      %get3A_63 = arith.index_cast %add3A_15 : i32 to index
      %get3A_64 = arith.constant 64 : index
      %get3A_65 = tpu.vector_load %arg7[%get3A_63, %get3A_64] {strides = array<i32>} : memref<200x128xi32, #tpu.memory_space<vmem>>, vector<16xi32>,
      %shift_right_logical3A_66 = arith.constant 4 : i32
      %shift_right_logical3A_67 = vector.broadcast %shift_right_logical3A_66 : i32 to vector<16xi32>
      %shift_right_logical3A_68 = arith.shrui %get3A_65, %shift_right_logical3A_67 : vector<16xi32>
      %swap3A_69 = arith.constant 0 : i32
      %swap3A_70 = arith.index_cast %swap3A_69 : i32 to index
      %swap3A_71 = arith.constant 64 : index
      %swap3A_72 = tpu.vector_load %arg9[%swap3A_70, %swap3A_71] {strides = array<i32>} : memref<8x128xi32, #tpu.memory_space<vmem>>, vector<16xi32>,
      tpu.vector_store %arg9[%swap3A_70, %swap3A_71], %shift_right_logical3A_68 {strides = array<i32>} : memref<8x128xi32, #tpu.memory_space<vmem>>, vector<16xi32>,
      %get3A_73 = arith.index_cast %add3A_15 : i32 to index
      %get3A_74 = arith.constant 80 : index
      %get3A_75 = tpu.vector_load %arg7[%get3A_73, %get3A_74] {strides = array<i32>} : memref<200x128xi32, #tpu.memory_space<vmem>>, vector<16xi32>,
      %shift_right_logical3A_76 = arith.constant 4 : i32
      %shift_right_logical3A_77 = vector.broadcast %shift_right_logical3A_76 : i32 to vector<16xi32>
      %shift_right_logical3A_78 = arith.shrui %get3A_75, %shift_right_logical3A_77 : vector<16xi32>
      %swap3A_79 = arith.constant 0 : i32
      %swap3A_80 = arith.index_cast %swap3A_79 : i32 to index
      %swap3A_81 = arith.constant 80 : index
      %swap3A_82 = tpu.vector_load %arg9[%swap3A_80, %swap3A_81] {strides = array<i32>} : memref<8x128xi32, #tpu.memory_space<vmem>>, vector<16xi32>,
      tpu.vector_store %arg9[%swap3A_80, %swap3A_81], %shift_right_logical3A_78 {strides = array<i32>} : memref<8x128xi32, #tpu.memory_space<vmem>>, vector<16xi32>,
      %get3A_83 = arith.index_cast %add3A_15 : i32 to index
      %get3A_84 = arith.constant 96 : index
      %get3A_85 = tpu.vector_load %arg7[%get3A_83, %get3A_84] {strides = array<i32>} : memref<200x128xi32, #tpu.memory_space<vmem>>, vector<16xi32>,
      %shift_right_logical3A_86 = arith.constant 4 : i32
      %shift_right_logical3A_87 = vector.broadcast %shift_right_logical3A_86 : i32 to vector<16xi32>
      %shift_right_logical3A_88 = arith.shrui %get3A_85, %shift_right_logical3A_87 : vector<16xi32>
      %swap3A_89 = arith.constant 0 : i32
      %swap3A_90 = arith.index_cast %swap3A_89 : i32 to index
      %swap3A_91 = arith.constant 96 : index
      %swap3A_92 = tpu.vector_load %arg9[%swap3A_90, %swap3A_91] {strides = array<i32>} : memref<8x128xi32, #tpu.memory_space<vmem>>, vector<16xi32>,
      tpu.vector_store %arg9[%swap3A_90, %swap3A_91], %shift_right_logical3A_88 {strides = array<i32>} : memref<8x128xi32, #tpu.memory_space<vmem>>, vector<16xi32>,
      %get3A_93 = arith.index_cast %add3A_15 : i32 to index
      %get3A_94 = arith.constant 112 : index
      %get3A_95 = tpu.vector_load %arg7[%get3A_93, %get3A_94] {strides = array<i32>} : memref<200x128xi32, #tpu.memory_space<vmem>>, vector<16xi32>,
      %shift_right_logical3A_96 = arith.constant 4 : i32
      %shift_right_logical3A_97 = vector.broadcast %shift_right_logical3A_96 : i32 to vector<16xi32>
      %shift_right_logical3A_98 = arith.shrui %get3A_95, %shift_right_logical3A_97 : vector<16xi32>
      %swap3A_99 = arith.constant 0 : i32
      %swap3A_100 = arith.index_cast %swap3A_99 : i32 to index
      %swap3A_101 = arith.constant 112 : index
      %swap3A_102 = tpu.vector_load %arg9[%swap3A_100, %swap3A_101] {strides = array<i32>} : memref<8x128xi32, #tpu.memory_space<vmem>>, vector<16xi32>,
      tpu.vector_store %arg9[%swap3A_100, %swap3A_101], %shift_right_logical3A_98 {strides = array<i32>} : memref<8x128xi32, #tpu.memory_space<vmem>>, vector<16xi32>,
      %dma_start3A_103 = arith.constant 0 : i32
      %dma_start3A_104 = arith.constant 0 : i32
      %dma_start3A_105 = arith.constant 0 : i32
      %dma_start3A_106 = arith.constant 0 : i32
      %dma_start3A_107 = tpu.memref_slice %arg10[%dma_start3A_104, %dma_start3A_105, %dma_start3A_106] : memref<8x128x16xf32, #tpu.memory_space<vmem>> -> memref<1x128x16xf32, #tpu.memory_space<vmem>>
      %dma_start3A_108 = tpu.memref_squeeze %dma_start3A_107 : memref<1x128x16xf32, #tpu.memory_space<vmem>> -> memref<128x16xf32, #tpu.memory_space<vmem>>
      %dma_start3A_109 = arith.constant 0 : i32
      %dma_start3A_110 = tpu.memref_slice %arg9[%dma_start3A_103, %dma_start3A_109] : memref<8x128xi32, #tpu.memory_space<vmem>> -> memref<1x128xi32, #tpu.memory_space<vmem>>
      %dma_start3A_111 = tpu.memref_squeeze %dma_start3A_110 : memref<1x128xi32, #tpu.memory_space<vmem>> -> memref<128xi32, #tpu.memory_space<vmem>>
      %dma_start3A_112 = arith.constant 0 : i32
      %dma_start3A_113 = arith.constant 0 : i32
      %dma_start3A_114 = tpu.memref_slice %arg4[%dma_start3A_112, %dma_start3A_113] : memref<62500x16xf32, #tpu.memory_space<hbm>> -> memref<62500x16xf32, #tpu.memory_space<hbm>>
      tpu.enqueue_indirect_dma source(%dma_start3A_114 : memref<62500x16xf32, #tpu.memory_space<hbm>>) target(%dma_start3A_108 : memref<128x16xf32, #tpu.memory_space<vmem>>) offsets(%dma_start3A_111 : memref<128xi32, #tpu.memory_space<vmem>>) semaphore(%arg20 : memref<!tpu.dma_semaphore, #tpu.memory_space<semaphore_mem>>)
      %add3A_115 = arith.constant 1 : i32
      %add3A_116 = arith.addi %mul3A_13, %add3A_115 : i32
      %dma_start3A_117 = arith.constant 1 : i32
      %dma_start3A_118 = arith.constant 0 : i32
      %dma_start3A_119 = arith.constant 0 : i32
      %dma_start3A_120 = tpu.memref_slice %arg8[%dma_start3A_117, %dma_start3A_118, %dma_start3A_119] : memref<8x128x64xf32, #tpu.memory_space<vmem>> -> memref<1x128x64xf32, #tpu.memory_space<vmem>>
      %dma_start3A_121 = tpu.memref_squeeze %dma_start3A_120 : memref<1x128x64xf32, #tpu.memory_space<vmem>> -> memref<128x64xf32, #tpu.memory_space<vmem>>
      %dma_start3A_122 = arith.constant 0 : i32
      %dma_start3A_123 = tpu.memref_slice %arg7[%add3A_116, %dma_start3A_122] : memref<200x128xi32, #tpu.memory_space<vmem>> -> memref<1x128xi32, #tpu.memory_space<vmem>>
      %dma_start3A_124 = tpu.memref_squeeze %dma_start3A_123 : memref<1x128xi32, #tpu.memory_space<vmem>> -> memref<128xi32, #tpu.memory_space<vmem>>
      %dma_start3A_125 = arith.constant 0 : i32
      %dma_start3A_126 = arith.constant 0 : i32
      %dma_start3A_127 = tpu.memref_slice %arg3[%dma_start3A_125, %dma_start3A_126] : memref<1000000x64xf32, #tpu.memory_space<hbm>> -> memref<1000000x64xf32, #tpu.memory_space<hbm>>
      tpu.enqueue_indirect_dma source(%dma_start3A_127 : memref<1000000x64xf32, #tpu.memory_space<hbm>>) target(%dma_start3A_121 : memref<128x64xf32, #tpu.memory_space<vmem>>) offsets(%dma_start3A_124 : memref<128xi32, #tpu.memory_space<vmem>>) semaphore(%arg13 : memref<!tpu.dma_semaphore, #tpu.memory_space<semaphore_mem>>)
      %get3A_128 = arith.index_cast %add3A_116 : i32 to index
      %get3A_129 = arith.constant 0 : index
      %get3A_130 = tpu.vector_load %arg7[%get3A_128, %get3A_129] {strides = array<i32>} : memref<200x128xi32, #tpu.memory_space<vmem>>, vector<16xi32>,
      %shift_right_logical3A_131 = arith.constant 4 : i32
      %shift_right_logical3A_132 = vector.broadcast %shift_right_logical3A_131 : i32 to vector<16xi32>
      %shift_right_logical3A_133 = arith.shrui %get3A_130, %shift_right_logical3A_132 : vector<16xi32>
      %swap3A_134 = arith.constant 1 : i32
      %swap3A_135 = arith.index_cast %swap3A_134 : i32 to index
      %swap3A_136 = arith.constant 0 : index
      %swap3A_137 = tpu.vector_load %arg9[%swap3A_135, %swap3A_136] {strides = array<i32>} : memref<8x128xi32, #tpu.memory_space<vmem>>, vector<16xi32>,
      tpu.vector_store %arg9[%swap3A_135, %swap3A_136], %shift_right_logical3A_133 {strides = array<i32>} : memref<8x128xi32, #tpu.memory_space<vmem>>, vector<16xi32>,
      %get3A_138 = arith.index_cast %add3A_116 : i32 to index
      %get3A_139 = arith.constant 16 : index
      %get3A_140 = tpu.vector_load %arg7[%get3A_138, %get3A_139] {strides = array<i32>} : memref<200x128xi32, #tpu.memory_space<vmem>>, vector<16xi32>,
      %shift_right_logical3A_141 = arith.constant 4 : i32
      %shift_right_logical3A_142 = vector.broadcast %shift_right_logical3A_141 : i32 to vector<16xi32>
      %shift_right_logical3A_143 = arith.shrui %get3A_140, %shift_right_logical3A_142 : vector<16xi32>
      %swap3A_144 = arith.constant 1 : i32
      %swap3A_145 = arith.index_cast %swap3A_144 : i32 to index
      %swap3A_146 = arith.constant 16 : index
      %swap3A_147 = tpu.vector_load %arg9[%swap3A_145, %swap3A_146] {strides = array<i32>} : memref<8x128xi32, #tpu.memory_space<vmem>>, vector<16xi32>,
      tpu.vector_store %arg9[%swap3A_145, %swap3A_146], %shift_right_logical3A_143 {strides = array<i32>} : memref<8x128xi32, #tpu.memory_space<vmem>>, vector<16xi32>,
      %get3A_148 = arith.index_cast %add3A_116 : i32 to index
      %get3A_149 = arith.constant 32 : index
      %get3A_150 = tpu.vector_load %arg7[%get3A_148, %get3A_149] {strides = array<i32>} : memref<200x128xi32, #tpu.memory_space<vmem>>, vector<16xi32>,
      %shift_right_logical3A_151 = arith.constant 4 : i32
      %shift_right_logical3A_152 = vector.broadcast %shift_right_logical3A_151 : i32 to vector<16xi32>
      %shift_right_logical3A_153 = arith.shrui %get3A_150, %shift_right_logical3A_152 : vector<16xi32>
      %swap3A_154 = arith.constant 1 : i32
      %swap3A_155 = arith.index_cast %swap3A_154 : i32 to index
      %swap3A_156 = arith.constant 32 : index
      %swap3A_157 = tpu.vector_load %arg9[%swap3A_155, %swap3A_156] {strides = array<i32>} : memref<8x128xi32, #tpu.memory_space<vmem>>, vector<16xi32>,
      tpu.vector_store %arg9[%swap3A_155, %swap3A_156], %shift_right_logical3A_153 {strides = array<i32>} : memref<8x128xi32, #tpu.memory_space<vmem>>, vector<16xi32>,
      %get3A_158 = arith.index_cast %add3A_116 : i32 to index
      %get3A_159 = arith.constant 48 : index
      %get3A_160 = tpu.vector_load %arg7[%get3A_158, %get3A_159] {strides = array<i32>} : memref<200x128xi32, #tpu.memory_space<vmem>>, vector<16xi32>,
      %shift_right_logical3A_161 = arith.constant 4 : i32
      %shift_right_logical3A_162 = vector.broadcast %shift_right_logical3A_161 : i32 to vector<16xi32>
      %shift_right_logical3A_163 = arith.shrui %get3A_160, %shift_right_logical3A_162 : vector<16xi32>
      %swap3A_164 = arith.constant 1 : i32
      %swap3A_165 = arith.index_cast %swap3A_164 : i32 to index
      %swap3A_166 = arith.constant 48 : index
      %swap3A_167 = tpu.vector_load %arg9[%swap3A_165, %swap3A_166] {strides = array<i32>} : memref<8x128xi32, #tpu.memory_space<vmem>>, vector<16xi32>,
      tpu.vector_store %arg9[%swap3A_165, %swap3A_166], %shift_right_logical3A_163 {strides = array<i32>} : memref<8x128xi32, #tpu.memory_space<vmem>>, vector<16xi32>,
      %get3A_168 = arith.index_cast %add3A_116 : i32 to index
      %get3A_169 = arith.constant 64 : index
      %get3A_170 = tpu.vector_load %arg7[%get3A_168, %get3A_169] {strides = array<i32>} : memref<200x128xi32, #tpu.memory_space<vmem>>, vector<16xi32>,
      %shift_right_logical3A_171 = arith.constant 4 : i32
      %shift_right_logical3A_172 = vector.broadcast %shift_right_logical3A_171 : i32 to vector<16xi32>
      %shift_right_logical3A_173 = arith.shrui %get3A_170, %shift_right_logical3A_172 : vector<16xi32>
      %swap3A_174 = arith.constant 1 : i32
      %swap3A_175 = arith.index_cast %swap3A_174 : i32 to index
      %swap3A_176 = arith.constant 64 : index
      %swap3A_177 = tpu.vector_load %arg9[%swap3A_175, %swap3A_176] {strides = array<i32>} : memref<8x128xi32, #tpu.memory_space<vmem>>, vector<16xi32>,
      tpu.vector_store %arg9[%swap3A_175, %swap3A_176], %shift_right_logical3A_173 {strides = array<i32>} : memref<8x128xi32, #tpu.memory_space<vmem>>, vector<16xi32>,
      %get3A_178 = arith.index_cast %add3A_116 : i32 to index
      %get3A_179 = arith.constant 80 : index
      %get3A_180 = tpu.vector_load %arg7[%get3A_178, %get3A_179] {strides = array<i32>} : memref<200x128xi32, #tpu.memory_space<vmem>>, vector<16xi32>,
      %shift_right_logical3A_181 = arith.constant 4 : i32
      %shift_right_logical3A_182 = vector.broadcast %shift_right_logical3A_181 : i32 to vector<16xi32>
      %shift_right_logical3A_183 = arith.shrui %get3A_180, %shift_right_logical3A_182 : vector<16xi32>
      %swap3A_184 = arith.constant 1 : i32
      %swap3A_185 = arith.index_cast %swap3A_184 : i32 to index
      %swap3A_186 = arith.constant 80 : index
      %swap3A_187 = tpu.vector_load %arg9[%swap3A_185, %swap3A_186] {strides = array<i32>} : memref<8x128xi32, #tpu.memory_space<vmem>>, vector<16xi32>,
      tpu.vector_store %arg9[%swap3A_185, %swap3A_186], %shift_right_logical3A_183 {strides = array<i32>} : memref<8x128xi32, #tpu.memory_space<vmem>>, vector<16xi32>,
      %get3A_188 = arith.index_cast %add3A_116 : i32 to index
      %get3A_189 = arith.constant 96 : index
      %get3A_190 = tpu.vector_load %arg7[%get3A_188, %get3A_189] {strides = array<i32>} : memref<200x128xi32, #tpu.memory_space<vmem>>, vector<16xi32>,
      %shift_right_logical3A_191 = arith.constant 4 : i32
      %shift_right_logical3A_192 = vector.broadcast %shift_right_logical3A_191 : i32 to vector<16xi32>
      %shift_right_logical3A_193 = arith.shrui %get3A_190, %shift_right_logical3A_192 : vector<16xi32>
      %swap3A_194 = arith.constant 1 : i32
      %swap3A_195 = arith.index_cast %swap3A_194 : i32 to index
      %swap3A_196 = arith.constant 96 : index
      %swap3A_197 = tpu.vector_load %arg9[%swap3A_195, %swap3A_196] {strides = array<i32>} : memref<8x128xi32, #tpu.memory_space<vmem>>, vector<16xi32>,
      tpu.vector_store %arg9[%swap3A_195, %swap3A_196], %shift_right_logical3A_193 {strides = array<i32>} : memref<8x128xi32, #tpu.memory_space<vmem>>, vector<16xi32>,
      %get3A_198 = arith.index_cast %add3A_116 : i32 to index
      %get3A_199 = arith.constant 112 : index
      %get3A_200 = tpu.vector_load %arg7[%get3A_198, %get3A_199] {strides = array<i32>} : memref<200x128xi32, #tpu.memory_space<vmem>>, vector<16xi32>,
      %shift_right_logical3A_201 = arith.constant 4 : i32
      %shift_right_logical3A_202 = vector.broadcast %shift_right_logical3A_201 : i32 to vector<16xi32>
      %shift_right_logical3A_203 = arith.shrui %get3A_200, %shift_right_logical3A_202 : vector<16xi32>
      %swap3A_204 = arith.constant 1 : i32
      %swap3A_205 = arith.index_cast %swap3A_204 : i32 to index
      %swap3A_206 = arith.constant 112 : index
      %swap3A_207 = tpu.vector_load %arg9[%swap3A_205, %swap3A_206] {strides = array<i32>} : memref<8x128xi32, #tpu.memory_space<vmem>>, vector<16xi32>,
      tpu.vector_store %arg9[%swap3A_205, %swap3A_206], %shift_right_logical3A_203 {strides = array<i32>} : memref<8x128xi32, #tpu.memory_space<vmem>>, vector<16xi32>,
      %dma_start3A_208 = arith.constant 1 : i32
      %dma_start3A_209 = arith.constant 1 : i32
      %dma_start3A_210 = arith.constant 0 : i32
      %dma_start3A_211 = arith.constant 0 : i32
      %dma_start3A_212 = tpu.memref_slice %arg10[%dma_start3A_209, %dma_start3A_210, %dma_start3A_211] : memref<8x128x16xf32, #tpu.memory_space<vmem>> -> memref<1x128x16xf32, #tpu.memory_space<vmem>>
      %dma_start3A_213 = tpu.memref_squeeze %dma_start3A_212 : memref<1x128x16xf32, #tpu.memory_space<vmem>> -> memref<128x16xf32, #tpu.memory_space<vmem>>
      %dma_start3A_214 = arith.constant 0 : i32
      %dma_start3A_215 = tpu.memref_slice %arg9[%dma_start3A_208, %dma_start3A_214] : memref<8x128xi32, #tpu.memory_space<vmem>> -> memref<1x128xi32, #tpu.memory_space<vmem>>
      %dma_start3A_216 = tpu.memref_squeeze %dma_start3A_215 : memref<1x128xi32, #tpu.memory_space<vmem>> -> memref<128xi32, #tpu.memory_space<vmem>>
      %dma_start3A_217 = arith.constant 0 : i32
      %dma_start3A_218 = arith.constant 0 : i32
      %dma_start3A_219 = tpu.memref_slice %arg4[%dma_start3A_217, %dma_start3A_218] : memref<62500x16xf32, #tpu.memory_space<hbm>> -> memref<62500x16xf32, #tpu.memory_space<hbm>>
      tpu.enqueue_indirect_dma source(%dma_start3A_219 : memref<62500x16xf32, #tpu.memory_space<hbm>>) target(%dma_start3A_213 : memref<128x16xf32, #tpu.memory_space<vmem>>) offsets(%dma_start3A_216 : memref<128xi32, #tpu.memory_space<vmem>>) semaphore(%arg21 : memref<!tpu.dma_semaphore, #tpu.memory_space<semaphore_mem>>)
      %add3A_220 = arith.constant 2 : i32
      %add3A_221 = arith.addi %mul3A_13, %add3A_220 : i32
      %dma_start3A_222 = arith.constant 2 : i32
      %dma_start3A_223 = arith.constant 0 : i32
      %dma_start3A_224 = arith.constant 0 : i32
      %dma_start3A_225 = tpu.memref_slice %arg8[%dma_start3A_222, %dma_start3A_223, %dma_start3A_224] : memref<8x128x64xf32, #tpu.memory_space<vmem>> -> memref<1x128x64xf32, #tpu.memory_space<vmem>>
      %dma_start3A_226 = tpu.memref_squeeze %dma_start3A_225 : memref<1x128x64xf32, #tpu.memory_space<vmem>> -> memref<128x64xf32, #tpu.memory_space<vmem>>
      %dma_start3A_227 = arith.constant 0 : i32
      %dma_start3A_228 = tpu.memref_slice %arg7[%add3A_221, %dma_start3A_227] : memref<200x128xi32, #tpu.memory_space<vmem>> -> memref<1x128xi32, #tpu.memory_space<vmem>>
      %dma_start3A_229 = tpu.memref_squeeze %dma_start3A_228 : memref<1x128xi32, #tpu.memory_space<vmem>> -> memref<128xi32, #tpu.memory_space<vmem>>
      %dma_start3A_230 = arith.constant 0 : i32
      %dma_start3A_231 = arith.constant 0 : i32
      %dma_start3A_232 = tpu.memref_slice %arg3[%dma_start3A_230, %dma_start3A_231] : memref<1000000x64xf32, #tpu.memory_space<hbm>> -> memref<1000000x64xf32, #tpu.memory_space<hbm>>
      tpu.enqueue_indirect_dma source(%dma_start3A_232 : memref<1000000x64xf32, #tpu.memory_space<hbm>>) target(%dma_start3A_226 : memref<128x64xf32, #tpu.memory_space<vmem>>) offsets(%dma_start3A_229 : memref<128xi32, #tpu.memory_space<vmem>>) semaphore(%arg14 : memref<!tpu.dma_semaphore, #tpu.memory_space<semaphore_mem>>)
      %get3A_233 = arith.index_cast %add3A_221 : i32 to index
      %get3A_234 = arith.constant 0 : index
      %get3A_235 = tpu.vector_load %arg7[%get3A_233, %get3A_234] {strides = array<i32>} : memref<200x128xi32, #tpu.memory_space<vmem>>, vector<16xi32>,
      %shift_right_logical3A_236 = arith.constant 4 : i32
      %shift_right_logical3A_237 = vector.broadcast %shift_right_logical3A_236 : i32 to vector<16xi32>
      %shift_right_logical3A_238 = arith.shrui %get3A_235, %shift_right_logical3A_237 : vector<16xi32>
      %swap3A_239 = arith.constant 2 : i32
      %swap3A_240 = arith.index_cast %swap3A_239 : i32 to index
      %swap3A_241 = arith.constant 0 : index
      %swap3A_242 = tpu.vector_load %arg9[%swap3A_240, %swap3A_241] {strides = array<i32>} : memref<8x128xi32, #tpu.memory_space<vmem>>, vector<16xi32>,
      tpu.vector_store %arg9[%swap3A_240, %swap3A_241], %shift_right_logical3A_238 {strides = array<i32>} : memref<8x128xi32, #tpu.memory_space<vmem>>, vector<16xi32>,
      %get3A_243 = arith.index_cast %add3A_221 : i32 to index
      %get3A_244 = arith.constant 16 : index
      %get3A_245 = tpu.vector_load %arg7[%get3A_243, %get3A_244] {strides = array<i32>} : memref<200x128xi32, #tpu.memory_space<vmem>>, vector<16xi32>,
      %shift_right_logical3A_246 = arith.constant 4 : i32
      %shift_right_logical3A_247 = vector.broadcast %shift_right_logical3A_246 : i32 to vector<16xi32>
      %shift_right_logical3A_248 = arith.shrui %get3A_245, %shift_right_logical3A_247 : vector<16xi32>
      %swap3A_249 = arith.constant 2 : i32
      %swap3A_250 = arith.index_cast %swap3A_249 : i32 to index
      %swap3A_251 = arith.constant 16 : index
      %swap3A_252 = tpu.vector_load %arg9[%swap3A_250, %swap3A_251] {strides = array<i32>} : memref<8x128xi32, #tpu.memory_space<vmem>>, vector<16xi32>,
      tpu.vector_store %arg9[%swap3A_250, %swap3A_251], %shift_right_logical3A_248 {strides = array<i32>} : memref<8x128xi32, #tpu.memory_space<vmem>>, vector<16xi32>,
      %get3A_253 = arith.index_cast %add3A_221 : i32 to index
      %get3A_254 = arith.constant 32 : index
      %get3A_255 = tpu.vector_load %arg7[%get3A_253, %get3A_254] {strides = array<i32>} : memref<200x128xi32, #tpu.memory_space<vmem>>, vector<16xi32>,
      %shift_right_logical3A_256 = arith.constant 4 : i32
      %shift_right_logical3A_257 = vector.broadcast %shift_right_logical3A_256 : i32 to vector<16xi32>
      %shift_right_logical3A_258 = arith.shrui %get3A_255, %shift_right_logical3A_257 : vector<16xi32>
      %swap3A_259 = arith.constant 2 : i32
      %swap3A_260 = arith.index_cast %swap3A_259 : i32 to index
      %swap3A_261 = arith.constant 32 : index
      %swap3A_262 = tpu.vector_load %arg9[%swap3A_260, %swap3A_261] {strides = array<i32>} : memref<8x128xi32, #tpu.memory_space<vmem>>, vector<16xi32>,
      tpu.vector_store %arg9[%swap3A_260, %swap3A_261], %shift_right_logical3A_258 {strides = array<i32>} : memref<8x128xi32, #tpu.memory_space<vmem>>, vector<16xi32>,
      %get3A_263 = arith.index_cast %add3A_221 : i32 to index
      %get3A_264 = arith.constant 48 : index
      %get3A_265 = tpu.vector_load %arg7[%get3A_263, %get3A_264] {strides = array<i32>} : memref<200x128xi32, #tpu.memory_space<vmem>>, vector<16xi32>,
      %shift_right_logical3A_266 = arith.constant 4 : i32
      %shift_right_logical3A_267 = vector.broadcast %shift_right_logical3A_266 : i32 to vector<16xi32>
      %shift_right_logical3A_268 = arith.shrui %get3A_265, %shift_right_logical3A_267 : vector<16xi32>
      %swap3A_269 = arith.constant 2 : i32
      %swap3A_270 = arith.index_cast %swap3A_269 : i32 to index
      %swap3A_271 = arith.constant 48 : index
      %swap3A_272 = tpu.vector_load %arg9[%swap3A_270, %swap3A_271] {strides = array<i32>} : memref<8x128xi32, #tpu.memory_space<vmem>>, vector<16xi32>,
      tpu.vector_store %arg9[%swap3A_270, %swap3A_271], %shift_right_logical3A_268 {strides = array<i32>} : memref<8x128xi32, #tpu.memory_space<vmem>>, vector<16xi32>,
      %get3A_273 = arith.index_cast %add3A_221 : i32 to index
      %get3A_274 = arith.constant 64 : index
      %get3A_275 = tpu.vector_load %arg7[%get3A_273, %get3A_274] {strides = array<i32>} : memref<200x128xi32, #tpu.memory_space<vmem>>, vector<16xi32>,
      %shift_right_logical3A_276 = arith.constant 4 : i32
      %shift_right_logical3A_277 = vector.broadcast %shift_right_logical3A_276 : i32 to vector<16xi32>
      %shift_right_logical3A_278 = arith.shrui %get3A_275, %shift_right_logical3A_277 : vector<16xi32>
      %swap3A_279 = arith.constant 2 : i32
      %swap3A_280 = arith.index_cast %swap3A_279 : i32 to index
      %swap3A_281 = arith.constant 64 : index
      %swap3A_282 = tpu.vector_load %arg9[%swap3A_280, %swap3A_281] {strides = array<i32>} : memref<8x128xi32, #tpu.memory_space<vmem>>, vector<16xi32>,
      tpu.vector_store %arg9[%swap3A_280, %swap3A_281], %shift_right_logical3A_278 {strides = array<i32>} : memref<8x128xi32, #tpu.memory_space<vmem>>, vector<16xi32>,
      %get3A_283 = arith.index_cast %add3A_221 : i32 to index
      %get3A_284 = arith.constant 80 : index
      %get3A_285 = tpu.vector_load %arg7[%get3A_283, %get3A_284] {strides = array<i32>} : memref<200x128xi32, #tpu.memory_space<vmem>>, vector<16xi32>,
      %shift_right_logical3A_286 = arith.constant 4 : i32
      %shift_right_logical3A_287 = vector.broadcast %shift_right_logical3A_286 : i32 to vector<16xi32>
      %shift_right_logical3A_288 = arith.shrui %get3A_285, %shift_right_logical3A_287 : vector<16xi32>
      %swap3A_289 = arith.constant 2 : i32
      %swap3A_290 = arith.index_cast %swap3A_289 : i32 to index
      %swap3A_291 = arith.constant 80 : index
      %swap3A_292 = tpu.vector_load %arg9[%swap3A_290, %swap3A_291] {strides = array<i32>} : memref<8x128xi32, #tpu.memory_space<vmem>>, vector<16xi32>,
      tpu.vector_store %arg9[%swap3A_290, %swap3A_291], %shift_right_logical3A_288 {strides = array<i32>} : memref<8x128xi32, #tpu.memory_space<vmem>>, vector<16xi32>,
      %get3A_293 = arith.index_cast %add3A_221 : i32 to index
      %get3A_294 = arith.constant 96 : index
      %get3A_295 = tpu.vector_load %arg7[%get3A_293, %get3A_294] {strides = array<i32>} : memref<200x128xi32, #tpu.memory_space<vmem>>, vector<16xi32>,
      %shift_right_logical3A_296 = arith.constant 4 : i32
      %shift_right_logical3A_297 = vector.broadcast %shift_right_logical3A_296 : i32 to vector<16xi32>
      %shift_right_logical3A_298 = arith.shrui %get3A_295, %shift_right_logical3A_297 : vector<16xi32>
      %swap3A_299 = arith.constant 2 : i32
      %swap3A_300 = arith.index_cast %swap3A_299 : i32 to index
      %swap3A_301 = arith.constant 96 : index
      %swap3A_302 = tpu.vector_load %arg9[%swap3A_300, %swap3A_301] {strides = array<i32>} : memref<8x128xi32, #tpu.memory_space<vmem>>, vector<16xi32>,
      tpu.vector_store %arg9[%swap3A_300, %swap3A_301], %shift_right_logical3A_298 {strides = array<i32>} : memref<8x128xi32, #tpu.memory_space<vmem>>, vector<16xi32>,
      %get3A_303 = arith.index_cast %add3A_221 : i32 to index
      %get3A_304 = arith.constant 112 : index
      %get3A_305 = tpu.vector_load %arg7[%get3A_303, %get3A_304] {strides = array<i32>} : memref<200x128xi32, #tpu.memory_space<vmem>>, vector<16xi32>,
      %shift_right_logical3A_306 = arith.constant 4 : i32
      %shift_right_logical3A_307 = vector.broadcast %shift_right_logical3A_306 : i32 to vector<16xi32>
      %shift_right_logical3A_308 = arith.shrui %get3A_305, %shift_right_logical3A_307 : vector<16xi32>
      %swap3A_309 = arith.constant 2 : i32
      %swap3A_310 = arith.index_cast %swap3A_309 : i32 to index
      %swap3A_311 = arith.constant 112 : index
      %swap3A_312 = tpu.vector_load %arg9[%swap3A_310, %swap3A_311] {strides = array<i32>} : memref<8x128xi32, #tpu.memory_space<vmem>>, vector<16xi32>,
      tpu.vector_store %arg9[%swap3A_310, %swap3A_311], %shift_right_logical3A_308 {strides = array<i32>} : memref<8x128xi32, #tpu.memory_space<vmem>>, vector<16xi32>,
      %dma_start3A_313 = arith.constant 2 : i32
      %dma_start3A_314 = arith.constant 2 : i32
      %dma_start3A_315 = arith.constant 0 : i32
      %dma_start3A_316 = arith.constant 0 : i32
      %dma_start3A_317 = tpu.memref_slice %arg10[%dma_start3A_314, %dma_start3A_315, %dma_start3A_316] : memref<8x128x16xf32, #tpu.memory_space<vmem>> -> memref<1x128x16xf32, #tpu.memory_space<vmem>>
      %dma_start3A_318 = tpu.memref_squeeze %dma_start3A_317 : memref<1x128x16xf32, #tpu.memory_space<vmem>> -> memref<128x16xf32, #tpu.memory_space<vmem>>
      %dma_start3A_319 = arith.constant 0 : i32
      %dma_start3A_320 = tpu.memref_slice %arg9[%dma_start3A_313, %dma_start3A_319] : memref<8x128xi32, #tpu.memory_space<vmem>> -> memref<1x128xi32, #tpu.memory_space<vmem>>
      %dma_start3A_321 = tpu.memref_squeeze %dma_start3A_320 : memref<1x128xi32, #tpu.memory_space<vmem>> -> memref<128xi32, #tpu.memory_space<vmem>>
      %dma_start3A_322 = arith.constant 0 : i32
      %dma_start3A_323 = arith.constant 0 : i32
      %dma_start3A_324 = tpu.memref_slice %arg4[%dma_start3A_322, %dma_start3A_323] : memref<62500x16xf32, #tpu.memory_space<hbm>> -> memref<62500x16xf32, #tpu.memory_space<hbm>>
      tpu.enqueue_indirect_dma source(%dma_start3A_324 : memref<62500x16xf32, #tpu.memory_space<hbm>>) target(%dma_start3A_318 : memref<128x16xf32, #tpu.memory_space<vmem>>) offsets(%dma_start3A_321 : memref<128xi32, #tpu.memory_space<vmem>>) semaphore(%arg22 : memref<!tpu.dma_semaphore, #tpu.memory_space<semaphore_mem>>)
      %add3A_325 = arith.constant 3 : i32
      %add3A_326 = arith.addi %mul3A_13, %add3A_325 : i32
      %dma_start3A_327 = arith.constant 3 : i32
      %dma_start3A_328 = arith.constant 0 : i32
      %dma_start3A_329 = arith.constant 0 : i32
      %dma_start3A_330 = tpu.memref_slice %arg8[%dma_start3A_327, %dma_start3A_328, %dma_start3A_329] : memref<8x128x64xf32, #tpu.memory_space<vmem>> -> memref<1x128x64xf32, #tpu.memory_space<vmem>>
      %dma_start3A_331 = tpu.memref_squeeze %dma_start3A_330 : memref<1x128x64xf32, #tpu.memory_space<vmem>> -> memref<128x64xf32, #tpu.memory_space<vmem>>
      %dma_start3A_332 = arith.constant 0 : i32
      %dma_start3A_333 = tpu.memref_slice %arg7[%add3A_326, %dma_start3A_332] : memref<200x128xi32, #tpu.memory_space<vmem>> -> memref<1x128xi32, #tpu.memory_space<vmem>>
      %dma_start3A_334 = tpu.memref_squeeze %dma_start3A_333 : memref<1x128xi32, #tpu.memory_space<vmem>> -> memref<128xi32, #tpu.memory_space<vmem>>
      %dma_start3A_335 = arith.constant 0 : i32
      %dma_start3A_336 = arith.constant 0 : i32
      %dma_start3A_337 = tpu.memref_slice %arg3[%dma_start3A_335, %dma_start3A_336] : memref<1000000x64xf32, #tpu.memory_space<hbm>> -> memref<1000000x64xf32, #tpu.memory_space<hbm>>
      tpu.enqueue_indirect_dma source(%dma_start3A_337 : memref<1000000x64xf32, #tpu.memory_space<hbm>>) target(%dma_start3A_331 : memref<128x64xf32, #tpu.memory_space<vmem>>) offsets(%dma_start3A_334 : memref<128xi32, #tpu.memory_space<vmem>>) semaphore(%arg15 : memref<!tpu.dma_semaphore, #tpu.memory_space<semaphore_mem>>)
      %get3A_338 = arith.index_cast %add3A_326 : i32 to index
      %get3A_339 = arith.constant 0 : index
      %get3A_340 = tpu.vector_load %arg7[%get3A_338, %get3A_339] {strides = array<i32>} : memref<200x128xi32, #tpu.memory_space<vmem>>, vector<16xi32>,
      %shift_right_logical3A_341 = arith.constant 4 : i32
      %shift_right_logical3A_342 = vector.broadcast %shift_right_logical3A_341 : i32 to vector<16xi32>
      %shift_right_logical3A_343 = arith.shrui %get3A_340, %shift_right_logical3A_342 : vector<16xi32>
      %swap3A_344 = arith.constant 3 : i32
      %swap3A_345 = arith.index_cast %swap3A_344 : i32 to index
      %swap3A_346 = arith.constant 0 : index
      %swap3A_347 = tpu.vector_load %arg9[%swap3A_345, %swap3A_346] {strides = array<i32>} : memref<8x128xi32, #tpu.memory_space<vmem>>, vector<16xi32>,
      tpu.vector_store %arg9[%swap3A_345, %swap3A_346], %shift_right_logical3A_343 {strides = array<i32>} : memref<8x128xi32, #tpu.memory_space<vmem>>, vector<16xi32>,
      %get3A_348 = arith.index_cast %add3A_326 : i32 to index
      %get3A_349 = arith.constant 16 : index
      %get3A_350 = tpu.vector_load %arg7[%get3A_348, %get3A_349] {strides = array<i32>} : memref<200x128xi32, #tpu.memory_space<vmem>>, vector<16xi32>,
      %shift_right_logical3A_351 = arith.constant 4 : i32
      %shift_right_logical3A_352 = vector.broadcast %shift_right_logical3A_351 : i32 to vector<16xi32>
      %shift_right_logical3A_353 = arith.shrui %get3A_350, %shift_right_logical3A_352 : vector<16xi32>
      %swap3A_354 = arith.constant 3 : i32
      %swap3A_355 = arith.index_cast %swap3A_354 : i32 to index
      %swap3A_356 = arith.constant 16 : index
      %swap3A_357 = tpu.vector_load %arg9[%swap3A_355, %swap3A_356] {strides = array<i32>} : memref<8x128xi32, #tpu.memory_space<vmem>>, vector<16xi32>,
      tpu.vector_store %arg9[%swap3A_355, %swap3A_356], %shift_right_logical3A_353 {strides = array<i32>} : memref<8x128xi32, #tpu.memory_space<vmem>>, vector<16xi32>,
      %get3A_358 = arith.index_cast %add3A_326 : i32 to index
      %get3A_359 = arith.constant 32 : index
      %get3A_360 = tpu.vector_load %arg7[%get3A_358, %get3A_359] {strides = array<i32>} : memref<200x128xi32, #tpu.memory_space<vmem>>, vector<16xi32>,
      %shift_right_logical3A_361 = arith.constant 4 : i32
      %shift_right_logical3A_362 = vector.broadcast %shift_right_logical3A_361 : i32 to vector<16xi32>
      %shift_right_logical3A_363 = arith.shrui %get3A_360, %shift_right_logical3A_362 : vector<16xi32>
      %swap3A_364 = arith.constant 3 : i32
      %swap3A_365 = arith.index_cast %swap3A_364 : i32 to index
      %swap3A_366 = arith.constant 32 : index
      %swap3A_367 = tpu.vector_load %arg9[%swap3A_365, %swap3A_366] {strides = array<i32>} : memref<8x128xi32, #tpu.memory_space<vmem>>, vector<16xi32>,
      tpu.vector_store %arg9[%swap3A_365, %swap3A_366], %shift_right_logical3A_363 {strides = array<i32>} : memref<8x128xi32, #tpu.memory_space<vmem>>, vector<16xi32>,
      %get3A_368 = arith.index_cast %add3A_326 : i32 to index
      %get3A_369 = arith.constant 48 : index
      %get3A_370 = tpu.vector_load %arg7[%get3A_368, %get3A_369] {strides = array<i32>} : memref<200x128xi32, #tpu.memory_space<vmem>>, vector<16xi32>,
      %shift_right_logical3A_371 = arith.constant 4 : i32
      %shift_right_logical3A_372 = vector.broadcast %shift_right_logical3A_371 : i32 to vector<16xi32>
      %shift_right_logical3A_373 = arith.shrui %get3A_370, %shift_right_logical3A_372 : vector<16xi32>
      %swap3A_374 = arith.constant 3 : i32
      %swap3A_375 = arith.index_cast %swap3A_374 : i32 to index
      %swap3A_376 = arith.constant 48 : index
      %swap3A_377 = tpu.vector_load %arg9[%swap3A_375, %swap3A_376] {strides = array<i32>} : memref<8x128xi32, #tpu.memory_space<vmem>>, vector<16xi32>,
      tpu.vector_store %arg9[%swap3A_375, %swap3A_376], %shift_right_logical3A_373 {strides = array<i32>} : memref<8x128xi32, #tpu.memory_space<vmem>>, vector<16xi32>,
      %get3A_378 = arith.index_cast %add3A_326 : i32 to index
      %get3A_379 = arith.constant 64 : index
      %get3A_380 = tpu.vector_load %arg7[%get3A_378, %get3A_379] {strides = array<i32>} : memref<200x128xi32, #tpu.memory_space<vmem>>, vector<16xi32>,
      %shift_right_logical3A_381 = arith.constant 4 : i32
      %shift_right_logical3A_382 = vector.broadcast %shift_right_logical3A_381 : i32 to vector<16xi32>
      %shift_right_logical3A_383 = arith.shrui %get3A_380, %shift_right_logical3A_382 : vector<16xi32>
      %swap3A_384 = arith.constant 3 : i32
      %swap3A_385 = arith.index_cast %swap3A_384 : i32 to index
      %swap3A_386 = arith.constant 64 : index
      %swap3A_387 = tpu.vector_load %arg9[%swap3A_385, %swap3A_386] {strides = array<i32>} : memref<8x128xi32, #tpu.memory_space<vmem>>, vector<16xi32>,
      tpu.vector_store %arg9[%swap3A_385, %swap3A_386], %shift_right_logical3A_383 {strides = array<i32>} : memref<8x128xi32, #tpu.memory_space<vmem>>, vector<16xi32>,
      %get3A_388 = arith.index_cast %add3A_326 : i32 to index
      %get3A_389 = arith.constant 80 : index
      %get3A_390 = tpu.vector_load %arg7[%get3A_388, %get3A_389] {strides = array<i32>} : memref<200x128xi32, #tpu.memory_space<vmem>>, vector<16xi32>,
      %shift_right_logical3A_391 = arith.constant 4 : i32
      %shift_right_logical3A_392 = vector.broadcast %shift_right_logical3A_391 : i32 to vector<16xi32>
      %shift_right_logical3A_393 = arith.shrui %get3A_390, %shift_right_logical3A_392 : vector<16xi32>
      %swap3A_394 = arith.constant 3 : i32
      %swap3A_395 = arith.index_cast %swap3A_394 : i32 to index
      %swap3A_396 = arith.constant 80 : index
      %swap3A_397 = tpu.vector_load %arg9[%swap3A_395, %swap3A_396] {strides = array<i32>} : memref<8x128xi32, #tpu.memory_space<vmem>>, vector<16xi32>,
      tpu.vector_store %arg9[%swap3A_395, %swap3A_396], %shift_right_logical3A_393 {strides = array<i32>} : memref<8x128xi32, #tpu.memory_space<vmem>>, vector<16xi32>,
      %get3A_398 = arith.index_cast %add3A_326 : i32 to index
      %get3A_399 = arith.constant 96 : index
      %get3A_400 = tpu.vector_load %arg7[%get3A_398, %get3A_399] {strides = array<i32>} : memref<200x128xi32, #tpu.memory_space<vmem>>, vector<16xi32>,
      %shift_right_logical3A_401 = arith.constant 4 : i32
      %shift_right_logical3A_402 = vector.broadcast %shift_right_logical3A_401 : i32 to vector<16xi32>
      %shift_right_logical3A_403 = arith.shrui %get3A_400, %shift_right_logical3A_402 : vector<16xi32>
      %swap3A_404 = arith.constant 3 : i32
      %swap3A_405 = arith.index_cast %swap3A_404 : i32 to index
      %swap3A_406 = arith.constant 96 : index
      %swap3A_407 = tpu.vector_load %arg9[%swap3A_405, %swap3A_406] {strides = array<i32>} : memref<8x128xi32, #tpu.memory_space<vmem>>, vector<16xi32>,
      tpu.vector_store %arg9[%swap3A_405, %swap3A_406], %shift_right_logical3A_403 {strides = array<i32>} : memref<8x128xi32, #tpu.memory_space<vmem>>, vector<16xi32>,
      %get3A_408 = arith.index_cast %add3A_326 : i32 to index
      %get3A_409 = arith.constant 112 : index
      %get3A_410 = tpu.vector_load %arg7[%get3A_408, %get3A_409] {strides = array<i32>} : memref<200x128xi32, #tpu.memory_space<vmem>>, vector<16xi32>,
      %shift_right_logical3A_411 = arith.constant 4 : i32
      %shift_right_logical3A_412 = vector.broadcast %shift_right_logical3A_411 : i32 to vector<16xi32>
      %shift_right_logical3A_413 = arith.shrui %get3A_410, %shift_right_logical3A_412 : vector<16xi32>
      %swap3A_414 = arith.constant 3 : i32
      %swap3A_415 = arith.index_cast %swap3A_414 : i32 to index
      %swap3A_416 = arith.constant 112 : index
      %swap3A_417 = tpu.vector_load %arg9[%swap3A_415, %swap3A_416] {strides = array<i32>} : memref<8x128xi32, #tpu.memory_space<vmem>>, vector<16xi32>,
      tpu.vector_store %arg9[%swap3A_415, %swap3A_416], %shift_right_logical3A_413 {strides = array<i32>} : memref<8x128xi32, #tpu.memory_space<vmem>>, vector<16xi32>,
      %dma_start3A_418 = arith.constant 3 : i32
      %dma_start3A_419 = arith.constant 3 : i32
      %dma_start3A_420 = arith.constant 0 : i32
      %dma_start3A_421 = arith.constant 0 : i32
      %dma_start3A_422 = tpu.memref_slice %arg10[%dma_start3A_419, %dma_start3A_420, %dma_start3A_421] : memref<8x128x16xf32, #tpu.memory_space<vmem>> -> memref<1x128x16xf32, #tpu.memory_space<vmem>>
      %dma_start3A_423 = tpu.memref_squeeze %dma_start3A_422 : memref<1x128x16xf32, #tpu.memory_space<vmem>> -> memref<128x16xf32, #tpu.memory_space<vmem>>
      %dma_start3A_424 = arith.constant 0 : i32
      %dma_start3A_425 = tpu.memref_slice %arg9[%dma_start3A_418, %dma_start3A_424] : memref<8x128xi32, #tpu.memory_space<vmem>> -> memref<1x128xi32, #tpu.memory_space<vmem>>
      %dma_start3A_426 = tpu.memref_squeeze %dma_start3A_425 : memref<1x128xi32, #tpu.memory_space<vmem>> -> memref<128xi32, #tpu.memory_space<vmem>>
      %dma_start3A_427 = arith.constant 0 : i32
      %dma_start3A_428 = arith.constant 0 : i32
      %dma_start3A_429 = tpu.memref_slice %arg4[%dma_start3A_427, %dma_start3A_428] : memref<62500x16xf32, #tpu.memory_space<hbm>> -> memref<62500x16xf32, #tpu.memory_space<hbm>>
      tpu.enqueue_indirect_dma source(%dma_start3A_429 : memref<62500x16xf32, #tpu.memory_space<hbm>>) target(%dma_start3A_423 : memref<128x16xf32, #tpu.memory_space<vmem>>) offsets(%dma_start3A_426 : memref<128xi32, #tpu.memory_space<vmem>>) semaphore(%arg23 : memref<!tpu.dma_semaphore, #tpu.memory_space<semaphore_mem>>)
      %add3A_430 = arith.constant 4 : i32
      %add3A_431 = arith.addi %mul3A_13, %add3A_430 : i32
      %dma_start3A_432 = arith.constant 4 : i32
      %dma_start3A_433 = arith.constant 0 : i32
      %dma_start3A_434 = arith.constant 0 : i32
      %dma_start3A_435 = tpu.memref_slice %arg8[%dma_start3A_432, %dma_start3A_433, %dma_start3A_434] : memref<8x128x64xf32, #tpu.memory_space<vmem>> -> memref<1x128x64xf32, #tpu.memory_space<vmem>>
      %dma_start3A_436 = tpu.memref_squeeze %dma_start3A_435 : memref<1x128x64xf32, #tpu.memory_space<vmem>> -> memref<128x64xf32, #tpu.memory_space<vmem>>
      %dma_start3A_437 = arith.constant 0 : i32
      %dma_start3A_438 = tpu.memref_slice %arg7[%add3A_431, %dma_start3A_437] : memref<200x128xi32, #tpu.memory_space<vmem>> -> memref<1x128xi32, #tpu.memory_space<vmem>>
      %dma_start3A_439 = tpu.memref_squeeze %dma_start3A_438 : memref<1x128xi32, #tpu.memory_space<vmem>> -> memref<128xi32, #tpu.memory_space<vmem>>
      %dma_start3A_440 = arith.constant 0 : i32
      %dma_start3A_441 = arith.constant 0 : i32
      %dma_start3A_442 = tpu.memref_slice %arg3[%dma_start3A_440, %dma_start3A_441] : memref<1000000x64xf32, #tpu.memory_space<hbm>> -> memref<1000000x64xf32, #tpu.memory_space<hbm>>
      tpu.enqueue_indirect_dma source(%dma_start3A_442 : memref<1000000x64xf32, #tpu.memory_space<hbm>>) target(%dma_start3A_436 : memref<128x64xf32, #tpu.memory_space<vmem>>) offsets(%dma_start3A_439 : memref<128xi32, #tpu.memory_space<vmem>>) semaphore(%arg16 : memref<!tpu.dma_semaphore, #tpu.memory_space<semaphore_mem>>)
      %get3A_443 = arith.index_cast %add3A_431 : i32 to index
      %get3A_444 = arith.constant 0 : index
      %get3A_445 = tpu.vector_load %arg7[%get3A_443, %get3A_444] {strides = array<i32>} : memref<200x128xi32, #tpu.memory_space<vmem>>, vector<16xi32>,
      %shift_right_logical3A_446 = arith.constant 4 : i32
      %shift_right_logical3A_447 = vector.broadcast %shift_right_logical3A_446 : i32 to vector<16xi32>
      %shift_right_logical3A_448 = arith.shrui %get3A_445, %shift_right_logical3A_447 : vector<16xi32>
      %swap3A_449 = arith.constant 4 : i32
      %swap3A_450 = arith.index_cast %swap3A_449 : i32 to index
      %swap3A_451 = arith.constant 0 : index
      %swap3A_452 = tpu.vector_load %arg9[%swap3A_450, %swap3A_451] {strides = array<i32>} : memref<8x128xi32, #tpu.memory_space<vmem>>, vector<16xi32>,
      tpu.vector_store %arg9[%swap3A_450, %swap3A_451], %shift_right_logical3A_448 {strides = array<i32>} : memref<8x128xi32, #tpu.memory_space<vmem>>, vector<16xi32>,
      %get3A_453 = arith.index_cast %add3A_431 : i32 to index
      %get3A_454 = arith.constant 16 : index
      %get3A_455 = tpu.vector_load %arg7[%get3A_453, %get3A_454] {strides = array<i32>} : memref<200x128xi32, #tpu.memory_space<vmem>>, vector<16xi32>,
      %shift_right_logical3A_456 = arith.constant 4 : i32
      %shift_right_logical3A_457 = vector.broadcast %shift_right_logical3A_456 : i32 to vector<16xi32>
      %shift_right_logical3A_458 = arith.shrui %get3A_455, %shift_right_logical3A_457 : vector<16xi32>
      %swap3A_459 = arith.constant 4 : i32
      %swap3A_460 = arith.index_cast %swap3A_459 : i32 to index
      %swap3A_461 = arith.constant 16 : index
      %swap3A_462 = tpu.vector_load %arg9[%swap3A_460, %swap3A_461] {strides = array<i32>} : memref<8x128xi32, #tpu.memory_space<vmem>>, vector<16xi32>,
      tpu.vector_store %arg9[%swap3A_460, %swap3A_461], %shift_right_logical3A_458 {strides = array<i32>} : memref<8x128xi32, #tpu.memory_space<vmem>>, vector<16xi32>,
      %get3A_463 = arith.index_cast %add3A_431 : i32 to index
      %get3A_464 = arith.constant 32 : index
      %get3A_465 = tpu.vector_load %arg7[%get3A_463, %get3A_464] {strides = array<i32>} : memref<200x128xi32, #tpu.memory_space<vmem>>, vector<16xi32>,
      %shift_right_logical3A_466 = arith.constant 4 : i32
      %shift_right_logical3A_467 = vector.broadcast %shift_right_logical3A_466 : i32 to vector<16xi32>
      %shift_right_logical3A_468 = arith.shrui %get3A_465, %shift_right_logical3A_467 : vector<16xi32>
      %swap3A_469 = arith.constant 4 : i32
      %swap3A_470 = arith.index_cast %swap3A_469 : i32 to index
      %swap3A_471 = arith.constant 32 : index
      %swap3A_472 = tpu.vector_load %arg9[%swap3A_470, %swap3A_471] {strides = array<i32>} : memref<8x128xi32, #tpu.memory_space<vmem>>, vector<16xi32>,
      tpu.vector_store %arg9[%swap3A_470, %swap3A_471], %shift_right_logical3A_468 {strides = array<i32>} : memref<8x128xi32, #tpu.memory_space<vmem>>, vector<16xi32>,
      %get3A_473 = arith.index_cast %add3A_431 : i32 to index
      %get3A_474 = arith.constant 48 : index
      %get3A_475 = tpu.vector_load %arg7[%get3A_473, %get3A_474] {strides = array<i32>} : memref<200x128xi32, #tpu.memory_space<vmem>>, vector<16xi32>,
      %shift_right_logical3A_476 = arith.constant 4 : i32
      %shift_right_logical3A_477 = vector.broadcast %shift_right_logical3A_476 : i32 to vector<16xi32>
      %shift_right_logical3A_478 = arith.shrui %get3A_475, %shift_right_logical3A_477 : vector<16xi32>
      %swap3A_479 = arith.constant 4 : i32
      %swap3A_480 = arith.index_cast %swap3A_479 : i32 to index
      %swap3A_481 = arith.constant 48 : index
      %swap3A_482 = tpu.vector_load %arg9[%swap3A_480, %swap3A_481] {strides = array<i32>} : memref<8x128xi32, #tpu.memory_space<vmem>>, vector<16xi32>,
      tpu.vector_store %arg9[%swap3A_480, %swap3A_481], %shift_right_logical3A_478 {strides = array<i32>} : memref<8x128xi32, #tpu.memory_space<vmem>>, vector<16xi32>,
      %get3A_483 = arith.index_cast %add3A_431 : i32 to index
      %get3A_484 = arith.constant 64 : index
      %get3A_485 = tpu.vector_load %arg7[%get3A_483, %get3A_484] {strides = array<i32>} : memref<200x128xi32, #tpu.memory_space<vmem>>, vector<16xi32>,
      %shift_right_logical3A_486 = arith.constant 4 : i32
      %shift_right_logical3A_487 = vector.broadcast %shift_right_logical3A_486 : i32 to vector<16xi32>
      %shift_right_logical3A_488 = arith.shrui %get3A_485, %shift_right_logical3A_487 : vector<16xi32>
      %swap3A_489 = arith.constant 4 : i32
      %swap3A_490 = arith.index_cast %swap3A_489 : i32 to index
      %swap3A_491 = arith.constant 64 : index
      %swap3A_492 = tpu.vector_load %arg9[%swap3A_490, %swap3A_491] {strides = array<i32>} : memref<8x128xi32, #tpu.memory_space<vmem>>, vector<16xi32>,
      tpu.vector_store %arg9[%swap3A_490, %swap3A_491], %shift_right_logical3A_488 {strides = array<i32>} : memref<8x128xi32, #tpu.memory_space<vmem>>, vector<16xi32>,
      %get3A_493 = arith.index_cast %add3A_431 : i32 to index
      %get3A_494 = arith.constant 80 : index
      %get3A_495 = tpu.vector_load %arg7[%get3A_493, %get3A_494] {strides = array<i32>} : memref<200x128xi32, #tpu.memory_space<vmem>>, vector<16xi32>,
      %shift_right_logical3A_496 = arith.constant 4 : i32
      %shift_right_logical3A_497 = vector.broadcast %shift_right_logical3A_496 : i32 to vector<16xi32>
      %shift_right_logical3A_498 = arith.shrui %get3A_495, %shift_right_logical3A_497 : vector<16xi32>
      %swap3A_499 = arith.constant 4 : i32
      %swap3A_500 = arith.index_cast %swap3A_499 : i32 to index
      %swap3A_501 = arith.constant 80 : index
      %swap3A_502 = tpu.vector_load %arg9[%swap3A_500, %swap3A_501] {strides = array<i32>} : memref<8x128xi32, #tpu.memory_space<vmem>>, vector<16xi32>,
      tpu.vector_store %arg9[%swap3A_500, %swap3A_501], %shift_right_logical3A_498 {strides = array<i32>} : memref<8x128xi32, #tpu.memory_space<vmem>>, vector<16xi32>,
      %get3A_503 = arith.index_cast %add3A_431 : i32 to index
      %get3A_504 = arith.constant 96 : index
      %get3A_505 = tpu.vector_load %arg7[%get3A_503, %get3A_504] {strides = array<i32>} : memref<200x128xi32, #tpu.memory_space<vmem>>, vector<16xi32>,
      %shift_right_logical3A_506 = arith.constant 4 : i32
      %shift_right_logical3A_507 = vector.broadcast %shift_right_logical3A_506 : i32 to vector<16xi32>
      %shift_right_logical3A_508 = arith.shrui %get3A_505, %shift_right_logical3A_507 : vector<16xi32>
      %swap3A_509 = arith.constant 4 : i32
      %swap3A_510 = arith.index_cast %swap3A_509 : i32 to index
      %swap3A_511 = arith.constant 96 : index
      %swap3A_512 = tpu.vector_load %arg9[%swap3A_510, %swap3A_511] {strides = array<i32>} : memref<8x128xi32, #tpu.memory_space<vmem>>, vector<16xi32>,
      tpu.vector_store %arg9[%swap3A_510, %swap3A_511], %shift_right_logical3A_508 {strides = array<i32>} : memref<8x128xi32, #tpu.memory_space<vmem>>, vector<16xi32>,
      %get3A_513 = arith.index_cast %add3A_431 : i32 to index
      %get3A_514 = arith.constant 112 : index
      %get3A_515 = tpu.vector_load %arg7[%get3A_513, %get3A_514] {strides = array<i32>} : memref<200x128xi32, #tpu.memory_space<vmem>>, vector<16xi32>,
      %shift_right_logical3A_516 = arith.constant 4 : i32
      %shift_right_logical3A_517 = vector.broadcast %shift_right_logical3A_516 : i32 to vector<16xi32>
      %shift_right_logical3A_518 = arith.shrui %get3A_515, %shift_right_logical3A_517 : vector<16xi32>
      %swap3A_519 = arith.constant 4 : i32
      %swap3A_520 = arith.index_cast %swap3A_519 : i32 to index
      %swap3A_521 = arith.constant 112 : index
      %swap3A_522 = tpu.vector_load %arg9[%swap3A_520, %swap3A_521] {strides = array<i32>} : memref<8x128xi32, #tpu.memory_space<vmem>>, vector<16xi32>,
      tpu.vector_store %arg9[%swap3A_520, %swap3A_521], %shift_right_logical3A_518 {strides = array<i32>} : memref<8x128xi32, #tpu.memory_space<vmem>>, vector<16xi32>,
      %dma_start3A_523 = arith.constant 4 : i32
      %dma_start3A_524 = arith.constant 4 : i32
      %dma_start3A_525 = arith.constant 0 : i32
      %dma_start3A_526 = arith.constant 0 : i32
      %dma_start3A_527 = tpu.memref_slice %arg10[%dma_start3A_524, %dma_start3A_525, %dma_start3A_526] : memref<8x128x16xf32, #tpu.memory_space<vmem>> -> memref<1x128x16xf32, #tpu.memory_space<vmem>>
      %dma_start3A_528 = tpu.memref_squeeze %dma_start3A_527 : memref<1x128x16xf32, #tpu.memory_space<vmem>> -> memref<128x16xf32, #tpu.memory_space<vmem>>
      %dma_start3A_529 = arith.constant 0 : i32
      %dma_start3A_530 = tpu.memref_slice %arg9[%dma_start3A_523, %dma_start3A_529] : memref<8x128xi32, #tpu.memory_space<vmem>> -> memref<1x128xi32, #tpu.memory_space<vmem>>
      %dma_start3A_531 = tpu.memref_squeeze %dma_start3A_530 : memref<1x128xi32, #tpu.memory_space<vmem>> -> memref<128xi32, #tpu.memory_space<vmem>>
      %dma_start3A_532 = arith.constant 0 : i32
      %dma_start3A_533 = arith.constant 0 : i32
      %dma_start3A_534 = tpu.memref_slice %arg4[%dma_start3A_532, %dma_start3A_533] : memref<62500x16xf32, #tpu.memory_space<hbm>> -> memref<62500x16xf32, #tpu.memory_space<hbm>>
      tpu.enqueue_indirect_dma source(%dma_start3A_534 : memref<62500x16xf32, #tpu.memory_space<hbm>>) target(%dma_start3A_528 : memref<128x16xf32, #tpu.memory_space<vmem>>) offsets(%dma_start3A_531 : memref<128xi32, #tpu.memory_space<vmem>>) semaphore(%arg24 : memref<!tpu.dma_semaphore, #tpu.memory_space<semaphore_mem>>)
      %add3A_535 = arith.constant 5 : i32
      %add3A_536 = arith.addi %mul3A_13, %add3A_535 : i32
      %dma_start3A_537 = arith.constant 5 : i32
      %dma_start3A_538 = arith.constant 0 : i32
      %dma_start3A_539 = arith.constant 0 : i32
      %dma_start3A_540 = tpu.memref_slice %arg8[%dma_start3A_537, %dma_start3A_538, %dma_start3A_539] : memref<8x128x64xf32, #tpu.memory_space<vmem>> -> memref<1x128x64xf32, #tpu.memory_space<vmem>>
      %dma_start3A_541 = tpu.memref_squeeze %dma_start3A_540 : memref<1x128x64xf32, #tpu.memory_space<vmem>> -> memref<128x64xf32, #tpu.memory_space<vmem>>
      %dma_start3A_542 = arith.constant 0 : i32
      %dma_start3A_543 = tpu.memref_slice %arg7[%add3A_536, %dma_start3A_542] : memref<200x128xi32, #tpu.memory_space<vmem>> -> memref<1x128xi32, #tpu.memory_space<vmem>>
      %dma_start3A_544 = tpu.memref_squeeze %dma_start3A_543 : memref<1x128xi32, #tpu.memory_space<vmem>> -> memref<128xi32, #tpu.memory_space<vmem>>
      %dma_start3A_545 = arith.constant 0 : i32
      %dma_start3A_546 = arith.constant 0 : i32
      %dma_start3A_547 = tpu.memref_slice %arg3[%dma_start3A_545, %dma_start3A_546] : memref<1000000x64xf32, #tpu.memory_space<hbm>> -> memref<1000000x64xf32, #tpu.memory_space<hbm>>
      tpu.enqueue_indirect_dma source(%dma_start3A_547 : memref<1000000x64xf32, #tpu.memory_space<hbm>>) target(%dma_start3A_541 : memref<128x64xf32, #tpu.memory_space<vmem>>) offsets(%dma_start3A_544 : memref<128xi32, #tpu.memory_space<vmem>>) semaphore(%arg17 : memref<!tpu.dma_semaphore, #tpu.memory_space<semaphore_mem>>)
      %get3A_548 = arith.index_cast %add3A_536 : i32 to index
      %get3A_549 = arith.constant 0 : index
      %get3A_550 = tpu.vector_load %arg7[%get3A_548, %get3A_549] {strides = array<i32>} : memref<200x128xi32, #tpu.memory_space<vmem>>, vector<16xi32>,
      %shift_right_logical3A_551 = arith.constant 4 : i32
      %shift_right_logical3A_552 = vector.broadcast %shift_right_logical3A_551 : i32 to vector<16xi32>
      %shift_right_logical3A_553 = arith.shrui %get3A_550, %shift_right_logical3A_552 : vector<16xi32>
      %swap3A_554 = arith.constant 5 : i32
      %swap3A_555 = arith.index_cast %swap3A_554 : i32 to index
      %swap3A_556 = arith.constant 0 : index
      %swap3A_557 = tpu.vector_load %arg9[%swap3A_555, %swap3A_556] {strides = array<i32>} : memref<8x128xi32, #tpu.memory_space<vmem>>, vector<16xi32>,
      tpu.vector_store %arg9[%swap3A_555, %swap3A_556], %shift_right_logical3A_553 {strides = array<i32>} : memref<8x128xi32, #tpu.memory_space<vmem>>, vector<16xi32>,
      %get3A_558 = arith.index_cast %add3A_536 : i32 to index
      %get3A_559 = arith.constant 16 : index
      %get3A_560 = tpu.vector_load %arg7[%get3A_558, %get3A_559] {strides = array<i32>} : memref<200x128xi32, #tpu.memory_space<vmem>>, vector<16xi32>,
      %shift_right_logical3A_561 = arith.constant 4 : i32
      %shift_right_logical3A_562 = vector.broadcast %shift_right_logical3A_561 : i32 to vector<16xi32>
      %shift_right_logical3A_563 = arith.shrui %get3A_560, %shift_right_logical3A_562 : vector<16xi32>
      %swap3A_564 = arith.constant 5 : i32
      %swap3A_565 = arith.index_cast %swap3A_564 : i32 to index
      %swap3A_566 = arith.constant 16 : index
      %swap3A_567 = tpu.vector_load %arg9[%swap3A_565, %swap3A_566] {strides = array<i32>} : memref<8x128xi32, #tpu.memory_space<vmem>>, vector<16xi32>,
      tpu.vector_store %arg9[%swap3A_565, %swap3A_566], %shift_right_logical3A_563 {strides = array<i32>} : memref<8x128xi32, #tpu.memory_space<vmem>>, vector<16xi32>,
      %get3A_568 = arith.index_cast %add3A_536 : i32 to index
      %get3A_569 = arith.constant 32 : index
      %get3A_570 = tpu.vector_load %arg7[%get3A_568, %get3A_569] {strides = array<i32>} : memref<200x128xi32, #tpu.memory_space<vmem>>, vector<16xi32>,
      %shift_right_logical3A_571 = arith.constant 4 : i32
      %shift_right_logical3A_572 = vector.broadcast %shift_right_logical3A_571 : i32 to vector<16xi32>
      %shift_right_logical3A_573 = arith.shrui %get3A_570, %shift_right_logical3A_572 : vector<16xi32>
      %swap3A_574 = arith.constant 5 : i32
      %swap3A_575 = arith.index_cast %swap3A_574 : i32 to index
      %swap3A_576 = arith.constant 32 : index
      %swap3A_577 = tpu.vector_load %arg9[%swap3A_575, %swap3A_576] {strides = array<i32>} : memref<8x128xi32, #tpu.memory_space<vmem>>, vector<16xi32>,
      tpu.vector_store %arg9[%swap3A_575, %swap3A_576], %shift_right_logical3A_573 {strides = array<i32>} : memref<8x128xi32, #tpu.memory_space<vmem>>, vector<16xi32>,
      %get3A_578 = arith.index_cast %add3A_536 : i32 to index
      %get3A_579 = arith.constant 48 : index
      %get3A_580 = tpu.vector_load %arg7[%get3A_578, %get3A_579] {strides = array<i32>} : memref<200x128xi32, #tpu.memory_space<vmem>>, vector<16xi32>,
      %shift_right_logical3A_581 = arith.constant 4 : i32
      %shift_right_logical3A_582 = vector.broadcast %shift_right_logical3A_581 : i32 to vector<16xi32>
      %shift_right_logical3A_583 = arith.shrui %get3A_580, %shift_right_logical3A_582 : vector<16xi32>
      %swap3A_584 = arith.constant 5 : i32
      %swap3A_585 = arith.index_cast %swap3A_584 : i32 to index
      %swap3A_586 = arith.constant 48 : index
      %swap3A_587 = tpu.vector_load %arg9[%swap3A_585, %swap3A_586] {strides = array<i32>} : memref<8x128xi32, #tpu.memory_space<vmem>>, vector<16xi32>,
      tpu.vector_store %arg9[%swap3A_585, %swap3A_586], %shift_right_logical3A_583 {strides = array<i32>} : memref<8x128xi32, #tpu.memory_space<vmem>>, vector<16xi32>,
      %get3A_588 = arith.index_cast %add3A_536 : i32 to index
      %get3A_589 = arith.constant 64 : index
      %get3A_590 = tpu.vector_load %arg7[%get3A_588, %get3A_589] {strides = array<i32>} : memref<200x128xi32, #tpu.memory_space<vmem>>, vector<16xi32>,
      %shift_right_logical3A_591 = arith.constant 4 : i32
      %shift_right_logical3A_592 = vector.broadcast %shift_right_logical3A_591 : i32 to vector<16xi32>
      %shift_right_logical3A_593 = arith.shrui %get3A_590, %shift_right_logical3A_592 : vector<16xi32>
      %swap3A_594 = arith.constant 5 : i32
      %swap3A_595 = arith.index_cast %swap3A_594 : i32 to index
      %swap3A_596 = arith.constant 64 : index
      %swap3A_597 = tpu.vector_load %arg9[%swap3A_595, %swap3A_596] {strides = array<i32>} : memref<8x128xi32, #tpu.memory_space<vmem>>, vector<16xi32>,
      tpu.vector_store %arg9[%swap3A_595, %swap3A_596], %shift_right_logical3A_593 {strides = array<i32>} : memref<8x128xi32, #tpu.memory_space<vmem>>, vector<16xi32>,
      %get3A_598 = arith.index_cast %add3A_536 : i32 to index
      %get3A_599 = arith.constant 80 : index
      %get3A_600 = tpu.vector_load %arg7[%get3A_598, %get3A_599] {strides = array<i32>} : memref<200x128xi32, #tpu.memory_space<vmem>>, vector<16xi32>,
      %shift_right_logical3A_601 = arith.constant 4 : i32
      %shift_right_logical3A_602 = vector.broadcast %shift_right_logical3A_601 : i32 to vector<16xi32>
      %shift_right_logical3A_603 = arith.shrui %get3A_600, %shift_right_logical3A_602 : vector<16xi32>
      %swap3A_604 = arith.constant 5 : i32
      %swap3A_605 = arith.index_cast %swap3A_604 : i32 to index
      %swap3A_606 = arith.constant 80 : index
      %swap3A_607 = tpu.vector_load %arg9[%swap3A_605, %swap3A_606] {strides = array<i32>} : memref<8x128xi32, #tpu.memory_space<vmem>>, vector<16xi32>,
      tpu.vector_store %arg9[%swap3A_605, %swap3A_606], %shift_right_logical3A_603 {strides = array<i32>} : memref<8x128xi32, #tpu.memory_space<vmem>>, vector<16xi32>,
      %get3A_608 = arith.index_cast %add3A_536 : i32 to index
      %get3A_609 = arith.constant 96 : index
      %get3A_610 = tpu.vector_load %arg7[%get3A_608, %get3A_609] {strides = array<i32>} : memref<200x128xi32, #tpu.memory_space<vmem>>, vector<16xi32>,
      %shift_right_logical3A_611 = arith.constant 4 : i32
      %shift_right_logical3A_612 = vector.broadcast %shift_right_logical3A_611 : i32 to vector<16xi32>
      %shift_right_logical3A_613 = arith.shrui %get3A_610, %shift_right_logical3A_612 : vector<16xi32>
      %swap3A_614 = arith.constant 5 : i32
      %swap3A_615 = arith.index_cast %swap3A_614 : i32 to index
      %swap3A_616 = arith.constant 96 : index
      %swap3A_617 = tpu.vector_load %arg9[%swap3A_615, %swap3A_616] {strides = array<i32>} : memref<8x128xi32, #tpu.memory_space<vmem>>, vector<16xi32>,
      tpu.vector_store %arg9[%swap3A_615, %swap3A_616], %shift_right_logical3A_613 {strides = array<i32>} : memref<8x128xi32, #tpu.memory_space<vmem>>, vector<16xi32>,
      %get3A_618 = arith.index_cast %add3A_536 : i32 to index
      %get3A_619 = arith.constant 112 : index
      %get3A_620 = tpu.vector_load %arg7[%get3A_618, %get3A_619] {strides = array<i32>} : memref<200x128xi32, #tpu.memory_space<vmem>>, vector<16xi32>,
      %shift_right_logical3A_621 = arith.constant 4 : i32
      %shift_right_logical3A_622 = vector.broadcast %shift_right_logical3A_621 : i32 to vector<16xi32>
      %shift_right_logical3A_623 = arith.shrui %get3A_620, %shift_right_logical3A_622 : vector<16xi32>
      %swap3A_624 = arith.constant 5 : i32
      %swap3A_625 = arith.index_cast %swap3A_624 : i32 to index
      %swap3A_626 = arith.constant 112 : index
      %swap3A_627 = tpu.vector_load %arg9[%swap3A_625, %swap3A_626] {strides = array<i32>} : memref<8x128xi32, #tpu.memory_space<vmem>>, vector<16xi32>,
      tpu.vector_store %arg9[%swap3A_625, %swap3A_626], %shift_right_logical3A_623 {strides = array<i32>} : memref<8x128xi32, #tpu.memory_space<vmem>>, vector<16xi32>,
      %dma_start3A_628 = arith.constant 5 : i32
      %dma_start3A_629 = arith.constant 5 : i32
      %dma_start3A_630 = arith.constant 0 : i32
      %dma_start3A_631 = arith.constant 0 : i32
      %dma_start3A_632 = tpu.memref_slice %arg10[%dma_start3A_629, %dma_start3A_630, %dma_start3A_631] : memref<8x128x16xf32, #tpu.memory_space<vmem>> -> memref<1x128x16xf32, #tpu.memory_space<vmem>>
      %dma_start3A_633 = tpu.memref_squeeze %dma_start3A_632 : memref<1x128x16xf32, #tpu.memory_space<vmem>> -> memref<128x16xf32, #tpu.memory_space<vmem>>
      %dma_start3A_634 = arith.constant 0 : i32
      %dma_start3A_635 = tpu.memref_slice %arg9[%dma_start3A_628, %dma_start3A_634] : memref<8x128xi32, #tpu.memory_space<vmem>> -> memref<1x128xi32, #tpu.memory_space<vmem>>
      %dma_start3A_636 = tpu.memref_squeeze %dma_start3A_635 : memref<1x128xi32, #tpu.memory_space<vmem>> -> memref<128xi32, #tpu.memory_space<vmem>>
      %dma_start3A_637 = arith.constant 0 : i32
      %dma_start3A_638 = arith.constant 0 : i32
      %dma_start3A_639 = tpu.memref_slice %arg4[%dma_start3A_637, %dma_start3A_638] : memref<62500x16xf32, #tpu.memory_space<hbm>> -> memref<62500x16xf32, #tpu.memory_space<hbm>>
      tpu.enqueue_indirect_dma source(%dma_start3A_639 : memref<62500x16xf32, #tpu.memory_space<hbm>>) target(%dma_start3A_633 : memref<128x16xf32, #tpu.memory_space<vmem>>) offsets(%dma_start3A_636 : memref<128xi32, #tpu.memory_space<vmem>>) semaphore(%arg25 : memref<!tpu.dma_semaphore, #tpu.memory_space<semaphore_mem>>)
      %add3A_640 = arith.constant 6 : i32
      %add3A_641 = arith.addi %mul3A_13, %add3A_640 : i32
      %dma_start3A_642 = arith.constant 6 : i32
      %dma_start3A_643 = arith.constant 0 : i32
      %dma_start3A_644 = arith.constant 0 : i32
      %dma_start3A_645 = tpu.memref_slice %arg8[%dma_start3A_642, %dma_start3A_643, %dma_start3A_644] : memref<8x128x64xf32, #tpu.memory_space<vmem>> -> memref<1x128x64xf32, #tpu.memory_space<vmem>>
      %dma_start3A_646 = tpu.memref_squeeze %dma_start3A_645 : memref<1x128x64xf32, #tpu.memory_space<vmem>> -> memref<128x64xf32, #tpu.memory_space<vmem>>
      %dma_start3A_647 = arith.constant 0 : i32
      %dma_start3A_648 = tpu.memref_slice %arg7[%add3A_641, %dma_start3A_647] : memref<200x128xi32, #tpu.memory_space<vmem>> -> memref<1x128xi32, #tpu.memory_space<vmem>>
      %dma_start3A_649 = tpu.memref_squeeze %dma_start3A_648 : memref<1x128xi32, #tpu.memory_space<vmem>> -> memref<128xi32, #tpu.memory_space<vmem>>
      %dma_start3A_650 = arith.constant 0 : i32
      %dma_start3A_651 = arith.constant 0 : i32
      %dma_start3A_652 = tpu.memref_slice %arg3[%dma_start3A_650, %dma_start3A_651] : memref<1000000x64xf32, #tpu.memory_space<hbm>> -> memref<1000000x64xf32, #tpu.memory_space<hbm>>
      tpu.enqueue_indirect_dma source(%dma_start3A_652 : memref<1000000x64xf32, #tpu.memory_space<hbm>>) target(%dma_start3A_646 : memref<128x64xf32, #tpu.memory_space<vmem>>) offsets(%dma_start3A_649 : memref<128xi32, #tpu.memory_space<vmem>>) semaphore(%arg18 : memref<!tpu.dma_semaphore, #tpu.memory_space<semaphore_mem>>)
      %get3A_653 = arith.index_cast %add3A_641 : i32 to index
      %get3A_654 = arith.constant 0 : index
      %get3A_655 = tpu.vector_load %arg7[%get3A_653, %get3A_654] {strides = array<i32>} : memref<200x128xi32, #tpu.memory_space<vmem>>, vector<16xi32>,
      %shift_right_logical3A_656 = arith.constant 4 : i32
      %shift_right_logical3A_657 = vector.broadcast %shift_right_logical3A_656 : i32 to vector<16xi32>
      %shift_right_logical3A_658 = arith.shrui %get3A_655, %shift_right_logical3A_657 : vector<16xi32>
      %swap3A_659 = arith.constant 6 : i32
      %swap3A_660 = arith.index_cast %swap3A_659 : i32 to index
      %swap3A_661 = arith.constant 0 : index
      %swap3A_662 = tpu.vector_load %arg9[%swap3A_660, %swap3A_661] {strides = array<i32>} : memref<8x128xi32, #tpu.memory_space<vmem>>, vector<16xi32>,
      tpu.vector_store %arg9[%swap3A_660, %swap3A_661], %shift_right_logical3A_658 {strides = array<i32>} : memref<8x128xi32, #tpu.memory_space<vmem>>, vector<16xi32>,
      %get3A_663 = arith.index_cast %add3A_641 : i32 to index
      %get3A_664 = arith.constant 16 : index
      %get3A_665 = tpu.vector_load %arg7[%get3A_663, %get3A_664] {strides = array<i32>} : memref<200x128xi32, #tpu.memory_space<vmem>>, vector<16xi32>,
      %shift_right_logical3A_666 = arith.constant 4 : i32
      %shift_right_logical3A_667 = vector.broadcast %shift_right_logical3A_666 : i32 to vector<16xi32>
      %shift_right_logical3A_668 = arith.shrui %get3A_665, %shift_right_logical3A_667 : vector<16xi32>
      %swap3A_669 = arith.constant 6 : i32
      %swap3A_670 = arith.index_cast %swap3A_669 : i32 to index
      %swap3A_671 = arith.constant 16 : index
      %swap3A_672 = tpu.vector_load %arg9[%swap3A_670, %swap3A_671] {strides = array<i32>} : memref<8x128xi32, #tpu.memory_space<vmem>>, vector<16xi32>,
      tpu.vector_store %arg9[%swap3A_670, %swap3A_671], %shift_right_logical3A_668 {strides = array<i32>} : memref<8x128xi32, #tpu.memory_space<vmem>>, vector<16xi32>,
      %get3A_673 = arith.index_cast %add3A_641 : i32 to index
      %get3A_674 = arith.constant 32 : index
      %get3A_675 = tpu.vector_load %arg7[%get3A_673, %get3A_674] {strides = array<i32>} : memref<200x128xi32, #tpu.memory_space<vmem>>, vector<16xi32>,
      %shift_right_logical3A_676 = arith.constant 4 : i32
      %shift_right_logical3A_677 = vector.broadcast %shift_right_logical3A_676 : i32 to vector<16xi32>
      %shift_right_logical3A_678 = arith.shrui %get3A_675, %shift_right_logical3A_677 : vector<16xi32>
      %swap3A_679 = arith.constant 6 : i32
      %swap3A_680 = arith.index_cast %swap3A_679 : i32 to index
      %swap3A_681 = arith.constant 32 : index
      %swap3A_682 = tpu.vector_load %arg9[%swap3A_680, %swap3A_681] {strides = array<i32>} : memref<8x128xi32, #tpu.memory_space<vmem>>, vector<16xi32>,
      tpu.vector_store %arg9[%swap3A_680, %swap3A_681], %shift_right_logical3A_678 {strides = array<i32>} : memref<8x128xi32, #tpu.memory_space<vmem>>, vector<16xi32>,
      %get3A_683 = arith.index_cast %add3A_641 : i32 to index
      %get3A_684 = arith.constant 48 : index
      %get3A_685 = tpu.vector_load %arg7[%get3A_683, %get3A_684] {strides = array<i32>} : memref<200x128xi32, #tpu.memory_space<vmem>>, vector<16xi32>,
      %shift_right_logical3A_686 = arith.constant 4 : i32
      %shift_right_logical3A_687 = vector.broadcast %shift_right_logical3A_686 : i32 to vector<16xi32>
      %shift_right_logical3A_688 = arith.shrui %get3A_685, %shift_right_logical3A_687 : vector<16xi32>
      %swap3A_689 = arith.constant 6 : i32
      %swap3A_690 = arith.index_cast %swap3A_689 : i32 to index
      %swap3A_691 = arith.constant 48 : index
      %swap3A_692 = tpu.vector_load %arg9[%swap3A_690, %swap3A_691] {strides = array<i32>} : memref<8x128xi32, #tpu.memory_space<vmem>>, vector<16xi32>,
      tpu.vector_store %arg9[%swap3A_690, %swap3A_691], %shift_right_logical3A_688 {strides = array<i32>} : memref<8x128xi32, #tpu.memory_space<vmem>>, vector<16xi32>,
      %get3A_693 = arith.index_cast %add3A_641 : i32 to index
      %get3A_694 = arith.constant 64 : index
      %get3A_695 = tpu.vector_load %arg7[%get3A_693, %get3A_694] {strides = array<i32>} : memref<200x128xi32, #tpu.memory_space<vmem>>, vector<16xi32>,
      %shift_right_logical3A_696 = arith.constant 4 : i32
      %shift_right_logical3A_697 = vector.broadcast %shift_right_logical3A_696 : i32 to vector<16xi32>
      %shift_right_logical3A_698 = arith.shrui %get3A_695, %shift_right_logical3A_697 : vector<16xi32>
      %swap3A_699 = arith.constant 6 : i32
      %swap3A_700 = arith.index_cast %swap3A_699 : i32 to index
      %swap3A_701 = arith.constant 64 : index
      %swap3A_702 = tpu.vector_load %arg9[%swap3A_700, %swap3A_701] {strides = array<i32>} : memref<8x128xi32, #tpu.memory_space<vmem>>, vector<16xi32>,
      tpu.vector_store %arg9[%swap3A_700, %swap3A_701], %shift_right_logical3A_698 {strides = array<i32>} : memref<8x128xi32, #tpu.memory_space<vmem>>, vector<16xi32>,
      %get3A_703 = arith.index_cast %add3A_641 : i32 to index
      %get3A_704 = arith.constant 80 : index
      %get3A_705 = tpu.vector_load %arg7[%get3A_703, %get3A_704] {strides = array<i32>} : memref<200x128xi32, #tpu.memory_space<vmem>>, vector<16xi32>,
      %shift_right_logical3A_706 = arith.constant 4 : i32
      %shift_right_logical3A_707 = vector.broadcast %shift_right_logical3A_706 : i32 to vector<16xi32>
      %shift_right_logical3A_708 = arith.shrui %get3A_705, %shift_right_logical3A_707 : vector<16xi32>
      %swap3A_709 = arith.constant 6 : i32
      %swap3A_710 = arith.index_cast %swap3A_709 : i32 to index
      %swap3A_711 = arith.constant 80 : index
      %swap3A_712 = tpu.vector_load %arg9[%swap3A_710, %swap3A_711] {strides = array<i32>} : memref<8x128xi32, #tpu.memory_space<vmem>>, vector<16xi32>,
      tpu.vector_store %arg9[%swap3A_710, %swap3A_711], %shift_right_logical3A_708 {strides = array<i32>} : memref<8x128xi32, #tpu.memory_space<vmem>>, vector<16xi32>,
      %get3A_713 = arith.index_cast %add3A_641 : i32 to index
      %get3A_714 = arith.constant 96 : index
      %get3A_715 = tpu.vector_load %arg7[%get3A_713, %get3A_714] {strides = array<i32>} : memref<200x128xi32, #tpu.memory_space<vmem>>, vector<16xi32>,
      %shift_right_logical3A_716 = arith.constant 4 : i32
      %shift_right_logical3A_717 = vector.broadcast %shift_right_logical3A_716 : i32 to vector<16xi32>
      %shift_right_logical3A_718 = arith.shrui %get3A_715, %shift_right_logical3A_717 : vector<16xi32>
      %swap3A_719 = arith.constant 6 : i32
      %swap3A_720 = arith.index_cast %swap3A_719 : i32 to index
      %swap3A_721 = arith.constant 96 : index
      %swap3A_722 = tpu.vector_load %arg9[%swap3A_720, %swap3A_721] {strides = array<i32>} : memref<8x128xi32, #tpu.memory_space<vmem>>, vector<16xi32>,
      tpu.vector_store %arg9[%swap3A_720, %swap3A_721], %shift_right_logical3A_718 {strides = array<i32>} : memref<8x128xi32, #tpu.memory_space<vmem>>, vector<16xi32>,
      %get3A_723 = arith.index_cast %add3A_641 : i32 to index
      %get3A_724 = arith.constant 112 : index
      %get3A_725 = tpu.vector_load %arg7[%get3A_723, %get3A_724] {strides = array<i32>} : memref<200x128xi32, #tpu.memory_space<vmem>>, vector<16xi32>,
      %shift_right_logical3A_726 = arith.constant 4 : i32
      %shift_right_logical3A_727 = vector.broadcast %shift_right_logical3A_726 : i32 to vector<16xi32>
      %shift_right_logical3A_728 = arith.shrui %get3A_725, %shift_right_logical3A_727 : vector<16xi32>
      %swap3A_729 = arith.constant 6 : i32
      %swap3A_730 = arith.index_cast %swap3A_729 : i32 to index
      %swap3A_731 = arith.constant 112 : index
      %swap3A_732 = tpu.vector_load %arg9[%swap3A_730, %swap3A_731] {strides = array<i32>} : memref<8x128xi32, #tpu.memory_space<vmem>>, vector<16xi32>,
      tpu.vector_store %arg9[%swap3A_730, %swap3A_731], %shift_right_logical3A_728 {strides = array<i32>} : memref<8x128xi32, #tpu.memory_space<vmem>>, vector<16xi32>,
      %dma_start3A_733 = arith.constant 6 : i32
      %dma_start3A_734 = arith.constant 6 : i32
      %dma_start3A_735 = arith.constant 0 : i32
      %dma_start3A_736 = arith.constant 0 : i32
      %dma_start3A_737 = tpu.memref_slice %arg10[%dma_start3A_734, %dma_start3A_735, %dma_start3A_736] : memref<8x128x16xf32, #tpu.memory_space<vmem>> -> memref<1x128x16xf32, #tpu.memory_space<vmem>>
      %dma_start3A_738 = tpu.memref_squeeze %dma_start3A_737 : memref<1x128x16xf32, #tpu.memory_space<vmem>> -> memref<128x16xf32, #tpu.memory_space<vmem>>
      %dma_start3A_739 = arith.constant 0 : i32
      %dma_start3A_740 = tpu.memref_slice %arg9[%dma_start3A_733, %dma_start3A_739] : memref<8x128xi32, #tpu.memory_space<vmem>> -> memref<1x128xi32, #tpu.memory_space<vmem>>
      %dma_start3A_741 = tpu.memref_squeeze %dma_start3A_740 : memref<1x128xi32, #tpu.memory_space<vmem>> -> memref<128xi32, #tpu.memory_space<vmem>>
      %dma_start3A_742 = arith.constant 0 : i32
      %dma_start3A_743 = arith.constant 0 : i32
      %dma_start3A_744 = tpu.memref_slice %arg4[%dma_start3A_742, %dma_start3A_743] : memref<62500x16xf32, #tpu.memory_space<hbm>> -> memref<62500x16xf32, #tpu.memory_space<hbm>>
      tpu.enqueue_indirect_dma source(%dma_start3A_744 : memref<62500x16xf32, #tpu.memory_space<hbm>>) target(%dma_start3A_738 : memref<128x16xf32, #tpu.memory_space<vmem>>) offsets(%dma_start3A_741 : memref<128xi32, #tpu.memory_space<vmem>>) semaphore(%arg26 : memref<!tpu.dma_semaphore, #tpu.memory_space<semaphore_mem>>)
      %add3A_745 = arith.constant 7 : i32
      %add3A_746 = arith.addi %mul3A_13, %add3A_745 : i32
      %dma_start3A_747 = arith.constant 7 : i32
      %dma_start3A_748 = arith.constant 0 : i32
      %dma_start3A_749 = arith.constant 0 : i32
      %dma_start3A_750 = tpu.memref_slice %arg8[%dma_start3A_747, %dma_start3A_748, %dma_start3A_749] : memref<8x128x64xf32, #tpu.memory_space<vmem>> -> memref<1x128x64xf32, #tpu.memory_space<vmem>>
      %dma_start3A_751 = tpu.memref_squeeze %dma_start3A_750 : memref<1x128x64xf32, #tpu.memory_space<vmem>> -> memref<128x64xf32, #tpu.memory_space<vmem>>
      %dma_start3A_752 = arith.constant 0 : i32
      %dma_start3A_753 = tpu.memref_slice %arg7[%add3A_746, %dma_start3A_752] : memref<200x128xi32, #tpu.memory_space<vmem>> -> memref<1x128xi32, #tpu.memory_space<vmem>>
      %dma_start3A_754 = tpu.memref_squeeze %dma_start3A_753 : memref<1x128xi32, #tpu.memory_space<vmem>> -> memref<128xi32, #tpu.memory_space<vmem>>
      %dma_start3A_755 = arith.constant 0 : i32
      %dma_start3A_756 = arith.constant 0 : i32
      %dma_start3A_757 = tpu.memref_slice %arg3[%dma_start3A_755, %dma_start3A_756] : memref<1000000x64xf32, #tpu.memory_space<hbm>> -> memref<1000000x64xf32, #tpu.memory_space<hbm>>
      tpu.enqueue_indirect_dma source(%dma_start3A_757 : memref<1000000x64xf32, #tpu.memory_space<hbm>>) target(%dma_start3A_751 : memref<128x64xf32, #tpu.memory_space<vmem>>) offsets(%dma_start3A_754 : memref<128xi32, #tpu.memory_space<vmem>>) semaphore(%arg19 : memref<!tpu.dma_semaphore, #tpu.memory_space<semaphore_mem>>)
      %get3A_758 = arith.index_cast %add3A_746 : i32 to index
      %get3A_759 = arith.constant 0 : index
      %get3A_760 = tpu.vector_load %arg7[%get3A_758, %get3A_759] {strides = array<i32>} : memref<200x128xi32, #tpu.memory_space<vmem>>, vector<16xi32>,
      %shift_right_logical3A_761 = arith.constant 4 : i32
      %shift_right_logical3A_762 = vector.broadcast %shift_right_logical3A_761 : i32 to vector<16xi32>
      %shift_right_logical3A_763 = arith.shrui %get3A_760, %shift_right_logical3A_762 : vector<16xi32>
      %swap3A_764 = arith.constant 7 : i32
      %swap3A_765 = arith.index_cast %swap3A_764 : i32 to index
      %swap3A_766 = arith.constant 0 : index
      %swap3A_767 = tpu.vector_load %arg9[%swap3A_765, %swap3A_766] {strides = array<i32>} : memref<8x128xi32, #tpu.memory_space<vmem>>, vector<16xi32>,
      tpu.vector_store %arg9[%swap3A_765, %swap3A_766], %shift_right_logical3A_763 {strides = array<i32>} : memref<8x128xi32, #tpu.memory_space<vmem>>, vector<16xi32>,
      %get3A_768 = arith.index_cast %add3A_746 : i32 to index
      %get3A_769 = arith.constant 16 : index
      %get3A_770 = tpu.vector_load %arg7[%get3A_768, %get3A_769] {strides = array<i32>} : memref<200x128xi32, #tpu.memory_space<vmem>>, vector<16xi32>,
      %shift_right_logical3A_771 = arith.constant 4 : i32
      %shift_right_logical3A_772 = vector.broadcast %shift_right_logical3A_771 : i32 to vector<16xi32>
      %shift_right_logical3A_773 = arith.shrui %get3A_770, %shift_right_logical3A_772 : vector<16xi32>
      %swap3A_774 = arith.constant 7 : i32
      %swap3A_775 = arith.index_cast %swap3A_774 : i32 to index
      %swap3A_776 = arith.constant 16 : index
      %swap3A_777 = tpu.vector_load %arg9[%swap3A_775, %swap3A_776] {strides = array<i32>} : memref<8x128xi32, #tpu.memory_space<vmem>>, vector<16xi32>,
      tpu.vector_store %arg9[%swap3A_775, %swap3A_776], %shift_right_logical3A_773 {strides = array<i32>} : memref<8x128xi32, #tpu.memory_space<vmem>>, vector<16xi32>,
      %get3A_778 = arith.index_cast %add3A_746 : i32 to index
      %get3A_779 = arith.constant 32 : index
      %get3A_780 = tpu.vector_load %arg7[%get3A_778, %get3A_779] {strides = array<i32>} : memref<200x128xi32, #tpu.memory_space<vmem>>, vector<16xi32>,
      %shift_right_logical3A_781 = arith.constant 4 : i32
      %shift_right_logical3A_782 = vector.broadcast %shift_right_logical3A_781 : i32 to vector<16xi32>
      %shift_right_logical3A_783 = arith.shrui %get3A_780, %shift_right_logical3A_782 : vector<16xi32>
      %swap3A_784 = arith.constant 7 : i32
      %swap3A_785 = arith.index_cast %swap3A_784 : i32 to index
      %swap3A_786 = arith.constant 32 : index
      %swap3A_787 = tpu.vector_load %arg9[%swap3A_785, %swap3A_786] {strides = array<i32>} : memref<8x128xi32, #tpu.memory_space<vmem>>, vector<16xi32>,
      tpu.vector_store %arg9[%swap3A_785, %swap3A_786], %shift_right_logical3A_783 {strides = array<i32>} : memref<8x128xi32, #tpu.memory_space<vmem>>, vector<16xi32>,
      %get3A_788 = arith.index_cast %add3A_746 : i32 to index
      %get3A_789 = arith.constant 48 : index
      %get3A_790 = tpu.vector_load %arg7[%get3A_788, %get3A_789] {strides = array<i32>} : memref<200x128xi32, #tpu.memory_space<vmem>>, vector<16xi32>,
      %shift_right_logical3A_791 = arith.constant 4 : i32
      %shift_right_logical3A_792 = vector.broadcast %shift_right_logical3A_791 : i32 to vector<16xi32>
      %shift_right_logical3A_793 = arith.shrui %get3A_790, %shift_right_logical3A_792 : vector<16xi32>
      %swap3A_794 = arith.constant 7 : i32
      %swap3A_795 = arith.index_cast %swap3A_794 : i32 to index
      %swap3A_796 = arith.constant 48 : index
      %swap3A_797 = tpu.vector_load %arg9[%swap3A_795, %swap3A_796] {strides = array<i32>} : memref<8x128xi32, #tpu.memory_space<vmem>>, vector<16xi32>,
      tpu.vector_store %arg9[%swap3A_795, %swap3A_796], %shift_right_logical3A_793 {strides = array<i32>} : memref<8x128xi32, #tpu.memory_space<vmem>>, vector<16xi32>,
      %get3A_798 = arith.index_cast %add3A_746 : i32 to index
      %get3A_799 = arith.constant 64 : index
      %get3A_800 = tpu.vector_load %arg7[%get3A_798, %get3A_799] {strides = array<i32>} : memref<200x128xi32, #tpu.memory_space<vmem>>, vector<16xi32>,
      %shift_right_logical3A_801 = arith.constant 4 : i32
      %shift_right_logical3A_802 = vector.broadcast %shift_right_logical3A_801 : i32 to vector<16xi32>
      %shift_right_logical3A_803 = arith.shrui %get3A_800, %shift_right_logical3A_802 : vector<16xi32>
      %swap3A_804 = arith.constant 7 : i32
      %swap3A_805 = arith.index_cast %swap3A_804 : i32 to index
      %swap3A_806 = arith.constant 64 : index
      %swap3A_807 = tpu.vector_load %arg9[%swap3A_805, %swap3A_806] {strides = array<i32>} : memref<8x128xi32, #tpu.memory_space<vmem>>, vector<16xi32>,
      tpu.vector_store %arg9[%swap3A_805, %swap3A_806], %shift_right_logical3A_803 {strides = array<i32>} : memref<8x128xi32, #tpu.memory_space<vmem>>, vector<16xi32>,
      %get3A_808 = arith.index_cast %add3A_746 : i32 to index
      %get3A_809 = arith.constant 80 : index
      %get3A_810 = tpu.vector_load %arg7[%get3A_808, %get3A_809] {strides = array<i32>} : memref<200x128xi32, #tpu.memory_space<vmem>>, vector<16xi32>,
      %shift_right_logical3A_811 = arith.constant 4 : i32
      %shift_right_logical3A_812 = vector.broadcast %shift_right_logical3A_811 : i32 to vector<16xi32>
      %shift_right_logical3A_813 = arith.shrui %get3A_810, %shift_right_logical3A_812 : vector<16xi32>
      %swap3A_814 = arith.constant 7 : i32
      %swap3A_815 = arith.index_cast %swap3A_814 : i32 to index
      %swap3A_816 = arith.constant 80 : index
      %swap3A_817 = tpu.vector_load %arg9[%swap3A_815, %swap3A_816] {strides = array<i32>} : memref<8x128xi32, #tpu.memory_space<vmem>>, vector<16xi32>,
      tpu.vector_store %arg9[%swap3A_815, %swap3A_816], %shift_right_logical3A_813 {strides = array<i32>} : memref<8x128xi32, #tpu.memory_space<vmem>>, vector<16xi32>,
      %get3A_818 = arith.index_cast %add3A_746 : i32 to index
      %get3A_819 = arith.constant 96 : index
      %get3A_820 = tpu.vector_load %arg7[%get3A_818, %get3A_819] {strides = array<i32>} : memref<200x128xi32, #tpu.memory_space<vmem>>, vector<16xi32>,
      %shift_right_logical3A_821 = arith.constant 4 : i32
      %shift_right_logical3A_822 = vector.broadcast %shift_right_logical3A_821 : i32 to vector<16xi32>
      %shift_right_logical3A_823 = arith.shrui %get3A_820, %shift_right_logical3A_822 : vector<16xi32>
      %swap3A_824 = arith.constant 7 : i32
      %swap3A_825 = arith.index_cast %swap3A_824 : i32 to index
      %swap3A_826 = arith.constant 96 : index
      %swap3A_827 = tpu.vector_load %arg9[%swap3A_825, %swap3A_826] {strides = array<i32>} : memref<8x128xi32, #tpu.memory_space<vmem>>, vector<16xi32>,
      tpu.vector_store %arg9[%swap3A_825, %swap3A_826], %shift_right_logical3A_823 {strides = array<i32>} : memref<8x128xi32, #tpu.memory_space<vmem>>, vector<16xi32>,
      %get3A_828 = arith.index_cast %add3A_746 : i32 to index
      %get3A_829 = arith.constant 112 : index
      %get3A_830 = tpu.vector_load %arg7[%get3A_828, %get3A_829] {strides = array<i32>} : memref<200x128xi32, #tpu.memory_space<vmem>>, vector<16xi32>,
      %shift_right_logical3A_831 = arith.constant 4 : i32
      %shift_right_logical3A_832 = vector.broadcast %shift_right_logical3A_831 : i32 to vector<16xi32>
      %shift_right_logical3A_833 = arith.shrui %get3A_830, %shift_right_logical3A_832 : vector<16xi32>
      %swap3A_834 = arith.constant 7 : i32
      %swap3A_835 = arith.index_cast %swap3A_834 : i32 to index
      %swap3A_836 = arith.constant 112 : index
      %swap3A_837 = tpu.vector_load %arg9[%swap3A_835, %swap3A_836] {strides = array<i32>} : memref<8x128xi32, #tpu.memory_space<vmem>>, vector<16xi32>,
      tpu.vector_store %arg9[%swap3A_835, %swap3A_836], %shift_right_logical3A_833 {strides = array<i32>} : memref<8x128xi32, #tpu.memory_space<vmem>>, vector<16xi32>,
      %dma_start3A_838 = arith.constant 7 : i32
      %dma_start3A_839 = arith.constant 7 : i32
      %dma_start3A_840 = arith.constant 0 : i32
      %dma_start3A_841 = arith.constant 0 : i32
      %dma_start3A_842 = tpu.memref_slice %arg10[%dma_start3A_839, %dma_start3A_840, %dma_start3A_841] : memref<8x128x16xf32, #tpu.memory_space<vmem>> -> memref<1x128x16xf32, #tpu.memory_space<vmem>>
      %dma_start3A_843 = tpu.memref_squeeze %dma_start3A_842 : memref<1x128x16xf32, #tpu.memory_space<vmem>> -> memref<128x16xf32, #tpu.memory_space<vmem>>
      %dma_start3A_844 = arith.constant 0 : i32
      %dma_start3A_845 = tpu.memref_slice %arg9[%dma_start3A_838, %dma_start3A_844] : memref<8x128xi32, #tpu.memory_space<vmem>> -> memref<1x128xi32, #tpu.memory_space<vmem>>
      %dma_start3A_846 = tpu.memref_squeeze %dma_start3A_845 : memref<1x128xi32, #tpu.memory_space<vmem>> -> memref<128xi32, #tpu.memory_space<vmem>>
      %dma_start3A_847 = arith.constant 0 : i32
      %dma_start3A_848 = arith.constant 0 : i32
      %dma_start3A_849 = tpu.memref_slice %arg4[%dma_start3A_847, %dma_start3A_848] : memref<62500x16xf32, #tpu.memory_space<hbm>> -> memref<62500x16xf32, #tpu.memory_space<hbm>>
      tpu.enqueue_indirect_dma source(%dma_start3A_849 : memref<62500x16xf32, #tpu.memory_space<hbm>>) target(%dma_start3A_843 : memref<128x16xf32, #tpu.memory_space<vmem>>) offsets(%dma_start3A_846 : memref<128xi32, #tpu.memory_space<vmem>>) semaphore(%arg27 : memref<!tpu.dma_semaphore, #tpu.memory_space<semaphore_mem>>)
      %add3A_850 = arith.constant 0 : i32
      %add3A_851 = arith.addi %mul3A_13, %add3A_850 : i32
      %mul3A_852 = arith.constant 128 : i32
      %mul3A_853 = arith.muli %add3A_851, %mul3A_852 : i32
      %add3A_854 = arith.addi %mul3A_2, %mul3A_853 : i32
      %dma_wait3A = arith.constant 0 : i32
      %dma_wait3A_855 = arith.constant 0 : i32
      %dma_wait3A_856 = arith.constant 0 : i32
      %dma_wait3A_857 = tpu.memref_slice %arg8[%dma_wait3A, %dma_wait3A_855, %dma_wait3A_856] : memref<8x128x64xf32, #tpu.memory_space<vmem>> -> memref<1x128x64xf32, #tpu.memory_space<vmem>>
      %dma_wait3A_858 = tpu.memref_squeeze %dma_wait3A_857 : memref<1x128x64xf32, #tpu.memory_space<vmem>> -> memref<128x64xf32, #tpu.memory_space<vmem>>
      %dma_wait3A_859 = arith.constant 0 : i32
      %dma_wait3A_860 = tpu.memref_slice %arg7[%add3A_15, %dma_wait3A_859] : memref<200x128xi32, #tpu.memory_space<vmem>> -> memref<1x128xi32, #tpu.memory_space<vmem>>
      %dma_wait3A_861 = tpu.memref_squeeze %dma_wait3A_860 : memref<1x128xi32, #tpu.memory_space<vmem>> -> memref<128xi32, #tpu.memory_space<vmem>>
      %dma_wait3A_862 = arith.constant 0 : i32
      %dma_wait3A_863 = arith.constant 0 : i32
      %dma_wait3A_864 = tpu.memref_slice %arg3[%dma_wait3A_862, %dma_wait3A_863] : memref<1000000x64xf32, #tpu.memory_space<hbm>> -> memref<1000000x64xf32, #tpu.memory_space<hbm>>
      tpu.wait_indirect_dma semaphore(%arg12 : memref<!tpu.dma_semaphore, #tpu.memory_space<semaphore_mem>>) src(%dma_wait3A_864 : memref<1000000x64xf32, #tpu.memory_space<hbm>>) dst(%dma_wait3A_858 : memref<128x64xf32, #tpu.memory_space<vmem>>)
      %run_scoped3A = arith.constant 0 : i32
      "tpu.region"() ({
        %run_scoped3A_2229 = tpu.sem_alloc : memref<!tpu.dma_semaphore, #tpu.memory_space<semaphore_mem>>
        %dma_start3A_2230 = arith.constant 0 : i32
        %dma_start3A_2231 = arith.constant 0 : i32
        %dma_start3A_2232 = tpu.memref_slice %arg8[%run_scoped3A, %dma_start3A_2230, %dma_start3A_2231] : memref<8x128x64xf32, #tpu.memory_space<vmem>> -> memref<1x128x64xf32, #tpu.memory_space<vmem>>
        %dma_start3A_2233 = tpu.memref_squeeze %dma_start3A_2232 : memref<1x128x64xf32, #tpu.memory_space<vmem>> -> memref<128x64xf32, #tpu.memory_space<vmem>>
        %dma_start3A_2234 = arith.constant 0 : i32
        %dma_start3A_2235 = tpu.memref_slice %arg5[%add3A_854, %dma_start3A_2234] : memref<819200x64xf32, #tpu.memory_space<hbm>> -> memref<128x64xf32, #tpu.memory_space<hbm>>
        %dma_start3A_2236 = arith.constant 0 : i32
        %dma_start3A_2237 = tpu.memref_slice %arg5[%add3A_854, %dma_start3A_2236] : memref<819200x64xf32, #tpu.memory_space<hbm>> -> memref<128x64xf32, #tpu.memory_space<hbm>>
        %dma_start3A_2238 = arith.constant 0 : i32
        %dma_start3A_2239 = arith.constant 0 : i32
        %dma_start3A_2240 = tpu.memref_slice %arg8[%run_scoped3A, %dma_start3A_2238, %dma_start3A_2239] : memref<8x128x64xf32, #tpu.memory_space<vmem>> -> memref<1x128x64xf32, #tpu.memory_space<vmem>>
        %dma_start3A_2241 = tpu.memref_squeeze %dma_start3A_2240 : memref<1x128x64xf32, #tpu.memory_space<vmem>> -> memref<128x64xf32, #tpu.memory_space<vmem>>
        tpu.enqueue_dma source(%dma_start3A_2241 : memref<128x64xf32, #tpu.memory_space<vmem>>) target(%dma_start3A_2237 : memref<128x64xf32, #tpu.memory_space<hbm>>) target_semaphore(%run_scoped3A_2229 : memref<!tpu.dma_semaphore, #tpu.memory_space<semaphore_mem>>)
        %dma_wait3A_2242 = arith.constant 0 : i32
        %dma_wait3A_2243 = arith.constant 0 : i32
        %dma_wait3A_2244 = tpu.memref_slice %arg8[%run_scoped3A, %dma_wait3A_2242, %dma_wait3A_2243] : memref<8x128x64xf32, #tpu.memory_space<vmem>> -> memref<1x128x64xf32, #tpu.memory_space<vmem>>
        %dma_wait3A_2245 = tpu.memref_squeeze %dma_wait3A_2244 : memref<1x128x64xf32, #tpu.memory_space<vmem>> -> memref<128x64xf32, #tpu.memory_space<vmem>>
        %dma_wait3A_2246 = arith.constant 0 : i32
        %dma_wait3A_2247 = tpu.memref_slice %arg5[%add3A_854, %dma_wait3A_2246] : memref<819200x64xf32, #tpu.memory_space<hbm>> -> memref<128x64xf32, #tpu.memory_space<hbm>>
        %dma_wait3A_2248 = arith.constant 0 : i32
        %dma_wait3A_2249 = tpu.memref_slice %arg5[%add3A_854, %dma_wait3A_2248] : memref<819200x64xf32, #tpu.memory_space<hbm>> -> memref<128x64xf32, #tpu.memory_space<hbm>>
        %dma_wait3A_2250 = arith.constant 0 : i32
        %dma_wait3A_2251 = arith.constant 0 : i32
        %dma_wait3A_2252 = tpu.memref_slice %arg8[%run_scoped3A, %dma_wait3A_2250, %dma_wait3A_2251] : memref<8x128x64xf32, #tpu.memory_space<vmem>> -> memref<1x128x64xf32, #tpu.memory_space<vmem>>
        %dma_wait3A_2253 = tpu.memref_squeeze %dma_wait3A_2252 : memref<1x128x64xf32, #tpu.memory_space<vmem>> -> memref<128x64xf32, #tpu.memory_space<vmem>>
        tpu.wait_dma2 semaphore(%run_scoped3A_2229 : memref<!tpu.dma_semaphore, #tpu.memory_space<semaphore_mem>>) src(%dma_wait3A_2253 : memref<128x64xf32, #tpu.memory_space<vmem>>) dst(%dma_wait3A_2249 : memref<128x64xf32, #tpu.memory_space<hbm>>)
        tpu.yield
      }) : () -> ()
      %dma_wait3A_865 = arith.constant 0 : i32
      %dma_wait3A_866 = arith.constant 0 : i32
      %dma_wait3A_867 = arith.constant 0 : i32
      %dma_wait3A_868 = arith.constant 0 : i32
      %dma_wait3A_869 = tpu.memref_slice %arg10[%dma_wait3A_866, %dma_wait3A_867, %dma_wait3A_868] : memref<8x128x16xf32, #tpu.memory_space<vmem>> -> memref<1x128x16xf32, #tpu.memory_space<vmem>>
      %dma_wait3A_870 = tpu.memref_squeeze %dma_wait3A_869 : memref<1x128x16xf32, #tpu.memory_space<vmem>> -> memref<128x16xf32, #tpu.memory_space<vmem>>
      %dma_wait3A_871 = arith.constant 0 : i32
      %dma_wait3A_872 = tpu.memref_slice %arg9[%dma_wait3A_865, %dma_wait3A_871] : memref<8x128xi32, #tpu.memory_space<vmem>> -> memref<1x128xi32, #tpu.memory_space<vmem>>
      %dma_wait3A_873 = tpu.memref_squeeze %dma_wait3A_872 : memref<1x128xi32, #tpu.memory_space<vmem>> -> memref<128xi32, #tpu.memory_space<vmem>>
      %dma_wait3A_874 = arith.constant 0 : i32
      %dma_wait3A_875 = arith.constant 0 : i32
      %dma_wait3A_876 = tpu.memref_slice %arg4[%dma_wait3A_874, %dma_wait3A_875] : memref<62500x16xf32, #tpu.memory_space<hbm>> -> memref<62500x16xf32, #tpu.memory_space<hbm>>
      tpu.wait_indirect_dma semaphore(%arg20 : memref<!tpu.dma_semaphore, #tpu.memory_space<semaphore_mem>>) src(%dma_wait3A_876 : memref<62500x16xf32, #tpu.memory_space<hbm>>) dst(%dma_wait3A_870 : memref<128x16xf32, #tpu.memory_space<vmem>>)
      %iota3A = tpu.iota {dimensions = array<i32: 0>} : vector<16xi32>
      %add3A_877 = arith.constant 0 : i32
      %add3A_878 = vector.broadcast %add3A_877 : i32 to vector<16xi32>
      %add3A_879 = arith.addi %iota3A, %add3A_878 : vector<16xi32>
      %get3A_880 = arith.index_cast %add3A_851 : i32 to index
      %get3A_881 = arith.constant 0 : index
      %get3A_882 = tpu.vector_load %arg7[%get3A_880, %get3A_881] {strides = array<i32>} : memref<200x128xi32, #tpu.memory_space<vmem>>, vector<16xi32>,
      %and3A = arith.constant 15 : i32
      %and3A_883 = vector.broadcast %and3A : i32 to vector<16xi32>
      %and3A_884 = arith.andi %get3A_882, %and3A_883 : vector<16xi32>
      %gather3A = arith.constant 0 : i32
      %gather3A_885 = arith.constant 0 : i32
      %gather3A_886 = arith.constant 0 : i32
      %gather3A_887 = tpu.memref_slice %arg10[%gather3A, %gather3A_885, %gather3A_886] : memref<8x128x16xf32, #tpu.memory_space<vmem>> -> memref<1x128x16xf32, #tpu.memory_space<vmem>>
      %gather3A_888 = tpu.memref_squeeze %gather3A_887 : memref<1x128x16xf32, #tpu.memory_space<vmem>> -> memref<128x16xf32, #tpu.memory_space<vmem>>
      %gather3A_889 = tpu.vector_load_idx %gather3A_888[%add3A_879, %and3A_884] : memref<128x16xf32, #tpu.memory_space<vmem>>[vector<16xi32>, vector<16xi32>], vector<16xf32>,
      %swap3A_890 = arith.constant 0 : index
      %swap3A_891 = tpu.vector_load %arg11[%swap3A_890] {strides = array<i32>} : memref<128xf32, #tpu.memory_space<vmem>>, vector<16xf32>,
      tpu.vector_store %arg11[%swap3A_890], %gather3A_889 {strides = array<i32>} : memref<128xf32, #tpu.memory_space<vmem>>, vector<16xf32>,
      %iota3A_892 = tpu.iota {dimensions = array<i32: 0>} : vector<16xi32>
      %add3A_893 = arith.constant 16 : i32
      %add3A_894 = vector.broadcast %add3A_893 : i32 to vector<16xi32>
      %add3A_895 = arith.addi %iota3A_892, %add3A_894 : vector<16xi32>
      %get3A_896 = arith.index_cast %add3A_851 : i32 to index
      %get3A_897 = arith.constant 16 : index
      %get3A_898 = tpu.vector_load %arg7[%get3A_896, %get3A_897] {strides = array<i32>} : memref<200x128xi32, #tpu.memory_space<vmem>>, vector<16xi32>,
      %and3A_899 = arith.constant 15 : i32
      %and3A_900 = vector.broadcast %and3A_899 : i32 to vector<16xi32>
      %and3A_901 = arith.andi %get3A_898, %and3A_900 : vector<16xi32>
      %gather3A_902 = arith.constant 0 : i32
      %gather3A_903 = arith.constant 0 : i32
      %gather3A_904 = arith.constant 0 : i32
      %gather3A_905 = tpu.memref_slice %arg10[%gather3A_902, %gather3A_903, %gather3A_904] : memref<8x128x16xf32, #tpu.memory_space<vmem>> -> memref<1x128x16xf32, #tpu.memory_space<vmem>>
      %gather3A_906 = tpu.memref_squeeze %gather3A_905 : memref<1x128x16xf32, #tpu.memory_space<vmem>> -> memref<128x16xf32, #tpu.memory_space<vmem>>
      %gather3A_907 = tpu.vector_load_idx %gather3A_906[%add3A_895, %and3A_901] : memref<128x16xf32, #tpu.memory_space<vmem>>[vector<16xi32>, vector<16xi32>], vector<16xf32>,
      %swap3A_908 = arith.constant 16 : index
      %swap3A_909 = tpu.vector_load %arg11[%swap3A_908] {strides = array<i32>} : memref<128xf32, #tpu.memory_space<vmem>>, vector<16xf32>,
      tpu.vector_store %arg11[%swap3A_908], %gather3A_907 {strides = array<i32>} : memref<128xf32, #tpu.memory_space<vmem>>, vector<16xf32>,
      %iota3A_910 = tpu.iota {dimensions = array<i32: 0>} : vector<16xi32>
      %add3A_911 = arith.constant 32 : i32
      %add3A_912 = vector.broadcast %add3A_911 : i32 to vector<16xi32>
      %add3A_913 = arith.addi %iota3A_910, %add3A_912 : vector<16xi32>
      %get3A_914 = arith.index_cast %add3A_851 : i32 to index
      %get3A_915 = arith.constant 32 : index
      %get3A_916 = tpu.vector_load %arg7[%get3A_914, %get3A_915] {strides = array<i32>} : memref<200x128xi32, #tpu.memory_space<vmem>>, vector<16xi32>,
      %and3A_917 = arith.constant 15 : i32
      %and3A_918 = vector.broadcast %and3A_917 : i32 to vector<16xi32>
      %and3A_919 = arith.andi %get3A_916, %and3A_918 : vector<16xi32>
      %gather3A_920 = arith.constant 0 : i32
      %gather3A_921 = arith.constant 0 : i32
      %gather3A_922 = arith.constant 0 : i32
      %gather3A_923 = tpu.memref_slice %arg10[%gather3A_920, %gather3A_921, %gather3A_922] : memref<8x128x16xf32, #tpu.memory_space<vmem>> -> memref<1x128x16xf32, #tpu.memory_space<vmem>>
      %gather3A_924 = tpu.memref_squeeze %gather3A_923 : memref<1x128x16xf32, #tpu.memory_space<vmem>> -> memref<128x16xf32, #tpu.memory_space<vmem>>
      %gather3A_925 = tpu.vector_load_idx %gather3A_924[%add3A_913, %and3A_919] : memref<128x16xf32, #tpu.memory_space<vmem>>[vector<16xi32>, vector<16xi32>], vector<16xf32>,
      %swap3A_926 = arith.constant 32 : index
      %swap3A_927 = tpu.vector_load %arg11[%swap3A_926] {strides = array<i32>} : memref<128xf32, #tpu.memory_space<vmem>>, vector<16xf32>,
      tpu.vector_store %arg11[%swap3A_926], %gather3A_925 {strides = array<i32>} : memref<128xf32, #tpu.memory_space<vmem>>, vector<16xf32>,
      %iota3A_928 = tpu.iota {dimensions = array<i32: 0>} : vector<16xi32>
      %add3A_929 = arith.constant 48 : i32
      %add3A_930 = vector.broadcast %add3A_929 : i32 to vector<16xi32>
      %add3A_931 = arith.addi %iota3A_928, %add3A_930 : vector<16xi32>
      %get3A_932 = arith.index_cast %add3A_851 : i32 to index
      %get3A_933 = arith.constant 48 : index
      %get3A_934 = tpu.vector_load %arg7[%get3A_932, %get3A_933] {strides = array<i32>} : memref<200x128xi32, #tpu.memory_space<vmem>>, vector<16xi32>,
      %and3A_935 = arith.constant 15 : i32
      %and3A_936 = vector.broadcast %and3A_935 : i32 to vector<16xi32>
      %and3A_937 = arith.andi %get3A_934, %and3A_936 : vector<16xi32>
      %gather3A_938 = arith.constant 0 : i32
      %gather3A_939 = arith.constant 0 : i32
      %gather3A_940 = arith.constant 0 : i32
      %gather3A_941 = tpu.memref_slice %arg10[%gather3A_938, %gather3A_939, %gather3A_940] : memref<8x128x16xf32, #tpu.memory_space<vmem>> -> memref<1x128x16xf32, #tpu.memory_space<vmem>>
      %gather3A_942 = tpu.memref_squeeze %gather3A_941 : memref<1x128x16xf32, #tpu.memory_space<vmem>> -> memref<128x16xf32, #tpu.memory_space<vmem>>
      %gather3A_943 = tpu.vector_load_idx %gather3A_942[%add3A_931, %and3A_937] : memref<128x16xf32, #tpu.memory_space<vmem>>[vector<16xi32>, vector<16xi32>], vector<16xf32>,
      %swap3A_944 = arith.constant 48 : index
      %swap3A_945 = tpu.vector_load %arg11[%swap3A_944] {strides = array<i32>} : memref<128xf32, #tpu.memory_space<vmem>>, vector<16xf32>,
      tpu.vector_store %arg11[%swap3A_944], %gather3A_943 {strides = array<i32>} : memref<128xf32, #tpu.memory_space<vmem>>, vector<16xf32>,
      %iota3A_946 = tpu.iota {dimensions = array<i32: 0>} : vector<16xi32>
      %add3A_947 = arith.constant 64 : i32
      %add3A_948 = vector.broadcast %add3A_947 : i32 to vector<16xi32>
      %add3A_949 = arith.addi %iota3A_946, %add3A_948 : vector<16xi32>
      %get3A_950 = arith.index_cast %add3A_851 : i32 to index
      %get3A_951 = arith.constant 64 : index
      %get3A_952 = tpu.vector_load %arg7[%get3A_950, %get3A_951] {strides = array<i32>} : memref<200x128xi32, #tpu.memory_space<vmem>>, vector<16xi32>,
      %and3A_953 = arith.constant 15 : i32
      %and3A_954 = vector.broadcast %and3A_953 : i32 to vector<16xi32>
      %and3A_955 = arith.andi %get3A_952, %and3A_954 : vector<16xi32>
      %gather3A_956 = arith.constant 0 : i32
      %gather3A_957 = arith.constant 0 : i32
      %gather3A_958 = arith.constant 0 : i32
      %gather3A_959 = tpu.memref_slice %arg10[%gather3A_956, %gather3A_957, %gather3A_958] : memref<8x128x16xf32, #tpu.memory_space<vmem>> -> memref<1x128x16xf32, #tpu.memory_space<vmem>>
      %gather3A_960 = tpu.memref_squeeze %gather3A_959 : memref<1x128x16xf32, #tpu.memory_space<vmem>> -> memref<128x16xf32, #tpu.memory_space<vmem>>
      %gather3A_961 = tpu.vector_load_idx %gather3A_960[%add3A_949, %and3A_955] : memref<128x16xf32, #tpu.memory_space<vmem>>[vector<16xi32>, vector<16xi32>], vector<16xf32>,
      %swap3A_962 = arith.constant 64 : index
      %swap3A_963 = tpu.vector_load %arg11[%swap3A_962] {strides = array<i32>} : memref<128xf32, #tpu.memory_space<vmem>>, vector<16xf32>,
      tpu.vector_store %arg11[%swap3A_962], %gather3A_961 {strides = array<i32>} : memref<128xf32, #tpu.memory_space<vmem>>, vector<16xf32>,
      %iota3A_964 = tpu.iota {dimensions = array<i32: 0>} : vector<16xi32>
      %add3A_965 = arith.constant 80 : i32
      %add3A_966 = vector.broadcast %add3A_965 : i32 to vector<16xi32>
      %add3A_967 = arith.addi %iota3A_964, %add3A_966 : vector<16xi32>
      %get3A_968 = arith.index_cast %add3A_851 : i32 to index
      %get3A_969 = arith.constant 80 : index
      %get3A_970 = tpu.vector_load %arg7[%get3A_968, %get3A_969] {strides = array<i32>} : memref<200x128xi32, #tpu.memory_space<vmem>>, vector<16xi32>,
      %and3A_971 = arith.constant 15 : i32
      %and3A_972 = vector.broadcast %and3A_971 : i32 to vector<16xi32>
      %and3A_973 = arith.andi %get3A_970, %and3A_972 : vector<16xi32>
      %gather3A_974 = arith.constant 0 : i32
      %gather3A_975 = arith.constant 0 : i32
      %gather3A_976 = arith.constant 0 : i32
      %gather3A_977 = tpu.memref_slice %arg10[%gather3A_974, %gather3A_975, %gather3A_976] : memref<8x128x16xf32, #tpu.memory_space<vmem>> -> memref<1x128x16xf32, #tpu.memory_space<vmem>>
      %gather3A_978 = tpu.memref_squeeze %gather3A_977 : memref<1x128x16xf32, #tpu.memory_space<vmem>> -> memref<128x16xf32, #tpu.memory_space<vmem>>
      %gather3A_979 = tpu.vector_load_idx %gather3A_978[%add3A_967, %and3A_973] : memref<128x16xf32, #tpu.memory_space<vmem>>[vector<16xi32>, vector<16xi32>], vector<16xf32>,
      %swap3A_980 = arith.constant 80 : index
      %swap3A_981 = tpu.vector_load %arg11[%swap3A_980] {strides = array<i32>} : memref<128xf32, #tpu.memory_space<vmem>>, vector<16xf32>,
      tpu.vector_store %arg11[%swap3A_980], %gather3A_979 {strides = array<i32>} : memref<128xf32, #tpu.memory_space<vmem>>, vector<16xf32>,
      %iota3A_982 = tpu.iota {dimensions = array<i32: 0>} : vector<16xi32>
      %add3A_983 = arith.constant 96 : i32
      %add3A_984 = vector.broadcast %add3A_983 : i32 to vector<16xi32>
      %add3A_985 = arith.addi %iota3A_982, %add3A_984 : vector<16xi32>
      %get3A_986 = arith.index_cast %add3A_851 : i32 to index
      %get3A_987 = arith.constant 96 : index
      %get3A_988 = tpu.vector_load %arg7[%get3A_986, %get3A_987] {strides = array<i32>} : memref<200x128xi32, #tpu.memory_space<vmem>>, vector<16xi32>,
      %and3A_989 = arith.constant 15 : i32
      %and3A_990 = vector.broadcast %and3A_989 : i32 to vector<16xi32>
      %and3A_991 = arith.andi %get3A_988, %and3A_990 : vector<16xi32>
      %gather3A_992 = arith.constant 0 : i32
      %gather3A_993 = arith.constant 0 : i32
      %gather3A_994 = arith.constant 0 : i32
      %gather3A_995 = tpu.memref_slice %arg10[%gather3A_992, %gather3A_993, %gather3A_994] : memref<8x128x16xf32, #tpu.memory_space<vmem>> -> memref<1x128x16xf32, #tpu.memory_space<vmem>>
      %gather3A_996 = tpu.memref_squeeze %gather3A_995 : memref<1x128x16xf32, #tpu.memory_space<vmem>> -> memref<128x16xf32, #tpu.memory_space<vmem>>
      %gather3A_997 = tpu.vector_load_idx %gather3A_996[%add3A_985, %and3A_991] : memref<128x16xf32, #tpu.memory_space<vmem>>[vector<16xi32>, vector<16xi32>], vector<16xf32>,
      %swap3A_998 = arith.constant 96 : index
      %swap3A_999 = tpu.vector_load %arg11[%swap3A_998] {strides = array<i32>} : memref<128xf32, #tpu.memory_space<vmem>>, vector<16xf32>,
      tpu.vector_store %arg11[%swap3A_998], %gather3A_997 {strides = array<i32>} : memref<128xf32, #tpu.memory_space<vmem>>, vector<16xf32>,
      %iota3A_1000 = tpu.iota {dimensions = array<i32: 0>} : vector<16xi32>
      %add3A_1001 = arith.constant 112 : i32
      %add3A_1002 = vector.broadcast %add3A_1001 : i32 to vector<16xi32>
      %add3A_1003 = arith.addi %iota3A_1000, %add3A_1002 : vector<16xi32>
      %get3A_1004 = arith.index_cast %add3A_851 : i32 to index
      %get3A_1005 = arith.constant 112 : index
      %get3A_1006 = tpu.vector_load %arg7[%get3A_1004, %get3A_1005] {strides = array<i32>} : memref<200x128xi32, #tpu.memory_space<vmem>>, vector<16xi32>,
      %and3A_1007 = arith.constant 15 : i32
      %and3A_1008 = vector.broadcast %and3A_1007 : i32 to vector<16xi32>
      %and3A_1009 = arith.andi %get3A_1006, %and3A_1008 : vector<16xi32>
      %gather3A_1010 = arith.constant 0 : i32
      %gather3A_1011 = arith.constant 0 : i32
      %gather3A_1012 = arith.constant 0 : i32
      %gather3A_1013 = tpu.memref_slice %arg10[%gather3A_1010, %gather3A_1011, %gather3A_1012] : memref<8x128x16xf32, #tpu.memory_space<vmem>> -> memref<1x128x16xf32, #tpu.memory_space<vmem>>
      %gather3A_1014 = tpu.memref_squeeze %gather3A_1013 : memref<1x128x16xf32, #tpu.memory_space<vmem>> -> memref<128x16xf32, #tpu.memory_space<vmem>>
      %gather3A_1015 = tpu.vector_load_idx %gather3A_1014[%add3A_1003, %and3A_1009] : memref<128x16xf32, #tpu.memory_space<vmem>>[vector<16xi32>, vector<16xi32>], vector<16xf32>,
      %swap3A_1016 = arith.constant 112 : index
      %swap3A_1017 = tpu.vector_load %arg11[%swap3A_1016] {strides = array<i32>} : memref<128xf32, #tpu.memory_space<vmem>>, vector<16xf32>,
      tpu.vector_store %arg11[%swap3A_1016], %gather3A_1015 {strides = array<i32>} : memref<128xf32, #tpu.memory_space<vmem>>, vector<16xf32>,
      "tpu.region"() ({
        %run_scoped3A_2229 = tpu.sem_alloc : memref<!tpu.dma_semaphore, #tpu.memory_space<semaphore_mem>>
        %dma_start3A_2230 = tpu.memref_slice %arg6[%add3A_854] : memref<819200xf32, #tpu.memory_space<hbm>> -> memref<128xf32, #tpu.memory_space<hbm>>
        %dma_start3A_2231 = tpu.memref_slice %arg6[%add3A_854] : memref<819200xf32, #tpu.memory_space<hbm>> -> memref<128xf32, #tpu.memory_space<hbm>>
        tpu.enqueue_dma source(%arg11 : memref<128xf32, #tpu.memory_space<vmem>>) target(%dma_start3A_2231 : memref<128xf32, #tpu.memory_space<hbm>>) target_semaphore(%run_scoped3A_2229 : memref<!tpu.dma_semaphore, #tpu.memory_space<semaphore_mem>>)
        %dma_wait3A_2232 = tpu.memref_slice %arg6[%add3A_854] : memref<819200xf32, #tpu.memory_space<hbm>> -> memref<128xf32, #tpu.memory_space<hbm>>
        %dma_wait3A_2233 = tpu.memref_slice %arg6[%add3A_854] : memref<819200xf32, #tpu.memory_space<hbm>> -> memref<128xf32, #tpu.memory_space<hbm>>
        tpu.wait_dma2 semaphore(%run_scoped3A_2229 : memref<!tpu.dma_semaphore, #tpu.memory_space<semaphore_mem>>) src(%arg11 : memref<128xf32, #tpu.memory_space<vmem>>) dst(%dma_wait3A_2233 : memref<128xf32, #tpu.memory_space<hbm>>)
        tpu.yield
      }) : () -> ()
      %add3A_1018 = arith.constant 1 : i32
      %add3A_1019 = arith.addi %mul3A_13, %add3A_1018 : i32
      %mul3A_1020 = arith.constant 128 : i32
      %mul3A_1021 = arith.muli %add3A_1019, %mul3A_1020 : i32
      %add3A_1022 = arith.addi %mul3A_2, %mul3A_1021 : i32
      %dma_wait3A_1023 = arith.constant 1 : i32
      %dma_wait3A_1024 = arith.constant 0 : i32
      %dma_wait3A_1025 = arith.constant 0 : i32
      %dma_wait3A_1026 = tpu.memref_slice %arg8[%dma_wait3A_1023, %dma_wait3A_1024, %dma_wait3A_1025] : memref<8x128x64xf32, #tpu.memory_space<vmem>> -> memref<1x128x64xf32, #tpu.memory_space<vmem>>
      %dma_wait3A_1027 = tpu.memref_squeeze %dma_wait3A_1026 : memref<1x128x64xf32, #tpu.memory_space<vmem>> -> memref<128x64xf32, #tpu.memory_space<vmem>>
      %dma_wait3A_1028 = arith.constant 0 : i32
      %dma_wait3A_1029 = tpu.memref_slice %arg7[%add3A_116, %dma_wait3A_1028] : memref<200x128xi32, #tpu.memory_space<vmem>> -> memref<1x128xi32, #tpu.memory_space<vmem>>
      %dma_wait3A_1030 = tpu.memref_squeeze %dma_wait3A_1029 : memref<1x128xi32, #tpu.memory_space<vmem>> -> memref<128xi32, #tpu.memory_space<vmem>>
      %dma_wait3A_1031 = arith.constant 0 : i32
      %dma_wait3A_1032 = arith.constant 0 : i32
      %dma_wait3A_1033 = tpu.memref_slice %arg3[%dma_wait3A_1031, %dma_wait3A_1032] : memref<1000000x64xf32, #tpu.memory_space<hbm>> -> memref<1000000x64xf32, #tpu.memory_space<hbm>>
      tpu.wait_indirect_dma semaphore(%arg13 : memref<!tpu.dma_semaphore, #tpu.memory_space<semaphore_mem>>) src(%dma_wait3A_1033 : memref<1000000x64xf32, #tpu.memory_space<hbm>>) dst(%dma_wait3A_1027 : memref<128x64xf32, #tpu.memory_space<vmem>>)
      %run_scoped3A_1034 = arith.constant 1 : i32
      "tpu.region"() ({
        %run_scoped3A_2229 = tpu.sem_alloc : memref<!tpu.dma_semaphore, #tpu.memory_space<semaphore_mem>>
        %dma_start3A_2230 = arith.constant 0 : i32
        %dma_start3A_2231 = arith.constant 0 : i32
        %dma_start3A_2232 = tpu.memref_slice %arg8[%run_scoped3A_1034, %dma_start3A_2230, %dma_start3A_2231] : memref<8x128x64xf32, #tpu.memory_space<vmem>> -> memref<1x128x64xf32, #tpu.memory_space<vmem>>
        %dma_start3A_2233 = tpu.memref_squeeze %dma_start3A_2232 : memref<1x128x64xf32, #tpu.memory_space<vmem>> -> memref<128x64xf32, #tpu.memory_space<vmem>>
        %dma_start3A_2234 = arith.constant 0 : i32
        %dma_start3A_2235 = tpu.memref_slice %arg5[%add3A_1022, %dma_start3A_2234] : memref<819200x64xf32, #tpu.memory_space<hbm>> -> memref<128x64xf32, #tpu.memory_space<hbm>>
        %dma_start3A_2236 = arith.constant 0 : i32
        %dma_start3A_2237 = tpu.memref_slice %arg5[%add3A_1022, %dma_start3A_2236] : memref<819200x64xf32, #tpu.memory_space<hbm>> -> memref<128x64xf32, #tpu.memory_space<hbm>>
        %dma_start3A_2238 = arith.constant 0 : i32
        %dma_start3A_2239 = arith.constant 0 : i32
        %dma_start3A_2240 = tpu.memref_slice %arg8[%run_scoped3A_1034, %dma_start3A_2238, %dma_start3A_2239] : memref<8x128x64xf32, #tpu.memory_space<vmem>> -> memref<1x128x64xf32, #tpu.memory_space<vmem>>
        %dma_start3A_2241 = tpu.memref_squeeze %dma_start3A_2240 : memref<1x128x64xf32, #tpu.memory_space<vmem>> -> memref<128x64xf32, #tpu.memory_space<vmem>>
        tpu.enqueue_dma source(%dma_start3A_2241 : memref<128x64xf32, #tpu.memory_space<vmem>>) target(%dma_start3A_2237 : memref<128x64xf32, #tpu.memory_space<hbm>>) target_semaphore(%run_scoped3A_2229 : memref<!tpu.dma_semaphore, #tpu.memory_space<semaphore_mem>>)
        %dma_wait3A_2242 = arith.constant 0 : i32
        %dma_wait3A_2243 = arith.constant 0 : i32
        %dma_wait3A_2244 = tpu.memref_slice %arg8[%run_scoped3A_1034, %dma_wait3A_2242, %dma_wait3A_2243] : memref<8x128x64xf32, #tpu.memory_space<vmem>> -> memref<1x128x64xf32, #tpu.memory_space<vmem>>
        %dma_wait3A_2245 = tpu.memref_squeeze %dma_wait3A_2244 : memref<1x128x64xf32, #tpu.memory_space<vmem>> -> memref<128x64xf32, #tpu.memory_space<vmem>>
        %dma_wait3A_2246 = arith.constant 0 : i32
        %dma_wait3A_2247 = tpu.memref_slice %arg5[%add3A_1022, %dma_wait3A_2246] : memref<819200x64xf32, #tpu.memory_space<hbm>> -> memref<128x64xf32, #tpu.memory_space<hbm>>
        %dma_wait3A_2248 = arith.constant 0 : i32
        %dma_wait3A_2249 = tpu.memref_slice %arg5[%add3A_1022, %dma_wait3A_2248] : memref<819200x64xf32, #tpu.memory_space<hbm>> -> memref<128x64xf32, #tpu.memory_space<hbm>>
        %dma_wait3A_2250 = arith.constant 0 : i32
        %dma_wait3A_2251 = arith.constant 0 : i32
        %dma_wait3A_2252 = tpu.memref_slice %arg8[%run_scoped3A_1034, %dma_wait3A_2250, %dma_wait3A_2251] : memref<8x128x64xf32, #tpu.memory_space<vmem>> -> memref<1x128x64xf32, #tpu.memory_space<vmem>>
        %dma_wait3A_2253 = tpu.memref_squeeze %dma_wait3A_2252 : memref<1x128x64xf32, #tpu.memory_space<vmem>> -> memref<128x64xf32, #tpu.memory_space<vmem>>
        tpu.wait_dma2 semaphore(%run_scoped3A_2229 : memref<!tpu.dma_semaphore, #tpu.memory_space<semaphore_mem>>) src(%dma_wait3A_2253 : memref<128x64xf32, #tpu.memory_space<vmem>>) dst(%dma_wait3A_2249 : memref<128x64xf32, #tpu.memory_space<hbm>>)
        tpu.yield
      }) : () -> ()
      %dma_wait3A_1035 = arith.constant 1 : i32
      %dma_wait3A_1036 = arith.constant 1 : i32
      %dma_wait3A_1037 = arith.constant 0 : i32
      %dma_wait3A_1038 = arith.constant 0 : i32
      %dma_wait3A_1039 = tpu.memref_slice %arg10[%dma_wait3A_1036, %dma_wait3A_1037, %dma_wait3A_1038] : memref<8x128x16xf32, #tpu.memory_space<vmem>> -> memref<1x128x16xf32, #tpu.memory_space<vmem>>
      %dma_wait3A_1040 = tpu.memref_squeeze %dma_wait3A_1039 : memref<1x128x16xf32, #tpu.memory_space<vmem>> -> memref<128x16xf32, #tpu.memory_space<vmem>>
      %dma_wait3A_1041 = arith.constant 0 : i32
      %dma_wait3A_1042 = tpu.memref_slice %arg9[%dma_wait3A_1035, %dma_wait3A_1041] : memref<8x128xi32, #tpu.memory_space<vmem>> -> memref<1x128xi32, #tpu.memory_space<vmem>>
      %dma_wait3A_1043 = tpu.memref_squeeze %dma_wait3A_1042 : memref<1x128xi32, #tpu.memory_space<vmem>> -> memref<128xi32, #tpu.memory_space<vmem>>
      %dma_wait3A_1044 = arith.constant 0 : i32
      %dma_wait3A_1045 = arith.constant 0 : i32
      %dma_wait3A_1046 = tpu.memref_slice %arg4[%dma_wait3A_1044, %dma_wait3A_1045] : memref<62500x16xf32, #tpu.memory_space<hbm>> -> memref<62500x16xf32, #tpu.memory_space<hbm>>
      tpu.wait_indirect_dma semaphore(%arg21 : memref<!tpu.dma_semaphore, #tpu.memory_space<semaphore_mem>>) src(%dma_wait3A_1046 : memref<62500x16xf32, #tpu.memory_space<hbm>>) dst(%dma_wait3A_1040 : memref<128x16xf32, #tpu.memory_space<vmem>>)
      %iota3A_1047 = tpu.iota {dimensions = array<i32: 0>} : vector<16xi32>
      %add3A_1048 = arith.constant 0 : i32
      %add3A_1049 = vector.broadcast %add3A_1048 : i32 to vector<16xi32>
      %add3A_1050 = arith.addi %iota3A_1047, %add3A_1049 : vector<16xi32>
      %get3A_1051 = arith.index_cast %add3A_1019 : i32 to index
      %get3A_1052 = arith.constant 0 : index
      %get3A_1053 = tpu.vector_load %arg7[%get3A_1051, %get3A_1052] {strides = array<i32>} : memref<200x128xi32, #tpu.memory_space<vmem>>, vector<16xi32>,
      %and3A_1054 = arith.constant 15 : i32
      %and3A_1055 = vector.broadcast %and3A_1054 : i32 to vector<16xi32>
      %and3A_1056 = arith.andi %get3A_1053, %and3A_1055 : vector<16xi32>
      %gather3A_1057 = arith.constant 1 : i32
      %gather3A_1058 = arith.constant 0 : i32
      %gather3A_1059 = arith.constant 0 : i32
      %gather3A_1060 = tpu.memref_slice %arg10[%gather3A_1057, %gather3A_1058, %gather3A_1059] : memref<8x128x16xf32, #tpu.memory_space<vmem>> -> memref<1x128x16xf32, #tpu.memory_space<vmem>>
      %gather3A_1061 = tpu.memref_squeeze %gather3A_1060 : memref<1x128x16xf32, #tpu.memory_space<vmem>> -> memref<128x16xf32, #tpu.memory_space<vmem>>
      %gather3A_1062 = tpu.vector_load_idx %gather3A_1061[%add3A_1050, %and3A_1056] : memref<128x16xf32, #tpu.memory_space<vmem>>[vector<16xi32>, vector<16xi32>], vector<16xf32>,
      %swap3A_1063 = arith.constant 0 : index
      %swap3A_1064 = tpu.vector_load %arg11[%swap3A_1063] {strides = array<i32>} : memref<128xf32, #tpu.memory_space<vmem>>, vector<16xf32>,
      tpu.vector_store %arg11[%swap3A_1063], %gather3A_1062 {strides = array<i32>} : memref<128xf32, #tpu.memory_space<vmem>>, vector<16xf32>,
      %iota3A_1065 = tpu.iota {dimensions = array<i32: 0>} : vector<16xi32>
      %add3A_1066 = arith.constant 16 : i32
      %add3A_1067 = vector.broadcast %add3A_1066 : i32 to vector<16xi32>
      %add3A_1068 = arith.addi %iota3A_1065, %add3A_1067 : vector<16xi32>
      %get3A_1069 = arith.index_cast %add3A_1019 : i32 to index
      %get3A_1070 = arith.constant 16 : index
      %get3A_1071 = tpu.vector_load %arg7[%get3A_1069, %get3A_1070] {strides = array<i32>} : memref<200x128xi32, #tpu.memory_space<vmem>>, vector<16xi32>,
      %and3A_1072 = arith.constant 15 : i32
      %and3A_1073 = vector.broadcast %and3A_1072 : i32 to vector<16xi32>
      %and3A_1074 = arith.andi %get3A_1071, %and3A_1073 : vector<16xi32>
      %gather3A_1075 = arith.constant 1 : i32
      %gather3A_1076 = arith.constant 0 : i32
      %gather3A_1077 = arith.constant 0 : i32
      %gather3A_1078 = tpu.memref_slice %arg10[%gather3A_1075, %gather3A_1076, %gather3A_1077] : memref<8x128x16xf32, #tpu.memory_space<vmem>> -> memref<1x128x16xf32, #tpu.memory_space<vmem>>
      %gather3A_1079 = tpu.memref_squeeze %gather3A_1078 : memref<1x128x16xf32, #tpu.memory_space<vmem>> -> memref<128x16xf32, #tpu.memory_space<vmem>>
      %gather3A_1080 = tpu.vector_load_idx %gather3A_1079[%add3A_1068, %and3A_1074] : memref<128x16xf32, #tpu.memory_space<vmem>>[vector<16xi32>, vector<16xi32>], vector<16xf32>,
      %swap3A_1081 = arith.constant 16 : index
      %swap3A_1082 = tpu.vector_load %arg11[%swap3A_1081] {strides = array<i32>} : memref<128xf32, #tpu.memory_space<vmem>>, vector<16xf32>,
      tpu.vector_store %arg11[%swap3A_1081], %gather3A_1080 {strides = array<i32>} : memref<128xf32, #tpu.memory_space<vmem>>, vector<16xf32>,
      %iota3A_1083 = tpu.iota {dimensions = array<i32: 0>} : vector<16xi32>
      %add3A_1084 = arith.constant 32 : i32
      %add3A_1085 = vector.broadcast %add3A_1084 : i32 to vector<16xi32>
      %add3A_1086 = arith.addi %iota3A_1083, %add3A_1085 : vector<16xi32>
      %get3A_1087 = arith.index_cast %add3A_1019 : i32 to index
      %get3A_1088 = arith.constant 32 : index
      %get3A_1089 = tpu.vector_load %arg7[%get3A_1087, %get3A_1088] {strides = array<i32>} : memref<200x128xi32, #tpu.memory_space<vmem>>, vector<16xi32>,
      %and3A_1090 = arith.constant 15 : i32
      %and3A_1091 = vector.broadcast %and3A_1090 : i32 to vector<16xi32>
      %and3A_1092 = arith.andi %get3A_1089, %and3A_1091 : vector<16xi32>
      %gather3A_1093 = arith.constant 1 : i32
      %gather3A_1094 = arith.constant 0 : i32
      %gather3A_1095 = arith.constant 0 : i32
      %gather3A_1096 = tpu.memref_slice %arg10[%gather3A_1093, %gather3A_1094, %gather3A_1095] : memref<8x128x16xf32, #tpu.memory_space<vmem>> -> memref<1x128x16xf32, #tpu.memory_space<vmem>>
      %gather3A_1097 = tpu.memref_squeeze %gather3A_1096 : memref<1x128x16xf32, #tpu.memory_space<vmem>> -> memref<128x16xf32, #tpu.memory_space<vmem>>
      %gather3A_1098 = tpu.vector_load_idx %gather3A_1097[%add3A_1086, %and3A_1092] : memref<128x16xf32, #tpu.memory_space<vmem>>[vector<16xi32>, vector<16xi32>], vector<16xf32>,
      %swap3A_1099 = arith.constant 32 : index
      %swap3A_1100 = tpu.vector_load %arg11[%swap3A_1099] {strides = array<i32>} : memref<128xf32, #tpu.memory_space<vmem>>, vector<16xf32>,
      tpu.vector_store %arg11[%swap3A_1099], %gather3A_1098 {strides = array<i32>} : memref<128xf32, #tpu.memory_space<vmem>>, vector<16xf32>,
      %iota3A_1101 = tpu.iota {dimensions = array<i32: 0>} : vector<16xi32>
      %add3A_1102 = arith.constant 48 : i32
      %add3A_1103 = vector.broadcast %add3A_1102 : i32 to vector<16xi32>
      %add3A_1104 = arith.addi %iota3A_1101, %add3A_1103 : vector<16xi32>
      %get3A_1105 = arith.index_cast %add3A_1019 : i32 to index
      %get3A_1106 = arith.constant 48 : index
      %get3A_1107 = tpu.vector_load %arg7[%get3A_1105, %get3A_1106] {strides = array<i32>} : memref<200x128xi32, #tpu.memory_space<vmem>>, vector<16xi32>,
      %and3A_1108 = arith.constant 15 : i32
      %and3A_1109 = vector.broadcast %and3A_1108 : i32 to vector<16xi32>
      %and3A_1110 = arith.andi %get3A_1107, %and3A_1109 : vector<16xi32>
      %gather3A_1111 = arith.constant 1 : i32
      %gather3A_1112 = arith.constant 0 : i32
      %gather3A_1113 = arith.constant 0 : i32
      %gather3A_1114 = tpu.memref_slice %arg10[%gather3A_1111, %gather3A_1112, %gather3A_1113] : memref<8x128x16xf32, #tpu.memory_space<vmem>> -> memref<1x128x16xf32, #tpu.memory_space<vmem>>
      %gather3A_1115 = tpu.memref_squeeze %gather3A_1114 : memref<1x128x16xf32, #tpu.memory_space<vmem>> -> memref<128x16xf32, #tpu.memory_space<vmem>>
      %gather3A_1116 = tpu.vector_load_idx %gather3A_1115[%add3A_1104, %and3A_1110] : memref<128x16xf32, #tpu.memory_space<vmem>>[vector<16xi32>, vector<16xi32>], vector<16xf32>,
      %swap3A_1117 = arith.constant 48 : index
      %swap3A_1118 = tpu.vector_load %arg11[%swap3A_1117] {strides = array<i32>} : memref<128xf32, #tpu.memory_space<vmem>>, vector<16xf32>,
      tpu.vector_store %arg11[%swap3A_1117], %gather3A_1116 {strides = array<i32>} : memref<128xf32, #tpu.memory_space<vmem>>, vector<16xf32>,
      %iota3A_1119 = tpu.iota {dimensions = array<i32: 0>} : vector<16xi32>
      %add3A_1120 = arith.constant 64 : i32
      %add3A_1121 = vector.broadcast %add3A_1120 : i32 to vector<16xi32>
      %add3A_1122 = arith.addi %iota3A_1119, %add3A_1121 : vector<16xi32>
      %get3A_1123 = arith.index_cast %add3A_1019 : i32 to index
      %get3A_1124 = arith.constant 64 : index
      %get3A_1125 = tpu.vector_load %arg7[%get3A_1123, %get3A_1124] {strides = array<i32>} : memref<200x128xi32, #tpu.memory_space<vmem>>, vector<16xi32>,
      %and3A_1126 = arith.constant 15 : i32
      %and3A_1127 = vector.broadcast %and3A_1126 : i32 to vector<16xi32>
      %and3A_1128 = arith.andi %get3A_1125, %and3A_1127 : vector<16xi32>
      %gather3A_1129 = arith.constant 1 : i32
      %gather3A_1130 = arith.constant 0 : i32
      %gather3A_1131 = arith.constant 0 : i32
      %gather3A_1132 = tpu.memref_slice %arg10[%gather3A_1129, %gather3A_1130, %gather3A_1131] : memref<8x128x16xf32, #tpu.memory_space<vmem>> -> memref<1x128x16xf32, #tpu.memory_space<vmem>>
      %gather3A_1133 = tpu.memref_squeeze %gather3A_1132 : memref<1x128x16xf32, #tpu.memory_space<vmem>> -> memref<128x16xf32, #tpu.memory_space<vmem>>
      %gather3A_1134 = tpu.vector_load_idx %gather3A_1133[%add3A_1122, %and3A_1128] : memref<128x16xf32, #tpu.memory_space<vmem>>[vector<16xi32>, vector<16xi32>], vector<16xf32>,
      %swap3A_1135 = arith.constant 64 : index
      %swap3A_1136 = tpu.vector_load %arg11[%swap3A_1135] {strides = array<i32>} : memref<128xf32, #tpu.memory_space<vmem>>, vector<16xf32>,
      tpu.vector_store %arg11[%swap3A_1135], %gather3A_1134 {strides = array<i32>} : memref<128xf32, #tpu.memory_space<vmem>>, vector<16xf32>,
      %iota3A_1137 = tpu.iota {dimensions = array<i32: 0>} : vector<16xi32>
      %add3A_1138 = arith.constant 80 : i32
      %add3A_1139 = vector.broadcast %add3A_1138 : i32 to vector<16xi32>
      %add3A_1140 = arith.addi %iota3A_1137, %add3A_1139 : vector<16xi32>
      %get3A_1141 = arith.index_cast %add3A_1019 : i32 to index
      %get3A_1142 = arith.constant 80 : index
      %get3A_1143 = tpu.vector_load %arg7[%get3A_1141, %get3A_1142] {strides = array<i32>} : memref<200x128xi32, #tpu.memory_space<vmem>>, vector<16xi32>,
      %and3A_1144 = arith.constant 15 : i32
      %and3A_1145 = vector.broadcast %and3A_1144 : i32 to vector<16xi32>
      %and3A_1146 = arith.andi %get3A_1143, %and3A_1145 : vector<16xi32>
      %gather3A_1147 = arith.constant 1 : i32
      %gather3A_1148 = arith.constant 0 : i32
      %gather3A_1149 = arith.constant 0 : i32
      %gather3A_1150 = tpu.memref_slice %arg10[%gather3A_1147, %gather3A_1148, %gather3A_1149] : memref<8x128x16xf32, #tpu.memory_space<vmem>> -> memref<1x128x16xf32, #tpu.memory_space<vmem>>
      %gather3A_1151 = tpu.memref_squeeze %gather3A_1150 : memref<1x128x16xf32, #tpu.memory_space<vmem>> -> memref<128x16xf32, #tpu.memory_space<vmem>>
      %gather3A_1152 = tpu.vector_load_idx %gather3A_1151[%add3A_1140, %and3A_1146] : memref<128x16xf32, #tpu.memory_space<vmem>>[vector<16xi32>, vector<16xi32>], vector<16xf32>,
      %swap3A_1153 = arith.constant 80 : index
      %swap3A_1154 = tpu.vector_load %arg11[%swap3A_1153] {strides = array<i32>} : memref<128xf32, #tpu.memory_space<vmem>>, vector<16xf32>,
      tpu.vector_store %arg11[%swap3A_1153], %gather3A_1152 {strides = array<i32>} : memref<128xf32, #tpu.memory_space<vmem>>, vector<16xf32>,
      %iota3A_1155 = tpu.iota {dimensions = array<i32: 0>} : vector<16xi32>
      %add3A_1156 = arith.constant 96 : i32
      %add3A_1157 = vector.broadcast %add3A_1156 : i32 to vector<16xi32>
      %add3A_1158 = arith.addi %iota3A_1155, %add3A_1157 : vector<16xi32>
      %get3A_1159 = arith.index_cast %add3A_1019 : i32 to index
      %get3A_1160 = arith.constant 96 : index
      %get3A_1161 = tpu.vector_load %arg7[%get3A_1159, %get3A_1160] {strides = array<i32>} : memref<200x128xi32, #tpu.memory_space<vmem>>, vector<16xi32>,
      %and3A_1162 = arith.constant 15 : i32
      %and3A_1163 = vector.broadcast %and3A_1162 : i32 to vector<16xi32>
      %and3A_1164 = arith.andi %get3A_1161, %and3A_1163 : vector<16xi32>
      %gather3A_1165 = arith.constant 1 : i32
      %gather3A_1166 = arith.constant 0 : i32
      %gather3A_1167 = arith.constant 0 : i32
      %gather3A_1168 = tpu.memref_slice %arg10[%gather3A_1165, %gather3A_1166, %gather3A_1167] : memref<8x128x16xf32, #tpu.memory_space<vmem>> -> memref<1x128x16xf32, #tpu.memory_space<vmem>>
      %gather3A_1169 = tpu.memref_squeeze %gather3A_1168 : memref<1x128x16xf32, #tpu.memory_space<vmem>> -> memref<128x16xf32, #tpu.memory_space<vmem>>
      %gather3A_1170 = tpu.vector_load_idx %gather3A_1169[%add3A_1158, %and3A_1164] : memref<128x16xf32, #tpu.memory_space<vmem>>[vector<16xi32>, vector<16xi32>], vector<16xf32>,
      %swap3A_1171 = arith.constant 96 : index
      %swap3A_1172 = tpu.vector_load %arg11[%swap3A_1171] {strides = array<i32>} : memref<128xf32, #tpu.memory_space<vmem>>, vector<16xf32>,
      tpu.vector_store %arg11[%swap3A_1171], %gather3A_1170 {strides = array<i32>} : memref<128xf32, #tpu.memory_space<vmem>>, vector<16xf32>,
      %iota3A_1173 = tpu.iota {dimensions = array<i32: 0>} : vector<16xi32>
      %add3A_1174 = arith.constant 112 : i32
      %add3A_1175 = vector.broadcast %add3A_1174 : i32 to vector<16xi32>
      %add3A_1176 = arith.addi %iota3A_1173, %add3A_1175 : vector<16xi32>
      %get3A_1177 = arith.index_cast %add3A_1019 : i32 to index
      %get3A_1178 = arith.constant 112 : index
      %get3A_1179 = tpu.vector_load %arg7[%get3A_1177, %get3A_1178] {strides = array<i32>} : memref<200x128xi32, #tpu.memory_space<vmem>>, vector<16xi32>,
      %and3A_1180 = arith.constant 15 : i32
      %and3A_1181 = vector.broadcast %and3A_1180 : i32 to vector<16xi32>
      %and3A_1182 = arith.andi %get3A_1179, %and3A_1181 : vector<16xi32>
      %gather3A_1183 = arith.constant 1 : i32
      %gather3A_1184 = arith.constant 0 : i32
      %gather3A_1185 = arith.constant 0 : i32
      %gather3A_1186 = tpu.memref_slice %arg10[%gather3A_1183, %gather3A_1184, %gather3A_1185] : memref<8x128x16xf32, #tpu.memory_space<vmem>> -> memref<1x128x16xf32, #tpu.memory_space<vmem>>
      %gather3A_1187 = tpu.memref_squeeze %gather3A_1186 : memref<1x128x16xf32, #tpu.memory_space<vmem>> -> memref<128x16xf32, #tpu.memory_space<vmem>>
      %gather3A_1188 = tpu.vector_load_idx %gather3A_1187[%add3A_1176, %and3A_1182] : memref<128x16xf32, #tpu.memory_space<vmem>>[vector<16xi32>, vector<16xi32>], vector<16xf32>,
      %swap3A_1189 = arith.constant 112 : index
      %swap3A_1190 = tpu.vector_load %arg11[%swap3A_1189] {strides = array<i32>} : memref<128xf32, #tpu.memory_space<vmem>>, vector<16xf32>,
      tpu.vector_store %arg11[%swap3A_1189], %gather3A_1188 {strides = array<i32>} : memref<128xf32, #tpu.memory_space<vmem>>, vector<16xf32>,
      "tpu.region"() ({
        %run_scoped3A_2229 = tpu.sem_alloc : memref<!tpu.dma_semaphore, #tpu.memory_space<semaphore_mem>>
        %dma_start3A_2230 = tpu.memref_slice %arg6[%add3A_1022] : memref<819200xf32, #tpu.memory_space<hbm>> -> memref<128xf32, #tpu.memory_space<hbm>>
        %dma_start3A_2231 = tpu.memref_slice %arg6[%add3A_1022] : memref<819200xf32, #tpu.memory_space<hbm>> -> memref<128xf32, #tpu.memory_space<hbm>>
        tpu.enqueue_dma source(%arg11 : memref<128xf32, #tpu.memory_space<vmem>>) target(%dma_start3A_2231 : memref<128xf32, #tpu.memory_space<hbm>>) target_semaphore(%run_scoped3A_2229 : memref<!tpu.dma_semaphore, #tpu.memory_space<semaphore_mem>>)
        %dma_wait3A_2232 = tpu.memref_slice %arg6[%add3A_1022] : memref<819200xf32, #tpu.memory_space<hbm>> -> memref<128xf32, #tpu.memory_space<hbm>>
        %dma_wait3A_2233 = tpu.memref_slice %arg6[%add3A_1022] : memref<819200xf32, #tpu.memory_space<hbm>> -> memref<128xf32, #tpu.memory_space<hbm>>
        tpu.wait_dma2 semaphore(%run_scoped3A_2229 : memref<!tpu.dma_semaphore, #tpu.memory_space<semaphore_mem>>) src(%arg11 : memref<128xf32, #tpu.memory_space<vmem>>) dst(%dma_wait3A_2233 : memref<128xf32, #tpu.memory_space<hbm>>)
        tpu.yield
      }) : () -> ()
      %add3A_1191 = arith.constant 2 : i32
      %add3A_1192 = arith.addi %mul3A_13, %add3A_1191 : i32
      %mul3A_1193 = arith.constant 128 : i32
      %mul3A_1194 = arith.muli %add3A_1192, %mul3A_1193 : i32
      %add3A_1195 = arith.addi %mul3A_2, %mul3A_1194 : i32
      %dma_wait3A_1196 = arith.constant 2 : i32
      %dma_wait3A_1197 = arith.constant 0 : i32
      %dma_wait3A_1198 = arith.constant 0 : i32
      %dma_wait3A_1199 = tpu.memref_slice %arg8[%dma_wait3A_1196, %dma_wait3A_1197, %dma_wait3A_1198] : memref<8x128x64xf32, #tpu.memory_space<vmem>> -> memref<1x128x64xf32, #tpu.memory_space<vmem>>
      %dma_wait3A_1200 = tpu.memref_squeeze %dma_wait3A_1199 : memref<1x128x64xf32, #tpu.memory_space<vmem>> -> memref<128x64xf32, #tpu.memory_space<vmem>>
      %dma_wait3A_1201 = arith.constant 0 : i32
      %dma_wait3A_1202 = tpu.memref_slice %arg7[%add3A_221, %dma_wait3A_1201] : memref<200x128xi32, #tpu.memory_space<vmem>> -> memref<1x128xi32, #tpu.memory_space<vmem>>
      %dma_wait3A_1203 = tpu.memref_squeeze %dma_wait3A_1202 : memref<1x128xi32, #tpu.memory_space<vmem>> -> memref<128xi32, #tpu.memory_space<vmem>>
      %dma_wait3A_1204 = arith.constant 0 : i32
      %dma_wait3A_1205 = arith.constant 0 : i32
      %dma_wait3A_1206 = tpu.memref_slice %arg3[%dma_wait3A_1204, %dma_wait3A_1205] : memref<1000000x64xf32, #tpu.memory_space<hbm>> -> memref<1000000x64xf32, #tpu.memory_space<hbm>>
      tpu.wait_indirect_dma semaphore(%arg14 : memref<!tpu.dma_semaphore, #tpu.memory_space<semaphore_mem>>) src(%dma_wait3A_1206 : memref<1000000x64xf32, #tpu.memory_space<hbm>>) dst(%dma_wait3A_1200 : memref<128x64xf32, #tpu.memory_space<vmem>>)
      %run_scoped3A_1207 = arith.constant 2 : i32
      "tpu.region"() ({
        %run_scoped3A_2229 = tpu.sem_alloc : memref<!tpu.dma_semaphore, #tpu.memory_space<semaphore_mem>>
        %dma_start3A_2230 = arith.constant 0 : i32
        %dma_start3A_2231 = arith.constant 0 : i32
        %dma_start3A_2232 = tpu.memref_slice %arg8[%run_scoped3A_1207, %dma_start3A_2230, %dma_start3A_2231] : memref<8x128x64xf32, #tpu.memory_space<vmem>> -> memref<1x128x64xf32, #tpu.memory_space<vmem>>
        %dma_start3A_2233 = tpu.memref_squeeze %dma_start3A_2232 : memref<1x128x64xf32, #tpu.memory_space<vmem>> -> memref<128x64xf32, #tpu.memory_space<vmem>>
        %dma_start3A_2234 = arith.constant 0 : i32
        %dma_start3A_2235 = tpu.memref_slice %arg5[%add3A_1195, %dma_start3A_2234] : memref<819200x64xf32, #tpu.memory_space<hbm>> -> memref<128x64xf32, #tpu.memory_space<hbm>>
        %dma_start3A_2236 = arith.constant 0 : i32
        %dma_start3A_2237 = tpu.memref_slice %arg5[%add3A_1195, %dma_start3A_2236] : memref<819200x64xf32, #tpu.memory_space<hbm>> -> memref<128x64xf32, #tpu.memory_space<hbm>>
        %dma_start3A_2238 = arith.constant 0 : i32
        %dma_start3A_2239 = arith.constant 0 : i32
        %dma_start3A_2240 = tpu.memref_slice %arg8[%run_scoped3A_1207, %dma_start3A_2238, %dma_start3A_2239] : memref<8x128x64xf32, #tpu.memory_space<vmem>> -> memref<1x128x64xf32, #tpu.memory_space<vmem>>
        %dma_start3A_2241 = tpu.memref_squeeze %dma_start3A_2240 : memref<1x128x64xf32, #tpu.memory_space<vmem>> -> memref<128x64xf32, #tpu.memory_space<vmem>>
        tpu.enqueue_dma source(%dma_start3A_2241 : memref<128x64xf32, #tpu.memory_space<vmem>>) target(%dma_start3A_2237 : memref<128x64xf32, #tpu.memory_space<hbm>>) target_semaphore(%run_scoped3A_2229 : memref<!tpu.dma_semaphore, #tpu.memory_space<semaphore_mem>>)
        %dma_wait3A_2242 = arith.constant 0 : i32
        %dma_wait3A_2243 = arith.constant 0 : i32
        %dma_wait3A_2244 = tpu.memref_slice %arg8[%run_scoped3A_1207, %dma_wait3A_2242, %dma_wait3A_2243] : memref<8x128x64xf32, #tpu.memory_space<vmem>> -> memref<1x128x64xf32, #tpu.memory_space<vmem>>
        %dma_wait3A_2245 = tpu.memref_squeeze %dma_wait3A_2244 : memref<1x128x64xf32, #tpu.memory_space<vmem>> -> memref<128x64xf32, #tpu.memory_space<vmem>>
        %dma_wait3A_2246 = arith.constant 0 : i32
        %dma_wait3A_2247 = tpu.memref_slice %arg5[%add3A_1195, %dma_wait3A_2246] : memref<819200x64xf32, #tpu.memory_space<hbm>> -> memref<128x64xf32, #tpu.memory_space<hbm>>
        %dma_wait3A_2248 = arith.constant 0 : i32
        %dma_wait3A_2249 = tpu.memref_slice %arg5[%add3A_1195, %dma_wait3A_2248] : memref<819200x64xf32, #tpu.memory_space<hbm>> -> memref<128x64xf32, #tpu.memory_space<hbm>>
        %dma_wait3A_2250 = arith.constant 0 : i32
        %dma_wait3A_2251 = arith.constant 0 : i32
        %dma_wait3A_2252 = tpu.memref_slice %arg8[%run_scoped3A_1207, %dma_wait3A_2250, %dma_wait3A_2251] : memref<8x128x64xf32, #tpu.memory_space<vmem>> -> memref<1x128x64xf32, #tpu.memory_space<vmem>>
        %dma_wait3A_2253 = tpu.memref_squeeze %dma_wait3A_2252 : memref<1x128x64xf32, #tpu.memory_space<vmem>> -> memref<128x64xf32, #tpu.memory_space<vmem>>
        tpu.wait_dma2 semaphore(%run_scoped3A_2229 : memref<!tpu.dma_semaphore, #tpu.memory_space<semaphore_mem>>) src(%dma_wait3A_2253 : memref<128x64xf32, #tpu.memory_space<vmem>>) dst(%dma_wait3A_2249 : memref<128x64xf32, #tpu.memory_space<hbm>>)
        tpu.yield
      }) : () -> ()
      %dma_wait3A_1208 = arith.constant 2 : i32
      %dma_wait3A_1209 = arith.constant 2 : i32
      %dma_wait3A_1210 = arith.constant 0 : i32
      %dma_wait3A_1211 = arith.constant 0 : i32
      %dma_wait3A_1212 = tpu.memref_slice %arg10[%dma_wait3A_1209, %dma_wait3A_1210, %dma_wait3A_1211] : memref<8x128x16xf32, #tpu.memory_space<vmem>> -> memref<1x128x16xf32, #tpu.memory_space<vmem>>
      %dma_wait3A_1213 = tpu.memref_squeeze %dma_wait3A_1212 : memref<1x128x16xf32, #tpu.memory_space<vmem>> -> memref<128x16xf32, #tpu.memory_space<vmem>>
      %dma_wait3A_1214 = arith.constant 0 : i32
      %dma_wait3A_1215 = tpu.memref_slice %arg9[%dma_wait3A_1208, %dma_wait3A_1214] : memref<8x128xi32, #tpu.memory_space<vmem>> -> memref<1x128xi32, #tpu.memory_space<vmem>>
      %dma_wait3A_1216 = tpu.memref_squeeze %dma_wait3A_1215 : memref<1x128xi32, #tpu.memory_space<vmem>> -> memref<128xi32, #tpu.memory_space<vmem>>
      %dma_wait3A_1217 = arith.constant 0 : i32
      %dma_wait3A_1218 = arith.constant 0 : i32
      %dma_wait3A_1219 = tpu.memref_slice %arg4[%dma_wait3A_1217, %dma_wait3A_1218] : memref<62500x16xf32, #tpu.memory_space<hbm>> -> memref<62500x16xf32, #tpu.memory_space<hbm>>
      tpu.wait_indirect_dma semaphore(%arg22 : memref<!tpu.dma_semaphore, #tpu.memory_space<semaphore_mem>>) src(%dma_wait3A_1219 : memref<62500x16xf32, #tpu.memory_space<hbm>>) dst(%dma_wait3A_1213 : memref<128x16xf32, #tpu.memory_space<vmem>>)
      %iota3A_1220 = tpu.iota {dimensions = array<i32: 0>} : vector<16xi32>
      %add3A_1221 = arith.constant 0 : i32
      %add3A_1222 = vector.broadcast %add3A_1221 : i32 to vector<16xi32>
      %add3A_1223 = arith.addi %iota3A_1220, %add3A_1222 : vector<16xi32>
      %get3A_1224 = arith.index_cast %add3A_1192 : i32 to index
      %get3A_1225 = arith.constant 0 : index
      %get3A_1226 = tpu.vector_load %arg7[%get3A_1224, %get3A_1225] {strides = array<i32>} : memref<200x128xi32, #tpu.memory_space<vmem>>, vector<16xi32>,
      %and3A_1227 = arith.constant 15 : i32
      %and3A_1228 = vector.broadcast %and3A_1227 : i32 to vector<16xi32>
      %and3A_1229 = arith.andi %get3A_1226, %and3A_1228 : vector<16xi32>
      %gather3A_1230 = arith.constant 2 : i32
      %gather3A_1231 = arith.constant 0 : i32
      %gather3A_1232 = arith.constant 0 : i32
      %gather3A_1233 = tpu.memref_slice %arg10[%gather3A_1230, %gather3A_1231, %gather3A_1232] : memref<8x128x16xf32, #tpu.memory_space<vmem>> -> memref<1x128x16xf32, #tpu.memory_space<vmem>>
      %gather3A_1234 = tpu.memref_squeeze %gather3A_1233 : memref<1x128x16xf32, #tpu.memory_space<vmem>> -> memref<128x16xf32, #tpu.memory_space<vmem>>
      %gather3A_1235 = tpu.vector_load_idx %gather3A_1234[%add3A_1223, %and3A_1229] : memref<128x16xf32, #tpu.memory_space<vmem>>[vector<16xi32>, vector<16xi32>], vector<16xf32>,
      %swap3A_1236 = arith.constant 0 : index
      %swap3A_1237 = tpu.vector_load %arg11[%swap3A_1236] {strides = array<i32>} : memref<128xf32, #tpu.memory_space<vmem>>, vector<16xf32>,
      tpu.vector_store %arg11[%swap3A_1236], %gather3A_1235 {strides = array<i32>} : memref<128xf32, #tpu.memory_space<vmem>>, vector<16xf32>,
      %iota3A_1238 = tpu.iota {dimensions = array<i32: 0>} : vector<16xi32>
      %add3A_1239 = arith.constant 16 : i32
      %add3A_1240 = vector.broadcast %add3A_1239 : i32 to vector<16xi32>
      %add3A_1241 = arith.addi %iota3A_1238, %add3A_1240 : vector<16xi32>
      %get3A_1242 = arith.index_cast %add3A_1192 : i32 to index
      %get3A_1243 = arith.constant 16 : index
      %get3A_1244 = tpu.vector_load %arg7[%get3A_1242, %get3A_1243] {strides = array<i32>} : memref<200x128xi32, #tpu.memory_space<vmem>>, vector<16xi32>,
      %and3A_1245 = arith.constant 15 : i32
      %and3A_1246 = vector.broadcast %and3A_1245 : i32 to vector<16xi32>
      %and3A_1247 = arith.andi %get3A_1244, %and3A_1246 : vector<16xi32>
      %gather3A_1248 = arith.constant 2 : i32
      %gather3A_1249 = arith.constant 0 : i32
      %gather3A_1250 = arith.constant 0 : i32
      %gather3A_1251 = tpu.memref_slice %arg10[%gather3A_1248, %gather3A_1249, %gather3A_1250] : memref<8x128x16xf32, #tpu.memory_space<vmem>> -> memref<1x128x16xf32, #tpu.memory_space<vmem>>
      %gather3A_1252 = tpu.memref_squeeze %gather3A_1251 : memref<1x128x16xf32, #tpu.memory_space<vmem>> -> memref<128x16xf32, #tpu.memory_space<vmem>>
      %gather3A_1253 = tpu.vector_load_idx %gather3A_1252[%add3A_1241, %and3A_1247] : memref<128x16xf32, #tpu.memory_space<vmem>>[vector<16xi32>, vector<16xi32>], vector<16xf32>,
      %swap3A_1254 = arith.constant 16 : index
      %swap3A_1255 = tpu.vector_load %arg11[%swap3A_1254] {strides = array<i32>} : memref<128xf32, #tpu.memory_space<vmem>>, vector<16xf32>,
      tpu.vector_store %arg11[%swap3A_1254], %gather3A_1253 {strides = array<i32>} : memref<128xf32, #tpu.memory_space<vmem>>, vector<16xf32>,
      %iota3A_1256 = tpu.iota {dimensions = array<i32: 0>} : vector<16xi32>
      %add3A_1257 = arith.constant 32 : i32
      %add3A_1258 = vector.broadcast %add3A_1257 : i32 to vector<16xi32>
      %add3A_1259 = arith.addi %iota3A_1256, %add3A_1258 : vector<16xi32>
      %get3A_1260 = arith.index_cast %add3A_1192 : i32 to index
      %get3A_1261 = arith.constant 32 : index
      %get3A_1262 = tpu.vector_load %arg7[%get3A_1260, %get3A_1261] {strides = array<i32>} : memref<200x128xi32, #tpu.memory_space<vmem>>, vector<16xi32>,
      %and3A_1263 = arith.constant 15 : i32
      %and3A_1264 = vector.broadcast %and3A_1263 : i32 to vector<16xi32>
      %and3A_1265 = arith.andi %get3A_1262, %and3A_1264 : vector<16xi32>
      %gather3A_1266 = arith.constant 2 : i32
      %gather3A_1267 = arith.constant 0 : i32
      %gather3A_1268 = arith.constant 0 : i32
      %gather3A_1269 = tpu.memref_slice %arg10[%gather3A_1266, %gather3A_1267, %gather3A_1268] : memref<8x128x16xf32, #tpu.memory_space<vmem>> -> memref<1x128x16xf32, #tpu.memory_space<vmem>>
      %gather3A_1270 = tpu.memref_squeeze %gather3A_1269 : memref<1x128x16xf32, #tpu.memory_space<vmem>> -> memref<128x16xf32, #tpu.memory_space<vmem>>
      %gather3A_1271 = tpu.vector_load_idx %gather3A_1270[%add3A_1259, %and3A_1265] : memref<128x16xf32, #tpu.memory_space<vmem>>[vector<16xi32>, vector<16xi32>], vector<16xf32>,
      %swap3A_1272 = arith.constant 32 : index
      %swap3A_1273 = tpu.vector_load %arg11[%swap3A_1272] {strides = array<i32>} : memref<128xf32, #tpu.memory_space<vmem>>, vector<16xf32>,
      tpu.vector_store %arg11[%swap3A_1272], %gather3A_1271 {strides = array<i32>} : memref<128xf32, #tpu.memory_space<vmem>>, vector<16xf32>,
      %iota3A_1274 = tpu.iota {dimensions = array<i32: 0>} : vector<16xi32>
      %add3A_1275 = arith.constant 48 : i32
      %add3A_1276 = vector.broadcast %add3A_1275 : i32 to vector<16xi32>
      %add3A_1277 = arith.addi %iota3A_1274, %add3A_1276 : vector<16xi32>
      %get3A_1278 = arith.index_cast %add3A_1192 : i32 to index
      %get3A_1279 = arith.constant 48 : index
      %get3A_1280 = tpu.vector_load %arg7[%get3A_1278, %get3A_1279] {strides = array<i32>} : memref<200x128xi32, #tpu.memory_space<vmem>>, vector<16xi32>,
      %and3A_1281 = arith.constant 15 : i32
      %and3A_1282 = vector.broadcast %and3A_1281 : i32 to vector<16xi32>
      %and3A_1283 = arith.andi %get3A_1280, %and3A_1282 : vector<16xi32>
      %gather3A_1284 = arith.constant 2 : i32
      %gather3A_1285 = arith.constant 0 : i32
      %gather3A_1286 = arith.constant 0 : i32
      %gather3A_1287 = tpu.memref_slice %arg10[%gather3A_1284, %gather3A_1285, %gather3A_1286] : memref<8x128x16xf32, #tpu.memory_space<vmem>> -> memref<1x128x16xf32, #tpu.memory_space<vmem>>
      %gather3A_1288 = tpu.memref_squeeze %gather3A_1287 : memref<1x128x16xf32, #tpu.memory_space<vmem>> -> memref<128x16xf32, #tpu.memory_space<vmem>>
      %gather3A_1289 = tpu.vector_load_idx %gather3A_1288[%add3A_1277, %and3A_1283] : memref<128x16xf32, #tpu.memory_space<vmem>>[vector<16xi32>, vector<16xi32>], vector<16xf32>,
      %swap3A_1290 = arith.constant 48 : index
      %swap3A_1291 = tpu.vector_load %arg11[%swap3A_1290] {strides = array<i32>} : memref<128xf32, #tpu.memory_space<vmem>>, vector<16xf32>,
      tpu.vector_store %arg11[%swap3A_1290], %gather3A_1289 {strides = array<i32>} : memref<128xf32, #tpu.memory_space<vmem>>, vector<16xf32>,
      %iota3A_1292 = tpu.iota {dimensions = array<i32: 0>} : vector<16xi32>
      %add3A_1293 = arith.constant 64 : i32
      %add3A_1294 = vector.broadcast %add3A_1293 : i32 to vector<16xi32>
      %add3A_1295 = arith.addi %iota3A_1292, %add3A_1294 : vector<16xi32>
      %get3A_1296 = arith.index_cast %add3A_1192 : i32 to index
      %get3A_1297 = arith.constant 64 : index
      %get3A_1298 = tpu.vector_load %arg7[%get3A_1296, %get3A_1297] {strides = array<i32>} : memref<200x128xi32, #tpu.memory_space<vmem>>, vector<16xi32>,
      %and3A_1299 = arith.constant 15 : i32
      %and3A_1300 = vector.broadcast %and3A_1299 : i32 to vector<16xi32>
      %and3A_1301 = arith.andi %get3A_1298, %and3A_1300 : vector<16xi32>
      %gather3A_1302 = arith.constant 2 : i32
      %gather3A_1303 = arith.constant 0 : i32
      %gather3A_1304 = arith.constant 0 : i32
      %gather3A_1305 = tpu.memref_slice %arg10[%gather3A_1302, %gather3A_1303, %gather3A_1304] : memref<8x128x16xf32, #tpu.memory_space<vmem>> -> memref<1x128x16xf32, #tpu.memory_space<vmem>>
      %gather3A_1306 = tpu.memref_squeeze %gather3A_1305 : memref<1x128x16xf32, #tpu.memory_space<vmem>> -> memref<128x16xf32, #tpu.memory_space<vmem>>
      %gather3A_1307 = tpu.vector_load_idx %gather3A_1306[%add3A_1295, %and3A_1301] : memref<128x16xf32, #tpu.memory_space<vmem>>[vector<16xi32>, vector<16xi32>], vector<16xf32>,
      %swap3A_1308 = arith.constant 64 : index
      %swap3A_1309 = tpu.vector_load %arg11[%swap3A_1308] {strides = array<i32>} : memref<128xf32, #tpu.memory_space<vmem>>, vector<16xf32>,
      tpu.vector_store %arg11[%swap3A_1308], %gather3A_1307 {strides = array<i32>} : memref<128xf32, #tpu.memory_space<vmem>>, vector<16xf32>,
      %iota3A_1310 = tpu.iota {dimensions = array<i32: 0>} : vector<16xi32>
      %add3A_1311 = arith.constant 80 : i32
      %add3A_1312 = vector.broadcast %add3A_1311 : i32 to vector<16xi32>
      %add3A_1313 = arith.addi %iota3A_1310, %add3A_1312 : vector<16xi32>
      %get3A_1314 = arith.index_cast %add3A_1192 : i32 to index
      %get3A_1315 = arith.constant 80 : index
      %get3A_1316 = tpu.vector_load %arg7[%get3A_1314, %get3A_1315] {strides = array<i32>} : memref<200x128xi32, #tpu.memory_space<vmem>>, vector<16xi32>,
      %and3A_1317 = arith.constant 15 : i32
      %and3A_1318 = vector.broadcast %and3A_1317 : i32 to vector<16xi32>
      %and3A_1319 = arith.andi %get3A_1316, %and3A_1318 : vector<16xi32>
      %gather3A_1320 = arith.constant 2 : i32
      %gather3A_1321 = arith.constant 0 : i32
      %gather3A_1322 = arith.constant 0 : i32
      %gather3A_1323 = tpu.memref_slice %arg10[%gather3A_1320, %gather3A_1321, %gather3A_1322] : memref<8x128x16xf32, #tpu.memory_space<vmem>> -> memref<1x128x16xf32, #tpu.memory_space<vmem>>
      %gather3A_1324 = tpu.memref_squeeze %gather3A_1323 : memref<1x128x16xf32, #tpu.memory_space<vmem>> -> memref<128x16xf32, #tpu.memory_space<vmem>>
      %gather3A_1325 = tpu.vector_load_idx %gather3A_1324[%add3A_1313, %and3A_1319] : memref<128x16xf32, #tpu.memory_space<vmem>>[vector<16xi32>, vector<16xi32>], vector<16xf32>,
      %swap3A_1326 = arith.constant 80 : index
      %swap3A_1327 = tpu.vector_load %arg11[%swap3A_1326] {strides = array<i32>} : memref<128xf32, #tpu.memory_space<vmem>>, vector<16xf32>,
      tpu.vector_store %arg11[%swap3A_1326], %gather3A_1325 {strides = array<i32>} : memref<128xf32, #tpu.memory_space<vmem>>, vector<16xf32>,
      %iota3A_1328 = tpu.iota {dimensions = array<i32: 0>} : vector<16xi32>
      %add3A_1329 = arith.constant 96 : i32
      %add3A_1330 = vector.broadcast %add3A_1329 : i32 to vector<16xi32>
      %add3A_1331 = arith.addi %iota3A_1328, %add3A_1330 : vector<16xi32>
      %get3A_1332 = arith.index_cast %add3A_1192 : i32 to index
      %get3A_1333 = arith.constant 96 : index
      %get3A_1334 = tpu.vector_load %arg7[%get3A_1332, %get3A_1333] {strides = array<i32>} : memref<200x128xi32, #tpu.memory_space<vmem>>, vector<16xi32>,
      %and3A_1335 = arith.constant 15 : i32
      %and3A_1336 = vector.broadcast %and3A_1335 : i32 to vector<16xi32>
      %and3A_1337 = arith.andi %get3A_1334, %and3A_1336 : vector<16xi32>
      %gather3A_1338 = arith.constant 2 : i32
      %gather3A_1339 = arith.constant 0 : i32
      %gather3A_1340 = arith.constant 0 : i32
      %gather3A_1341 = tpu.memref_slice %arg10[%gather3A_1338, %gather3A_1339, %gather3A_1340] : memref<8x128x16xf32, #tpu.memory_space<vmem>> -> memref<1x128x16xf32, #tpu.memory_space<vmem>>
      %gather3A_1342 = tpu.memref_squeeze %gather3A_1341 : memref<1x128x16xf32, #tpu.memory_space<vmem>> -> memref<128x16xf32, #tpu.memory_space<vmem>>
      %gather3A_1343 = tpu.vector_load_idx %gather3A_1342[%add3A_1331, %and3A_1337] : memref<128x16xf32, #tpu.memory_space<vmem>>[vector<16xi32>, vector<16xi32>], vector<16xf32>,
      %swap3A_1344 = arith.constant 96 : index
      %swap3A_1345 = tpu.vector_load %arg11[%swap3A_1344] {strides = array<i32>} : memref<128xf32, #tpu.memory_space<vmem>>, vector<16xf32>,
      tpu.vector_store %arg11[%swap3A_1344], %gather3A_1343 {strides = array<i32>} : memref<128xf32, #tpu.memory_space<vmem>>, vector<16xf32>,
      %iota3A_1346 = tpu.iota {dimensions = array<i32: 0>} : vector<16xi32>
      %add3A_1347 = arith.constant 112 : i32
      %add3A_1348 = vector.broadcast %add3A_1347 : i32 to vector<16xi32>
      %add3A_1349 = arith.addi %iota3A_1346, %add3A_1348 : vector<16xi32>
      %get3A_1350 = arith.index_cast %add3A_1192 : i32 to index
      %get3A_1351 = arith.constant 112 : index
      %get3A_1352 = tpu.vector_load %arg7[%get3A_1350, %get3A_1351] {strides = array<i32>} : memref<200x128xi32, #tpu.memory_space<vmem>>, vector<16xi32>,
      %and3A_1353 = arith.constant 15 : i32
      %and3A_1354 = vector.broadcast %and3A_1353 : i32 to vector<16xi32>
      %and3A_1355 = arith.andi %get3A_1352, %and3A_1354 : vector<16xi32>
      %gather3A_1356 = arith.constant 2 : i32
      %gather3A_1357 = arith.constant 0 : i32
      %gather3A_1358 = arith.constant 0 : i32
      %gather3A_1359 = tpu.memref_slice %arg10[%gather3A_1356, %gather3A_1357, %gather3A_1358] : memref<8x128x16xf32, #tpu.memory_space<vmem>> -> memref<1x128x16xf32, #tpu.memory_space<vmem>>
      %gather3A_1360 = tpu.memref_squeeze %gather3A_1359 : memref<1x128x16xf32, #tpu.memory_space<vmem>> -> memref<128x16xf32, #tpu.memory_space<vmem>>
      %gather3A_1361 = tpu.vector_load_idx %gather3A_1360[%add3A_1349, %and3A_1355] : memref<128x16xf32, #tpu.memory_space<vmem>>[vector<16xi32>, vector<16xi32>], vector<16xf32>,
      %swap3A_1362 = arith.constant 112 : index
      %swap3A_1363 = tpu.vector_load %arg11[%swap3A_1362] {strides = array<i32>} : memref<128xf32, #tpu.memory_space<vmem>>, vector<16xf32>,
      tpu.vector_store %arg11[%swap3A_1362], %gather3A_1361 {strides = array<i32>} : memref<128xf32, #tpu.memory_space<vmem>>, vector<16xf32>,
      "tpu.region"() ({
        %run_scoped3A_2229 = tpu.sem_alloc : memref<!tpu.dma_semaphore, #tpu.memory_space<semaphore_mem>>
        %dma_start3A_2230 = tpu.memref_slice %arg6[%add3A_1195] : memref<819200xf32, #tpu.memory_space<hbm>> -> memref<128xf32, #tpu.memory_space<hbm>>
        %dma_start3A_2231 = tpu.memref_slice %arg6[%add3A_1195] : memref<819200xf32, #tpu.memory_space<hbm>> -> memref<128xf32, #tpu.memory_space<hbm>>
        tpu.enqueue_dma source(%arg11 : memref<128xf32, #tpu.memory_space<vmem>>) target(%dma_start3A_2231 : memref<128xf32, #tpu.memory_space<hbm>>) target_semaphore(%run_scoped3A_2229 : memref<!tpu.dma_semaphore, #tpu.memory_space<semaphore_mem>>)
        %dma_wait3A_2232 = tpu.memref_slice %arg6[%add3A_1195] : memref<819200xf32, #tpu.memory_space<hbm>> -> memref<128xf32, #tpu.memory_space<hbm>>
        %dma_wait3A_2233 = tpu.memref_slice %arg6[%add3A_1195] : memref<819200xf32, #tpu.memory_space<hbm>> -> memref<128xf32, #tpu.memory_space<hbm>>
        tpu.wait_dma2 semaphore(%run_scoped3A_2229 : memref<!tpu.dma_semaphore, #tpu.memory_space<semaphore_mem>>) src(%arg11 : memref<128xf32, #tpu.memory_space<vmem>>) dst(%dma_wait3A_2233 : memref<128xf32, #tpu.memory_space<hbm>>)
        tpu.yield
      }) : () -> ()
      %add3A_1364 = arith.constant 3 : i32
      %add3A_1365 = arith.addi %mul3A_13, %add3A_1364 : i32
      %mul3A_1366 = arith.constant 128 : i32
      %mul3A_1367 = arith.muli %add3A_1365, %mul3A_1366 : i32
      %add3A_1368 = arith.addi %mul3A_2, %mul3A_1367 : i32
      %dma_wait3A_1369 = arith.constant 3 : i32
      %dma_wait3A_1370 = arith.constant 0 : i32
      %dma_wait3A_1371 = arith.constant 0 : i32
      %dma_wait3A_1372 = tpu.memref_slice %arg8[%dma_wait3A_1369, %dma_wait3A_1370, %dma_wait3A_1371] : memref<8x128x64xf32, #tpu.memory_space<vmem>> -> memref<1x128x64xf32, #tpu.memory_space<vmem>>
      %dma_wait3A_1373 = tpu.memref_squeeze %dma_wait3A_1372 : memref<1x128x64xf32, #tpu.memory_space<vmem>> -> memref<128x64xf32, #tpu.memory_space<vmem>>
      %dma_wait3A_1374 = arith.constant 0 : i32
      %dma_wait3A_1375 = tpu.memref_slice %arg7[%add3A_326, %dma_wait3A_1374] : memref<200x128xi32, #tpu.memory_space<vmem>> -> memref<1x128xi32, #tpu.memory_space<vmem>>
      %dma_wait3A_1376 = tpu.memref_squeeze %dma_wait3A_1375 : memref<1x128xi32, #tpu.memory_space<vmem>> -> memref<128xi32, #tpu.memory_space<vmem>>
      %dma_wait3A_1377 = arith.constant 0 : i32
      %dma_wait3A_1378 = arith.constant 0 : i32
      %dma_wait3A_1379 = tpu.memref_slice %arg3[%dma_wait3A_1377, %dma_wait3A_1378] : memref<1000000x64xf32, #tpu.memory_space<hbm>> -> memref<1000000x64xf32, #tpu.memory_space<hbm>>
      tpu.wait_indirect_dma semaphore(%arg15 : memref<!tpu.dma_semaphore, #tpu.memory_space<semaphore_mem>>) src(%dma_wait3A_1379 : memref<1000000x64xf32, #tpu.memory_space<hbm>>) dst(%dma_wait3A_1373 : memref<128x64xf32, #tpu.memory_space<vmem>>)
      %run_scoped3A_1380 = arith.constant 3 : i32
      "tpu.region"() ({
        %run_scoped3A_2229 = tpu.sem_alloc : memref<!tpu.dma_semaphore, #tpu.memory_space<semaphore_mem>>
        %dma_start3A_2230 = arith.constant 0 : i32
        %dma_start3A_2231 = arith.constant 0 : i32
        %dma_start3A_2232 = tpu.memref_slice %arg8[%run_scoped3A_1380, %dma_start3A_2230, %dma_start3A_2231] : memref<8x128x64xf32, #tpu.memory_space<vmem>> -> memref<1x128x64xf32, #tpu.memory_space<vmem>>
        %dma_start3A_2233 = tpu.memref_squeeze %dma_start3A_2232 : memref<1x128x64xf32, #tpu.memory_space<vmem>> -> memref<128x64xf32, #tpu.memory_space<vmem>>
        %dma_start3A_2234 = arith.constant 0 : i32
        %dma_start3A_2235 = tpu.memref_slice %arg5[%add3A_1368, %dma_start3A_2234] : memref<819200x64xf32, #tpu.memory_space<hbm>> -> memref<128x64xf32, #tpu.memory_space<hbm>>
        %dma_start3A_2236 = arith.constant 0 : i32
        %dma_start3A_2237 = tpu.memref_slice %arg5[%add3A_1368, %dma_start3A_2236] : memref<819200x64xf32, #tpu.memory_space<hbm>> -> memref<128x64xf32, #tpu.memory_space<hbm>>
        %dma_start3A_2238 = arith.constant 0 : i32
        %dma_start3A_2239 = arith.constant 0 : i32
        %dma_start3A_2240 = tpu.memref_slice %arg8[%run_scoped3A_1380, %dma_start3A_2238, %dma_start3A_2239] : memref<8x128x64xf32, #tpu.memory_space<vmem>> -> memref<1x128x64xf32, #tpu.memory_space<vmem>>
        %dma_start3A_2241 = tpu.memref_squeeze %dma_start3A_2240 : memref<1x128x64xf32, #tpu.memory_space<vmem>> -> memref<128x64xf32, #tpu.memory_space<vmem>>
        tpu.enqueue_dma source(%dma_start3A_2241 : memref<128x64xf32, #tpu.memory_space<vmem>>) target(%dma_start3A_2237 : memref<128x64xf32, #tpu.memory_space<hbm>>) target_semaphore(%run_scoped3A_2229 : memref<!tpu.dma_semaphore, #tpu.memory_space<semaphore_mem>>)
        %dma_wait3A_2242 = arith.constant 0 : i32
        %dma_wait3A_2243 = arith.constant 0 : i32
        %dma_wait3A_2244 = tpu.memref_slice %arg8[%run_scoped3A_1380, %dma_wait3A_2242, %dma_wait3A_2243] : memref<8x128x64xf32, #tpu.memory_space<vmem>> -> memref<1x128x64xf32, #tpu.memory_space<vmem>>
        %dma_wait3A_2245 = tpu.memref_squeeze %dma_wait3A_2244 : memref<1x128x64xf32, #tpu.memory_space<vmem>> -> memref<128x64xf32, #tpu.memory_space<vmem>>
        %dma_wait3A_2246 = arith.constant 0 : i32
        %dma_wait3A_2247 = tpu.memref_slice %arg5[%add3A_1368, %dma_wait3A_2246] : memref<819200x64xf32, #tpu.memory_space<hbm>> -> memref<128x64xf32, #tpu.memory_space<hbm>>
        %dma_wait3A_2248 = arith.constant 0 : i32
        %dma_wait3A_2249 = tpu.memref_slice %arg5[%add3A_1368, %dma_wait3A_2248] : memref<819200x64xf32, #tpu.memory_space<hbm>> -> memref<128x64xf32, #tpu.memory_space<hbm>>
        %dma_wait3A_2250 = arith.constant 0 : i32
        %dma_wait3A_2251 = arith.constant 0 : i32
        %dma_wait3A_2252 = tpu.memref_slice %arg8[%run_scoped3A_1380, %dma_wait3A_2250, %dma_wait3A_2251] : memref<8x128x64xf32, #tpu.memory_space<vmem>> -> memref<1x128x64xf32, #tpu.memory_space<vmem>>
        %dma_wait3A_2253 = tpu.memref_squeeze %dma_wait3A_2252 : memref<1x128x64xf32, #tpu.memory_space<vmem>> -> memref<128x64xf32, #tpu.memory_space<vmem>>
        tpu.wait_dma2 semaphore(%run_scoped3A_2229 : memref<!tpu.dma_semaphore, #tpu.memory_space<semaphore_mem>>) src(%dma_wait3A_2253 : memref<128x64xf32, #tpu.memory_space<vmem>>) dst(%dma_wait3A_2249 : memref<128x64xf32, #tpu.memory_space<hbm>>)
        tpu.yield
      }) : () -> ()
      %dma_wait3A_1381 = arith.constant 3 : i32
      %dma_wait3A_1382 = arith.constant 3 : i32
      %dma_wait3A_1383 = arith.constant 0 : i32
      %dma_wait3A_1384 = arith.constant 0 : i32
      %dma_wait3A_1385 = tpu.memref_slice %arg10[%dma_wait3A_1382, %dma_wait3A_1383, %dma_wait3A_1384] : memref<8x128x16xf32, #tpu.memory_space<vmem>> -> memref<1x128x16xf32, #tpu.memory_space<vmem>>
      %dma_wait3A_1386 = tpu.memref_squeeze %dma_wait3A_1385 : memref<1x128x16xf32, #tpu.memory_space<vmem>> -> memref<128x16xf32, #tpu.memory_space<vmem>>
      %dma_wait3A_1387 = arith.constant 0 : i32
      %dma_wait3A_1388 = tpu.memref_slice %arg9[%dma_wait3A_1381, %dma_wait3A_1387] : memref<8x128xi32, #tpu.memory_space<vmem>> -> memref<1x128xi32, #tpu.memory_space<vmem>>
      %dma_wait3A_1389 = tpu.memref_squeeze %dma_wait3A_1388 : memref<1x128xi32, #tpu.memory_space<vmem>> -> memref<128xi32, #tpu.memory_space<vmem>>
      %dma_wait3A_1390 = arith.constant 0 : i32
      %dma_wait3A_1391 = arith.constant 0 : i32
      %dma_wait3A_1392 = tpu.memref_slice %arg4[%dma_wait3A_1390, %dma_wait3A_1391] : memref<62500x16xf32, #tpu.memory_space<hbm>> -> memref<62500x16xf32, #tpu.memory_space<hbm>>
      tpu.wait_indirect_dma semaphore(%arg23 : memref<!tpu.dma_semaphore, #tpu.memory_space<semaphore_mem>>) src(%dma_wait3A_1392 : memref<62500x16xf32, #tpu.memory_space<hbm>>) dst(%dma_wait3A_1386 : memref<128x16xf32, #tpu.memory_space<vmem>>)
      %iota3A_1393 = tpu.iota {dimensions = array<i32: 0>} : vector<16xi32>
      %add3A_1394 = arith.constant 0 : i32
      %add3A_1395 = vector.broadcast %add3A_1394 : i32 to vector<16xi32>
      %add3A_1396 = arith.addi %iota3A_1393, %add3A_1395 : vector<16xi32>
      %get3A_1397 = arith.index_cast %add3A_1365 : i32 to index
      %get3A_1398 = arith.constant 0 : index
      %get3A_1399 = tpu.vector_load %arg7[%get3A_1397, %get3A_1398] {strides = array<i32>} : memref<200x128xi32, #tpu.memory_space<vmem>>, vector<16xi32>,
      %and3A_1400 = arith.constant 15 : i32
      %and3A_1401 = vector.broadcast %and3A_1400 : i32 to vector<16xi32>
      %and3A_1402 = arith.andi %get3A_1399, %and3A_1401 : vector<16xi32>
      %gather3A_1403 = arith.constant 3 : i32
      %gather3A_1404 = arith.constant 0 : i32
      %gather3A_1405 = arith.constant 0 : i32
      %gather3A_1406 = tpu.memref_slice %arg10[%gather3A_1403, %gather3A_1404, %gather3A_1405] : memref<8x128x16xf32, #tpu.memory_space<vmem>> -> memref<1x128x16xf32, #tpu.memory_space<vmem>>
      %gather3A_1407 = tpu.memref_squeeze %gather3A_1406 : memref<1x128x16xf32, #tpu.memory_space<vmem>> -> memref<128x16xf32, #tpu.memory_space<vmem>>
      %gather3A_1408 = tpu.vector_load_idx %gather3A_1407[%add3A_1396, %and3A_1402] : memref<128x16xf32, #tpu.memory_space<vmem>>[vector<16xi32>, vector<16xi32>], vector<16xf32>,
      %swap3A_1409 = arith.constant 0 : index
      %swap3A_1410 = tpu.vector_load %arg11[%swap3A_1409] {strides = array<i32>} : memref<128xf32, #tpu.memory_space<vmem>>, vector<16xf32>,
      tpu.vector_store %arg11[%swap3A_1409], %gather3A_1408 {strides = array<i32>} : memref<128xf32, #tpu.memory_space<vmem>>, vector<16xf32>,
      %iota3A_1411 = tpu.iota {dimensions = array<i32: 0>} : vector<16xi32>
      %add3A_1412 = arith.constant 16 : i32
      %add3A_1413 = vector.broadcast %add3A_1412 : i32 to vector<16xi32>
      %add3A_1414 = arith.addi %iota3A_1411, %add3A_1413 : vector<16xi32>
      %get3A_1415 = arith.index_cast %add3A_1365 : i32 to index
      %get3A_1416 = arith.constant 16 : index
      %get3A_1417 = tpu.vector_load %arg7[%get3A_1415, %get3A_1416] {strides = array<i32>} : memref<200x128xi32, #tpu.memory_space<vmem>>, vector<16xi32>,
      %and3A_1418 = arith.constant 15 : i32
      %and3A_1419 = vector.broadcast %and3A_1418 : i32 to vector<16xi32>
      %and3A_1420 = arith.andi %get3A_1417, %and3A_1419 : vector<16xi32>
      %gather3A_1421 = arith.constant 3 : i32
      %gather3A_1422 = arith.constant 0 : i32
      %gather3A_1423 = arith.constant 0 : i32
      %gather3A_1424 = tpu.memref_slice %arg10[%gather3A_1421, %gather3A_1422, %gather3A_1423] : memref<8x128x16xf32, #tpu.memory_space<vmem>> -> memref<1x128x16xf32, #tpu.memory_space<vmem>>
      %gather3A_1425 = tpu.memref_squeeze %gather3A_1424 : memref<1x128x16xf32, #tpu.memory_space<vmem>> -> memref<128x16xf32, #tpu.memory_space<vmem>>
      %gather3A_1426 = tpu.vector_load_idx %gather3A_1425[%add3A_1414, %and3A_1420] : memref<128x16xf32, #tpu.memory_space<vmem>>[vector<16xi32>, vector<16xi32>], vector<16xf32>,
      %swap3A_1427 = arith.constant 16 : index
      %swap3A_1428 = tpu.vector_load %arg11[%swap3A_1427] {strides = array<i32>} : memref<128xf32, #tpu.memory_space<vmem>>, vector<16xf32>,
      tpu.vector_store %arg11[%swap3A_1427], %gather3A_1426 {strides = array<i32>} : memref<128xf32, #tpu.memory_space<vmem>>, vector<16xf32>,
      %iota3A_1429 = tpu.iota {dimensions = array<i32: 0>} : vector<16xi32>
      %add3A_1430 = arith.constant 32 : i32
      %add3A_1431 = vector.broadcast %add3A_1430 : i32 to vector<16xi32>
      %add3A_1432 = arith.addi %iota3A_1429, %add3A_1431 : vector<16xi32>
      %get3A_1433 = arith.index_cast %add3A_1365 : i32 to index
      %get3A_1434 = arith.constant 32 : index
      %get3A_1435 = tpu.vector_load %arg7[%get3A_1433, %get3A_1434] {strides = array<i32>} : memref<200x128xi32, #tpu.memory_space<vmem>>, vector<16xi32>,
      %and3A_1436 = arith.constant 15 : i32
      %and3A_1437 = vector.broadcast %and3A_1436 : i32 to vector<16xi32>
      %and3A_1438 = arith.andi %get3A_1435, %and3A_1437 : vector<16xi32>
      %gather3A_1439 = arith.constant 3 : i32
      %gather3A_1440 = arith.constant 0 : i32
      %gather3A_1441 = arith.constant 0 : i32
      %gather3A_1442 = tpu.memref_slice %arg10[%gather3A_1439, %gather3A_1440, %gather3A_1441] : memref<8x128x16xf32, #tpu.memory_space<vmem>> -> memref<1x128x16xf32, #tpu.memory_space<vmem>>
      %gather3A_1443 = tpu.memref_squeeze %gather3A_1442 : memref<1x128x16xf32, #tpu.memory_space<vmem>> -> memref<128x16xf32, #tpu.memory_space<vmem>>
      %gather3A_1444 = tpu.vector_load_idx %gather3A_1443[%add3A_1432, %and3A_1438] : memref<128x16xf32, #tpu.memory_space<vmem>>[vector<16xi32>, vector<16xi32>], vector<16xf32>,
      %swap3A_1445 = arith.constant 32 : index
      %swap3A_1446 = tpu.vector_load %arg11[%swap3A_1445] {strides = array<i32>} : memref<128xf32, #tpu.memory_space<vmem>>, vector<16xf32>,
      tpu.vector_store %arg11[%swap3A_1445], %gather3A_1444 {strides = array<i32>} : memref<128xf32, #tpu.memory_space<vmem>>, vector<16xf32>,
      %iota3A_1447 = tpu.iota {dimensions = array<i32: 0>} : vector<16xi32>
      %add3A_1448 = arith.constant 48 : i32
      %add3A_1449 = vector.broadcast %add3A_1448 : i32 to vector<16xi32>
      %add3A_1450 = arith.addi %iota3A_1447, %add3A_1449 : vector<16xi32>
      %get3A_1451 = arith.index_cast %add3A_1365 : i32 to index
      %get3A_1452 = arith.constant 48 : index
      %get3A_1453 = tpu.vector_load %arg7[%get3A_1451, %get3A_1452] {strides = array<i32>} : memref<200x128xi32, #tpu.memory_space<vmem>>, vector<16xi32>,
      %and3A_1454 = arith.constant 15 : i32
      %and3A_1455 = vector.broadcast %and3A_1454 : i32 to vector<16xi32>
      %and3A_1456 = arith.andi %get3A_1453, %and3A_1455 : vector<16xi32>
      %gather3A_1457 = arith.constant 3 : i32
      %gather3A_1458 = arith.constant 0 : i32
      %gather3A_1459 = arith.constant 0 : i32
      %gather3A_1460 = tpu.memref_slice %arg10[%gather3A_1457, %gather3A_1458, %gather3A_1459] : memref<8x128x16xf32, #tpu.memory_space<vmem>> -> memref<1x128x16xf32, #tpu.memory_space<vmem>>
      %gather3A_1461 = tpu.memref_squeeze %gather3A_1460 : memref<1x128x16xf32, #tpu.memory_space<vmem>> -> memref<128x16xf32, #tpu.memory_space<vmem>>
      %gather3A_1462 = tpu.vector_load_idx %gather3A_1461[%add3A_1450, %and3A_1456] : memref<128x16xf32, #tpu.memory_space<vmem>>[vector<16xi32>, vector<16xi32>], vector<16xf32>,
      %swap3A_1463 = arith.constant 48 : index
      %swap3A_1464 = tpu.vector_load %arg11[%swap3A_1463] {strides = array<i32>} : memref<128xf32, #tpu.memory_space<vmem>>, vector<16xf32>,
      tpu.vector_store %arg11[%swap3A_1463], %gather3A_1462 {strides = array<i32>} : memref<128xf32, #tpu.memory_space<vmem>>, vector<16xf32>,
      %iota3A_1465 = tpu.iota {dimensions = array<i32: 0>} : vector<16xi32>
      %add3A_1466 = arith.constant 64 : i32
      %add3A_1467 = vector.broadcast %add3A_1466 : i32 to vector<16xi32>
      %add3A_1468 = arith.addi %iota3A_1465, %add3A_1467 : vector<16xi32>
      %get3A_1469 = arith.index_cast %add3A_1365 : i32 to index
      %get3A_1470 = arith.constant 64 : index
      %get3A_1471 = tpu.vector_load %arg7[%get3A_1469, %get3A_1470] {strides = array<i32>} : memref<200x128xi32, #tpu.memory_space<vmem>>, vector<16xi32>,
      %and3A_1472 = arith.constant 15 : i32
      %and3A_1473 = vector.broadcast %and3A_1472 : i32 to vector<16xi32>
      %and3A_1474 = arith.andi %get3A_1471, %and3A_1473 : vector<16xi32>
      %gather3A_1475 = arith.constant 3 : i32
      %gather3A_1476 = arith.constant 0 : i32
      %gather3A_1477 = arith.constant 0 : i32
      %gather3A_1478 = tpu.memref_slice %arg10[%gather3A_1475, %gather3A_1476, %gather3A_1477] : memref<8x128x16xf32, #tpu.memory_space<vmem>> -> memref<1x128x16xf32, #tpu.memory_space<vmem>>
      %gather3A_1479 = tpu.memref_squeeze %gather3A_1478 : memref<1x128x16xf32, #tpu.memory_space<vmem>> -> memref<128x16xf32, #tpu.memory_space<vmem>>
      %gather3A_1480 = tpu.vector_load_idx %gather3A_1479[%add3A_1468, %and3A_1474] : memref<128x16xf32, #tpu.memory_space<vmem>>[vector<16xi32>, vector<16xi32>], vector<16xf32>,
      %swap3A_1481 = arith.constant 64 : index
      %swap3A_1482 = tpu.vector_load %arg11[%swap3A_1481] {strides = array<i32>} : memref<128xf32, #tpu.memory_space<vmem>>, vector<16xf32>,
      tpu.vector_store %arg11[%swap3A_1481], %gather3A_1480 {strides = array<i32>} : memref<128xf32, #tpu.memory_space<vmem>>, vector<16xf32>,
      %iota3A_1483 = tpu.iota {dimensions = array<i32: 0>} : vector<16xi32>
      %add3A_1484 = arith.constant 80 : i32
      %add3A_1485 = vector.broadcast %add3A_1484 : i32 to vector<16xi32>
      %add3A_1486 = arith.addi %iota3A_1483, %add3A_1485 : vector<16xi32>
      %get3A_1487 = arith.index_cast %add3A_1365 : i32 to index
      %get3A_1488 = arith.constant 80 : index
      %get3A_1489 = tpu.vector_load %arg7[%get3A_1487, %get3A_1488] {strides = array<i32>} : memref<200x128xi32, #tpu.memory_space<vmem>>, vector<16xi32>,
      %and3A_1490 = arith.constant 15 : i32
      %and3A_1491 = vector.broadcast %and3A_1490 : i32 to vector<16xi32>
      %and3A_1492 = arith.andi %get3A_1489, %and3A_1491 : vector<16xi32>
      %gather3A_1493 = arith.constant 3 : i32
      %gather3A_1494 = arith.constant 0 : i32
      %gather3A_1495 = arith.constant 0 : i32
      %gather3A_1496 = tpu.memref_slice %arg10[%gather3A_1493, %gather3A_1494, %gather3A_1495] : memref<8x128x16xf32, #tpu.memory_space<vmem>> -> memref<1x128x16xf32, #tpu.memory_space<vmem>>
      %gather3A_1497 = tpu.memref_squeeze %gather3A_1496 : memref<1x128x16xf32, #tpu.memory_space<vmem>> -> memref<128x16xf32, #tpu.memory_space<vmem>>
      %gather3A_1498 = tpu.vector_load_idx %gather3A_1497[%add3A_1486, %and3A_1492] : memref<128x16xf32, #tpu.memory_space<vmem>>[vector<16xi32>, vector<16xi32>], vector<16xf32>,
      %swap3A_1499 = arith.constant 80 : index
      %swap3A_1500 = tpu.vector_load %arg11[%swap3A_1499] {strides = array<i32>} : memref<128xf32, #tpu.memory_space<vmem>>, vector<16xf32>,
      tpu.vector_store %arg11[%swap3A_1499], %gather3A_1498 {strides = array<i32>} : memref<128xf32, #tpu.memory_space<vmem>>, vector<16xf32>,
      %iota3A_1501 = tpu.iota {dimensions = array<i32: 0>} : vector<16xi32>
      %add3A_1502 = arith.constant 96 : i32
      %add3A_1503 = vector.broadcast %add3A_1502 : i32 to vector<16xi32>
      %add3A_1504 = arith.addi %iota3A_1501, %add3A_1503 : vector<16xi32>
      %get3A_1505 = arith.index_cast %add3A_1365 : i32 to index
      %get3A_1506 = arith.constant 96 : index
      %get3A_1507 = tpu.vector_load %arg7[%get3A_1505, %get3A_1506] {strides = array<i32>} : memref<200x128xi32, #tpu.memory_space<vmem>>, vector<16xi32>,
      %and3A_1508 = arith.constant 15 : i32
      %and3A_1509 = vector.broadcast %and3A_1508 : i32 to vector<16xi32>
      %and3A_1510 = arith.andi %get3A_1507, %and3A_1509 : vector<16xi32>
      %gather3A_1511 = arith.constant 3 : i32
      %gather3A_1512 = arith.constant 0 : i32
      %gather3A_1513 = arith.constant 0 : i32
      %gather3A_1514 = tpu.memref_slice %arg10[%gather3A_1511, %gather3A_1512, %gather3A_1513] : memref<8x128x16xf32, #tpu.memory_space<vmem>> -> memref<1x128x16xf32, #tpu.memory_space<vmem>>
      %gather3A_1515 = tpu.memref_squeeze %gather3A_1514 : memref<1x128x16xf32, #tpu.memory_space<vmem>> -> memref<128x16xf32, #tpu.memory_space<vmem>>
      %gather3A_1516 = tpu.vector_load_idx %gather3A_1515[%add3A_1504, %and3A_1510] : memref<128x16xf32, #tpu.memory_space<vmem>>[vector<16xi32>, vector<16xi32>], vector<16xf32>,
      %swap3A_1517 = arith.constant 96 : index
      %swap3A_1518 = tpu.vector_load %arg11[%swap3A_1517] {strides = array<i32>} : memref<128xf32, #tpu.memory_space<vmem>>, vector<16xf32>,
      tpu.vector_store %arg11[%swap3A_1517], %gather3A_1516 {strides = array<i32>} : memref<128xf32, #tpu.memory_space<vmem>>, vector<16xf32>,
      %iota3A_1519 = tpu.iota {dimensions = array<i32: 0>} : vector<16xi32>
      %add3A_1520 = arith.constant 112 : i32
      %add3A_1521 = vector.broadcast %add3A_1520 : i32 to vector<16xi32>
      %add3A_1522 = arith.addi %iota3A_1519, %add3A_1521 : vector<16xi32>
      %get3A_1523 = arith.index_cast %add3A_1365 : i32 to index
      %get3A_1524 = arith.constant 112 : index
      %get3A_1525 = tpu.vector_load %arg7[%get3A_1523, %get3A_1524] {strides = array<i32>} : memref<200x128xi32, #tpu.memory_space<vmem>>, vector<16xi32>,
      %and3A_1526 = arith.constant 15 : i32
      %and3A_1527 = vector.broadcast %and3A_1526 : i32 to vector<16xi32>
      %and3A_1528 = arith.andi %get3A_1525, %and3A_1527 : vector<16xi32>
      %gather3A_1529 = arith.constant 3 : i32
      %gather3A_1530 = arith.constant 0 : i32
      %gather3A_1531 = arith.constant 0 : i32
      %gather3A_1532 = tpu.memref_slice %arg10[%gather3A_1529, %gather3A_1530, %gather3A_1531] : memref<8x128x16xf32, #tpu.memory_space<vmem>> -> memref<1x128x16xf32, #tpu.memory_space<vmem>>
      %gather3A_1533 = tpu.memref_squeeze %gather3A_1532 : memref<1x128x16xf32, #tpu.memory_space<vmem>> -> memref<128x16xf32, #tpu.memory_space<vmem>>
      %gather3A_1534 = tpu.vector_load_idx %gather3A_1533[%add3A_1522, %and3A_1528] : memref<128x16xf32, #tpu.memory_space<vmem>>[vector<16xi32>, vector<16xi32>], vector<16xf32>,
      %swap3A_1535 = arith.constant 112 : index
      %swap3A_1536 = tpu.vector_load %arg11[%swap3A_1535] {strides = array<i32>} : memref<128xf32, #tpu.memory_space<vmem>>, vector<16xf32>,
      tpu.vector_store %arg11[%swap3A_1535], %gather3A_1534 {strides = array<i32>} : memref<128xf32, #tpu.memory_space<vmem>>, vector<16xf32>,
      "tpu.region"() ({
        %run_scoped3A_2229 = tpu.sem_alloc : memref<!tpu.dma_semaphore, #tpu.memory_space<semaphore_mem>>
        %dma_start3A_2230 = tpu.memref_slice %arg6[%add3A_1368] : memref<819200xf32, #tpu.memory_space<hbm>> -> memref<128xf32, #tpu.memory_space<hbm>>
        %dma_start3A_2231 = tpu.memref_slice %arg6[%add3A_1368] : memref<819200xf32, #tpu.memory_space<hbm>> -> memref<128xf32, #tpu.memory_space<hbm>>
        tpu.enqueue_dma source(%arg11 : memref<128xf32, #tpu.memory_space<vmem>>) target(%dma_start3A_2231 : memref<128xf32, #tpu.memory_space<hbm>>) target_semaphore(%run_scoped3A_2229 : memref<!tpu.dma_semaphore, #tpu.memory_space<semaphore_mem>>)
        %dma_wait3A_2232 = tpu.memref_slice %arg6[%add3A_1368] : memref<819200xf32, #tpu.memory_space<hbm>> -> memref<128xf32, #tpu.memory_space<hbm>>
        %dma_wait3A_2233 = tpu.memref_slice %arg6[%add3A_1368] : memref<819200xf32, #tpu.memory_space<hbm>> -> memref<128xf32, #tpu.memory_space<hbm>>
        tpu.wait_dma2 semaphore(%run_scoped3A_2229 : memref<!tpu.dma_semaphore, #tpu.memory_space<semaphore_mem>>) src(%arg11 : memref<128xf32, #tpu.memory_space<vmem>>) dst(%dma_wait3A_2233 : memref<128xf32, #tpu.memory_space<hbm>>)
        tpu.yield
      }) : () -> ()
      %add3A_1537 = arith.constant 4 : i32
      %add3A_1538 = arith.addi %mul3A_13, %add3A_1537 : i32
      %mul3A_1539 = arith.constant 128 : i32
      %mul3A_1540 = arith.muli %add3A_1538, %mul3A_1539 : i32
      %add3A_1541 = arith.addi %mul3A_2, %mul3A_1540 : i32
      %dma_wait3A_1542 = arith.constant 4 : i32
      %dma_wait3A_1543 = arith.constant 0 : i32
      %dma_wait3A_1544 = arith.constant 0 : i32
      %dma_wait3A_1545 = tpu.memref_slice %arg8[%dma_wait3A_1542, %dma_wait3A_1543, %dma_wait3A_1544] : memref<8x128x64xf32, #tpu.memory_space<vmem>> -> memref<1x128x64xf32, #tpu.memory_space<vmem>>
      %dma_wait3A_1546 = tpu.memref_squeeze %dma_wait3A_1545 : memref<1x128x64xf32, #tpu.memory_space<vmem>> -> memref<128x64xf32, #tpu.memory_space<vmem>>
      %dma_wait3A_1547 = arith.constant 0 : i32
      %dma_wait3A_1548 = tpu.memref_slice %arg7[%add3A_431, %dma_wait3A_1547] : memref<200x128xi32, #tpu.memory_space<vmem>> -> memref<1x128xi32, #tpu.memory_space<vmem>>
      %dma_wait3A_1549 = tpu.memref_squeeze %dma_wait3A_1548 : memref<1x128xi32, #tpu.memory_space<vmem>> -> memref<128xi32, #tpu.memory_space<vmem>>
      %dma_wait3A_1550 = arith.constant 0 : i32
      %dma_wait3A_1551 = arith.constant 0 : i32
      %dma_wait3A_1552 = tpu.memref_slice %arg3[%dma_wait3A_1550, %dma_wait3A_1551] : memref<1000000x64xf32, #tpu.memory_space<hbm>> -> memref<1000000x64xf32, #tpu.memory_space<hbm>>
      tpu.wait_indirect_dma semaphore(%arg16 : memref<!tpu.dma_semaphore, #tpu.memory_space<semaphore_mem>>) src(%dma_wait3A_1552 : memref<1000000x64xf32, #tpu.memory_space<hbm>>) dst(%dma_wait3A_1546 : memref<128x64xf32, #tpu.memory_space<vmem>>)
      %run_scoped3A_1553 = arith.constant 4 : i32
      "tpu.region"() ({
        %run_scoped3A_2229 = tpu.sem_alloc : memref<!tpu.dma_semaphore, #tpu.memory_space<semaphore_mem>>
        %dma_start3A_2230 = arith.constant 0 : i32
        %dma_start3A_2231 = arith.constant 0 : i32
        %dma_start3A_2232 = tpu.memref_slice %arg8[%run_scoped3A_1553, %dma_start3A_2230, %dma_start3A_2231] : memref<8x128x64xf32, #tpu.memory_space<vmem>> -> memref<1x128x64xf32, #tpu.memory_space<vmem>>
        %dma_start3A_2233 = tpu.memref_squeeze %dma_start3A_2232 : memref<1x128x64xf32, #tpu.memory_space<vmem>> -> memref<128x64xf32, #tpu.memory_space<vmem>>
        %dma_start3A_2234 = arith.constant 0 : i32
        %dma_start3A_2235 = tpu.memref_slice %arg5[%add3A_1541, %dma_start3A_2234] : memref<819200x64xf32, #tpu.memory_space<hbm>> -> memref<128x64xf32, #tpu.memory_space<hbm>>
        %dma_start3A_2236 = arith.constant 0 : i32
        %dma_start3A_2237 = tpu.memref_slice %arg5[%add3A_1541, %dma_start3A_2236] : memref<819200x64xf32, #tpu.memory_space<hbm>> -> memref<128x64xf32, #tpu.memory_space<hbm>>
        %dma_start3A_2238 = arith.constant 0 : i32
        %dma_start3A_2239 = arith.constant 0 : i32
        %dma_start3A_2240 = tpu.memref_slice %arg8[%run_scoped3A_1553, %dma_start3A_2238, %dma_start3A_2239] : memref<8x128x64xf32, #tpu.memory_space<vmem>> -> memref<1x128x64xf32, #tpu.memory_space<vmem>>
        %dma_start3A_2241 = tpu.memref_squeeze %dma_start3A_2240 : memref<1x128x64xf32, #tpu.memory_space<vmem>> -> memref<128x64xf32, #tpu.memory_space<vmem>>
        tpu.enqueue_dma source(%dma_start3A_2241 : memref<128x64xf32, #tpu.memory_space<vmem>>) target(%dma_start3A_2237 : memref<128x64xf32, #tpu.memory_space<hbm>>) target_semaphore(%run_scoped3A_2229 : memref<!tpu.dma_semaphore, #tpu.memory_space<semaphore_mem>>)
        %dma_wait3A_2242 = arith.constant 0 : i32
        %dma_wait3A_2243 = arith.constant 0 : i32
        %dma_wait3A_2244 = tpu.memref_slice %arg8[%run_scoped3A_1553, %dma_wait3A_2242, %dma_wait3A_2243] : memref<8x128x64xf32, #tpu.memory_space<vmem>> -> memref<1x128x64xf32, #tpu.memory_space<vmem>>
        %dma_wait3A_2245 = tpu.memref_squeeze %dma_wait3A_2244 : memref<1x128x64xf32, #tpu.memory_space<vmem>> -> memref<128x64xf32, #tpu.memory_space<vmem>>
        %dma_wait3A_2246 = arith.constant 0 : i32
        %dma_wait3A_2247 = tpu.memref_slice %arg5[%add3A_1541, %dma_wait3A_2246] : memref<819200x64xf32, #tpu.memory_space<hbm>> -> memref<128x64xf32, #tpu.memory_space<hbm>>
        %dma_wait3A_2248 = arith.constant 0 : i32
        %dma_wait3A_2249 = tpu.memref_slice %arg5[%add3A_1541, %dma_wait3A_2248] : memref<819200x64xf32, #tpu.memory_space<hbm>> -> memref<128x64xf32, #tpu.memory_space<hbm>>
        %dma_wait3A_2250 = arith.constant 0 : i32
        %dma_wait3A_2251 = arith.constant 0 : i32
        %dma_wait3A_2252 = tpu.memref_slice %arg8[%run_scoped3A_1553, %dma_wait3A_2250, %dma_wait3A_2251] : memref<8x128x64xf32, #tpu.memory_space<vmem>> -> memref<1x128x64xf32, #tpu.memory_space<vmem>>
        %dma_wait3A_2253 = tpu.memref_squeeze %dma_wait3A_2252 : memref<1x128x64xf32, #tpu.memory_space<vmem>> -> memref<128x64xf32, #tpu.memory_space<vmem>>
        tpu.wait_dma2 semaphore(%run_scoped3A_2229 : memref<!tpu.dma_semaphore, #tpu.memory_space<semaphore_mem>>) src(%dma_wait3A_2253 : memref<128x64xf32, #tpu.memory_space<vmem>>) dst(%dma_wait3A_2249 : memref<128x64xf32, #tpu.memory_space<hbm>>)
        tpu.yield
      }) : () -> ()
      %dma_wait3A_1554 = arith.constant 4 : i32
      %dma_wait3A_1555 = arith.constant 4 : i32
      %dma_wait3A_1556 = arith.constant 0 : i32
      %dma_wait3A_1557 = arith.constant 0 : i32
      %dma_wait3A_1558 = tpu.memref_slice %arg10[%dma_wait3A_1555, %dma_wait3A_1556, %dma_wait3A_1557] : memref<8x128x16xf32, #tpu.memory_space<vmem>> -> memref<1x128x16xf32, #tpu.memory_space<vmem>>
      %dma_wait3A_1559 = tpu.memref_squeeze %dma_wait3A_1558 : memref<1x128x16xf32, #tpu.memory_space<vmem>> -> memref<128x16xf32, #tpu.memory_space<vmem>>
      %dma_wait3A_1560 = arith.constant 0 : i32
      %dma_wait3A_1561 = tpu.memref_slice %arg9[%dma_wait3A_1554, %dma_wait3A_1560] : memref<8x128xi32, #tpu.memory_space<vmem>> -> memref<1x128xi32, #tpu.memory_space<vmem>>
      %dma_wait3A_1562 = tpu.memref_squeeze %dma_wait3A_1561 : memref<1x128xi32, #tpu.memory_space<vmem>> -> memref<128xi32, #tpu.memory_space<vmem>>
      %dma_wait3A_1563 = arith.constant 0 : i32
      %dma_wait3A_1564 = arith.constant 0 : i32
      %dma_wait3A_1565 = tpu.memref_slice %arg4[%dma_wait3A_1563, %dma_wait3A_1564] : memref<62500x16xf32, #tpu.memory_space<hbm>> -> memref<62500x16xf32, #tpu.memory_space<hbm>>
      tpu.wait_indirect_dma semaphore(%arg24 : memref<!tpu.dma_semaphore, #tpu.memory_space<semaphore_mem>>) src(%dma_wait3A_1565 : memref<62500x16xf32, #tpu.memory_space<hbm>>) dst(%dma_wait3A_1559 : memref<128x16xf32, #tpu.memory_space<vmem>>)
      %iota3A_1566 = tpu.iota {dimensions = array<i32: 0>} : vector<16xi32>
      %add3A_1567 = arith.constant 0 : i32
      %add3A_1568 = vector.broadcast %add3A_1567 : i32 to vector<16xi32>
      %add3A_1569 = arith.addi %iota3A_1566, %add3A_1568 : vector<16xi32>
      %get3A_1570 = arith.index_cast %add3A_1538 : i32 to index
      %get3A_1571 = arith.constant 0 : index
      %get3A_1572 = tpu.vector_load %arg7[%get3A_1570, %get3A_1571] {strides = array<i32>} : memref<200x128xi32, #tpu.memory_space<vmem>>, vector<16xi32>,
      %and3A_1573 = arith.constant 15 : i32
      %and3A_1574 = vector.broadcast %and3A_1573 : i32 to vector<16xi32>
      %and3A_1575 = arith.andi %get3A_1572, %and3A_1574 : vector<16xi32>
      %gather3A_1576 = arith.constant 4 : i32
      %gather3A_1577 = arith.constant 0 : i32
      %gather3A_1578 = arith.constant 0 : i32
      %gather3A_1579 = tpu.memref_slice %arg10[%gather3A_1576, %gather3A_1577, %gather3A_1578] : memref<8x128x16xf32, #tpu.memory_space<vmem>> -> memref<1x128x16xf32, #tpu.memory_space<vmem>>
      %gather3A_1580 = tpu.memref_squeeze %gather3A_1579 : memref<1x128x16xf32, #tpu.memory_space<vmem>> -> memref<128x16xf32, #tpu.memory_space<vmem>>
      %gather3A_1581 = tpu.vector_load_idx %gather3A_1580[%add3A_1569, %and3A_1575] : memref<128x16xf32, #tpu.memory_space<vmem>>[vector<16xi32>, vector<16xi32>], vector<16xf32>,
      %swap3A_1582 = arith.constant 0 : index
      %swap3A_1583 = tpu.vector_load %arg11[%swap3A_1582] {strides = array<i32>} : memref<128xf32, #tpu.memory_space<vmem>>, vector<16xf32>,
      tpu.vector_store %arg11[%swap3A_1582], %gather3A_1581 {strides = array<i32>} : memref<128xf32, #tpu.memory_space<vmem>>, vector<16xf32>,
      %iota3A_1584 = tpu.iota {dimensions = array<i32: 0>} : vector<16xi32>
      %add3A_1585 = arith.constant 16 : i32
      %add3A_1586 = vector.broadcast %add3A_1585 : i32 to vector<16xi32>
      %add3A_1587 = arith.addi %iota3A_1584, %add3A_1586 : vector<16xi32>
      %get3A_1588 = arith.index_cast %add3A_1538 : i32 to index
      %get3A_1589 = arith.constant 16 : index
      %get3A_1590 = tpu.vector_load %arg7[%get3A_1588, %get3A_1589] {strides = array<i32>} : memref<200x128xi32, #tpu.memory_space<vmem>>, vector<16xi32>,
      %and3A_1591 = arith.constant 15 : i32
      %and3A_1592 = vector.broadcast %and3A_1591 : i32 to vector<16xi32>
      %and3A_1593 = arith.andi %get3A_1590, %and3A_1592 : vector<16xi32>
      %gather3A_1594 = arith.constant 4 : i32
      %gather3A_1595 = arith.constant 0 : i32
      %gather3A_1596 = arith.constant 0 : i32
      %gather3A_1597 = tpu.memref_slice %arg10[%gather3A_1594, %gather3A_1595, %gather3A_1596] : memref<8x128x16xf32, #tpu.memory_space<vmem>> -> memref<1x128x16xf32, #tpu.memory_space<vmem>>
      %gather3A_1598 = tpu.memref_squeeze %gather3A_1597 : memref<1x128x16xf32, #tpu.memory_space<vmem>> -> memref<128x16xf32, #tpu.memory_space<vmem>>
      %gather3A_1599 = tpu.vector_load_idx %gather3A_1598[%add3A_1587, %and3A_1593] : memref<128x16xf32, #tpu.memory_space<vmem>>[vector<16xi32>, vector<16xi32>], vector<16xf32>,
      %swap3A_1600 = arith.constant 16 : index
      %swap3A_1601 = tpu.vector_load %arg11[%swap3A_1600] {strides = array<i32>} : memref<128xf32, #tpu.memory_space<vmem>>, vector<16xf32>,
      tpu.vector_store %arg11[%swap3A_1600], %gather3A_1599 {strides = array<i32>} : memref<128xf32, #tpu.memory_space<vmem>>, vector<16xf32>,
      %iota3A_1602 = tpu.iota {dimensions = array<i32: 0>} : vector<16xi32>
      %add3A_1603 = arith.constant 32 : i32
      %add3A_1604 = vector.broadcast %add3A_1603 : i32 to vector<16xi32>
      %add3A_1605 = arith.addi %iota3A_1602, %add3A_1604 : vector<16xi32>
      %get3A_1606 = arith.index_cast %add3A_1538 : i32 to index
      %get3A_1607 = arith.constant 32 : index
      %get3A_1608 = tpu.vector_load %arg7[%get3A_1606, %get3A_1607] {strides = array<i32>} : memref<200x128xi32, #tpu.memory_space<vmem>>, vector<16xi32>,
      %and3A_1609 = arith.constant 15 : i32
      %and3A_1610 = vector.broadcast %and3A_1609 : i32 to vector<16xi32>
      %and3A_1611 = arith.andi %get3A_1608, %and3A_1610 : vector<16xi32>
      %gather3A_1612 = arith.constant 4 : i32
      %gather3A_1613 = arith.constant 0 : i32
      %gather3A_1614 = arith.constant 0 : i32
      %gather3A_1615 = tpu.memref_slice %arg10[%gather3A_1612, %gather3A_1613, %gather3A_1614] : memref<8x128x16xf32, #tpu.memory_space<vmem>> -> memref<1x128x16xf32, #tpu.memory_space<vmem>>
      %gather3A_1616 = tpu.memref_squeeze %gather3A_1615 : memref<1x128x16xf32, #tpu.memory_space<vmem>> -> memref<128x16xf32, #tpu.memory_space<vmem>>
      %gather3A_1617 = tpu.vector_load_idx %gather3A_1616[%add3A_1605, %and3A_1611] : memref<128x16xf32, #tpu.memory_space<vmem>>[vector<16xi32>, vector<16xi32>], vector<16xf32>,
      %swap3A_1618 = arith.constant 32 : index
      %swap3A_1619 = tpu.vector_load %arg11[%swap3A_1618] {strides = array<i32>} : memref<128xf32, #tpu.memory_space<vmem>>, vector<16xf32>,
      tpu.vector_store %arg11[%swap3A_1618], %gather3A_1617 {strides = array<i32>} : memref<128xf32, #tpu.memory_space<vmem>>, vector<16xf32>,
      %iota3A_1620 = tpu.iota {dimensions = array<i32: 0>} : vector<16xi32>
      %add3A_1621 = arith.constant 48 : i32
      %add3A_1622 = vector.broadcast %add3A_1621 : i32 to vector<16xi32>
      %add3A_1623 = arith.addi %iota3A_1620, %add3A_1622 : vector<16xi32>
      %get3A_1624 = arith.index_cast %add3A_1538 : i32 to index
      %get3A_1625 = arith.constant 48 : index
      %get3A_1626 = tpu.vector_load %arg7[%get3A_1624, %get3A_1625] {strides = array<i32>} : memref<200x128xi32, #tpu.memory_space<vmem>>, vector<16xi32>,
      %and3A_1627 = arith.constant 15 : i32
      %and3A_1628 = vector.broadcast %and3A_1627 : i32 to vector<16xi32>
      %and3A_1629 = arith.andi %get3A_1626, %and3A_1628 : vector<16xi32>
      %gather3A_1630 = arith.constant 4 : i32
      %gather3A_1631 = arith.constant 0 : i32
      %gather3A_1632 = arith.constant 0 : i32
      %gather3A_1633 = tpu.memref_slice %arg10[%gather3A_1630, %gather3A_1631, %gather3A_1632] : memref<8x128x16xf32, #tpu.memory_space<vmem>> -> memref<1x128x16xf32, #tpu.memory_space<vmem>>
      %gather3A_1634 = tpu.memref_squeeze %gather3A_1633 : memref<1x128x16xf32, #tpu.memory_space<vmem>> -> memref<128x16xf32, #tpu.memory_space<vmem>>
      %gather3A_1635 = tpu.vector_load_idx %gather3A_1634[%add3A_1623, %and3A_1629] : memref<128x16xf32, #tpu.memory_space<vmem>>[vector<16xi32>, vector<16xi32>], vector<16xf32>,
      %swap3A_1636 = arith.constant 48 : index
      %swap3A_1637 = tpu.vector_load %arg11[%swap3A_1636] {strides = array<i32>} : memref<128xf32, #tpu.memory_space<vmem>>, vector<16xf32>,
      tpu.vector_store %arg11[%swap3A_1636], %gather3A_1635 {strides = array<i32>} : memref<128xf32, #tpu.memory_space<vmem>>, vector<16xf32>,
      %iota3A_1638 = tpu.iota {dimensions = array<i32: 0>} : vector<16xi32>
      %add3A_1639 = arith.constant 64 : i32
      %add3A_1640 = vector.broadcast %add3A_1639 : i32 to vector<16xi32>
      %add3A_1641 = arith.addi %iota3A_1638, %add3A_1640 : vector<16xi32>
      %get3A_1642 = arith.index_cast %add3A_1538 : i32 to index
      %get3A_1643 = arith.constant 64 : index
      %get3A_1644 = tpu.vector_load %arg7[%get3A_1642, %get3A_1643] {strides = array<i32>} : memref<200x128xi32, #tpu.memory_space<vmem>>, vector<16xi32>,
      %and3A_1645 = arith.constant 15 : i32
      %and3A_1646 = vector.broadcast %and3A_1645 : i32 to vector<16xi32>
      %and3A_1647 = arith.andi %get3A_1644, %and3A_1646 : vector<16xi32>
      %gather3A_1648 = arith.constant 4 : i32
      %gather3A_1649 = arith.constant 0 : i32
      %gather3A_1650 = arith.constant 0 : i32
      %gather3A_1651 = tpu.memref_slice %arg10[%gather3A_1648, %gather3A_1649, %gather3A_1650] : memref<8x128x16xf32, #tpu.memory_space<vmem>> -> memref<1x128x16xf32, #tpu.memory_space<vmem>>
      %gather3A_1652 = tpu.memref_squeeze %gather3A_1651 : memref<1x128x16xf32, #tpu.memory_space<vmem>> -> memref<128x16xf32, #tpu.memory_space<vmem>>
      %gather3A_1653 = tpu.vector_load_idx %gather3A_1652[%add3A_1641, %and3A_1647] : memref<128x16xf32, #tpu.memory_space<vmem>>[vector<16xi32>, vector<16xi32>], vector<16xf32>,
      %swap3A_1654 = arith.constant 64 : index
      %swap3A_1655 = tpu.vector_load %arg11[%swap3A_1654] {strides = array<i32>} : memref<128xf32, #tpu.memory_space<vmem>>, vector<16xf32>,
      tpu.vector_store %arg11[%swap3A_1654], %gather3A_1653 {strides = array<i32>} : memref<128xf32, #tpu.memory_space<vmem>>, vector<16xf32>,
      %iota3A_1656 = tpu.iota {dimensions = array<i32: 0>} : vector<16xi32>
      %add3A_1657 = arith.constant 80 : i32
      %add3A_1658 = vector.broadcast %add3A_1657 : i32 to vector<16xi32>
      %add3A_1659 = arith.addi %iota3A_1656, %add3A_1658 : vector<16xi32>
      %get3A_1660 = arith.index_cast %add3A_1538 : i32 to index
      %get3A_1661 = arith.constant 80 : index
      %get3A_1662 = tpu.vector_load %arg7[%get3A_1660, %get3A_1661] {strides = array<i32>} : memref<200x128xi32, #tpu.memory_space<vmem>>, vector<16xi32>,
      %and3A_1663 = arith.constant 15 : i32
      %and3A_1664 = vector.broadcast %and3A_1663 : i32 to vector<16xi32>
      %and3A_1665 = arith.andi %get3A_1662, %and3A_1664 : vector<16xi32>
      %gather3A_1666 = arith.constant 4 : i32
      %gather3A_1667 = arith.constant 0 : i32
      %gather3A_1668 = arith.constant 0 : i32
      %gather3A_1669 = tpu.memref_slice %arg10[%gather3A_1666, %gather3A_1667, %gather3A_1668] : memref<8x128x16xf32, #tpu.memory_space<vmem>> -> memref<1x128x16xf32, #tpu.memory_space<vmem>>
      %gather3A_1670 = tpu.memref_squeeze %gather3A_1669 : memref<1x128x16xf32, #tpu.memory_space<vmem>> -> memref<128x16xf32, #tpu.memory_space<vmem>>
      %gather3A_1671 = tpu.vector_load_idx %gather3A_1670[%add3A_1659, %and3A_1665] : memref<128x16xf32, #tpu.memory_space<vmem>>[vector<16xi32>, vector<16xi32>], vector<16xf32>,
      %swap3A_1672 = arith.constant 80 : index
      %swap3A_1673 = tpu.vector_load %arg11[%swap3A_1672] {strides = array<i32>} : memref<128xf32, #tpu.memory_space<vmem>>, vector<16xf32>,
      tpu.vector_store %arg11[%swap3A_1672], %gather3A_1671 {strides = array<i32>} : memref<128xf32, #tpu.memory_space<vmem>>, vector<16xf32>,
      %iota3A_1674 = tpu.iota {dimensions = array<i32: 0>} : vector<16xi32>
      %add3A_1675 = arith.constant 96 : i32
      %add3A_1676 = vector.broadcast %add3A_1675 : i32 to vector<16xi32>
      %add3A_1677 = arith.addi %iota3A_1674, %add3A_1676 : vector<16xi32>
      %get3A_1678 = arith.index_cast %add3A_1538 : i32 to index
      %get3A_1679 = arith.constant 96 : index
      %get3A_1680 = tpu.vector_load %arg7[%get3A_1678, %get3A_1679] {strides = array<i32>} : memref<200x128xi32, #tpu.memory_space<vmem>>, vector<16xi32>,
      %and3A_1681 = arith.constant 15 : i32
      %and3A_1682 = vector.broadcast %and3A_1681 : i32 to vector<16xi32>
      %and3A_1683 = arith.andi %get3A_1680, %and3A_1682 : vector<16xi32>
      %gather3A_1684 = arith.constant 4 : i32
      %gather3A_1685 = arith.constant 0 : i32
      %gather3A_1686 = arith.constant 0 : i32
      %gather3A_1687 = tpu.memref_slice %arg10[%gather3A_1684, %gather3A_1685, %gather3A_1686] : memref<8x128x16xf32, #tpu.memory_space<vmem>> -> memref<1x128x16xf32, #tpu.memory_space<vmem>>
      %gather3A_1688 = tpu.memref_squeeze %gather3A_1687 : memref<1x128x16xf32, #tpu.memory_space<vmem>> -> memref<128x16xf32, #tpu.memory_space<vmem>>
      %gather3A_1689 = tpu.vector_load_idx %gather3A_1688[%add3A_1677, %and3A_1683] : memref<128x16xf32, #tpu.memory_space<vmem>>[vector<16xi32>, vector<16xi32>], vector<16xf32>,
      %swap3A_1690 = arith.constant 96 : index
      %swap3A_1691 = tpu.vector_load %arg11[%swap3A_1690] {strides = array<i32>} : memref<128xf32, #tpu.memory_space<vmem>>, vector<16xf32>,
      tpu.vector_store %arg11[%swap3A_1690], %gather3A_1689 {strides = array<i32>} : memref<128xf32, #tpu.memory_space<vmem>>, vector<16xf32>,
      %iota3A_1692 = tpu.iota {dimensions = array<i32: 0>} : vector<16xi32>
      %add3A_1693 = arith.constant 112 : i32
      %add3A_1694 = vector.broadcast %add3A_1693 : i32 to vector<16xi32>
      %add3A_1695 = arith.addi %iota3A_1692, %add3A_1694 : vector<16xi32>
      %get3A_1696 = arith.index_cast %add3A_1538 : i32 to index
      %get3A_1697 = arith.constant 112 : index
      %get3A_1698 = tpu.vector_load %arg7[%get3A_1696, %get3A_1697] {strides = array<i32>} : memref<200x128xi32, #tpu.memory_space<vmem>>, vector<16xi32>,
      %and3A_1699 = arith.constant 15 : i32
      %and3A_1700 = vector.broadcast %and3A_1699 : i32 to vector<16xi32>
      %and3A_1701 = arith.andi %get3A_1698, %and3A_1700 : vector<16xi32>
      %gather3A_1702 = arith.constant 4 : i32
      %gather3A_1703 = arith.constant 0 : i32
      %gather3A_1704 = arith.constant 0 : i32
      %gather3A_1705 = tpu.memref_slice %arg10[%gather3A_1702, %gather3A_1703, %gather3A_1704] : memref<8x128x16xf32, #tpu.memory_space<vmem>> -> memref<1x128x16xf32, #tpu.memory_space<vmem>>
      %gather3A_1706 = tpu.memref_squeeze %gather3A_1705 : memref<1x128x16xf32, #tpu.memory_space<vmem>> -> memref<128x16xf32, #tpu.memory_space<vmem>>
      %gather3A_1707 = tpu.vector_load_idx %gather3A_1706[%add3A_1695, %and3A_1701] : memref<128x16xf32, #tpu.memory_space<vmem>>[vector<16xi32>, vector<16xi32>], vector<16xf32>,
      %swap3A_1708 = arith.constant 112 : index
      %swap3A_1709 = tpu.vector_load %arg11[%swap3A_1708] {strides = array<i32>} : memref<128xf32, #tpu.memory_space<vmem>>, vector<16xf32>,
      tpu.vector_store %arg11[%swap3A_1708], %gather3A_1707 {strides = array<i32>} : memref<128xf32, #tpu.memory_space<vmem>>, vector<16xf32>,
      "tpu.region"() ({
        %run_scoped3A_2229 = tpu.sem_alloc : memref<!tpu.dma_semaphore, #tpu.memory_space<semaphore_mem>>
        %dma_start3A_2230 = tpu.memref_slice %arg6[%add3A_1541] : memref<819200xf32, #tpu.memory_space<hbm>> -> memref<128xf32, #tpu.memory_space<hbm>>
        %dma_start3A_2231 = tpu.memref_slice %arg6[%add3A_1541] : memref<819200xf32, #tpu.memory_space<hbm>> -> memref<128xf32, #tpu.memory_space<hbm>>
        tpu.enqueue_dma source(%arg11 : memref<128xf32, #tpu.memory_space<vmem>>) target(%dma_start3A_2231 : memref<128xf32, #tpu.memory_space<hbm>>) target_semaphore(%run_scoped3A_2229 : memref<!tpu.dma_semaphore, #tpu.memory_space<semaphore_mem>>)
        %dma_wait3A_2232 = tpu.memref_slice %arg6[%add3A_1541] : memref<819200xf32, #tpu.memory_space<hbm>> -> memref<128xf32, #tpu.memory_space<hbm>>
        %dma_wait3A_2233 = tpu.memref_slice %arg6[%add3A_1541] : memref<819200xf32, #tpu.memory_space<hbm>> -> memref<128xf32, #tpu.memory_space<hbm>>
        tpu.wait_dma2 semaphore(%run_scoped3A_2229 : memref<!tpu.dma_semaphore, #tpu.memory_space<semaphore_mem>>) src(%arg11 : memref<128xf32, #tpu.memory_space<vmem>>) dst(%dma_wait3A_2233 : memref<128xf32, #tpu.memory_space<hbm>>)
        tpu.yield
      }) : () -> ()
      %add3A_1710 = arith.constant 5 : i32
      %add3A_1711 = arith.addi %mul3A_13, %add3A_1710 : i32
      %mul3A_1712 = arith.constant 128 : i32
      %mul3A_1713 = arith.muli %add3A_1711, %mul3A_1712 : i32
      %add3A_1714 = arith.addi %mul3A_2, %mul3A_1713 : i32
      %dma_wait3A_1715 = arith.constant 5 : i32
      %dma_wait3A_1716 = arith.constant 0 : i32
      %dma_wait3A_1717 = arith.constant 0 : i32
      %dma_wait3A_1718 = tpu.memref_slice %arg8[%dma_wait3A_1715, %dma_wait3A_1716, %dma_wait3A_1717] : memref<8x128x64xf32, #tpu.memory_space<vmem>> -> memref<1x128x64xf32, #tpu.memory_space<vmem>>
      %dma_wait3A_1719 = tpu.memref_squeeze %dma_wait3A_1718 : memref<1x128x64xf32, #tpu.memory_space<vmem>> -> memref<128x64xf32, #tpu.memory_space<vmem>>
      %dma_wait3A_1720 = arith.constant 0 : i32
      %dma_wait3A_1721 = tpu.memref_slice %arg7[%add3A_536, %dma_wait3A_1720] : memref<200x128xi32, #tpu.memory_space<vmem>> -> memref<1x128xi32, #tpu.memory_space<vmem>>
      %dma_wait3A_1722 = tpu.memref_squeeze %dma_wait3A_1721 : memref<1x128xi32, #tpu.memory_space<vmem>> -> memref<128xi32, #tpu.memory_space<vmem>>
      %dma_wait3A_1723 = arith.constant 0 : i32
      %dma_wait3A_1724 = arith.constant 0 : i32
      %dma_wait3A_1725 = tpu.memref_slice %arg3[%dma_wait3A_1723, %dma_wait3A_1724] : memref<1000000x64xf32, #tpu.memory_space<hbm>> -> memref<1000000x64xf32, #tpu.memory_space<hbm>>
      tpu.wait_indirect_dma semaphore(%arg17 : memref<!tpu.dma_semaphore, #tpu.memory_space<semaphore_mem>>) src(%dma_wait3A_1725 : memref<1000000x64xf32, #tpu.memory_space<hbm>>) dst(%dma_wait3A_1719 : memref<128x64xf32, #tpu.memory_space<vmem>>)
      %run_scoped3A_1726 = arith.constant 5 : i32
      "tpu.region"() ({
        %run_scoped3A_2229 = tpu.sem_alloc : memref<!tpu.dma_semaphore, #tpu.memory_space<semaphore_mem>>
        %dma_start3A_2230 = arith.constant 0 : i32
        %dma_start3A_2231 = arith.constant 0 : i32
        %dma_start3A_2232 = tpu.memref_slice %arg8[%run_scoped3A_1726, %dma_start3A_2230, %dma_start3A_2231] : memref<8x128x64xf32, #tpu.memory_space<vmem>> -> memref<1x128x64xf32, #tpu.memory_space<vmem>>
        %dma_start3A_2233 = tpu.memref_squeeze %dma_start3A_2232 : memref<1x128x64xf32, #tpu.memory_space<vmem>> -> memref<128x64xf32, #tpu.memory_space<vmem>>
        %dma_start3A_2234 = arith.constant 0 : i32
        %dma_start3A_2235 = tpu.memref_slice %arg5[%add3A_1714, %dma_start3A_2234] : memref<819200x64xf32, #tpu.memory_space<hbm>> -> memref<128x64xf32, #tpu.memory_space<hbm>>
        %dma_start3A_2236 = arith.constant 0 : i32
        %dma_start3A_2237 = tpu.memref_slice %arg5[%add3A_1714, %dma_start3A_2236] : memref<819200x64xf32, #tpu.memory_space<hbm>> -> memref<128x64xf32, #tpu.memory_space<hbm>>
        %dma_start3A_2238 = arith.constant 0 : i32
        %dma_start3A_2239 = arith.constant 0 : i32
        %dma_start3A_2240 = tpu.memref_slice %arg8[%run_scoped3A_1726, %dma_start3A_2238, %dma_start3A_2239] : memref<8x128x64xf32, #tpu.memory_space<vmem>> -> memref<1x128x64xf32, #tpu.memory_space<vmem>>
        %dma_start3A_2241 = tpu.memref_squeeze %dma_start3A_2240 : memref<1x128x64xf32, #tpu.memory_space<vmem>> -> memref<128x64xf32, #tpu.memory_space<vmem>>
        tpu.enqueue_dma source(%dma_start3A_2241 : memref<128x64xf32, #tpu.memory_space<vmem>>) target(%dma_start3A_2237 : memref<128x64xf32, #tpu.memory_space<hbm>>) target_semaphore(%run_scoped3A_2229 : memref<!tpu.dma_semaphore, #tpu.memory_space<semaphore_mem>>)
        %dma_wait3A_2242 = arith.constant 0 : i32
        %dma_wait3A_2243 = arith.constant 0 : i32
        %dma_wait3A_2244 = tpu.memref_slice %arg8[%run_scoped3A_1726, %dma_wait3A_2242, %dma_wait3A_2243] : memref<8x128x64xf32, #tpu.memory_space<vmem>> -> memref<1x128x64xf32, #tpu.memory_space<vmem>>
        %dma_wait3A_2245 = tpu.memref_squeeze %dma_wait3A_2244 : memref<1x128x64xf32, #tpu.memory_space<vmem>> -> memref<128x64xf32, #tpu.memory_space<vmem>>
        %dma_wait3A_2246 = arith.constant 0 : i32
        %dma_wait3A_2247 = tpu.memref_slice %arg5[%add3A_1714, %dma_wait3A_2246] : memref<819200x64xf32, #tpu.memory_space<hbm>> -> memref<128x64xf32, #tpu.memory_space<hbm>>
        %dma_wait3A_2248 = arith.constant 0 : i32
        %dma_wait3A_2249 = tpu.memref_slice %arg5[%add3A_1714, %dma_wait3A_2248] : memref<819200x64xf32, #tpu.memory_space<hbm>> -> memref<128x64xf32, #tpu.memory_space<hbm>>
        %dma_wait3A_2250 = arith.constant 0 : i32
        %dma_wait3A_2251 = arith.constant 0 : i32
        %dma_wait3A_2252 = tpu.memref_slice %arg8[%run_scoped3A_1726, %dma_wait3A_2250, %dma_wait3A_2251] : memref<8x128x64xf32, #tpu.memory_space<vmem>> -> memref<1x128x64xf32, #tpu.memory_space<vmem>>
        %dma_wait3A_2253 = tpu.memref_squeeze %dma_wait3A_2252 : memref<1x128x64xf32, #tpu.memory_space<vmem>> -> memref<128x64xf32, #tpu.memory_space<vmem>>
        tpu.wait_dma2 semaphore(%run_scoped3A_2229 : memref<!tpu.dma_semaphore, #tpu.memory_space<semaphore_mem>>) src(%dma_wait3A_2253 : memref<128x64xf32, #tpu.memory_space<vmem>>) dst(%dma_wait3A_2249 : memref<128x64xf32, #tpu.memory_space<hbm>>)
        tpu.yield
      }) : () -> ()
      %dma_wait3A_1727 = arith.constant 5 : i32
      %dma_wait3A_1728 = arith.constant 5 : i32
      %dma_wait3A_1729 = arith.constant 0 : i32
      %dma_wait3A_1730 = arith.constant 0 : i32
      %dma_wait3A_1731 = tpu.memref_slice %arg10[%dma_wait3A_1728, %dma_wait3A_1729, %dma_wait3A_1730] : memref<8x128x16xf32, #tpu.memory_space<vmem>> -> memref<1x128x16xf32, #tpu.memory_space<vmem>>
      %dma_wait3A_1732 = tpu.memref_squeeze %dma_wait3A_1731 : memref<1x128x16xf32, #tpu.memory_space<vmem>> -> memref<128x16xf32, #tpu.memory_space<vmem>>
      %dma_wait3A_1733 = arith.constant 0 : i32
      %dma_wait3A_1734 = tpu.memref_slice %arg9[%dma_wait3A_1727, %dma_wait3A_1733] : memref<8x128xi32, #tpu.memory_space<vmem>> -> memref<1x128xi32, #tpu.memory_space<vmem>>
      %dma_wait3A_1735 = tpu.memref_squeeze %dma_wait3A_1734 : memref<1x128xi32, #tpu.memory_space<vmem>> -> memref<128xi32, #tpu.memory_space<vmem>>
      %dma_wait3A_1736 = arith.constant 0 : i32
      %dma_wait3A_1737 = arith.constant 0 : i32
      %dma_wait3A_1738 = tpu.memref_slice %arg4[%dma_wait3A_1736, %dma_wait3A_1737] : memref<62500x16xf32, #tpu.memory_space<hbm>> -> memref<62500x16xf32, #tpu.memory_space<hbm>>
      tpu.wait_indirect_dma semaphore(%arg25 : memref<!tpu.dma_semaphore, #tpu.memory_space<semaphore_mem>>) src(%dma_wait3A_1738 : memref<62500x16xf32, #tpu.memory_space<hbm>>) dst(%dma_wait3A_1732 : memref<128x16xf32, #tpu.memory_space<vmem>>)
      %iota3A_1739 = tpu.iota {dimensions = array<i32: 0>} : vector<16xi32>
      %add3A_1740 = arith.constant 0 : i32
      %add3A_1741 = vector.broadcast %add3A_1740 : i32 to vector<16xi32>
      %add3A_1742 = arith.addi %iota3A_1739, %add3A_1741 : vector<16xi32>
      %get3A_1743 = arith.index_cast %add3A_1711 : i32 to index
      %get3A_1744 = arith.constant 0 : index
      %get3A_1745 = tpu.vector_load %arg7[%get3A_1743, %get3A_1744] {strides = array<i32>} : memref<200x128xi32, #tpu.memory_space<vmem>>, vector<16xi32>,
      %and3A_1746 = arith.constant 15 : i32
      %and3A_1747 = vector.broadcast %and3A_1746 : i32 to vector<16xi32>
      %and3A_1748 = arith.andi %get3A_1745, %and3A_1747 : vector<16xi32>
      %gather3A_1749 = arith.constant 5 : i32
      %gather3A_1750 = arith.constant 0 : i32
      %gather3A_1751 = arith.constant 0 : i32
      %gather3A_1752 = tpu.memref_slice %arg10[%gather3A_1749, %gather3A_1750, %gather3A_1751] : memref<8x128x16xf32, #tpu.memory_space<vmem>> -> memref<1x128x16xf32, #tpu.memory_space<vmem>>
      %gather3A_1753 = tpu.memref_squeeze %gather3A_1752 : memref<1x128x16xf32, #tpu.memory_space<vmem>> -> memref<128x16xf32, #tpu.memory_space<vmem>>
      %gather3A_1754 = tpu.vector_load_idx %gather3A_1753[%add3A_1742, %and3A_1748] : memref<128x16xf32, #tpu.memory_space<vmem>>[vector<16xi32>, vector<16xi32>], vector<16xf32>,
      %swap3A_1755 = arith.constant 0 : index
      %swap3A_1756 = tpu.vector_load %arg11[%swap3A_1755] {strides = array<i32>} : memref<128xf32, #tpu.memory_space<vmem>>, vector<16xf32>,
      tpu.vector_store %arg11[%swap3A_1755], %gather3A_1754 {strides = array<i32>} : memref<128xf32, #tpu.memory_space<vmem>>, vector<16xf32>,
      %iota3A_1757 = tpu.iota {dimensions = array<i32: 0>} : vector<16xi32>
      %add3A_1758 = arith.constant 16 : i32
      %add3A_1759 = vector.broadcast %add3A_1758 : i32 to vector<16xi32>
      %add3A_1760 = arith.addi %iota3A_1757, %add3A_1759 : vector<16xi32>
      %get3A_1761 = arith.index_cast %add3A_1711 : i32 to index
      %get3A_1762 = arith.constant 16 : index
      %get3A_1763 = tpu.vector_load %arg7[%get3A_1761, %get3A_1762] {strides = array<i32>} : memref<200x128xi32, #tpu.memory_space<vmem>>, vector<16xi32>,
      %and3A_1764 = arith.constant 15 : i32
      %and3A_1765 = vector.broadcast %and3A_1764 : i32 to vector<16xi32>
      %and3A_1766 = arith.andi %get3A_1763, %and3A_1765 : vector<16xi32>
      %gather3A_1767 = arith.constant 5 : i32
      %gather3A_1768 = arith.constant 0 : i32
      %gather3A_1769 = arith.constant 0 : i32
      %gather3A_1770 = tpu.memref_slice %arg10[%gather3A_1767, %gather3A_1768, %gather3A_1769] : memref<8x128x16xf32, #tpu.memory_space<vmem>> -> memref<1x128x16xf32, #tpu.memory_space<vmem>>
      %gather3A_1771 = tpu.memref_squeeze %gather3A_1770 : memref<1x128x16xf32, #tpu.memory_space<vmem>> -> memref<128x16xf32, #tpu.memory_space<vmem>>
      %gather3A_1772 = tpu.vector_load_idx %gather3A_1771[%add3A_1760, %and3A_1766] : memref<128x16xf32, #tpu.memory_space<vmem>>[vector<16xi32>, vector<16xi32>], vector<16xf32>,
      %swap3A_1773 = arith.constant 16 : index
      %swap3A_1774 = tpu.vector_load %arg11[%swap3A_1773] {strides = array<i32>} : memref<128xf32, #tpu.memory_space<vmem>>, vector<16xf32>,
      tpu.vector_store %arg11[%swap3A_1773], %gather3A_1772 {strides = array<i32>} : memref<128xf32, #tpu.memory_space<vmem>>, vector<16xf32>,
      %iota3A_1775 = tpu.iota {dimensions = array<i32: 0>} : vector<16xi32>
      %add3A_1776 = arith.constant 32 : i32
      %add3A_1777 = vector.broadcast %add3A_1776 : i32 to vector<16xi32>
      %add3A_1778 = arith.addi %iota3A_1775, %add3A_1777 : vector<16xi32>
      %get3A_1779 = arith.index_cast %add3A_1711 : i32 to index
      %get3A_1780 = arith.constant 32 : index
      %get3A_1781 = tpu.vector_load %arg7[%get3A_1779, %get3A_1780] {strides = array<i32>} : memref<200x128xi32, #tpu.memory_space<vmem>>, vector<16xi32>,
      %and3A_1782 = arith.constant 15 : i32
      %and3A_1783 = vector.broadcast %and3A_1782 : i32 to vector<16xi32>
      %and3A_1784 = arith.andi %get3A_1781, %and3A_1783 : vector<16xi32>
      %gather3A_1785 = arith.constant 5 : i32
      %gather3A_1786 = arith.constant 0 : i32
      %gather3A_1787 = arith.constant 0 : i32
      %gather3A_1788 = tpu.memref_slice %arg10[%gather3A_1785, %gather3A_1786, %gather3A_1787] : memref<8x128x16xf32, #tpu.memory_space<vmem>> -> memref<1x128x16xf32, #tpu.memory_space<vmem>>
      %gather3A_1789 = tpu.memref_squeeze %gather3A_1788 : memref<1x128x16xf32, #tpu.memory_space<vmem>> -> memref<128x16xf32, #tpu.memory_space<vmem>>
      %gather3A_1790 = tpu.vector_load_idx %gather3A_1789[%add3A_1778, %and3A_1784] : memref<128x16xf32, #tpu.memory_space<vmem>>[vector<16xi32>, vector<16xi32>], vector<16xf32>,
      %swap3A_1791 = arith.constant 32 : index
      %swap3A_1792 = tpu.vector_load %arg11[%swap3A_1791] {strides = array<i32>} : memref<128xf32, #tpu.memory_space<vmem>>, vector<16xf32>,
      tpu.vector_store %arg11[%swap3A_1791], %gather3A_1790 {strides = array<i32>} : memref<128xf32, #tpu.memory_space<vmem>>, vector<16xf32>,
      %iota3A_1793 = tpu.iota {dimensions = array<i32: 0>} : vector<16xi32>
      %add3A_1794 = arith.constant 48 : i32
      %add3A_1795 = vector.broadcast %add3A_1794 : i32 to vector<16xi32>
      %add3A_1796 = arith.addi %iota3A_1793, %add3A_1795 : vector<16xi32>
      %get3A_1797 = arith.index_cast %add3A_1711 : i32 to index
      %get3A_1798 = arith.constant 48 : index
      %get3A_1799 = tpu.vector_load %arg7[%get3A_1797, %get3A_1798] {strides = array<i32>} : memref<200x128xi32, #tpu.memory_space<vmem>>, vector<16xi32>,
      %and3A_1800 = arith.constant 15 : i32
      %and3A_1801 = vector.broadcast %and3A_1800 : i32 to vector<16xi32>
      %and3A_1802 = arith.andi %get3A_1799, %and3A_1801 : vector<16xi32>
      %gather3A_1803 = arith.constant 5 : i32
      %gather3A_1804 = arith.constant 0 : i32
      %gather3A_1805 = arith.constant 0 : i32
      %gather3A_1806 = tpu.memref_slice %arg10[%gather3A_1803, %gather3A_1804, %gather3A_1805] : memref<8x128x16xf32, #tpu.memory_space<vmem>> -> memref<1x128x16xf32, #tpu.memory_space<vmem>>
      %gather3A_1807 = tpu.memref_squeeze %gather3A_1806 : memref<1x128x16xf32, #tpu.memory_space<vmem>> -> memref<128x16xf32, #tpu.memory_space<vmem>>
      %gather3A_1808 = tpu.vector_load_idx %gather3A_1807[%add3A_1796, %and3A_1802] : memref<128x16xf32, #tpu.memory_space<vmem>>[vector<16xi32>, vector<16xi32>], vector<16xf32>,
      %swap3A_1809 = arith.constant 48 : index
      %swap3A_1810 = tpu.vector_load %arg11[%swap3A_1809] {strides = array<i32>} : memref<128xf32, #tpu.memory_space<vmem>>, vector<16xf32>,
      tpu.vector_store %arg11[%swap3A_1809], %gather3A_1808 {strides = array<i32>} : memref<128xf32, #tpu.memory_space<vmem>>, vector<16xf32>,
      %iota3A_1811 = tpu.iota {dimensions = array<i32: 0>} : vector<16xi32>
      %add3A_1812 = arith.constant 64 : i32
      %add3A_1813 = vector.broadcast %add3A_1812 : i32 to vector<16xi32>
      %add3A_1814 = arith.addi %iota3A_1811, %add3A_1813 : vector<16xi32>
      %get3A_1815 = arith.index_cast %add3A_1711 : i32 to index
      %get3A_1816 = arith.constant 64 : index
      %get3A_1817 = tpu.vector_load %arg7[%get3A_1815, %get3A_1816] {strides = array<i32>} : memref<200x128xi32, #tpu.memory_space<vmem>>, vector<16xi32>,
      %and3A_1818 = arith.constant 15 : i32
      %and3A_1819 = vector.broadcast %and3A_1818 : i32 to vector<16xi32>
      %and3A_1820 = arith.andi %get3A_1817, %and3A_1819 : vector<16xi32>
      %gather3A_1821 = arith.constant 5 : i32
      %gather3A_1822 = arith.constant 0 : i32
      %gather3A_1823 = arith.constant 0 : i32
      %gather3A_1824 = tpu.memref_slice %arg10[%gather3A_1821, %gather3A_1822, %gather3A_1823] : memref<8x128x16xf32, #tpu.memory_space<vmem>> -> memref<1x128x16xf32, #tpu.memory_space<vmem>>
      %gather3A_1825 = tpu.memref_squeeze %gather3A_1824 : memref<1x128x16xf32, #tpu.memory_space<vmem>> -> memref<128x16xf32, #tpu.memory_space<vmem>>
      %gather3A_1826 = tpu.vector_load_idx %gather3A_1825[%add3A_1814, %and3A_1820] : memref<128x16xf32, #tpu.memory_space<vmem>>[vector<16xi32>, vector<16xi32>], vector<16xf32>,
      %swap3A_1827 = arith.constant 64 : index
      %swap3A_1828 = tpu.vector_load %arg11[%swap3A_1827] {strides = array<i32>} : memref<128xf32, #tpu.memory_space<vmem>>, vector<16xf32>,
      tpu.vector_store %arg11[%swap3A_1827], %gather3A_1826 {strides = array<i32>} : memref<128xf32, #tpu.memory_space<vmem>>, vector<16xf32>,
      %iota3A_1829 = tpu.iota {dimensions = array<i32: 0>} : vector<16xi32>
      %add3A_1830 = arith.constant 80 : i32
      %add3A_1831 = vector.broadcast %add3A_1830 : i32 to vector<16xi32>
      %add3A_1832 = arith.addi %iota3A_1829, %add3A_1831 : vector<16xi32>
      %get3A_1833 = arith.index_cast %add3A_1711 : i32 to index
      %get3A_1834 = arith.constant 80 : index
      %get3A_1835 = tpu.vector_load %arg7[%get3A_1833, %get3A_1834] {strides = array<i32>} : memref<200x128xi32, #tpu.memory_space<vmem>>, vector<16xi32>,
      %and3A_1836 = arith.constant 15 : i32
      %and3A_1837 = vector.broadcast %and3A_1836 : i32 to vector<16xi32>
      %and3A_1838 = arith.andi %get3A_1835, %and3A_1837 : vector<16xi32>
      %gather3A_1839 = arith.constant 5 : i32
      %gather3A_1840 = arith.constant 0 : i32
      %gather3A_1841 = arith.constant 0 : i32
      %gather3A_1842 = tpu.memref_slice %arg10[%gather3A_1839, %gather3A_1840, %gather3A_1841] : memref<8x128x16xf32, #tpu.memory_space<vmem>> -> memref<1x128x16xf32, #tpu.memory_space<vmem>>
      %gather3A_1843 = tpu.memref_squeeze %gather3A_1842 : memref<1x128x16xf32, #tpu.memory_space<vmem>> -> memref<128x16xf32, #tpu.memory_space<vmem>>
      %gather3A_1844 = tpu.vector_load_idx %gather3A_1843[%add3A_1832, %and3A_1838] : memref<128x16xf32, #tpu.memory_space<vmem>>[vector<16xi32>, vector<16xi32>], vector<16xf32>,
      %swap3A_1845 = arith.constant 80 : index
      %swap3A_1846 = tpu.vector_load %arg11[%swap3A_1845] {strides = array<i32>} : memref<128xf32, #tpu.memory_space<vmem>>, vector<16xf32>,
      tpu.vector_store %arg11[%swap3A_1845], %gather3A_1844 {strides = array<i32>} : memref<128xf32, #tpu.memory_space<vmem>>, vector<16xf32>,
      %iota3A_1847 = tpu.iota {dimensions = array<i32: 0>} : vector<16xi32>
      %add3A_1848 = arith.constant 96 : i32
      %add3A_1849 = vector.broadcast %add3A_1848 : i32 to vector<16xi32>
      %add3A_1850 = arith.addi %iota3A_1847, %add3A_1849 : vector<16xi32>
      %get3A_1851 = arith.index_cast %add3A_1711 : i32 to index
      %get3A_1852 = arith.constant 96 : index
      %get3A_1853 = tpu.vector_load %arg7[%get3A_1851, %get3A_1852] {strides = array<i32>} : memref<200x128xi32, #tpu.memory_space<vmem>>, vector<16xi32>,
      %and3A_1854 = arith.constant 15 : i32
      %and3A_1855 = vector.broadcast %and3A_1854 : i32 to vector<16xi32>
      %and3A_1856 = arith.andi %get3A_1853, %and3A_1855 : vector<16xi32>
      %gather3A_1857 = arith.constant 5 : i32
      %gather3A_1858 = arith.constant 0 : i32
      %gather3A_1859 = arith.constant 0 : i32
      %gather3A_1860 = tpu.memref_slice %arg10[%gather3A_1857, %gather3A_1858, %gather3A_1859] : memref<8x128x16xf32, #tpu.memory_space<vmem>> -> memref<1x128x16xf32, #tpu.memory_space<vmem>>
      %gather3A_1861 = tpu.memref_squeeze %gather3A_1860 : memref<1x128x16xf32, #tpu.memory_space<vmem>> -> memref<128x16xf32, #tpu.memory_space<vmem>>
      %gather3A_1862 = tpu.vector_load_idx %gather3A_1861[%add3A_1850, %and3A_1856] : memref<128x16xf32, #tpu.memory_space<vmem>>[vector<16xi32>, vector<16xi32>], vector<16xf32>,
      %swap3A_1863 = arith.constant 96 : index
      %swap3A_1864 = tpu.vector_load %arg11[%swap3A_1863] {strides = array<i32>} : memref<128xf32, #tpu.memory_space<vmem>>, vector<16xf32>,
      tpu.vector_store %arg11[%swap3A_1863], %gather3A_1862 {strides = array<i32>} : memref<128xf32, #tpu.memory_space<vmem>>, vector<16xf32>,
      %iota3A_1865 = tpu.iota {dimensions = array<i32: 0>} : vector<16xi32>
      %add3A_1866 = arith.constant 112 : i32
      %add3A_1867 = vector.broadcast %add3A_1866 : i32 to vector<16xi32>
      %add3A_1868 = arith.addi %iota3A_1865, %add3A_1867 : vector<16xi32>
      %get3A_1869 = arith.index_cast %add3A_1711 : i32 to index
      %get3A_1870 = arith.constant 112 : index
      %get3A_1871 = tpu.vector_load %arg7[%get3A_1869, %get3A_1870] {strides = array<i32>} : memref<200x128xi32, #tpu.memory_space<vmem>>, vector<16xi32>,
      %and3A_1872 = arith.constant 15 : i32
      %and3A_1873 = vector.broadcast %and3A_1872 : i32 to vector<16xi32>
      %and3A_1874 = arith.andi %get3A_1871, %and3A_1873 : vector<16xi32>
      %gather3A_1875 = arith.constant 5 : i32
      %gather3A_1876 = arith.constant 0 : i32
      %gather3A_1877 = arith.constant 0 : i32
      %gather3A_1878 = tpu.memref_slice %arg10[%gather3A_1875, %gather3A_1876, %gather3A_1877] : memref<8x128x16xf32, #tpu.memory_space<vmem>> -> memref<1x128x16xf32, #tpu.memory_space<vmem>>
      %gather3A_1879 = tpu.memref_squeeze %gather3A_1878 : memref<1x128x16xf32, #tpu.memory_space<vmem>> -> memref<128x16xf32, #tpu.memory_space<vmem>>
      %gather3A_1880 = tpu.vector_load_idx %gather3A_1879[%add3A_1868, %and3A_1874] : memref<128x16xf32, #tpu.memory_space<vmem>>[vector<16xi32>, vector<16xi32>], vector<16xf32>,
      %swap3A_1881 = arith.constant 112 : index
      %swap3A_1882 = tpu.vector_load %arg11[%swap3A_1881] {strides = array<i32>} : memref<128xf32, #tpu.memory_space<vmem>>, vector<16xf32>,
      tpu.vector_store %arg11[%swap3A_1881], %gather3A_1880 {strides = array<i32>} : memref<128xf32, #tpu.memory_space<vmem>>, vector<16xf32>,
      "tpu.region"() ({
        %run_scoped3A_2229 = tpu.sem_alloc : memref<!tpu.dma_semaphore, #tpu.memory_space<semaphore_mem>>
        %dma_start3A_2230 = tpu.memref_slice %arg6[%add3A_1714] : memref<819200xf32, #tpu.memory_space<hbm>> -> memref<128xf32, #tpu.memory_space<hbm>>
        %dma_start3A_2231 = tpu.memref_slice %arg6[%add3A_1714] : memref<819200xf32, #tpu.memory_space<hbm>> -> memref<128xf32, #tpu.memory_space<hbm>>
        tpu.enqueue_dma source(%arg11 : memref<128xf32, #tpu.memory_space<vmem>>) target(%dma_start3A_2231 : memref<128xf32, #tpu.memory_space<hbm>>) target_semaphore(%run_scoped3A_2229 : memref<!tpu.dma_semaphore, #tpu.memory_space<semaphore_mem>>)
        %dma_wait3A_2232 = tpu.memref_slice %arg6[%add3A_1714] : memref<819200xf32, #tpu.memory_space<hbm>> -> memref<128xf32, #tpu.memory_space<hbm>>
        %dma_wait3A_2233 = tpu.memref_slice %arg6[%add3A_1714] : memref<819200xf32, #tpu.memory_space<hbm>> -> memref<128xf32, #tpu.memory_space<hbm>>
        tpu.wait_dma2 semaphore(%run_scoped3A_2229 : memref<!tpu.dma_semaphore, #tpu.memory_space<semaphore_mem>>) src(%arg11 : memref<128xf32, #tpu.memory_space<vmem>>) dst(%dma_wait3A_2233 : memref<128xf32, #tpu.memory_space<hbm>>)
        tpu.yield
      }) : () -> ()
      %add3A_1883 = arith.constant 6 : i32
      %add3A_1884 = arith.addi %mul3A_13, %add3A_1883 : i32
      %mul3A_1885 = arith.constant 128 : i32
      %mul3A_1886 = arith.muli %add3A_1884, %mul3A_1885 : i32
      %add3A_1887 = arith.addi %mul3A_2, %mul3A_1886 : i32
      %dma_wait3A_1888 = arith.constant 6 : i32
      %dma_wait3A_1889 = arith.constant 0 : i32
      %dma_wait3A_1890 = arith.constant 0 : i32
      %dma_wait3A_1891 = tpu.memref_slice %arg8[%dma_wait3A_1888, %dma_wait3A_1889, %dma_wait3A_1890] : memref<8x128x64xf32, #tpu.memory_space<vmem>> -> memref<1x128x64xf32, #tpu.memory_space<vmem>>
      %dma_wait3A_1892 = tpu.memref_squeeze %dma_wait3A_1891 : memref<1x128x64xf32, #tpu.memory_space<vmem>> -> memref<128x64xf32, #tpu.memory_space<vmem>>
      %dma_wait3A_1893 = arith.constant 0 : i32
      %dma_wait3A_1894 = tpu.memref_slice %arg7[%add3A_641, %dma_wait3A_1893] : memref<200x128xi32, #tpu.memory_space<vmem>> -> memref<1x128xi32, #tpu.memory_space<vmem>>
      %dma_wait3A_1895 = tpu.memref_squeeze %dma_wait3A_1894 : memref<1x128xi32, #tpu.memory_space<vmem>> -> memref<128xi32, #tpu.memory_space<vmem>>
      %dma_wait3A_1896 = arith.constant 0 : i32
      %dma_wait3A_1897 = arith.constant 0 : i32
      %dma_wait3A_1898 = tpu.memref_slice %arg3[%dma_wait3A_1896, %dma_wait3A_1897] : memref<1000000x64xf32, #tpu.memory_space<hbm>> -> memref<1000000x64xf32, #tpu.memory_space<hbm>>
      tpu.wait_indirect_dma semaphore(%arg18 : memref<!tpu.dma_semaphore, #tpu.memory_space<semaphore_mem>>) src(%dma_wait3A_1898 : memref<1000000x64xf32, #tpu.memory_space<hbm>>) dst(%dma_wait3A_1892 : memref<128x64xf32, #tpu.memory_space<vmem>>)
      %run_scoped3A_1899 = arith.constant 6 : i32
      "tpu.region"() ({
        %run_scoped3A_2229 = tpu.sem_alloc : memref<!tpu.dma_semaphore, #tpu.memory_space<semaphore_mem>>
        %dma_start3A_2230 = arith.constant 0 : i32
        %dma_start3A_2231 = arith.constant 0 : i32
        %dma_start3A_2232 = tpu.memref_slice %arg8[%run_scoped3A_1899, %dma_start3A_2230, %dma_start3A_2231] : memref<8x128x64xf32, #tpu.memory_space<vmem>> -> memref<1x128x64xf32, #tpu.memory_space<vmem>>
        %dma_start3A_2233 = tpu.memref_squeeze %dma_start3A_2232 : memref<1x128x64xf32, #tpu.memory_space<vmem>> -> memref<128x64xf32, #tpu.memory_space<vmem>>
        %dma_start3A_2234 = arith.constant 0 : i32
        %dma_start3A_2235 = tpu.memref_slice %arg5[%add3A_1887, %dma_start3A_2234] : memref<819200x64xf32, #tpu.memory_space<hbm>> -> memref<128x64xf32, #tpu.memory_space<hbm>>
        %dma_start3A_2236 = arith.constant 0 : i32
        %dma_start3A_2237 = tpu.memref_slice %arg5[%add3A_1887, %dma_start3A_2236] : memref<819200x64xf32, #tpu.memory_space<hbm>> -> memref<128x64xf32, #tpu.memory_space<hbm>>
        %dma_start3A_2238 = arith.constant 0 : i32
        %dma_start3A_2239 = arith.constant 0 : i32
        %dma_start3A_2240 = tpu.memref_slice %arg8[%run_scoped3A_1899, %dma_start3A_2238, %dma_start3A_2239] : memref<8x128x64xf32, #tpu.memory_space<vmem>> -> memref<1x128x64xf32, #tpu.memory_space<vmem>>
        %dma_start3A_2241 = tpu.memref_squeeze %dma_start3A_2240 : memref<1x128x64xf32, #tpu.memory_space<vmem>> -> memref<128x64xf32, #tpu.memory_space<vmem>>
        tpu.enqueue_dma source(%dma_start3A_2241 : memref<128x64xf32, #tpu.memory_space<vmem>>) target(%dma_start3A_2237 : memref<128x64xf32, #tpu.memory_space<hbm>>) target_semaphore(%run_scoped3A_2229 : memref<!tpu.dma_semaphore, #tpu.memory_space<semaphore_mem>>)
        %dma_wait3A_2242 = arith.constant 0 : i32
        %dma_wait3A_2243 = arith.constant 0 : i32
        %dma_wait3A_2244 = tpu.memref_slice %arg8[%run_scoped3A_1899, %dma_wait3A_2242, %dma_wait3A_2243] : memref<8x128x64xf32, #tpu.memory_space<vmem>> -> memref<1x128x64xf32, #tpu.memory_space<vmem>>
        %dma_wait3A_2245 = tpu.memref_squeeze %dma_wait3A_2244 : memref<1x128x64xf32, #tpu.memory_space<vmem>> -> memref<128x64xf32, #tpu.memory_space<vmem>>
        %dma_wait3A_2246 = arith.constant 0 : i32
        %dma_wait3A_2247 = tpu.memref_slice %arg5[%add3A_1887, %dma_wait3A_2246] : memref<819200x64xf32, #tpu.memory_space<hbm>> -> memref<128x64xf32, #tpu.memory_space<hbm>>
        %dma_wait3A_2248 = arith.constant 0 : i32
        %dma_wait3A_2249 = tpu.memref_slice %arg5[%add3A_1887, %dma_wait3A_2248] : memref<819200x64xf32, #tpu.memory_space<hbm>> -> memref<128x64xf32, #tpu.memory_space<hbm>>
        %dma_wait3A_2250 = arith.constant 0 : i32
        %dma_wait3A_2251 = arith.constant 0 : i32
        %dma_wait3A_2252 = tpu.memref_slice %arg8[%run_scoped3A_1899, %dma_wait3A_2250, %dma_wait3A_2251] : memref<8x128x64xf32, #tpu.memory_space<vmem>> -> memref<1x128x64xf32, #tpu.memory_space<vmem>>
        %dma_wait3A_2253 = tpu.memref_squeeze %dma_wait3A_2252 : memref<1x128x64xf32, #tpu.memory_space<vmem>> -> memref<128x64xf32, #tpu.memory_space<vmem>>
        tpu.wait_dma2 semaphore(%run_scoped3A_2229 : memref<!tpu.dma_semaphore, #tpu.memory_space<semaphore_mem>>) src(%dma_wait3A_2253 : memref<128x64xf32, #tpu.memory_space<vmem>>) dst(%dma_wait3A_2249 : memref<128x64xf32, #tpu.memory_space<hbm>>)
        tpu.yield
      }) : () -> ()
      %dma_wait3A_1900 = arith.constant 6 : i32
      %dma_wait3A_1901 = arith.constant 6 : i32
      %dma_wait3A_1902 = arith.constant 0 : i32
      %dma_wait3A_1903 = arith.constant 0 : i32
      %dma_wait3A_1904 = tpu.memref_slice %arg10[%dma_wait3A_1901, %dma_wait3A_1902, %dma_wait3A_1903] : memref<8x128x16xf32, #tpu.memory_space<vmem>> -> memref<1x128x16xf32, #tpu.memory_space<vmem>>
      %dma_wait3A_1905 = tpu.memref_squeeze %dma_wait3A_1904 : memref<1x128x16xf32, #tpu.memory_space<vmem>> -> memref<128x16xf32, #tpu.memory_space<vmem>>
      %dma_wait3A_1906 = arith.constant 0 : i32
      %dma_wait3A_1907 = tpu.memref_slice %arg9[%dma_wait3A_1900, %dma_wait3A_1906] : memref<8x128xi32, #tpu.memory_space<vmem>> -> memref<1x128xi32, #tpu.memory_space<vmem>>
      %dma_wait3A_1908 = tpu.memref_squeeze %dma_wait3A_1907 : memref<1x128xi32, #tpu.memory_space<vmem>> -> memref<128xi32, #tpu.memory_space<vmem>>
      %dma_wait3A_1909 = arith.constant 0 : i32
      %dma_wait3A_1910 = arith.constant 0 : i32
      %dma_wait3A_1911 = tpu.memref_slice %arg4[%dma_wait3A_1909, %dma_wait3A_1910] : memref<62500x16xf32, #tpu.memory_space<hbm>> -> memref<62500x16xf32, #tpu.memory_space<hbm>>
      tpu.wait_indirect_dma semaphore(%arg26 : memref<!tpu.dma_semaphore, #tpu.memory_space<semaphore_mem>>) src(%dma_wait3A_1911 : memref<62500x16xf32, #tpu.memory_space<hbm>>) dst(%dma_wait3A_1905 : memref<128x16xf32, #tpu.memory_space<vmem>>)
      %iota3A_1912 = tpu.iota {dimensions = array<i32: 0>} : vector<16xi32>
      %add3A_1913 = arith.constant 0 : i32
      %add3A_1914 = vector.broadcast %add3A_1913 : i32 to vector<16xi32>
      %add3A_1915 = arith.addi %iota3A_1912, %add3A_1914 : vector<16xi32>
      %get3A_1916 = arith.index_cast %add3A_1884 : i32 to index
      %get3A_1917 = arith.constant 0 : index
      %get3A_1918 = tpu.vector_load %arg7[%get3A_1916, %get3A_1917] {strides = array<i32>} : memref<200x128xi32, #tpu.memory_space<vmem>>, vector<16xi32>,
      %and3A_1919 = arith.constant 15 : i32
      %and3A_1920 = vector.broadcast %and3A_1919 : i32 to vector<16xi32>
      %and3A_1921 = arith.andi %get3A_1918, %and3A_1920 : vector<16xi32>
      %gather3A_1922 = arith.constant 6 : i32
      %gather3A_1923 = arith.constant 0 : i32
      %gather3A_1924 = arith.constant 0 : i32
      %gather3A_1925 = tpu.memref_slice %arg10[%gather3A_1922, %gather3A_1923, %gather3A_1924] : memref<8x128x16xf32, #tpu.memory_space<vmem>> -> memref<1x128x16xf32, #tpu.memory_space<vmem>>
      %gather3A_1926 = tpu.memref_squeeze %gather3A_1925 : memref<1x128x16xf32, #tpu.memory_space<vmem>> -> memref<128x16xf32, #tpu.memory_space<vmem>>
      %gather3A_1927 = tpu.vector_load_idx %gather3A_1926[%add3A_1915, %and3A_1921] : memref<128x16xf32, #tpu.memory_space<vmem>>[vector<16xi32>, vector<16xi32>], vector<16xf32>,
      %swap3A_1928 = arith.constant 0 : index
      %swap3A_1929 = tpu.vector_load %arg11[%swap3A_1928] {strides = array<i32>} : memref<128xf32, #tpu.memory_space<vmem>>, vector<16xf32>,
      tpu.vector_store %arg11[%swap3A_1928], %gather3A_1927 {strides = array<i32>} : memref<128xf32, #tpu.memory_space<vmem>>, vector<16xf32>,
      %iota3A_1930 = tpu.iota {dimensions = array<i32: 0>} : vector<16xi32>
      %add3A_1931 = arith.constant 16 : i32
      %add3A_1932 = vector.broadcast %add3A_1931 : i32 to vector<16xi32>
      %add3A_1933 = arith.addi %iota3A_1930, %add3A_1932 : vector<16xi32>
      %get3A_1934 = arith.index_cast %add3A_1884 : i32 to index
      %get3A_1935 = arith.constant 16 : index
      %get3A_1936 = tpu.vector_load %arg7[%get3A_1934, %get3A_1935] {strides = array<i32>} : memref<200x128xi32, #tpu.memory_space<vmem>>, vector<16xi32>,
      %and3A_1937 = arith.constant 15 : i32
      %and3A_1938 = vector.broadcast %and3A_1937 : i32 to vector<16xi32>
      %and3A_1939 = arith.andi %get3A_1936, %and3A_1938 : vector<16xi32>
      %gather3A_1940 = arith.constant 6 : i32
      %gather3A_1941 = arith.constant 0 : i32
      %gather3A_1942 = arith.constant 0 : i32
      %gather3A_1943 = tpu.memref_slice %arg10[%gather3A_1940, %gather3A_1941, %gather3A_1942] : memref<8x128x16xf32, #tpu.memory_space<vmem>> -> memref<1x128x16xf32, #tpu.memory_space<vmem>>
      %gather3A_1944 = tpu.memref_squeeze %gather3A_1943 : memref<1x128x16xf32, #tpu.memory_space<vmem>> -> memref<128x16xf32, #tpu.memory_space<vmem>>
      %gather3A_1945 = tpu.vector_load_idx %gather3A_1944[%add3A_1933, %and3A_1939] : memref<128x16xf32, #tpu.memory_space<vmem>>[vector<16xi32>, vector<16xi32>], vector<16xf32>,
      %swap3A_1946 = arith.constant 16 : index
      %swap3A_1947 = tpu.vector_load %arg11[%swap3A_1946] {strides = array<i32>} : memref<128xf32, #tpu.memory_space<vmem>>, vector<16xf32>,
      tpu.vector_store %arg11[%swap3A_1946], %gather3A_1945 {strides = array<i32>} : memref<128xf32, #tpu.memory_space<vmem>>, vector<16xf32>,
      %iota3A_1948 = tpu.iota {dimensions = array<i32: 0>} : vector<16xi32>
      %add3A_1949 = arith.constant 32 : i32
      %add3A_1950 = vector.broadcast %add3A_1949 : i32 to vector<16xi32>
      %add3A_1951 = arith.addi %iota3A_1948, %add3A_1950 : vector<16xi32>
      %get3A_1952 = arith.index_cast %add3A_1884 : i32 to index
      %get3A_1953 = arith.constant 32 : index
      %get3A_1954 = tpu.vector_load %arg7[%get3A_1952, %get3A_1953] {strides = array<i32>} : memref<200x128xi32, #tpu.memory_space<vmem>>, vector<16xi32>,
      %and3A_1955 = arith.constant 15 : i32
      %and3A_1956 = vector.broadcast %and3A_1955 : i32 to vector<16xi32>
      %and3A_1957 = arith.andi %get3A_1954, %and3A_1956 : vector<16xi32>
      %gather3A_1958 = arith.constant 6 : i32
      %gather3A_1959 = arith.constant 0 : i32
      %gather3A_1960 = arith.constant 0 : i32
      %gather3A_1961 = tpu.memref_slice %arg10[%gather3A_1958, %gather3A_1959, %gather3A_1960] : memref<8x128x16xf32, #tpu.memory_space<vmem>> -> memref<1x128x16xf32, #tpu.memory_space<vmem>>
      %gather3A_1962 = tpu.memref_squeeze %gather3A_1961 : memref<1x128x16xf32, #tpu.memory_space<vmem>> -> memref<128x16xf32, #tpu.memory_space<vmem>>
      %gather3A_1963 = tpu.vector_load_idx %gather3A_1962[%add3A_1951, %and3A_1957] : memref<128x16xf32, #tpu.memory_space<vmem>>[vector<16xi32>, vector<16xi32>], vector<16xf32>,
      %swap3A_1964 = arith.constant 32 : index
      %swap3A_1965 = tpu.vector_load %arg11[%swap3A_1964] {strides = array<i32>} : memref<128xf32, #tpu.memory_space<vmem>>, vector<16xf32>,
      tpu.vector_store %arg11[%swap3A_1964], %gather3A_1963 {strides = array<i32>} : memref<128xf32, #tpu.memory_space<vmem>>, vector<16xf32>,
      %iota3A_1966 = tpu.iota {dimensions = array<i32: 0>} : vector<16xi32>
      %add3A_1967 = arith.constant 48 : i32
      %add3A_1968 = vector.broadcast %add3A_1967 : i32 to vector<16xi32>
      %add3A_1969 = arith.addi %iota3A_1966, %add3A_1968 : vector<16xi32>
      %get3A_1970 = arith.index_cast %add3A_1884 : i32 to index
      %get3A_1971 = arith.constant 48 : index
      %get3A_1972 = tpu.vector_load %arg7[%get3A_1970, %get3A_1971] {strides = array<i32>} : memref<200x128xi32, #tpu.memory_space<vmem>>, vector<16xi32>,
      %and3A_1973 = arith.constant 15 : i32
      %and3A_1974 = vector.broadcast %and3A_1973 : i32 to vector<16xi32>
      %and3A_1975 = arith.andi %get3A_1972, %and3A_1974 : vector<16xi32>
      %gather3A_1976 = arith.constant 6 : i32
      %gather3A_1977 = arith.constant 0 : i32
      %gather3A_1978 = arith.constant 0 : i32
      %gather3A_1979 = tpu.memref_slice %arg10[%gather3A_1976, %gather3A_1977, %gather3A_1978] : memref<8x128x16xf32, #tpu.memory_space<vmem>> -> memref<1x128x16xf32, #tpu.memory_space<vmem>>
      %gather3A_1980 = tpu.memref_squeeze %gather3A_1979 : memref<1x128x16xf32, #tpu.memory_space<vmem>> -> memref<128x16xf32, #tpu.memory_space<vmem>>
      %gather3A_1981 = tpu.vector_load_idx %gather3A_1980[%add3A_1969, %and3A_1975] : memref<128x16xf32, #tpu.memory_space<vmem>>[vector<16xi32>, vector<16xi32>], vector<16xf32>,
      %swap3A_1982 = arith.constant 48 : index
      %swap3A_1983 = tpu.vector_load %arg11[%swap3A_1982] {strides = array<i32>} : memref<128xf32, #tpu.memory_space<vmem>>, vector<16xf32>,
      tpu.vector_store %arg11[%swap3A_1982], %gather3A_1981 {strides = array<i32>} : memref<128xf32, #tpu.memory_space<vmem>>, vector<16xf32>,
      %iota3A_1984 = tpu.iota {dimensions = array<i32: 0>} : vector<16xi32>
      %add3A_1985 = arith.constant 64 : i32
      %add3A_1986 = vector.broadcast %add3A_1985 : i32 to vector<16xi32>
      %add3A_1987 = arith.addi %iota3A_1984, %add3A_1986 : vector<16xi32>
      %get3A_1988 = arith.index_cast %add3A_1884 : i32 to index
      %get3A_1989 = arith.constant 64 : index
      %get3A_1990 = tpu.vector_load %arg7[%get3A_1988, %get3A_1989] {strides = array<i32>} : memref<200x128xi32, #tpu.memory_space<vmem>>, vector<16xi32>,
      %and3A_1991 = arith.constant 15 : i32
      %and3A_1992 = vector.broadcast %and3A_1991 : i32 to vector<16xi32>
      %and3A_1993 = arith.andi %get3A_1990, %and3A_1992 : vector<16xi32>
      %gather3A_1994 = arith.constant 6 : i32
      %gather3A_1995 = arith.constant 0 : i32
      %gather3A_1996 = arith.constant 0 : i32
      %gather3A_1997 = tpu.memref_slice %arg10[%gather3A_1994, %gather3A_1995, %gather3A_1996] : memref<8x128x16xf32, #tpu.memory_space<vmem>> -> memref<1x128x16xf32, #tpu.memory_space<vmem>>
      %gather3A_1998 = tpu.memref_squeeze %gather3A_1997 : memref<1x128x16xf32, #tpu.memory_space<vmem>> -> memref<128x16xf32, #tpu.memory_space<vmem>>
      %gather3A_1999 = tpu.vector_load_idx %gather3A_1998[%add3A_1987, %and3A_1993] : memref<128x16xf32, #tpu.memory_space<vmem>>[vector<16xi32>, vector<16xi32>], vector<16xf32>,
      %swap3A_2000 = arith.constant 64 : index
      %swap3A_2001 = tpu.vector_load %arg11[%swap3A_2000] {strides = array<i32>} : memref<128xf32, #tpu.memory_space<vmem>>, vector<16xf32>,
      tpu.vector_store %arg11[%swap3A_2000], %gather3A_1999 {strides = array<i32>} : memref<128xf32, #tpu.memory_space<vmem>>, vector<16xf32>,
      %iota3A_2002 = tpu.iota {dimensions = array<i32: 0>} : vector<16xi32>
      %add3A_2003 = arith.constant 80 : i32
      %add3A_2004 = vector.broadcast %add3A_2003 : i32 to vector<16xi32>
      %add3A_2005 = arith.addi %iota3A_2002, %add3A_2004 : vector<16xi32>
      %get3A_2006 = arith.index_cast %add3A_1884 : i32 to index
      %get3A_2007 = arith.constant 80 : index
      %get3A_2008 = tpu.vector_load %arg7[%get3A_2006, %get3A_2007] {strides = array<i32>} : memref<200x128xi32, #tpu.memory_space<vmem>>, vector<16xi32>,
      %and3A_2009 = arith.constant 15 : i32
      %and3A_2010 = vector.broadcast %and3A_2009 : i32 to vector<16xi32>
      %and3A_2011 = arith.andi %get3A_2008, %and3A_2010 : vector<16xi32>
      %gather3A_2012 = arith.constant 6 : i32
      %gather3A_2013 = arith.constant 0 : i32
      %gather3A_2014 = arith.constant 0 : i32
      %gather3A_2015 = tpu.memref_slice %arg10[%gather3A_2012, %gather3A_2013, %gather3A_2014] : memref<8x128x16xf32, #tpu.memory_space<vmem>> -> memref<1x128x16xf32, #tpu.memory_space<vmem>>
      %gather3A_2016 = tpu.memref_squeeze %gather3A_2015 : memref<1x128x16xf32, #tpu.memory_space<vmem>> -> memref<128x16xf32, #tpu.memory_space<vmem>>
      %gather3A_2017 = tpu.vector_load_idx %gather3A_2016[%add3A_2005, %and3A_2011] : memref<128x16xf32, #tpu.memory_space<vmem>>[vector<16xi32>, vector<16xi32>], vector<16xf32>,
      %swap3A_2018 = arith.constant 80 : index
      %swap3A_2019 = tpu.vector_load %arg11[%swap3A_2018] {strides = array<i32>} : memref<128xf32, #tpu.memory_space<vmem>>, vector<16xf32>,
      tpu.vector_store %arg11[%swap3A_2018], %gather3A_2017 {strides = array<i32>} : memref<128xf32, #tpu.memory_space<vmem>>, vector<16xf32>,
      %iota3A_2020 = tpu.iota {dimensions = array<i32: 0>} : vector<16xi32>
      %add3A_2021 = arith.constant 96 : i32
      %add3A_2022 = vector.broadcast %add3A_2021 : i32 to vector<16xi32>
      %add3A_2023 = arith.addi %iota3A_2020, %add3A_2022 : vector<16xi32>
      %get3A_2024 = arith.index_cast %add3A_1884 : i32 to index
      %get3A_2025 = arith.constant 96 : index
      %get3A_2026 = tpu.vector_load %arg7[%get3A_2024, %get3A_2025] {strides = array<i32>} : memref<200x128xi32, #tpu.memory_space<vmem>>, vector<16xi32>,
      %and3A_2027 = arith.constant 15 : i32
      %and3A_2028 = vector.broadcast %and3A_2027 : i32 to vector<16xi32>
      %and3A_2029 = arith.andi %get3A_2026, %and3A_2028 : vector<16xi32>
      %gather3A_2030 = arith.constant 6 : i32
      %gather3A_2031 = arith.constant 0 : i32
      %gather3A_2032 = arith.constant 0 : i32
      %gather3A_2033 = tpu.memref_slice %arg10[%gather3A_2030, %gather3A_2031, %gather3A_2032] : memref<8x128x16xf32, #tpu.memory_space<vmem>> -> memref<1x128x16xf32, #tpu.memory_space<vmem>>
      %gather3A_2034 = tpu.memref_squeeze %gather3A_2033 : memref<1x128x16xf32, #tpu.memory_space<vmem>> -> memref<128x16xf32, #tpu.memory_space<vmem>>
      %gather3A_2035 = tpu.vector_load_idx %gather3A_2034[%add3A_2023, %and3A_2029] : memref<128x16xf32, #tpu.memory_space<vmem>>[vector<16xi32>, vector<16xi32>], vector<16xf32>,
      %swap3A_2036 = arith.constant 96 : index
      %swap3A_2037 = tpu.vector_load %arg11[%swap3A_2036] {strides = array<i32>} : memref<128xf32, #tpu.memory_space<vmem>>, vector<16xf32>,
      tpu.vector_store %arg11[%swap3A_2036], %gather3A_2035 {strides = array<i32>} : memref<128xf32, #tpu.memory_space<vmem>>, vector<16xf32>,
      %iota3A_2038 = tpu.iota {dimensions = array<i32: 0>} : vector<16xi32>
      %add3A_2039 = arith.constant 112 : i32
      %add3A_2040 = vector.broadcast %add3A_2039 : i32 to vector<16xi32>
      %add3A_2041 = arith.addi %iota3A_2038, %add3A_2040 : vector<16xi32>
      %get3A_2042 = arith.index_cast %add3A_1884 : i32 to index
      %get3A_2043 = arith.constant 112 : index
      %get3A_2044 = tpu.vector_load %arg7[%get3A_2042, %get3A_2043] {strides = array<i32>} : memref<200x128xi32, #tpu.memory_space<vmem>>, vector<16xi32>,
      %and3A_2045 = arith.constant 15 : i32
      %and3A_2046 = vector.broadcast %and3A_2045 : i32 to vector<16xi32>
      %and3A_2047 = arith.andi %get3A_2044, %and3A_2046 : vector<16xi32>
      %gather3A_2048 = arith.constant 6 : i32
      %gather3A_2049 = arith.constant 0 : i32
      %gather3A_2050 = arith.constant 0 : i32
      %gather3A_2051 = tpu.memref_slice %arg10[%gather3A_2048, %gather3A_2049, %gather3A_2050] : memref<8x128x16xf32, #tpu.memory_space<vmem>> -> memref<1x128x16xf32, #tpu.memory_space<vmem>>
      %gather3A_2052 = tpu.memref_squeeze %gather3A_2051 : memref<1x128x16xf32, #tpu.memory_space<vmem>> -> memref<128x16xf32, #tpu.memory_space<vmem>>
      %gather3A_2053 = tpu.vector_load_idx %gather3A_2052[%add3A_2041, %and3A_2047] : memref<128x16xf32, #tpu.memory_space<vmem>>[vector<16xi32>, vector<16xi32>], vector<16xf32>,
      %swap3A_2054 = arith.constant 112 : index
      %swap3A_2055 = tpu.vector_load %arg11[%swap3A_2054] {strides = array<i32>} : memref<128xf32, #tpu.memory_space<vmem>>, vector<16xf32>,
      tpu.vector_store %arg11[%swap3A_2054], %gather3A_2053 {strides = array<i32>} : memref<128xf32, #tpu.memory_space<vmem>>, vector<16xf32>,
      "tpu.region"() ({
        %run_scoped3A_2229 = tpu.sem_alloc : memref<!tpu.dma_semaphore, #tpu.memory_space<semaphore_mem>>
        %dma_start3A_2230 = tpu.memref_slice %arg6[%add3A_1887] : memref<819200xf32, #tpu.memory_space<hbm>> -> memref<128xf32, #tpu.memory_space<hbm>>
        %dma_start3A_2231 = tpu.memref_slice %arg6[%add3A_1887] : memref<819200xf32, #tpu.memory_space<hbm>> -> memref<128xf32, #tpu.memory_space<hbm>>
        tpu.enqueue_dma source(%arg11 : memref<128xf32, #tpu.memory_space<vmem>>) target(%dma_start3A_2231 : memref<128xf32, #tpu.memory_space<hbm>>) target_semaphore(%run_scoped3A_2229 : memref<!tpu.dma_semaphore, #tpu.memory_space<semaphore_mem>>)
        %dma_wait3A_2232 = tpu.memref_slice %arg6[%add3A_1887] : memref<819200xf32, #tpu.memory_space<hbm>> -> memref<128xf32, #tpu.memory_space<hbm>>
        %dma_wait3A_2233 = tpu.memref_slice %arg6[%add3A_1887] : memref<819200xf32, #tpu.memory_space<hbm>> -> memref<128xf32, #tpu.memory_space<hbm>>
        tpu.wait_dma2 semaphore(%run_scoped3A_2229 : memref<!tpu.dma_semaphore, #tpu.memory_space<semaphore_mem>>) src(%arg11 : memref<128xf32, #tpu.memory_space<vmem>>) dst(%dma_wait3A_2233 : memref<128xf32, #tpu.memory_space<hbm>>)
        tpu.yield
      }) : () -> ()
      %add3A_2056 = arith.constant 7 : i32
      %add3A_2057 = arith.addi %mul3A_13, %add3A_2056 : i32
      %mul3A_2058 = arith.constant 128 : i32
      %mul3A_2059 = arith.muli %add3A_2057, %mul3A_2058 : i32
      %add3A_2060 = arith.addi %mul3A_2, %mul3A_2059 : i32
      %dma_wait3A_2061 = arith.constant 7 : i32
      %dma_wait3A_2062 = arith.constant 0 : i32
      %dma_wait3A_2063 = arith.constant 0 : i32
      %dma_wait3A_2064 = tpu.memref_slice %arg8[%dma_wait3A_2061, %dma_wait3A_2062, %dma_wait3A_2063] : memref<8x128x64xf32, #tpu.memory_space<vmem>> -> memref<1x128x64xf32, #tpu.memory_space<vmem>>
      %dma_wait3A_2065 = tpu.memref_squeeze %dma_wait3A_2064 : memref<1x128x64xf32, #tpu.memory_space<vmem>> -> memref<128x64xf32, #tpu.memory_space<vmem>>
      %dma_wait3A_2066 = arith.constant 0 : i32
      %dma_wait3A_2067 = tpu.memref_slice %arg7[%add3A_746, %dma_wait3A_2066] : memref<200x128xi32, #tpu.memory_space<vmem>> -> memref<1x128xi32, #tpu.memory_space<vmem>>
      %dma_wait3A_2068 = tpu.memref_squeeze %dma_wait3A_2067 : memref<1x128xi32, #tpu.memory_space<vmem>> -> memref<128xi32, #tpu.memory_space<vmem>>
      %dma_wait3A_2069 = arith.constant 0 : i32
      %dma_wait3A_2070 = arith.constant 0 : i32
      %dma_wait3A_2071 = tpu.memref_slice %arg3[%dma_wait3A_2069, %dma_wait3A_2070] : memref<1000000x64xf32, #tpu.memory_space<hbm>> -> memref<1000000x64xf32, #tpu.memory_space<hbm>>
      tpu.wait_indirect_dma semaphore(%arg19 : memref<!tpu.dma_semaphore, #tpu.memory_space<semaphore_mem>>) src(%dma_wait3A_2071 : memref<1000000x64xf32, #tpu.memory_space<hbm>>) dst(%dma_wait3A_2065 : memref<128x64xf32, #tpu.memory_space<vmem>>)
      %run_scoped3A_2072 = arith.constant 7 : i32
      "tpu.region"() ({
        %run_scoped3A_2229 = tpu.sem_alloc : memref<!tpu.dma_semaphore, #tpu.memory_space<semaphore_mem>>
        %dma_start3A_2230 = arith.constant 0 : i32
        %dma_start3A_2231 = arith.constant 0 : i32
        %dma_start3A_2232 = tpu.memref_slice %arg8[%run_scoped3A_2072, %dma_start3A_2230, %dma_start3A_2231] : memref<8x128x64xf32, #tpu.memory_space<vmem>> -> memref<1x128x64xf32, #tpu.memory_space<vmem>>
        %dma_start3A_2233 = tpu.memref_squeeze %dma_start3A_2232 : memref<1x128x64xf32, #tpu.memory_space<vmem>> -> memref<128x64xf32, #tpu.memory_space<vmem>>
        %dma_start3A_2234 = arith.constant 0 : i32
        %dma_start3A_2235 = tpu.memref_slice %arg5[%add3A_2060, %dma_start3A_2234] : memref<819200x64xf32, #tpu.memory_space<hbm>> -> memref<128x64xf32, #tpu.memory_space<hbm>>
        %dma_start3A_2236 = arith.constant 0 : i32
        %dma_start3A_2237 = tpu.memref_slice %arg5[%add3A_2060, %dma_start3A_2236] : memref<819200x64xf32, #tpu.memory_space<hbm>> -> memref<128x64xf32, #tpu.memory_space<hbm>>
        %dma_start3A_2238 = arith.constant 0 : i32
        %dma_start3A_2239 = arith.constant 0 : i32
        %dma_start3A_2240 = tpu.memref_slice %arg8[%run_scoped3A_2072, %dma_start3A_2238, %dma_start3A_2239] : memref<8x128x64xf32, #tpu.memory_space<vmem>> -> memref<1x128x64xf32, #tpu.memory_space<vmem>>
        %dma_start3A_2241 = tpu.memref_squeeze %dma_start3A_2240 : memref<1x128x64xf32, #tpu.memory_space<vmem>> -> memref<128x64xf32, #tpu.memory_space<vmem>>
        tpu.enqueue_dma source(%dma_start3A_2241 : memref<128x64xf32, #tpu.memory_space<vmem>>) target(%dma_start3A_2237 : memref<128x64xf32, #tpu.memory_space<hbm>>) target_semaphore(%run_scoped3A_2229 : memref<!tpu.dma_semaphore, #tpu.memory_space<semaphore_mem>>)
        %dma_wait3A_2242 = arith.constant 0 : i32
        %dma_wait3A_2243 = arith.constant 0 : i32
        %dma_wait3A_2244 = tpu.memref_slice %arg8[%run_scoped3A_2072, %dma_wait3A_2242, %dma_wait3A_2243] : memref<8x128x64xf32, #tpu.memory_space<vmem>> -> memref<1x128x64xf32, #tpu.memory_space<vmem>>
        %dma_wait3A_2245 = tpu.memref_squeeze %dma_wait3A_2244 : memref<1x128x64xf32, #tpu.memory_space<vmem>> -> memref<128x64xf32, #tpu.memory_space<vmem>>
        %dma_wait3A_2246 = arith.constant 0 : i32
        %dma_wait3A_2247 = tpu.memref_slice %arg5[%add3A_2060, %dma_wait3A_2246] : memref<819200x64xf32, #tpu.memory_space<hbm>> -> memref<128x64xf32, #tpu.memory_space<hbm>>
        %dma_wait3A_2248 = arith.constant 0 : i32
        %dma_wait3A_2249 = tpu.memref_slice %arg5[%add3A_2060, %dma_wait3A_2248] : memref<819200x64xf32, #tpu.memory_space<hbm>> -> memref<128x64xf32, #tpu.memory_space<hbm>>
        %dma_wait3A_2250 = arith.constant 0 : i32
        %dma_wait3A_2251 = arith.constant 0 : i32
        %dma_wait3A_2252 = tpu.memref_slice %arg8[%run_scoped3A_2072, %dma_wait3A_2250, %dma_wait3A_2251] : memref<8x128x64xf32, #tpu.memory_space<vmem>> -> memref<1x128x64xf32, #tpu.memory_space<vmem>>
        %dma_wait3A_2253 = tpu.memref_squeeze %dma_wait3A_2252 : memref<1x128x64xf32, #tpu.memory_space<vmem>> -> memref<128x64xf32, #tpu.memory_space<vmem>>
        tpu.wait_dma2 semaphore(%run_scoped3A_2229 : memref<!tpu.dma_semaphore, #tpu.memory_space<semaphore_mem>>) src(%dma_wait3A_2253 : memref<128x64xf32, #tpu.memory_space<vmem>>) dst(%dma_wait3A_2249 : memref<128x64xf32, #tpu.memory_space<hbm>>)
        tpu.yield
      }) : () -> ()
      %dma_wait3A_2073 = arith.constant 7 : i32
      %dma_wait3A_2074 = arith.constant 7 : i32
      %dma_wait3A_2075 = arith.constant 0 : i32
      %dma_wait3A_2076 = arith.constant 0 : i32
      %dma_wait3A_2077 = tpu.memref_slice %arg10[%dma_wait3A_2074, %dma_wait3A_2075, %dma_wait3A_2076] : memref<8x128x16xf32, #tpu.memory_space<vmem>> -> memref<1x128x16xf32, #tpu.memory_space<vmem>>
      %dma_wait3A_2078 = tpu.memref_squeeze %dma_wait3A_2077 : memref<1x128x16xf32, #tpu.memory_space<vmem>> -> memref<128x16xf32, #tpu.memory_space<vmem>>
      %dma_wait3A_2079 = arith.constant 0 : i32
      %dma_wait3A_2080 = tpu.memref_slice %arg9[%dma_wait3A_2073, %dma_wait3A_2079] : memref<8x128xi32, #tpu.memory_space<vmem>> -> memref<1x128xi32, #tpu.memory_space<vmem>>
      %dma_wait3A_2081 = tpu.memref_squeeze %dma_wait3A_2080 : memref<1x128xi32, #tpu.memory_space<vmem>> -> memref<128xi32, #tpu.memory_space<vmem>>
      %dma_wait3A_2082 = arith.constant 0 : i32
      %dma_wait3A_2083 = arith.constant 0 : i32
      %dma_wait3A_2084 = tpu.memref_slice %arg4[%dma_wait3A_2082, %dma_wait3A_2083] : memref<62500x16xf32, #tpu.memory_space<hbm>> -> memref<62500x16xf32, #tpu.memory_space<hbm>>
      tpu.wait_indirect_dma semaphore(%arg27 : memref<!tpu.dma_semaphore, #tpu.memory_space<semaphore_mem>>) src(%dma_wait3A_2084 : memref<62500x16xf32, #tpu.memory_space<hbm>>) dst(%dma_wait3A_2078 : memref<128x16xf32, #tpu.memory_space<vmem>>)
      %iota3A_2085 = tpu.iota {dimensions = array<i32: 0>} : vector<16xi32>
      %add3A_2086 = arith.constant 0 : i32
      %add3A_2087 = vector.broadcast %add3A_2086 : i32 to vector<16xi32>
      %add3A_2088 = arith.addi %iota3A_2085, %add3A_2087 : vector<16xi32>
      %get3A_2089 = arith.index_cast %add3A_2057 : i32 to index
      %get3A_2090 = arith.constant 0 : index
      %get3A_2091 = tpu.vector_load %arg7[%get3A_2089, %get3A_2090] {strides = array<i32>} : memref<200x128xi32, #tpu.memory_space<vmem>>, vector<16xi32>,
      %and3A_2092 = arith.constant 15 : i32
      %and3A_2093 = vector.broadcast %and3A_2092 : i32 to vector<16xi32>
      %and3A_2094 = arith.andi %get3A_2091, %and3A_2093 : vector<16xi32>
      %gather3A_2095 = arith.constant 7 : i32
      %gather3A_2096 = arith.constant 0 : i32
      %gather3A_2097 = arith.constant 0 : i32
      %gather3A_2098 = tpu.memref_slice %arg10[%gather3A_2095, %gather3A_2096, %gather3A_2097] : memref<8x128x16xf32, #tpu.memory_space<vmem>> -> memref<1x128x16xf32, #tpu.memory_space<vmem>>
      %gather3A_2099 = tpu.memref_squeeze %gather3A_2098 : memref<1x128x16xf32, #tpu.memory_space<vmem>> -> memref<128x16xf32, #tpu.memory_space<vmem>>
      %gather3A_2100 = tpu.vector_load_idx %gather3A_2099[%add3A_2088, %and3A_2094] : memref<128x16xf32, #tpu.memory_space<vmem>>[vector<16xi32>, vector<16xi32>], vector<16xf32>,
      %swap3A_2101 = arith.constant 0 : index
      %swap3A_2102 = tpu.vector_load %arg11[%swap3A_2101] {strides = array<i32>} : memref<128xf32, #tpu.memory_space<vmem>>, vector<16xf32>,
      tpu.vector_store %arg11[%swap3A_2101], %gather3A_2100 {strides = array<i32>} : memref<128xf32, #tpu.memory_space<vmem>>, vector<16xf32>,
      %iota3A_2103 = tpu.iota {dimensions = array<i32: 0>} : vector<16xi32>
      %add3A_2104 = arith.constant 16 : i32
      %add3A_2105 = vector.broadcast %add3A_2104 : i32 to vector<16xi32>
      %add3A_2106 = arith.addi %iota3A_2103, %add3A_2105 : vector<16xi32>
      %get3A_2107 = arith.index_cast %add3A_2057 : i32 to index
      %get3A_2108 = arith.constant 16 : index
      %get3A_2109 = tpu.vector_load %arg7[%get3A_2107, %get3A_2108] {strides = array<i32>} : memref<200x128xi32, #tpu.memory_space<vmem>>, vector<16xi32>,
      %and3A_2110 = arith.constant 15 : i32
      %and3A_2111 = vector.broadcast %and3A_2110 : i32 to vector<16xi32>
      %and3A_2112 = arith.andi %get3A_2109, %and3A_2111 : vector<16xi32>
      %gather3A_2113 = arith.constant 7 : i32
      %gather3A_2114 = arith.constant 0 : i32
      %gather3A_2115 = arith.constant 0 : i32
      %gather3A_2116 = tpu.memref_slice %arg10[%gather3A_2113, %gather3A_2114, %gather3A_2115] : memref<8x128x16xf32, #tpu.memory_space<vmem>> -> memref<1x128x16xf32, #tpu.memory_space<vmem>>
      %gather3A_2117 = tpu.memref_squeeze %gather3A_2116 : memref<1x128x16xf32, #tpu.memory_space<vmem>> -> memref<128x16xf32, #tpu.memory_space<vmem>>
      %gather3A_2118 = tpu.vector_load_idx %gather3A_2117[%add3A_2106, %and3A_2112] : memref<128x16xf32, #tpu.memory_space<vmem>>[vector<16xi32>, vector<16xi32>], vector<16xf32>,
      %swap3A_2119 = arith.constant 16 : index
      %swap3A_2120 = tpu.vector_load %arg11[%swap3A_2119] {strides = array<i32>} : memref<128xf32, #tpu.memory_space<vmem>>, vector<16xf32>,
      tpu.vector_store %arg11[%swap3A_2119], %gather3A_2118 {strides = array<i32>} : memref<128xf32, #tpu.memory_space<vmem>>, vector<16xf32>,
      %iota3A_2121 = tpu.iota {dimensions = array<i32: 0>} : vector<16xi32>
      %add3A_2122 = arith.constant 32 : i32
      %add3A_2123 = vector.broadcast %add3A_2122 : i32 to vector<16xi32>
      %add3A_2124 = arith.addi %iota3A_2121, %add3A_2123 : vector<16xi32>
      %get3A_2125 = arith.index_cast %add3A_2057 : i32 to index
      %get3A_2126 = arith.constant 32 : index
      %get3A_2127 = tpu.vector_load %arg7[%get3A_2125, %get3A_2126] {strides = array<i32>} : memref<200x128xi32, #tpu.memory_space<vmem>>, vector<16xi32>,
      %and3A_2128 = arith.constant 15 : i32
      %and3A_2129 = vector.broadcast %and3A_2128 : i32 to vector<16xi32>
      %and3A_2130 = arith.andi %get3A_2127, %and3A_2129 : vector<16xi32>
      %gather3A_2131 = arith.constant 7 : i32
      %gather3A_2132 = arith.constant 0 : i32
      %gather3A_2133 = arith.constant 0 : i32
      %gather3A_2134 = tpu.memref_slice %arg10[%gather3A_2131, %gather3A_2132, %gather3A_2133] : memref<8x128x16xf32, #tpu.memory_space<vmem>> -> memref<1x128x16xf32, #tpu.memory_space<vmem>>
      %gather3A_2135 = tpu.memref_squeeze %gather3A_2134 : memref<1x128x16xf32, #tpu.memory_space<vmem>> -> memref<128x16xf32, #tpu.memory_space<vmem>>
      %gather3A_2136 = tpu.vector_load_idx %gather3A_2135[%add3A_2124, %and3A_2130] : memref<128x16xf32, #tpu.memory_space<vmem>>[vector<16xi32>, vector<16xi32>], vector<16xf32>,
      %swap3A_2137 = arith.constant 32 : index
      %swap3A_2138 = tpu.vector_load %arg11[%swap3A_2137] {strides = array<i32>} : memref<128xf32, #tpu.memory_space<vmem>>, vector<16xf32>,
      tpu.vector_store %arg11[%swap3A_2137], %gather3A_2136 {strides = array<i32>} : memref<128xf32, #tpu.memory_space<vmem>>, vector<16xf32>,
      %iota3A_2139 = tpu.iota {dimensions = array<i32: 0>} : vector<16xi32>
      %add3A_2140 = arith.constant 48 : i32
      %add3A_2141 = vector.broadcast %add3A_2140 : i32 to vector<16xi32>
      %add3A_2142 = arith.addi %iota3A_2139, %add3A_2141 : vector<16xi32>
      %get3A_2143 = arith.index_cast %add3A_2057 : i32 to index
      %get3A_2144 = arith.constant 48 : index
      %get3A_2145 = tpu.vector_load %arg7[%get3A_2143, %get3A_2144] {strides = array<i32>} : memref<200x128xi32, #tpu.memory_space<vmem>>, vector<16xi32>,
      %and3A_2146 = arith.constant 15 : i32
      %and3A_2147 = vector.broadcast %and3A_2146 : i32 to vector<16xi32>
      %and3A_2148 = arith.andi %get3A_2145, %and3A_2147 : vector<16xi32>
      %gather3A_2149 = arith.constant 7 : i32
      %gather3A_2150 = arith.constant 0 : i32
      %gather3A_2151 = arith.constant 0 : i32
      %gather3A_2152 = tpu.memref_slice %arg10[%gather3A_2149, %gather3A_2150, %gather3A_2151] : memref<8x128x16xf32, #tpu.memory_space<vmem>> -> memref<1x128x16xf32, #tpu.memory_space<vmem>>
      %gather3A_2153 = tpu.memref_squeeze %gather3A_2152 : memref<1x128x16xf32, #tpu.memory_space<vmem>> -> memref<128x16xf32, #tpu.memory_space<vmem>>
      %gather3A_2154 = tpu.vector_load_idx %gather3A_2153[%add3A_2142, %and3A_2148] : memref<128x16xf32, #tpu.memory_space<vmem>>[vector<16xi32>, vector<16xi32>], vector<16xf32>,
      %swap3A_2155 = arith.constant 48 : index
      %swap3A_2156 = tpu.vector_load %arg11[%swap3A_2155] {strides = array<i32>} : memref<128xf32, #tpu.memory_space<vmem>>, vector<16xf32>,
      tpu.vector_store %arg11[%swap3A_2155], %gather3A_2154 {strides = array<i32>} : memref<128xf32, #tpu.memory_space<vmem>>, vector<16xf32>,
      %iota3A_2157 = tpu.iota {dimensions = array<i32: 0>} : vector<16xi32>
      %add3A_2158 = arith.constant 64 : i32
      %add3A_2159 = vector.broadcast %add3A_2158 : i32 to vector<16xi32>
      %add3A_2160 = arith.addi %iota3A_2157, %add3A_2159 : vector<16xi32>
      %get3A_2161 = arith.index_cast %add3A_2057 : i32 to index
      %get3A_2162 = arith.constant 64 : index
      %get3A_2163 = tpu.vector_load %arg7[%get3A_2161, %get3A_2162] {strides = array<i32>} : memref<200x128xi32, #tpu.memory_space<vmem>>, vector<16xi32>,
      %and3A_2164 = arith.constant 15 : i32
      %and3A_2165 = vector.broadcast %and3A_2164 : i32 to vector<16xi32>
      %and3A_2166 = arith.andi %get3A_2163, %and3A_2165 : vector<16xi32>
      %gather3A_2167 = arith.constant 7 : i32
      %gather3A_2168 = arith.constant 0 : i32
      %gather3A_2169 = arith.constant 0 : i32
      %gather3A_2170 = tpu.memref_slice %arg10[%gather3A_2167, %gather3A_2168, %gather3A_2169] : memref<8x128x16xf32, #tpu.memory_space<vmem>> -> memref<1x128x16xf32, #tpu.memory_space<vmem>>
      %gather3A_2171 = tpu.memref_squeeze %gather3A_2170 : memref<1x128x16xf32, #tpu.memory_space<vmem>> -> memref<128x16xf32, #tpu.memory_space<vmem>>
      %gather3A_2172 = tpu.vector_load_idx %gather3A_2171[%add3A_2160, %and3A_2166] : memref<128x16xf32, #tpu.memory_space<vmem>>[vector<16xi32>, vector<16xi32>], vector<16xf32>,
      %swap3A_2173 = arith.constant 64 : index
      %swap3A_2174 = tpu.vector_load %arg11[%swap3A_2173] {strides = array<i32>} : memref<128xf32, #tpu.memory_space<vmem>>, vector<16xf32>,
      tpu.vector_store %arg11[%swap3A_2173], %gather3A_2172 {strides = array<i32>} : memref<128xf32, #tpu.memory_space<vmem>>, vector<16xf32>,
      %iota3A_2175 = tpu.iota {dimensions = array<i32: 0>} : vector<16xi32>
      %add3A_2176 = arith.constant 80 : i32
      %add3A_2177 = vector.broadcast %add3A_2176 : i32 to vector<16xi32>
      %add3A_2178 = arith.addi %iota3A_2175, %add3A_2177 : vector<16xi32>
      %get3A_2179 = arith.index_cast %add3A_2057 : i32 to index
      %get3A_2180 = arith.constant 80 : index
      %get3A_2181 = tpu.vector_load %arg7[%get3A_2179, %get3A_2180] {strides = array<i32>} : memref<200x128xi32, #tpu.memory_space<vmem>>, vector<16xi32>,
      %and3A_2182 = arith.constant 15 : i32
      %and3A_2183 = vector.broadcast %and3A_2182 : i32 to vector<16xi32>
      %and3A_2184 = arith.andi %get3A_2181, %and3A_2183 : vector<16xi32>
      %gather3A_2185 = arith.constant 7 : i32
      %gather3A_2186 = arith.constant 0 : i32
      %gather3A_2187 = arith.constant 0 : i32
      %gather3A_2188 = tpu.memref_slice %arg10[%gather3A_2185, %gather3A_2186, %gather3A_2187] : memref<8x128x16xf32, #tpu.memory_space<vmem>> -> memref<1x128x16xf32, #tpu.memory_space<vmem>>
      %gather3A_2189 = tpu.memref_squeeze %gather3A_2188 : memref<1x128x16xf32, #tpu.memory_space<vmem>> -> memref<128x16xf32, #tpu.memory_space<vmem>>
      %gather3A_2190 = tpu.vector_load_idx %gather3A_2189[%add3A_2178, %and3A_2184] : memref<128x16xf32, #tpu.memory_space<vmem>>[vector<16xi32>, vector<16xi32>], vector<16xf32>,
      %swap3A_2191 = arith.constant 80 : index
      %swap3A_2192 = tpu.vector_load %arg11[%swap3A_2191] {strides = array<i32>} : memref<128xf32, #tpu.memory_space<vmem>>, vector<16xf32>,
      tpu.vector_store %arg11[%swap3A_2191], %gather3A_2190 {strides = array<i32>} : memref<128xf32, #tpu.memory_space<vmem>>, vector<16xf32>,
      %iota3A_2193 = tpu.iota {dimensions = array<i32: 0>} : vector<16xi32>
      %add3A_2194 = arith.constant 96 : i32
      %add3A_2195 = vector.broadcast %add3A_2194 : i32 to vector<16xi32>
      %add3A_2196 = arith.addi %iota3A_2193, %add3A_2195 : vector<16xi32>
      %get3A_2197 = arith.index_cast %add3A_2057 : i32 to index
      %get3A_2198 = arith.constant 96 : index
      %get3A_2199 = tpu.vector_load %arg7[%get3A_2197, %get3A_2198] {strides = array<i32>} : memref<200x128xi32, #tpu.memory_space<vmem>>, vector<16xi32>,
      %and3A_2200 = arith.constant 15 : i32
      %and3A_2201 = vector.broadcast %and3A_2200 : i32 to vector<16xi32>
      %and3A_2202 = arith.andi %get3A_2199, %and3A_2201 : vector<16xi32>
      %gather3A_2203 = arith.constant 7 : i32
      %gather3A_2204 = arith.constant 0 : i32
      %gather3A_2205 = arith.constant 0 : i32
      %gather3A_2206 = tpu.memref_slice %arg10[%gather3A_2203, %gather3A_2204, %gather3A_2205] : memref<8x128x16xf32, #tpu.memory_space<vmem>> -> memref<1x128x16xf32, #tpu.memory_space<vmem>>
      %gather3A_2207 = tpu.memref_squeeze %gather3A_2206 : memref<1x128x16xf32, #tpu.memory_space<vmem>> -> memref<128x16xf32, #tpu.memory_space<vmem>>
      %gather3A_2208 = tpu.vector_load_idx %gather3A_2207[%add3A_2196, %and3A_2202] : memref<128x16xf32, #tpu.memory_space<vmem>>[vector<16xi32>, vector<16xi32>], vector<16xf32>,
      %swap3A_2209 = arith.constant 96 : index
      %swap3A_2210 = tpu.vector_load %arg11[%swap3A_2209] {strides = array<i32>} : memref<128xf32, #tpu.memory_space<vmem>>, vector<16xf32>,
      tpu.vector_store %arg11[%swap3A_2209], %gather3A_2208 {strides = array<i32>} : memref<128xf32, #tpu.memory_space<vmem>>, vector<16xf32>,
      %iota3A_2211 = tpu.iota {dimensions = array<i32: 0>} : vector<16xi32>
      %add3A_2212 = arith.constant 112 : i32
      %add3A_2213 = vector.broadcast %add3A_2212 : i32 to vector<16xi32>
      %add3A_2214 = arith.addi %iota3A_2211, %add3A_2213 : vector<16xi32>
      %get3A_2215 = arith.index_cast %add3A_2057 : i32 to index
      %get3A_2216 = arith.constant 112 : index
      %get3A_2217 = tpu.vector_load %arg7[%get3A_2215, %get3A_2216] {strides = array<i32>} : memref<200x128xi32, #tpu.memory_space<vmem>>, vector<16xi32>,
      %and3A_2218 = arith.constant 15 : i32
      %and3A_2219 = vector.broadcast %and3A_2218 : i32 to vector<16xi32>
      %and3A_2220 = arith.andi %get3A_2217, %and3A_2219 : vector<16xi32>
      %gather3A_2221 = arith.constant 7 : i32
      %gather3A_2222 = arith.constant 0 : i32
      %gather3A_2223 = arith.constant 0 : i32
      %gather3A_2224 = tpu.memref_slice %arg10[%gather3A_2221, %gather3A_2222, %gather3A_2223] : memref<8x128x16xf32, #tpu.memory_space<vmem>> -> memref<1x128x16xf32, #tpu.memory_space<vmem>>
      %gather3A_2225 = tpu.memref_squeeze %gather3A_2224 : memref<1x128x16xf32, #tpu.memory_space<vmem>> -> memref<128x16xf32, #tpu.memory_space<vmem>>
      %gather3A_2226 = tpu.vector_load_idx %gather3A_2225[%add3A_2214, %and3A_2220] : memref<128x16xf32, #tpu.memory_space<vmem>>[vector<16xi32>, vector<16xi32>], vector<16xf32>,
      %swap3A_2227 = arith.constant 112 : index
      %swap3A_2228 = tpu.vector_load %arg11[%swap3A_2227] {strides = array<i32>} : memref<128xf32, #tpu.memory_space<vmem>>, vector<16xf32>,
      tpu.vector_store %arg11[%swap3A_2227], %gather3A_2226 {strides = array<i32>} : memref<128xf32, #tpu.memory_space<vmem>>, vector<16xf32>,
      "tpu.region"() ({
        %run_scoped3A_2229 = tpu.sem_alloc : memref<!tpu.dma_semaphore, #tpu.memory_space<semaphore_mem>>
        %dma_start3A_2230 = tpu.memref_slice %arg6[%add3A_2060] : memref<819200xf32, #tpu.memory_space<hbm>> -> memref<128xf32, #tpu.memory_space<hbm>>
        %dma_start3A_2231 = tpu.memref_slice %arg6[%add3A_2060] : memref<819200xf32, #tpu.memory_space<hbm>> -> memref<128xf32, #tpu.memory_space<hbm>>
        tpu.enqueue_dma source(%arg11 : memref<128xf32, #tpu.memory_space<vmem>>) target(%dma_start3A_2231 : memref<128xf32, #tpu.memory_space<hbm>>) target_semaphore(%run_scoped3A_2229 : memref<!tpu.dma_semaphore, #tpu.memory_space<semaphore_mem>>)
        %dma_wait3A_2232 = tpu.memref_slice %arg6[%add3A_2060] : memref<819200xf32, #tpu.memory_space<hbm>> -> memref<128xf32, #tpu.memory_space<hbm>>
        %dma_wait3A_2233 = tpu.memref_slice %arg6[%add3A_2060] : memref<819200xf32, #tpu.memory_space<hbm>> -> memref<128xf32, #tpu.memory_space<hbm>>
        tpu.wait_dma2 semaphore(%run_scoped3A_2229 : memref<!tpu.dma_semaphore, #tpu.memory_space<semaphore_mem>>) src(%arg11 : memref<128xf32, #tpu.memory_space<vmem>>) dst(%dma_wait3A_2233 : memref<128xf32, #tpu.memory_space<hbm>>)
        tpu.yield
      }) : () -> ()
    }
    %scan3A_6 = arith.constant 25 : i32
    return
  }
}

module attributes {stable_mosaic.version = 14 : i64} {
  func.func @_softplus_body(%arg0: i32, %arg1: memref<800x128xf32, #tpu.memory_space<vmem>>, %arg2: memref<800x128xf32, #tpu.memory_space<vmem>>) attributes {dimension_semantics = [#tpu.dimension_semantics<arbitrary>], iteration_bounds = array<i64: 8>, scalar_prefetch = 0 : i64, scratch_operands = 0 : i64, tpu.core_type = #tpu.core_type<tc>, window_params = [{transform_indices = @transform_0, window_bounds = array<i64: 800, 128>}, {transform_indices = @transform_1, window_bounds = array<i64: 800, 128>}]} {
    %get3A = arith.constant 0 : index
    %get3A_0 = arith.constant 0 : index
    %get3A_1 = vector.load %arg1[%get3A, %get3A_0] : memref<800x128xf32, #tpu.memory_space<vmem>>, vector<800x128xf32>
    %custom_jvp_call3A = arith.constant 0.000000e+00 : f32
    %max3A = vector.broadcast %custom_jvp_call3A : f32 to vector<800x128xf32>
    %max3A_2 = arith.maximumf %get3A_1, %max3A : vector<800x128xf32>
    %sub3A = vector.broadcast %custom_jvp_call3A : f32 to vector<800x128xf32>
    %sub3A_3 = arith.subf %get3A_1, %sub3A : vector<800x128xf32>
    %ne3A = arith.cmpf one, %sub3A_3, %sub3A_3 : vector<800x128xf32>
    %add3A = vector.broadcast %custom_jvp_call3A : f32 to vector<800x128xf32>
    %add3A_4 = arith.addf %get3A_1, %add3A : vector<800x128xf32>
    %abs3A = math.absf %sub3A_3 : vector<800x128xf32>
    %neg3A = arith.constant 0.000000e+00 : f32
    %neg3A_5 = vector.broadcast %neg3A : f32 to vector<800x128xf32>
    %neg3A_6 = arith.subf %neg3A_5, %abs3A : vector<800x128xf32>
    %exp3A = math.exp %neg3A_6 : vector<800x128xf32>
    %log1p3A = math.log1p %exp3A : vector<800x128xf32>
    %add3A_7 = arith.addf %max3A_2, %log1p3A : vector<800x128xf32>
    %select_n3A = arith.select %ne3A, %add3A_4, %add3A_7 : vector<800x128xi1>, vector<800x128xf32>
    %swap3A = arith.constant 0 : index
    %swap3A_8 = arith.constant 0 : index
    %swap3A_9 = vector.load %arg2[%swap3A, %swap3A_8] : memref<800x128xf32, #tpu.memory_space<vmem>>, vector<800x128xf32>
    tpu.vector_store %arg2[%swap3A, %swap3A_8], %select_n3A {strides = array<i32>} : memref<800x128xf32, #tpu.memory_space<vmem>>, vector<800x128xf32>,
    return
  }
  func.func @transform_0(%arg0: i32) -> (i32, i32) {
    %c0_i32 = arith.constant 0 : i32
    %c0_i32_0 = arith.constant 0 : i32
    return %arg0, %c0_i32 : i32, i32
  }
  func.func @transform_1(%arg0: i32) -> (i32, i32) {
    %c0_i32 = arith.constant 0 : i32
    %c0_i32_0 = arith.constant 0 : i32
    return %arg0, %c0_i32 : i32, i32
  }
}

</mosaic_0001>

<sc_bundles>
// kernel: kernel.4.cloned.1.call-start
scs
__scs_entry_jumppad:
0x0: {  	(pc) =	sbr.rel $0x88, $3  }
0x1: {  	(tag) =	ssettag $0x0;
	lr =	simm.s32 $0x1  }
0x2: {  	[smem:$0x3F9E] =	sst lr;
	_ =	strace $0xD0000000  }
0x3: {  	_ = 	snop  }
0x4: {  	_ = 	snop  }
0x5: {  	_ = 	snop  }
0x6: {  	_ = 	snop  }
0x7: {  	_ = 	snop  }
__scs_overlays_trampoline_lowered:
0x8: {  	[smem:$0x3FAD] =	sst s0  }
0x9: {  	[smem:$0x3FAE] =	sst s1  }
0xa: {  	[smem:$0x3FAF] =	sst s2  }
0xb: {  	[smem:$0x3FB0] =	sst s3  }
0xc: {  	[smem:$0x3FB1] =	sst s4  }
0xd: {  	[smem:$0x3FB2] =	sst s5  }
0xe: {  	[smem:$0x3FB3] =	sst s6  }
0xf: {  	[smem:$0x3FB4] =	sst s7  }
0x10: {  	[smem:$0x3FB5] =	sst s8  }
0x11: {  	[smem:$0x3FB6] =	sst s9;
	s0 =	simm.s32 @!p0 $0x0  }
0x12: {  	s1 =	sld [smem:$0x3F9C];
	s0 =	simm.s32 @p0 $0x1  }
0x13: {  	[smem:$0x3FB7] =	sst s0;
	s0 =	simm.s32 @!p1 $0x0  }
0x14: {  	s2 =	sld [smem:$0x3F9B];
	s0 =	simm.s32 @p1 $0x1  }
0x15: {  	[smem:$0x3FB8] =	sst s0;
	s0 =	simm.s32 @!p2 $0x0  }
0x16: {  	s3 =	sld [smem:$0x3FDB];
	s0 =	simm.s32 @p2 $0x1  }
0x17: {  	s4 =	simm.s32 $0x1BF5;
	[smem:$0x3FBA] =	sst s0  }
0x18: {  	s0 =	sld [smem:$0x3F9D];
	_ =	swait.ge [sflag:s4], $0x0  }
0x19: {  	s7 =	sld [smem:$0x3F9E]  }
0x1a: {  	s8 =	sadd.s32 $0xFFFFE003, lr  }
0x1b: {  	s9 =	sadd.s32 $0xFFFFFEF7, lr;
	s5 =	simm.s32 $0xFFFFFFFF;
	p2 =	slt.u32 s8, $0xFFFFF086  }
0x1c: {  	p1 =	slt.u32 s9, $0xF7A;
	s5 =	simm.s32 @!p2 $0x0  }
0x1d: {  	s5 =	simm.s32 @p1 $0x1;
	p0 =	seq.s32 s7, s2  }
0x1e: {  	s7 =	smul.u32 @!p0 $0xF7A, s2;
	p2 =	seq.s32 @!p0 s5, $0x0  }
0x1f: {  	s9 =	smul.u32 $0xF7A, s1;
	s8 =	simm.s32 @!p0 $0x1BF5;
	p2 =	por !p2, p0  }
0x20: {  	[sflag:s8] =	ssyncset.s32 @!p0 $0xFFFFF086;
	s6 =	sadd.s32 @!p0 s3, s7;
	s7 =	simm.s32 @!p0 $0x108  }
0x21: {  	s3 =	sadd.s32 s3, s9;
	s6 =	sadd.s32 @!p0 $0x88, s6;
	s7 =	simm.s32 @p2 $0x1082  }
0x22: {  	[simem:s7], [sflag:s8] =	dma.local @!p0 [hbm:s6], $0xF7A  }
0x23: {  	s9 =	sor.u32 $0xD0000000, s2;
	s6 =	simm.s32 $0x108;
	_ =	swait.ge @!p0 [sflag:s8], $0x0  }
0x24: {  	s3 =	sadd.s32 $0x88, s3;
	s6 =	simm.s32 @!p1 $0x1082;
	[sflag:s4] =	ssyncset.s32 $0xFFFFF086  }
0x25: {  	[simem:s6], [sflag:s4] =	dma.local [hbm:s3], $0xF7A  }
0x26: {  	[smem:$0x3F9E] =	sst s1;
	(tag) =	ssettag s2;
	_ =	strace s9  }
0x27: {  	s1 =	sld [smem:$0x3FAE]  }
0x28: {  	s2 =	sld [smem:$0x3FAF]  }
0x29: {  	s4 =	sld [smem:$0x3FB1]  }
0x2a: {  	p0 =	seq.s32 s5, $0x0;
	s5 =	sld [smem:$0x3FB2]  }
0x2b: {  	s6 =	sld [smem:$0x3FB3]  }
0x2c: {  	s7 =	sld [smem:$0x3FB4]  }
0x2d: {  	s3 =	simm.s32 $0x108;
	s8 =	sld [smem:$0x3FB5]  }
0x2e: {  	s3 =	simm.s32 @!p0 $0x1082;
	s9 =	sld [smem:$0x3FB6]  }
0x2f: {  	lr =	sadd.s32 s0, s3;
	s0 =	sld [smem:$0x3FAD]  }
0x30: {  	s3 =	sld [smem:$0x3FB0]  }
0x31: {  	[smem:$0x3FB9] =	sst s10  }
0x32: {  	s10 =	sld [smem:$0x3FB7];
	_ =	sdelay $0x3  }
0x33: {  	p0 =	seq.s32 s10, $0x1;
	s10 =	sld [smem:$0x3FB9];
	_ =	sdelay $0x3  }
0x34: {  	[smem:$0x3FB9] =	sst s10  }
0x35: {  	s10 =	sld [smem:$0x3FB8];
	_ =	sdelay $0x3  }
0x36: {  	p1 =	seq.s32 s10, $0x1;
	s10 =	sld [smem:$0x3FB9];
	_ =	sdelay $0x3  }
0x37: {  	[smem:$0x3FB9] =	sst s10  }
0x38: {  	s10 =	sld [smem:$0x3FBA]  }
0x39: {  	_ = 	snop;
	(pc) =	sbr.ind lr, $3  }
0x3a: {  	_ = 	snop  }
0x3b: {  	_ = 	snop  }
0x3c: {  	p2 =	seq.s32 s10, $0x1;
	s10 =	sld [smem:$0x3FB9]  }
0x3d: {  	_ =	shalt  }
0x3e: {  	_ =	shalt  }
0x3f: {  	_ =	shalt  }
0x40: {  	_ =	shalt  }
0x41: {  	_ =	shalt  }
0x42: {  	_ =	shalt  }
0x43: {  	_ =	shalt  }
0x44: {  	_ =	shalt  }
0x45: {  	_ =	shalt  }
0x46: {  	_ =	shalt  }
0x47: {  	_ =	shalt  }
0x48: {  	_ =	shalt  }
0x49: {  	_ =	shalt  }
0x4a: {  	_ =	shalt  }
0x4b: {  	_ =	shalt  }
0x4c: {  	_ =	shalt  }
0x4d: {  	_ =	shalt  }
0x4e: {  	_ =	shalt  }
0x4f: {  	_ =	shalt  }
0x50: {  	_ =	shalt  }
0x51: {  	_ =	shalt  }
0x52: {  	_ =	shalt  }
0x53: {  	_ =	shalt  }
0x54: {  	_ =	shalt  }
0x55: {  	_ =	shalt  }
0x56: {  	_ =	shalt  }
0x57: {  	_ =	shalt  }
0x58: {  	_ =	shalt  }
0x59: {  	_ =	shalt  }
0x5a: {  	_ =	shalt  }
0x5b: {  	_ =	shalt  }
0x5c: {  	_ =	shalt  }
0x5d: {  	_ =	shalt  }
0x5e: {  	_ =	shalt  }
0x5f: {  	_ =	shalt  }
0x60: {  	_ =	shalt  }
0x61: {  	_ =	shalt  }
0x62: {  	_ =	shalt  }
0x63: {  	_ =	shalt  }
0x64: {  	_ =	shalt  }
0x65: {  	_ =	shalt  }
0x66: {  	_ =	shalt  }
0x67: {  	_ =	shalt  }
0x68: {  	_ =	shalt  }
0x69: {  	_ =	shalt  }
0x6a: {  	_ =	shalt  }
0x6b: {  	_ =	shalt  }
0x6c: {  	_ =	shalt  }
0x6d: {  	_ =	shalt  }
0x6e: {  	_ =	shalt  }
0x6f: {  	_ =	shalt  }
0x70: {  	_ =	shalt  }
0x71: {  	_ =	shalt  }
0x72: {  	_ =	shalt  }
0x73: {  	_ =	shalt  }
0x74: {  	_ =	shalt  }
0x75: {  	_ =	shalt  }
0x76: {  	_ =	shalt  }
0x77: {  	_ =	shalt  }
0x78: {  	_ =	shalt  }
0x79: {  	_ =	shalt  }
0x7a: {  	_ =	shalt  }
0x7b: {  	_ =	shalt  }
0x7c: {  	_ =	shalt  }
0x7d: {  	_ =	shalt  }
0x7e: {  	_ =	shalt  }
0x7f: {  	_ =	shalt  }
0x80: {  	_ =	shalt  }
0x81: {  	_ =	shalt  }
0x82: {  	_ =	shalt  }
0x83: {  	_ =	shalt  }
0x84: {  	_ =	shalt  }
0x85: {  	_ =	shalt  }
0x86: {  	_ =	shalt  }
0x87: {  	_ =	shalt  }
.Lfunc_end0:
.L_simem_size_0:
called_computation.1_lowered:
.L_overlay_start_0:
0x88: {  	s2 =	sld [smem:$0x3FD9]  }
0x89: {  	s3 =	sld [smem:$0x3FFE];
	_ =	sdelay $0x1  }
0x8a: {  	s1 =	srdreg.scid  }
0x8b: {  	s0 =	sand.u32 $0x1, s1  }
0x8c: {  	s14 =	sshll.u32 s0, $0xA;
	s2 =	sadd.s32 s3, s2  }
0x8d: {  	s2 =	sadd.s32 s2, s14  }
0x8e: {  	[smem:$0x3FC5] =	sst s2  }
0x8f: {  	_ = 	snop  }
0x90: {  	s2 =	sld [smem:$0x3FD0];
	_ =	sdelay $0x2  }
0x91: {  	s15 =	simm.s32 $0xA;
	s4 =	simm.s32 $0x10  }
0x92: {  	[smem:s4], [sflag:s15] =	dma.local [hbm:s2], $0x1  }
0x93: {  	_ =	swait.eq [sflag:s15], $0x1  }
0x94: {  	[sflag:s15] =	ssyncset.done $0x0  }
0x95: {  	s16 =	sld [smem:$0x10];
	[sflag:s15] =	ssyncadd.s32 $0xFFFFFFFF  }
0x96: {  	s17 =	sld [smem:$0x11];
	(tm) =	ssettm $0x1  }
0x97: {  	s18 =	sld [smem:$0x3FFB];
	_ =	sdelay $0x3  }
0x98: {  	_ =	strace s18  }
0x99: {  	s4 =	sld [smem:$0x3FFC];
	_ =	sdelay $0x3  }
0x9a: {  	_ =	strace s4  }
0x9b: {  	s4 =	sld [smem:$0x3FFD];
	_ =	sdelay $0x3  }
0x9c: {  	_ =	strace s4  }
0x9d: {  	_ =	strace $0x8FFFFFFF  }
0x9e: {  	s19 =	sld [smem:$0x3FDB];
	_ =	sdelay $0x1  }
0x9f: {  	s5 =	simm.s32 $_scs_section_size  }
0xa0: {  	s6 =	simm.s32 $_size__tile_overlayer_lowered;
	s7 =	simm.s32 $_tile_overlayer_lowered  }
0xa1: {  	s22 =	simm.s32 $0x1BFF;
	s21 =	sshll.u32 s7, $0x1;
	s4 =	sadd.s32 s5, s19  }
0xa2: {  	s8 =	simm.s32 $0x0;
	s20 =	sshll.u32 s6, $0x1;
	s6 =	sadd.s32 s21, s4  }
0xa3: {  	[timem:s8], [sflag:s22] =	dma.local [hbm:s6], s20  }
0xa4: {  	_ =	swait.ge [sflag:s22], s20  }
0xa5: {  	s5 =	ssub.s32 $0x0, s20;
	[sflag:s22] =	ssyncset.done $0x0  }
0xa6: {  	[sflag:s22] =	ssyncadd.s32 s5;
	_ =	sdelay $0x1  }
0xa7: {  	s23 =	simm.s32 $0x1B8B  }
0xa8: {  	_ =	swait.ge [sflag:s23], $0x1  }
0xa9: {  	[sflag:s23] =	ssyncset.done $0x0  }
0xaa: {  	s25 =	simm.s32 $0x1B8E;
	s24 =	sld [smem:$0x3FFE];
	[sflag:s23] =	ssyncadd.s32 $0xFFFFFFFF  }
0xab: {  	s26 =	simm.s32 $execute0_lowered;
	[smem:$0x3FD2] =	sst s25  }
0xac: {  	s6 =	sshll.u32 s26, $0x1;
	_ =	strace $0x80000046;
	[dreg:$0x1] =	wrdreg $0xFFFFFFFF  }
0xad: {  	s28 =	simm.s32 $_size_execute0_lowered;
	s4 =	sadd.s32 s4, s6;
	[dreg:$0x0] =	wrdreg $0x0  }
0xae: {  	s6 =	sshll.u32 s28, $0x1;
	[dreg:$0x2] =	wrdreg s4  }
0xaf: {  	[dreg:$0x3] =	wrdreg s6  }
0xb0: {  	[dreg:$0x4] =	wrdreg $0xC0  }
0xb1: {  	_ =	task [dreg:s8], $0x5FFFF  }
0xb2: {  	[dreg:$0x1] =	wrdreg $0xFFFFFFFF  }
0xb3: {  	[dreg:$0x0] =	wrdreg $0x60  }
0xb4: {  	[dreg:$0x2] =	wrdreg s17  }
0xb5: {  	[dreg:$0x3] =	wrdreg s24  }
0xb6: {  	[dreg:$0x4] =	wrdreg s16  }
0xb7: {  	[dreg:$0x5] =	wrdreg $0x9  }
0xb8: {  	_ =	task.clear_ibuf [dreg:s8], $0x6FFFF;
	_ =	strace $0x90000046  }
0xb9: {  	s29 =	simm.s32 $0x9;
	_ =	strace $0x80000048  }
0xba: {  	_ =	swait.ge [sflag:s29], $0x1  }
0xbb: {  	[sflag:s29] =	ssyncadd.s32 $0xFFFFFFFF  }
0xbc: {  	_ =	strace $0x90000048  }
0xbd: {  	_ =	sfence  }
0xbe: {  	s30 =	sld [smem:$0x0];
	_ =	sdelay $0x2  }
0xbf: {  	s31 =	sshll.u32 s1, $0xD;
	s1 =	sshrl.u32 s1, $0x2  }
0xc0: {  	s3 =	sand.u32 $0x4000, s31;
	s1 =	sadd.s32 s1, s30  }
0xc1: {  	s0 =	sor.u32 s3, s0;
	s1 =	sshll.u32 s1, $0x11  }
0xc2: {  	s0 =	sor.u32 s1, s0  }
0xc3: {  	s0 =	sadd.s32 $0x8F2B, s0  }
0xc4: {  	[sflag:s0] =	ssyncadd.remote.s32 $0x1  }
0xc5: {  	_ =	sfence.sel $0xFFFF  }
0xc6: {  	[dreg:$0x0] =	wrdreg $0xFFFFFFFF;
	(pc) =	sbr.abs _section_cstart, $3  }
0xc7: {  	[dreg:$0x1] =	wrdreg $0xFFFFFFFF  }
0xc8: {  	_ =	task.clear_ibuf [dreg:s8], $0x2FFFF;
	_ =	strace $0x9FFFFFFF  }
0xc9: {  	(tm) =	ssettm $0x7FFFFFFF  }
tec
execute0_lowered:
.L_overlay_start_1:
0x0: {  	(tag) =	ssettag $0x1  }
0x1: {  	s0 =	rddreg [dreg:$0x0]  }
0x2: {  	s1 =	rddreg [dreg:$0x1]  }
0x3: {  	s2 =	srdreg.scid;
	s11 =	stileid.u32  }
0x4: {  	s3 =	simm.s32 $0x0;
	s30 =	simm.s32 $0x1A800;
	s5 =	smul.u32 $0xC800, s11  }
0x5: {  	s2 =	sand.u32 $0x1, s2;
	[smem:$0x7FF] =	sst s3;
	s7 =	smul.u32 $0x64000, s11  }
0x6: {  	s4 =	sadd.s32 $0xF43200, s1;
	s31 =	sshll.u32 s11, $0x1;
	s6 =	smul.u32 $0x6400, s2  }
0x7: {  	_ =	strace $0x80000047;
	s8 =	smul.u32 $0x32000, s2;
	s20 =	ssub.s32 $0x2, s2  }
0x8: {  	s2 =	sor.u32 s2, s31;
	s31 =	simm.s32 $0x16780;
	s9 =	sshrl.u32 s20, $0x1  }
0x9: {  	s2 =	smul.u32 $0x6400, s2;
	[dreg:$0x1b] =	wrdreg s31;
	s6 =	sadd.s32 s6, s5  }
0xa: {  	s5 =	sadd.s32 $0xE00, s1;
	s1 =	sadd.s32 $0x1F800, s1;
	s18 =	sadd.s32 s8, s7  }
0xb: {  	s8 =	ssub.s32 s20, s9;
	s9 =	simm.s32 $0x11;
	[dreg:$0x1c] =	wrdreg s1  }
0xc: {  	s17 =	sshrl.u32 s6, $0x3;
	s19 =	sor.u32 $0x300, s6;
	[dreg:$0x5] =	wrdreg s18  }
0xd: {  	s7 =	simm.s32 $0x10;
	[dreg:$0x4] =	wrdreg s17;
	s21 =	sshrl.u32 s19, $0x3  }
0xe: {  	s23 =	sor.u32 $0x280, s6;
	s22 =	sshll.u32 s19, $0x3;
	[dreg:$0x6] =	wrdreg s21  }
0xf: {  	s26 =	sor.u32 $0x380, s6;
	s24 =	sshrl.u32 s23, $0x3;
	[dreg:$0x7] =	wrdreg s22  }
0x10: {  	s10 =	sor.u32 $0x200, s6;
	s25 =	sshll.u32 s23, $0x3;
	[dreg:$0x8] =	wrdreg s24  }
0x11: {  	s13 =	sor.u32 $0x180, s6;
	s28 =	sshll.u32 s26, $0x3;
	[dreg:$0x9] =	wrdreg s25  }
0x12: {  	s16 =	sor.u32 $0x100, s6;
	s29 =	sshrl.u32 s10, $0x3;
	[dreg:$0xa] =	wrdreg s28  }
0x13: {  	s6 =	sor.u32 $0x80, s6;
	s11 =	sshll.u32 s10, $0x3;
	[dreg:$0xb] =	wrdreg s29  }
0x14: {  	s2 =	sshrl.u32 s2, $0x3;
	s12 =	sshrl.u32 s26, $0x3;
	[dreg:$0xc] =	wrdreg s11  }
0x15: {  	s1 =	simm.s32 $0x0;
	s14 =	sshrl.u32 s13, $0x3;
	[dreg:$0xd] =	wrdreg s12  }
0x16: {  	s15 =	sshll.u32 s13, $0x3;
	s17 =	sshrl.u32 s16, $0x3;
	[dreg:$0xe] =	wrdreg s14  }
0x17: {  	s18 =	sshll.u32 s16, $0x3;
	s19 =	sshrl.u32 s6, $0x3;
	[dreg:$0xf] =	wrdreg s15  }
0x18: {  	s0 =	sadd.s32 s0, s2;
	s20 =	sshll.u32 s6, $0x3;
	[dreg:$0x10] =	wrdreg s17  }
0x19: {  	s10 =	simm.s32 $0x80;
	s23 =	simm.s32 $0x16480;
	[dreg:$0x11] =	wrdreg s18  }
0x1a: {  	s16 =	simm.s32 $0x17800;
	s26 =	simm.s32 $0x16600;
	[dreg:$0x1d] =	wrdreg s0  }
0x1b: {  	s2 =	simm.s32 $0xF;
	s6 =	simm.s32 $0x8;
	[dreg:$0x12] =	wrdreg s19  }
0x1c: {  	s13 =	simm.s32 $0xA400;
	s21 =	smax.u32 s8, $0x1;
	[dreg:$0x13] =	wrdreg s20  }
0x1d: {  	s22 =	simm.s32 $0x16400;
	s12 =	simm.s32 $0x16800;
	[dreg:$0x15] =	wrdreg s23  }
0x1e: {  	s24 =	simm.s32 $0x16500;
	s14 =	simm.s32 $0x17000;
	s25 =	simm.s32 $0x16580  }
0x1f: {  	s18 =	simm.s32 $0x18000;
	[dreg:$0x18] =	wrdreg s26;
	s28 =	simm.s32 $0x16680  }
0x20: {  	v0 =	vlaneseq.u32;
	s20 =	simm.s32 $0x18800;
	s29 =	simm.s32 $0x16700;
	[dreg:$0x1e] =	wrdreg s21  }
0x21: {  	v0 =	vmul.u32 $0x10, v0;
	s26 =	simm.s32 $0x1A000;
	s8 =	simm.s32 $0x6400;
	[dreg:$0x14] =	wrdreg s22  }
0x22: {  	s11 =	simm.s32 $0x8400;
	s15 =	simm.s32 $0xC400;
	[dreg:$0x16] =	wrdreg s24  }
0x23: {  	v1 =	vor.u32 $0x100, v0;
	s17 =	simm.s32 $0xE400;
	s19 =	simm.s32 $0x10400;
	[dreg:$0x17] =	wrdreg s25  }
0x24: {  	v2 =	vor.u32 $0x200, v0;
	v3 =	vor.u32 $0x300, v0;
	v4 =	vor.u32 $0x400, v0;
	s23 =	simm.s32 $0x14400;
	[dreg:$0x19] =	wrdreg s28;
	s22 =	simm.s32 $0x19000  }
0x25: {  	v5 =	vor.u32 $0x500, v0;
	v6 =	vor.u32 $0x600, v0;
	v7 =	vor.u32 $0x700, v0;
	[dreg:$0x1a] =	wrdreg s29;
	s24 =	simm.s32 $0x19800;
	s21 =	simm.s32 $0x12400  }
.LBB2_1:
0x26: {  	[dreg:$0x1f] =	wrdreg s1  }
0x27: {  	s0 =	rddreg [dreg:$0x1d]  }
0x28: {  	[tilespmem:s3], [sflag:$0x11] =	stream.linear.gather [hbm4b:s0+s3], $0x6400, $0x38;
	[tilespmem:$0x1A880] =	vst v63  }
0x29: {  	_ =	swait.ge [sflag:s9], $0x6400  }
0x2a: {  	[sflag:s9] =	ssyncset.done $0x0  }
0x2b: {  	s28 =	rddreg [dreg:$0x1c];
	[sflag:s9] =	ssyncadd.s32 $0xFFFF9C00  }
0x2c: {  	s29 =	simm.s32 $0x0;
	s25 =	rddreg [dreg:$0x2]  }
.LBB2_2:
0x2d: {  	s31 =	sshra.s32 s29, $0x2  }
0x2e: {  	[tilespmem:s8], [sflag:$0x1] =	stream.indirect.gather [hbm4b:s4+s10], $0x40, s31, s10, $0xb8;
	[tilespmem:$0x1A880] =	vst v63  }
0x2f: {  	v8 =	vld [tilespmem:s31+$0x0];
	_ =	sdelay $0x4  }
0x30: {  	v8 =	vshrl.u32 v8, $0x4  }
0x31: {  	[tilespmem:$0x16400] =	vst v8  }
0x32: {  	v8 =	vld [tilespmem:s31+$0x10];
	_ =	sdelay $0x4  }
0x33: {  	v8 =	vshrl.u32 v8, $0x4  }
0x34: {  	[tilespmem:$0x16410] =	vst v8  }
0x35: {  	v8 =	vld [tilespmem:s31+$0x20];
	_ =	sdelay $0x4  }
0x36: {  	v8 =	vshrl.u32 v8, $0x4  }
0x37: {  	[tilespmem:$0x16420] =	vst v8  }
0x38: {  	v8 =	vld [tilespmem:s31+$0x30];
	_ =	sdelay $0x4  }
0x39: {  	v8 =	vshrl.u32 v8, $0x4  }
0x3a: {  	[tilespmem:$0x16430] =	vst v8  }
0x3b: {  	v8 =	vld [tilespmem:s31+$0x40];
	_ =	sdelay $0x4  }
0x3c: {  	v8 =	vshrl.u32 v8, $0x4  }
0x3d: {  	[tilespmem:$0x16440] =	vst v8  }
0x3e: {  	v8 =	vld [tilespmem:s31+$0x50];
	_ =	sdelay $0x4  }
0x3f: {  	v8 =	vshrl.u32 v8, $0x4  }
0x40: {  	[tilespmem:$0x16450] =	vst v8  }
0x41: {  	v8 =	vld [tilespmem:s31+$0x60];
	_ =	sdelay $0x4  }
0x42: {  	v8 =	vshrl.u32 v8, $0x4  }
0x43: {  	[tilespmem:$0x16460] =	vst v8  }
0x44: {  	v8 =	vld [tilespmem:s31+$0x70];
	_ =	sdelay $0x4  }
0x45: {  	v8 =	vshrl.u32 v8, $0x4  }
0x46: {  	s0 =	rddreg [dreg:$0x14];
	[tilespmem:$0x16470] =	vst v8  }
0x47: {  	[tilespmem:s12], [sflag:$0x9] =	stream.indirect.gather [hbm4b:s5+s10], $0x10, s0, s10, $0xb8;
	[tilespmem:$0x1A880] =	vst v63  }
0x48: {  	s1 =	sadd.s32 $0x80, s31  }
0x49: {  	[tilespmem:s11], [sflag:$0x2] =	stream.indirect.gather [hbm4b:s4+s10], $0x40, s1, s10, $0xb8;
	[tilespmem:$0x1A880] =	vst v63  }
0x4a: {  	v8 =	vld [tilespmem:s31+$0x80];
	_ =	sdelay $0x4  }
0x4b: {  	v8 =	vshrl.u32 v8, $0x4  }
0x4c: {  	[tilespmem:$0x16480] =	vst v8  }
0x4d: {  	v8 =	vld [tilespmem:s31+$0x90];
	_ =	sdelay $0x4  }
0x4e: {  	v8 =	vshrl.u32 v8, $0x4  }
0x4f: {  	[tilespmem:$0x16490] =	vst v8  }
0x50: {  	v8 =	vld [tilespmem:s31+$0xA0];
	_ =	sdelay $0x4  }
0x51: {  	v8 =	vshrl.u32 v8, $0x4  }
0x52: {  	[tilespmem:$0x164A0] =	vst v8  }
0x53: {  	v8 =	vld [tilespmem:s31+$0xB0];
	_ =	sdelay $0x4  }
0x54: {  	v8 =	vshrl.u32 v8, $0x4  }
0x55: {  	[tilespmem:$0x164B0] =	vst v8  }
0x56: {  	v8 =	vld [tilespmem:s31+$0xC0];
	_ =	sdelay $0x4  }
0x57: {  	v8 =	vshrl.u32 v8, $0x4  }
0x58: {  	[tilespmem:$0x164C0] =	vst v8  }
0x59: {  	v8 =	vld [tilespmem:s31+$0xD0];
	_ =	sdelay $0x4  }
0x5a: {  	v8 =	vshrl.u32 v8, $0x4  }
0x5b: {  	[tilespmem:$0x164D0] =	vst v8  }
0x5c: {  	v8 =	vld [tilespmem:s31+$0xE0];
	_ =	sdelay $0x4  }
0x5d: {  	v8 =	vshrl.u32 v8, $0x4  }
0x5e: {  	[tilespmem:$0x164E0] =	vst v8  }
0x5f: {  	v8 =	vld [tilespmem:s31+$0xF0];
	_ =	sdelay $0x4  }
0x60: {  	v8 =	vshrl.u32 v8, $0x4  }
0x61: {  	s1 =	rddreg [dreg:$0x15];
	[tilespmem:$0x164F0] =	vst v8  }
0x62: {  	[tilespmem:s14], [sflag:$0xA] =	stream.indirect.gather [hbm4b:s5+s10], $0x10, s1, s10, $0xb8;
	[tilespmem:$0x1A880] =	vst v63  }
0x63: {  	s1 =	sadd.s32 $0x100, s31  }
0x64: {  	[tilespmem:s13], [sflag:$0x3] =	stream.indirect.gather [hbm4b:s4+s10], $0x40, s1, s10, $0xb8;
	[tilespmem:$0x1A880] =	vst v63  }
0x65: {  	v8 =	vld [tilespmem:s31+$0x100];
	_ =	sdelay $0x4  }
0x66: {  	v8 =	vshrl.u32 v8, $0x4  }
0x67: {  	[tilespmem:$0x16500] =	vst v8  }
0x68: {  	v8 =	vld [tilespmem:s31+$0x110];
	_ =	sdelay $0x4  }
0x69: {  	v8 =	vshrl.u32 v8, $0x4  }
0x6a: {  	[tilespmem:$0x16510] =	vst v8  }
0x6b: {  	v8 =	vld [tilespmem:s31+$0x120];
	_ =	sdelay $0x4  }
0x6c: {  	v8 =	vshrl.u32 v8, $0x4  }
0x6d: {  	[tilespmem:$0x16520] =	vst v8  }
0x6e: {  	v8 =	vld [tilespmem:s31+$0x130];
	_ =	sdelay $0x4  }
0x6f: {  	v8 =	vshrl.u32 v8, $0x4  }
0x70: {  	[tilespmem:$0x16530] =	vst v8  }
0x71: {  	v8 =	vld [tilespmem:s31+$0x140];
	_ =	sdelay $0x4  }
0x72: {  	v8 =	vshrl.u32 v8, $0x4  }
0x73: {  	[tilespmem:$0x16540] =	vst v8  }
0x74: {  	v8 =	vld [tilespmem:s31+$0x150];
	_ =	sdelay $0x4  }
0x75: {  	v8 =	vshrl.u32 v8, $0x4  }
0x76: {  	[tilespmem:$0x16550] =	vst v8  }
0x77: {  	v8 =	vld [tilespmem:s31+$0x160];
	_ =	sdelay $0x4  }
0x78: {  	v8 =	vshrl.u32 v8, $0x4  }
0x79: {  	[tilespmem:$0x16560] =	vst v8  }
0x7a: {  	v8 =	vld [tilespmem:s31+$0x170];
	_ =	sdelay $0x4  }
0x7b: {  	v8 =	vshrl.u32 v8, $0x4  }
0x7c: {  	s1 =	rddreg [dreg:$0x16];
	[tilespmem:$0x16570] =	vst v8  }
0x7d: {  	[tilespmem:s16], [sflag:$0xB] =	stream.indirect.gather [hbm4b:s5+s10], $0x10, s1, s10, $0xb8;
	[tilespmem:$0x1A880] =	vst v63  }
0x7e: {  	s1 =	sadd.s32 $0x180, s31  }
0x7f: {  	[tilespmem:s15], [sflag:$0x4] =	stream.indirect.gather [hbm4b:s4+s10], $0x40, s1, s10, $0xb8;
	[tilespmem:$0x1A880] =	vst v63  }
0x80: {  	v8 =	vld [tilespmem:s31+$0x180];
	_ =	sdelay $0x4  }
0x81: {  	v8 =	vshrl.u32 v8, $0x4  }
0x82: {  	[tilespmem:$0x16580] =	vst v8  }
0x83: {  	v8 =	vld [tilespmem:s31+$0x190];
	_ =	sdelay $0x4  }
0x84: {  	v8 =	vshrl.u32 v8, $0x4  }
0x85: {  	[tilespmem:$0x16590] =	vst v8  }
0x86: {  	v8 =	vld [tilespmem:s31+$0x1A0];
	_ =	sdelay $0x4  }
0x87: {  	v8 =	vshrl.u32 v8, $0x4  }
0x88: {  	[tilespmem:$0x165A0] =	vst v8  }
0x89: {  	v8 =	vld [tilespmem:s31+$0x1B0];
	_ =	sdelay $0x4  }
0x8a: {  	v8 =	vshrl.u32 v8, $0x4  }
0x8b: {  	[tilespmem:$0x165B0] =	vst v8  }
0x8c: {  	v8 =	vld [tilespmem:s31+$0x1C0];
	_ =	sdelay $0x4  }
0x8d: {  	v8 =	vshrl.u32 v8, $0x4  }
0x8e: {  	[tilespmem:$0x165C0] =	vst v8  }
0x8f: {  	v8 =	vld [tilespmem:s31+$0x1D0];
	_ =	sdelay $0x4  }
0x90: {  	v8 =	vshrl.u32 v8, $0x4  }
0x91: {  	[tilespmem:$0x165D0] =	vst v8  }
0x92: {  	v8 =	vld [tilespmem:s31+$0x1E0];
	_ =	sdelay $0x4  }
0x93: {  	v8 =	vshrl.u32 v8, $0x4  }
0x94: {  	[tilespmem:$0x165E0] =	vst v8  }
0x95: {  	v8 =	vld [tilespmem:s31+$0x1F0];
	_ =	sdelay $0x4  }
0x96: {  	v8 =	vshrl.u32 v8, $0x4  }
0x97: {  	s1 =	rddreg [dreg:$0x17];
	[tilespmem:$0x165F0] =	vst v8  }
0x98: {  	[tilespmem:s18], [sflag:$0xC] =	stream.indirect.gather [hbm4b:s5+s10], $0x10, s1, s10, $0xb8;
	[tilespmem:$0x1A880] =	vst v63  }
0x99: {  	s1 =	sadd.s32 $0x200, s31  }
0x9a: {  	[tilespmem:s17], [sflag:$0x5] =	stream.indirect.gather [hbm4b:s4+s10], $0x40, s1, s10, $0xb8;
	[tilespmem:$0x1A880] =	vst v63  }
0x9b: {  	v8 =	vld [tilespmem:s31+$0x200];
	_ =	sdelay $0x4  }
0x9c: {  	v8 =	vshrl.u32 v8, $0x4  }
0x9d: {  	[tilespmem:$0x16600] =	vst v8  }
0x9e: {  	v8 =	vld [tilespmem:s31+$0x210];
	_ =	sdelay $0x4  }
0x9f: {  	v8 =	vshrl.u32 v8, $0x4  }
0xa0: {  	[tilespmem:$0x16610] =	vst v8  }
0xa1: {  	v8 =	vld [tilespmem:s31+$0x220];
	_ =	sdelay $0x4  }
0xa2: {  	v8 =	vshrl.u32 v8, $0x4  }
0xa3: {  	[tilespmem:$0x16620] =	vst v8  }
0xa4: {  	v8 =	vld [tilespmem:s31+$0x230];
	_ =	sdelay $0x4  }
0xa5: {  	v8 =	vshrl.u32 v8, $0x4  }
0xa6: {  	[tilespmem:$0x16630] =	vst v8  }
0xa7: {  	v8 =	vld [tilespmem:s31+$0x240];
	_ =	sdelay $0x4  }
0xa8: {  	v8 =	vshrl.u32 v8, $0x4  }
0xa9: {  	[tilespmem:$0x16640] =	vst v8  }
0xaa: {  	v8 =	vld [tilespmem:s31+$0x250];
	_ =	sdelay $0x4  }
0xab: {  	v8 =	vshrl.u32 v8, $0x4  }
0xac: {  	[tilespmem:$0x16650] =	vst v8  }
0xad: {  	v8 =	vld [tilespmem:s31+$0x260];
	_ =	sdelay $0x4  }
0xae: {  	v8 =	vshrl.u32 v8, $0x4  }
0xaf: {  	[tilespmem:$0x16660] =	vst v8  }
0xb0: {  	v8 =	vld [tilespmem:s31+$0x270];
	_ =	sdelay $0x4  }
0xb1: {  	v8 =	vshrl.u32 v8, $0x4  }
0xb2: {  	s1 =	rddreg [dreg:$0x18];
	[tilespmem:$0x16670] =	vst v8  }
0xb3: {  	[tilespmem:s20], [sflag:$0xD] =	stream.indirect.gather [hbm4b:s5+s10], $0x10, s1, s10, $0xb8;
	[tilespmem:$0x1A880] =	vst v63  }
0xb4: {  	s1 =	sadd.s32 $0x280, s31  }
0xb5: {  	[tilespmem:s19], [sflag:$0x6] =	stream.indirect.gather [hbm4b:s4+s10], $0x40, s1, s10, $0xb8;
	[tilespmem:$0x1A880] =	vst v63  }
0xb6: {  	v8 =	vld [tilespmem:s31+$0x280];
	_ =	sdelay $0x4  }
0xb7: {  	v8 =	vshrl.u32 v8, $0x4  }
0xb8: {  	[tilespmem:$0x16680] =	vst v8  }
0xb9: {  	v8 =	vld [tilespmem:s31+$0x290];
	_ =	sdelay $0x4  }
0xba: {  	v8 =	vshrl.u32 v8, $0x4  }
0xbb: {  	[tilespmem:$0x16690] =	vst v8  }
0xbc: {  	v8 =	vld [tilespmem:s31+$0x2A0];
	_ =	sdelay $0x4  }
0xbd: {  	v8 =	vshrl.u32 v8, $0x4  }
0xbe: {  	[tilespmem:$0x166A0] =	vst v8  }
0xbf: {  	v8 =	vld [tilespmem:s31+$0x2B0];
	_ =	sdelay $0x4  }
0xc0: {  	v8 =	vshrl.u32 v8, $0x4  }
0xc1: {  	[tilespmem:$0x166B0] =	vst v8  }
0xc2: {  	v8 =	vld [tilespmem:s31+$0x2C0];
	_ =	sdelay $0x4  }
0xc3: {  	v8 =	vshrl.u32 v8, $0x4  }
0xc4: {  	[tilespmem:$0x166C0] =	vst v8  }
0xc5: {  	v8 =	vld [tilespmem:s31+$0x2D0];
	_ =	sdelay $0x4  }
0xc6: {  	v8 =	vshrl.u32 v8, $0x4  }
0xc7: {  	[tilespmem:$0x166D0] =	vst v8  }
0xc8: {  	v8 =	vld [tilespmem:s31+$0x2E0];
	_ =	sdelay $0x4  }
0xc9: {  	v8 =	vshrl.u32 v8, $0x4  }
0xca: {  	[tilespmem:$0x166E0] =	vst v8  }
0xcb: {  	v8 =	vld [tilespmem:s31+$0x2F0];
	_ =	sdelay $0x4  }
0xcc: {  	v8 =	vshrl.u32 v8, $0x4  }
0xcd: {  	s1 =	rddreg [dreg:$0x19];
	[tilespmem:$0x166F0] =	vst v8  }
0xce: {  	[tilespmem:s22], [sflag:$0xE] =	stream.indirect.gather [hbm4b:s5+s10], $0x10, s1, s10, $0xb8;
	[tilespmem:$0x1A880] =	vst v63  }
0xcf: {  	s1 =	sadd.s32 $0x300, s31  }
0xd0: {  	[tilespmem:s21], [sflag:$0x7] =	stream.indirect.gather [hbm4b:s4+s10], $0x40, s1, s10, $0xb8;
	[tilespmem:$0x1A880] =	vst v63  }
0xd1: {  	v8 =	vld [tilespmem:s31+$0x300];
	_ =	sdelay $0x4  }
0xd2: {  	v8 =	vshrl.u32 v8, $0x4  }
0xd3: {  	[tilespmem:$0x16700] =	vst v8  }
0xd4: {  	v8 =	vld [tilespmem:s31+$0x310];
	_ =	sdelay $0x4  }
0xd5: {  	v8 =	vshrl.u32 v8, $0x4  }
0xd6: {  	[tilespmem:$0x16710] =	vst v8  }
0xd7: {  	v8 =	vld [tilespmem:s31+$0x320];
	_ =	sdelay $0x4  }
0xd8: {  	v8 =	vshrl.u32 v8, $0x4  }
0xd9: {  	[tilespmem:$0x16720] =	vst v8  }
0xda: {  	v8 =	vld [tilespmem:s31+$0x330];
	_ =	sdelay $0x4  }
0xdb: {  	v8 =	vshrl.u32 v8, $0x4  }
0xdc: {  	[tilespmem:$0x16730] =	vst v8  }
0xdd: {  	v8 =	vld [tilespmem:s31+$0x340];
	_ =	sdelay $0x4  }
0xde: {  	v8 =	vshrl.u32 v8, $0x4  }
0xdf: {  	[tilespmem:$0x16740] =	vst v8  }
0xe0: {  	v8 =	vld [tilespmem:s31+$0x350];
	_ =	sdelay $0x4  }
0xe1: {  	v8 =	vshrl.u32 v8, $0x4  }
0xe2: {  	[tilespmem:$0x16750] =	vst v8  }
0xe3: {  	v8 =	vld [tilespmem:s31+$0x360];
	_ =	sdelay $0x4  }
0xe4: {  	v8 =	vshrl.u32 v8, $0x4  }
0xe5: {  	[tilespmem:$0x16760] =	vst v8  }
0xe6: {  	v8 =	vld [tilespmem:s31+$0x370];
	_ =	sdelay $0x4  }
0xe7: {  	v8 =	vshrl.u32 v8, $0x4  }
0xe8: {  	s1 =	rddreg [dreg:$0x1a];
	[tilespmem:$0x16770] =	vst v8  }
0xe9: {  	[tilespmem:s24], [sflag:$0xF] =	stream.indirect.gather [hbm4b:s5+s10], $0x10, s1, s10, $0xb8;
	[tilespmem:$0x1A880] =	vst v63  }
0xea: {  	s1 =	sadd.s32 $0x380, s31  }
0xeb: {  	[tilespmem:s23], [sflag:$0x8] =	stream.indirect.gather [hbm4b:s4+s10], $0x40, s1, s10, $0xb8;
	[tilespmem:$0x1A880] =	vst v63  }
0xec: {  	v8 =	vld [tilespmem:s31+$0x380];
	_ =	sdelay $0x4  }
0xed: {  	v8 =	vshrl.u32 v8, $0x4  }
0xee: {  	[tilespmem:$0x16780] =	vst v8  }
0xef: {  	v8 =	vld [tilespmem:s31+$0x390];
	_ =	sdelay $0x4  }
0xf0: {  	v8 =	vshrl.u32 v8, $0x4  }
0xf1: {  	[tilespmem:$0x16790] =	vst v8  }
0xf2: {  	v8 =	vld [tilespmem:s31+$0x3A0];
	_ =	sdelay $0x4  }
0xf3: {  	v8 =	vshrl.u32 v8, $0x4  }
0xf4: {  	[tilespmem:$0x167A0] =	vst v8  }
0xf5: {  	v8 =	vld [tilespmem:s31+$0x3B0];
	_ =	sdelay $0x4  }
0xf6: {  	v8 =	vshrl.u32 v8, $0x4  }
0xf7: {  	[tilespmem:$0x167B0] =	vst v8  }
0xf8: {  	v8 =	vld [tilespmem:s31+$0x3C0];
	_ =	sdelay $0x4  }
0xf9: {  	v8 =	vshrl.u32 v8, $0x4  }
0xfa: {  	[tilespmem:$0x167C0] =	vst v8  }
0xfb: {  	v8 =	vld [tilespmem:s31+$0x3D0];
	_ =	sdelay $0x4  }
0xfc: {  	v8 =	vshrl.u32 v8, $0x4  }
0xfd: {  	[tilespmem:$0x167D0] =	vst v8  }
0xfe: {  	v8 =	vld [tilespmem:s31+$0x3E0];
	_ =	sdelay $0x4  }
0xff: {  	v8 =	vshrl.u32 v8, $0x4  }
0x100: {  	[tilespmem:$0x167E0] =	vst v8  }
0x101: {  	v8 =	vld [tilespmem:s31+$0x3F0];
	_ =	sdelay $0x4  }
0x102: {  	v8 =	vshrl.u32 v8, $0x4  }
0x103: {  	s1 =	rddreg [dreg:$0x1b];
	[tilespmem:$0x167F0] =	vst v8  }
0x104: {  	[tilespmem:s26], [sflag:$0x10] =	stream.indirect.gather [hbm4b:s5+s10], $0x10, s1, s10, $0xb8;
	[tilespmem:$0x1A880] =	vst v63  }
0x105: {  	s1 =	simm.s32 $0x1  }
0x106: {  	_ =	swait.ge [sflag:s1], $0x2000  }
0x107: {  	s0 =	rddreg [dreg:$0x5];
	[sflag:s1] =	ssyncset.done $0x0  }
0x108: {  	[sflag:s1] =	ssyncadd.s32 $0xFFFFE000;
	s0 =	sadd.s32 s25, s0  }
0x109: {  	[hbm4b:s0+s3] =	stream.linear.scatter [tilespmem:s8], [sflag:$0x11], $0x2000, $0x38;
	[tilespmem:$0x1A880] =	vst v63  }
0x10a: {  	_ =	swait.ge [sflag:s9], $0x2000  }
0x10b: {  	[sflag:s9] =	ssyncset.done $0x0  }
0x10c: {  	s1 =	simm.s32 $0x9;
	[sflag:s9] =	ssyncadd.s32 $0xFFFFE000  }
0x10d: {  	_ =	swait.ge [sflag:s1], $0x800  }
0x10e: {  	[sflag:s1] =	ssyncset.done $0x0  }
0x10f: {  	[sflag:s1] =	ssyncadd.s32 $0xFFFFF800  }
0x110: {  	v8 =	vld [tilespmem:s31+$0x0];
	_ =	sdelay $0x4  }
0x111: {  	v8 =	vand.u32 $0xF, v8  }
0x112: {  	v8 =	vor.u32 v0, v8;
	_ =	sdelay $0x4  }
0x113: {  	v8 =	vld.idx.msk [tilespmem:v8+s12+$0x0], $0xffff;
	_ =	sdelay $0x4  }
0x114: {  	[tilespmem:$0x1A800] =	vst v8  }
0x115: {  	v8 =	vld [tilespmem:s31+$0x10];
	_ =	sdelay $0x4  }
0x116: {  	v8 =	vand.u32 $0xF, v8  }
0x117: {  	v8 =	vor.u32 v1, v8;
	_ =	sdelay $0x4  }
0x118: {  	v8 =	vld.idx.msk [tilespmem:v8+s12+$0x0], $0xffff;
	_ =	sdelay $0x4  }
0x119: {  	[tilespmem:$0x1A810] =	vst v8  }
0x11a: {  	v8 =	vld [tilespmem:s31+$0x20];
	_ =	sdelay $0x4  }
0x11b: {  	v8 =	vand.u32 $0xF, v8  }
0x11c: {  	v8 =	vor.u32 v2, v8;
	_ =	sdelay $0x4  }
0x11d: {  	v8 =	vld.idx.msk [tilespmem:v8+s12+$0x0], $0xffff;
	_ =	sdelay $0x4  }
0x11e: {  	[tilespmem:$0x1A820] =	vst v8  }
0x11f: {  	v8 =	vld [tilespmem:s31+$0x30];
	_ =	sdelay $0x4  }
0x120: {  	v8 =	vand.u32 $0xF, v8  }
0x121: {  	v8 =	vor.u32 v3, v8;
	_ =	sdelay $0x4  }
0x122: {  	v8 =	vld.idx.msk [tilespmem:v8+s12+$0x0], $0xffff;
	_ =	sdelay $0x4  }
0x123: {  	[tilespmem:$0x1A830] =	vst v8  }
0x124: {  	v8 =	vld [tilespmem:s31+$0x40];
	_ =	sdelay $0x4  }
0x125: {  	v8 =	vand.u32 $0xF, v8  }
0x126: {  	v8 =	vor.u32 v4, v8;
	_ =	sdelay $0x4  }
0x127: {  	v8 =	vld.idx.msk [tilespmem:v8+s12+$0x0], $0xffff;
	_ =	sdelay $0x4  }
0x128: {  	[tilespmem:$0x1A840] =	vst v8  }
0x129: {  	v8 =	vld [tilespmem:s31+$0x50];
	_ =	sdelay $0x4  }
0x12a: {  	v8 =	vand.u32 $0xF, v8  }
0x12b: {  	v8 =	vor.u32 v5, v8;
	_ =	sdelay $0x4  }
0x12c: {  	v8 =	vld.idx.msk [tilespmem:v8+s12+$0x0], $0xffff;
	_ =	sdelay $0x4  }
0x12d: {  	[tilespmem:$0x1A850] =	vst v8  }
0x12e: {  	v8 =	vld [tilespmem:s31+$0x60];
	_ =	sdelay $0x4  }
0x12f: {  	v8 =	vand.u32 $0xF, v8  }
0x130: {  	v8 =	vor.u32 v6, v8;
	_ =	sdelay $0x4  }
0x131: {  	v8 =	vld.idx.msk [tilespmem:v8+s12+$0x0], $0xffff;
	_ =	sdelay $0x4  }
0x132: {  	[tilespmem:$0x1A860] =	vst v8  }
0x133: {  	v8 =	vld [tilespmem:s31+$0x70];
	_ =	sdelay $0x4  }
0x134: {  	v8 =	vand.u32 $0xF, v8  }
0x135: {  	v8 =	vor.u32 v7, v8;
	_ =	sdelay $0x4  }
0x136: {  	v8 =	vld.idx.msk [tilespmem:v8+s12+$0x0], $0xffff;
	_ =	sdelay $0x3  }
0x137: {  	s1 =	rddreg [dreg:$0x4]  }
0x138: {  	s0 =	sadd.s32 s28, s1;
	[tilespmem:$0x1A870] =	vst v8  }
0x139: {  	[hbm4b:s0+s3] =	stream.linear.scatter [tilespmem:s30], [sflag:$0x11], $0x80, $0x38;
	[tilespmem:$0x1A880] =	vst v63  }
0x13a: {  	_ =	swait.ge [sflag:s9], $0x80  }
0x13b: {  	[sflag:s9] =	ssyncset.done $0x0  }
0x13c: {  	s1 =	simm.s32 $0x2;
	[sflag:s9] =	ssyncadd.s32 $0xFFFFFF80  }
0x13d: {  	_ =	swait.ge [sflag:s1], $0x2000  }
0x13e: {  	s0 =	rddreg [dreg:$0x13];
	[sflag:s1] =	ssyncset.done $0x0  }
0x13f: {  	[sflag:s1] =	ssyncadd.s32 $0xFFFFE000;
	s0 =	sadd.s32 s25, s0  }
0x140: {  	[hbm4b:s0+s3] =	stream.linear.scatter [tilespmem:s11], [sflag:$0x11], $0x2000, $0x38;
	[tilespmem:$0x1A880] =	vst v63  }
0x141: {  	_ =	swait.ge [sflag:s9], $0x2000  }
0x142: {  	[sflag:s9] =	ssyncset.done $0x0  }
0x143: {  	s1 =	simm.s32 $0xA;
	[sflag:s9] =	ssyncadd.s32 $0xFFFFE000  }
0x144: {  	_ =	swait.ge [sflag:s1], $0x800  }
0x145: {  	[sflag:s1] =	ssyncset.done $0x0  }
0x146: {  	[sflag:s1] =	ssyncadd.s32 $0xFFFFF800  }
0x147: {  	v8 =	vld [tilespmem:s31+$0x80];
	_ =	sdelay $0x4  }
0x148: {  	v8 =	vand.u32 $0xF, v8  }
0x149: {  	v8 =	vor.u32 v0, v8;
	_ =	sdelay $0x4  }
0x14a: {  	v8 =	vld.idx.msk [tilespmem:v8+s14+$0x0], $0xffff;
	_ =	sdelay $0x4  }
0x14b: {  	[tilespmem:$0x1A800] =	vst v8  }
0x14c: {  	v8 =	vld [tilespmem:s31+$0x90];
	_ =	sdelay $0x4  }
0x14d: {  	v8 =	vand.u32 $0xF, v8  }
0x14e: {  	v8 =	vor.u32 v1, v8;
	_ =	sdelay $0x4  }
0x14f: {  	v8 =	vld.idx.msk [tilespmem:v8+s14+$0x0], $0xffff;
	_ =	sdelay $0x4  }
0x150: {  	[tilespmem:$0x1A810] =	vst v8  }
0x151: {  	v8 =	vld [tilespmem:s31+$0xA0];
	_ =	sdelay $0x4  }
0x152: {  	v8 =	vand.u32 $0xF, v8  }
0x153: {  	v8 =	vor.u32 v2, v8;
	_ =	sdelay $0x4  }
0x154: {  	v8 =	vld.idx.msk [tilespmem:v8+s14+$0x0], $0xffff;
	_ =	sdelay $0x4  }
0x155: {  	[tilespmem:$0x1A820] =	vst v8  }
0x156: {  	v8 =	vld [tilespmem:s31+$0xB0];
	_ =	sdelay $0x4  }
0x157: {  	v8 =	vand.u32 $0xF, v8  }
0x158: {  	v8 =	vor.u32 v3, v8;
	_ =	sdelay $0x4  }
0x159: {  	v8 =	vld.idx.msk [tilespmem:v8+s14+$0x0], $0xffff;
	_ =	sdelay $0x4  }
0x15a: {  	[tilespmem:$0x1A830] =	vst v8  }
0x15b: {  	v8 =	vld [tilespmem:s31+$0xC0];
	_ =	sdelay $0x4  }
0x15c: {  	v8 =	vand.u32 $0xF, v8  }
0x15d: {  	v8 =	vor.u32 v4, v8;
	_ =	sdelay $0x4  }
0x15e: {  	v8 =	vld.idx.msk [tilespmem:v8+s14+$0x0], $0xffff;
	_ =	sdelay $0x4  }
0x15f: {  	[tilespmem:$0x1A840] =	vst v8  }
0x160: {  	v8 =	vld [tilespmem:s31+$0xD0];
	_ =	sdelay $0x4  }
0x161: {  	v8 =	vand.u32 $0xF, v8  }
0x162: {  	v8 =	vor.u32 v5, v8;
	_ =	sdelay $0x4  }
0x163: {  	v8 =	vld.idx.msk [tilespmem:v8+s14+$0x0], $0xffff;
	_ =	sdelay $0x4  }
0x164: {  	[tilespmem:$0x1A850] =	vst v8  }
0x165: {  	v8 =	vld [tilespmem:s31+$0xE0];
	_ =	sdelay $0x4  }
0x166: {  	v8 =	vand.u32 $0xF, v8  }
0x167: {  	v8 =	vor.u32 v6, v8;
	_ =	sdelay $0x4  }
0x168: {  	v8 =	vld.idx.msk [tilespmem:v8+s14+$0x0], $0xffff;
	_ =	sdelay $0x4  }
0x169: {  	[tilespmem:$0x1A860] =	vst v8  }
0x16a: {  	v8 =	vld [tilespmem:s31+$0xF0];
	_ =	sdelay $0x4  }
0x16b: {  	v8 =	vand.u32 $0xF, v8  }
0x16c: {  	v8 =	vor.u32 v7, v8;
	_ =	sdelay $0x4  }
0x16d: {  	v8 =	vld.idx.msk [tilespmem:v8+s14+$0x0], $0xffff;
	_ =	sdelay $0x3  }
0x16e: {  	s1 =	rddreg [dreg:$0x12]  }
0x16f: {  	s0 =	sadd.s32 s28, s1;
	[tilespmem:$0x1A870] =	vst v8  }
0x170: {  	[hbm4b:s0+s3] =	stream.linear.scatter [tilespmem:s30], [sflag:$0x11], $0x80, $0x38;
	[tilespmem:$0x1A880] =	vst v63  }
0x171: {  	_ =	swait.ge [sflag:s9], $0x80  }
0x172: {  	[sflag:s9] =	ssyncset.done $0x0  }
0x173: {  	s1 =	simm.s32 $0x3;
	[sflag:s9] =	ssyncadd.s32 $0xFFFFFF80  }
0x174: {  	_ =	swait.ge [sflag:s1], $0x2000  }
0x175: {  	s0 =	rddreg [dreg:$0x11];
	[sflag:s1] =	ssyncset.done $0x0  }
0x176: {  	[sflag:s1] =	ssyncadd.s32 $0xFFFFE000;
	s0 =	sadd.s32 s25, s0  }
0x177: {  	[hbm4b:s0+s3] =	stream.linear.scatter [tilespmem:s13], [sflag:$0x11], $0x2000, $0x38;
	[tilespmem:$0x1A880] =	vst v63  }
0x178: {  	_ =	swait.ge [sflag:s9], $0x2000  }
0x179: {  	[sflag:s9] =	ssyncset.done $0x0  }
0x17a: {  	s1 =	simm.s32 $0xB;
	[sflag:s9] =	ssyncadd.s32 $0xFFFFE000  }
0x17b: {  	_ =	swait.ge [sflag:s1], $0x800  }
0x17c: {  	[sflag:s1] =	ssyncset.done $0x0  }
0x17d: {  	[sflag:s1] =	ssyncadd.s32 $0xFFFFF800  }
0x17e: {  	v8 =	vld [tilespmem:s31+$0x100];
	_ =	sdelay $0x4  }
0x17f: {  	v8 =	vand.u32 $0xF, v8  }
0x180: {  	v8 =	vor.u32 v0, v8;
	_ =	sdelay $0x4  }
0x181: {  	v8 =	vld.idx.msk [tilespmem:v8+s16+$0x0], $0xffff;
	_ =	sdelay $0x4  }
0x182: {  	[tilespmem:$0x1A800] =	vst v8  }
0x183: {  	v8 =	vld [tilespmem:s31+$0x110];
	_ =	sdelay $0x4  }
0x184: {  	v8 =	vand.u32 $0xF, v8  }
0x185: {  	v8 =	vor.u32 v1, v8;
	_ =	sdelay $0x4  }
0x186: {  	v8 =	vld.idx.msk [tilespmem:v8+s16+$0x0], $0xffff;
	_ =	sdelay $0x4  }
0x187: {  	[tilespmem:$0x1A810] =	vst v8  }
0x188: {  	v8 =	vld [tilespmem:s31+$0x120];
	_ =	sdelay $0x4  }
0x189: {  	v8 =	vand.u32 $0xF, v8  }
0x18a: {  	v8 =	vor.u32 v2, v8;
	_ =	sdelay $0x4  }
0x18b: {  	v8 =	vld.idx.msk [tilespmem:v8+s16+$0x0], $0xffff;
	_ =	sdelay $0x4  }
0x18c: {  	[tilespmem:$0x1A820] =	vst v8  }
0x18d: {  	v8 =	vld [tilespmem:s31+$0x130];
	_ =	sdelay $0x4  }
0x18e: {  	v8 =	vand.u32 $0xF, v8  }
0x18f: {  	v8 =	vor.u32 v3, v8;
	_ =	sdelay $0x4  }
0x190: {  	v8 =	vld.idx.msk [tilespmem:v8+s16+$0x0], $0xffff;
	_ =	sdelay $0x4  }
0x191: {  	[tilespmem:$0x1A830] =	vst v8  }
0x192: {  	v8 =	vld [tilespmem:s31+$0x140];
	_ =	sdelay $0x4  }
0x193: {  	v8 =	vand.u32 $0xF, v8  }
0x194: {  	v8 =	vor.u32 v4, v8;
	_ =	sdelay $0x4  }
0x195: {  	v8 =	vld.idx.msk [tilespmem:v8+s16+$0x0], $0xffff;
	_ =	sdelay $0x4  }
0x196: {  	[tilespmem:$0x1A840] =	vst v8  }
0x197: {  	v8 =	vld [tilespmem:s31+$0x150];
	_ =	sdelay $0x4  }
0x198: {  	v8 =	vand.u32 $0xF, v8  }
0x199: {  	v8 =	vor.u32 v5, v8;
	_ =	sdelay $0x4  }
0x19a: {  	v8 =	vld.idx.msk [tilespmem:v8+s16+$0x0], $0xffff;
	_ =	sdelay $0x4  }
0x19b: {  	[tilespmem:$0x1A850] =	vst v8  }
0x19c: {  	v8 =	vld [tilespmem:s31+$0x160];
	_ =	sdelay $0x4  }
0x19d: {  	v8 =	vand.u32 $0xF, v8  }
0x19e: {  	v8 =	vor.u32 v6, v8;
	_ =	sdelay $0x4  }
0x19f: {  	v8 =	vld.idx.msk [tilespmem:v8+s16+$0x0], $0xffff;
	_ =	sdelay $0x4  }
0x1a0: {  	[tilespmem:$0x1A860] =	vst v8  }
0x1a1: {  	v8 =	vld [tilespmem:s31+$0x170];
	_ =	sdelay $0x4  }
0x1a2: {  	v8 =	vand.u32 $0xF, v8  }
0x1a3: {  	v8 =	vor.u32 v7, v8;
	_ =	sdelay $0x4  }
0x1a4: {  	v8 =	vld.idx.msk [tilespmem:v8+s16+$0x0], $0xffff;
	_ =	sdelay $0x3  }
0x1a5: {  	s1 =	rddreg [dreg:$0x10]  }
0x1a6: {  	s0 =	sadd.s32 s28, s1;
	[tilespmem:$0x1A870] =	vst v8  }
0x1a7: {  	[hbm4b:s0+s3] =	stream.linear.scatter [tilespmem:s30], [sflag:$0x11], $0x80, $0x38;
	[tilespmem:$0x1A880] =	vst v63  }
0x1a8: {  	_ =	swait.ge [sflag:s9], $0x80  }
0x1a9: {  	[sflag:s9] =	ssyncset.done $0x0  }
0x1aa: {  	s1 =	simm.s32 $0x4;
	[sflag:s9] =	ssyncadd.s32 $0xFFFFFF80  }
0x1ab: {  	_ =	swait.ge [sflag:s1], $0x2000  }
0x1ac: {  	s0 =	rddreg [dreg:$0xf];
	[sflag:s1] =	ssyncset.done $0x0  }
0x1ad: {  	[sflag:s1] =	ssyncadd.s32 $0xFFFFE000;
	s0 =	sadd.s32 s25, s0  }
0x1ae: {  	[hbm4b:s0+s3] =	stream.linear.scatter [tilespmem:s15], [sflag:$0x11], $0x2000, $0x38;
	[tilespmem:$0x1A880] =	vst v63  }
0x1af: {  	_ =	swait.ge [sflag:s9], $0x2000  }
0x1b0: {  	[sflag:s9] =	ssyncset.done $0x0  }
0x1b1: {  	s1 =	simm.s32 $0xC;
	[sflag:s9] =	ssyncadd.s32 $0xFFFFE000  }
0x1b2: {  	_ =	swait.ge [sflag:s1], $0x800  }
0x1b3: {  	[sflag:s1] =	ssyncset.done $0x0  }
0x1b4: {  	[sflag:s1] =	ssyncadd.s32 $0xFFFFF800  }
0x1b5: {  	v8 =	vld [tilespmem:s31+$0x180];
	_ =	sdelay $0x4  }
0x1b6: {  	v8 =	vand.u32 $0xF, v8  }
0x1b7: {  	v8 =	vor.u32 v0, v8;
	_ =	sdelay $0x4  }
0x1b8: {  	v8 =	vld.idx.msk [tilespmem:v8+s18+$0x0], $0xffff;
	_ =	sdelay $0x4  }
0x1b9: {  	[tilespmem:$0x1A800] =	vst v8  }
0x1ba: {  	v8 =	vld [tilespmem:s31+$0x190];
	_ =	sdelay $0x4  }
0x1bb: {  	v8 =	vand.u32 $0xF, v8  }
0x1bc: {  	v8 =	vor.u32 v1, v8;
	_ =	sdelay $0x4  }
0x1bd: {  	v8 =	vld.idx.msk [tilespmem:v8+s18+$0x0], $0xffff;
	_ =	sdelay $0x4  }
0x1be: {  	[tilespmem:$0x1A810] =	vst v8  }
0x1bf: {  	v8 =	vld [tilespmem:s31+$0x1A0];
	_ =	sdelay $0x4  }
0x1c0: {  	v8 =	vand.u32 $0xF, v8  }
0x1c1: {  	v8 =	vor.u32 v2, v8;
	_ =	sdelay $0x4  }
0x1c2: {  	v8 =	vld.idx.msk [tilespmem:v8+s18+$0x0], $0xffff;
	_ =	sdelay $0x4  }
0x1c3: {  	[tilespmem:$0x1A820] =	vst v8  }
0x1c4: {  	v8 =	vld [tilespmem:s31+$0x1B0];
	_ =	sdelay $0x4  }
0x1c5: {  	v8 =	vand.u32 $0xF, v8  }
0x1c6: {  	v8 =	vor.u32 v3, v8;
	_ =	sdelay $0x4  }
0x1c7: {  	v8 =	vld.idx.msk [tilespmem:v8+s18+$0x0], $0xffff;
	_ =	sdelay $0x4  }
0x1c8: {  	[tilespmem:$0x1A830] =	vst v8  }
0x1c9: {  	v8 =	vld [tilespmem:s31+$0x1C0];
	_ =	sdelay $0x4  }
0x1ca: {  	v8 =	vand.u32 $0xF, v8  }
0x1cb: {  	v8 =	vor.u32 v4, v8;
	_ =	sdelay $0x4  }
0x1cc: {  	v8 =	vld.idx.msk [tilespmem:v8+s18+$0x0], $0xffff;
	_ =	sdelay $0x4  }
0x1cd: {  	[tilespmem:$0x1A840] =	vst v8  }
0x1ce: {  	v8 =	vld [tilespmem:s31+$0x1D0];
	_ =	sdelay $0x4  }
0x1cf: {  	v8 =	vand.u32 $0xF, v8  }
0x1d0: {  	v8 =	vor.u32 v5, v8;
	_ =	sdelay $0x4  }
0x1d1: {  	v8 =	vld.idx.msk [tilespmem:v8+s18+$0x0], $0xffff;
	_ =	sdelay $0x4  }
0x1d2: {  	[tilespmem:$0x1A850] =	vst v8  }
0x1d3: {  	v8 =	vld [tilespmem:s31+$0x1E0];
	_ =	sdelay $0x4  }
0x1d4: {  	v8 =	vand.u32 $0xF, v8  }
0x1d5: {  	v8 =	vor.u32 v6, v8;
	_ =	sdelay $0x4  }
0x1d6: {  	v8 =	vld.idx.msk [tilespmem:v8+s18+$0x0], $0xffff;
	_ =	sdelay $0x4  }
0x1d7: {  	[tilespmem:$0x1A860] =	vst v8  }
0x1d8: {  	v8 =	vld [tilespmem:s31+$0x1F0];
	_ =	sdelay $0x4  }
0x1d9: {  	v8 =	vand.u32 $0xF, v8  }
0x1da: {  	v8 =	vor.u32 v7, v8;
	_ =	sdelay $0x4  }
0x1db: {  	v8 =	vld.idx.msk [tilespmem:v8+s18+$0x0], $0xffff;
	_ =	sdelay $0x3  }
0x1dc: {  	s1 =	rddreg [dreg:$0xe]  }
0x1dd: {  	s0 =	sadd.s32 s28, s1;
	[tilespmem:$0x1A870] =	vst v8  }
0x1de: {  	[hbm4b:s0+s3] =	stream.linear.scatter [tilespmem:s30], [sflag:$0x11], $0x80, $0x38;
	[tilespmem:$0x1A880] =	vst v63  }
0x1df: {  	_ =	swait.ge [sflag:s9], $0x80  }
0x1e0: {  	[sflag:s9] =	ssyncset.done $0x0  }
0x1e1: {  	s1 =	simm.s32 $0x5;
	[sflag:s9] =	ssyncadd.s32 $0xFFFFFF80  }
0x1e2: {  	_ =	swait.ge [sflag:s1], $0x2000  }
0x1e3: {  	s0 =	rddreg [dreg:$0xc];
	[sflag:s1] =	ssyncset.done $0x0  }
0x1e4: {  	[sflag:s1] =	ssyncadd.s32 $0xFFFFE000;
	s0 =	sadd.s32 s25, s0  }
0x1e5: {  	[hbm4b:s0+s3] =	stream.linear.scatter [tilespmem:s17], [sflag:$0x11], $0x2000, $0x38;
	[tilespmem:$0x1A880] =	vst v63  }
0x1e6: {  	_ =	swait.ge [sflag:s9], $0x2000  }
0x1e7: {  	[sflag:s9] =	ssyncset.done $0x0  }
0x1e8: {  	s1 =	simm.s32 $0xD;
	[sflag:s9] =	ssyncadd.s32 $0xFFFFE000  }
0x1e9: {  	_ =	swait.ge [sflag:s1], $0x800  }
0x1ea: {  	[sflag:s1] =	ssyncset.done $0x0  }
0x1eb: {  	[sflag:s1] =	ssyncadd.s32 $0xFFFFF800  }
0x1ec: {  	v8 =	vld [tilespmem:s31+$0x200];
	_ =	sdelay $0x4  }
0x1ed: {  	v8 =	vand.u32 $0xF, v8  }
0x1ee: {  	v8 =	vor.u32 v0, v8;
	_ =	sdelay $0x4  }
0x1ef: {  	v8 =	vld.idx.msk [tilespmem:v8+s20+$0x0], $0xffff;
	_ =	sdelay $0x4  }
0x1f0: {  	[tilespmem:$0x1A800] =	vst v8  }
0x1f1: {  	v8 =	vld [tilespmem:s31+$0x210];
	_ =	sdelay $0x4  }
0x1f2: {  	v8 =	vand.u32 $0xF, v8  }
0x1f3: {  	v8 =	vor.u32 v1, v8;
	_ =	sdelay $0x4  }
0x1f4: {  	v8 =	vld.idx.msk [tilespmem:v8+s20+$0x0], $0xffff;
	_ =	sdelay $0x4  }
0x1f5: {  	[tilespmem:$0x1A810] =	vst v8  }
0x1f6: {  	v8 =	vld [tilespmem:s31+$0x220];
	_ =	sdelay $0x4  }
0x1f7: {  	v8 =	vand.u32 $0xF, v8  }
0x1f8: {  	v8 =	vor.u32 v2, v8;
	_ =	sdelay $0x4  }
0x1f9: {  	v8 =	vld.idx.msk [tilespmem:v8+s20+$0x0], $0xffff;
	_ =	sdelay $0x4  }
0x1fa: {  	[tilespmem:$0x1A820] =	vst v8  }
0x1fb: {  	v8 =	vld [tilespmem:s31+$0x230];
	_ =	sdelay $0x4  }
0x1fc: {  	v8 =	vand.u32 $0xF, v8  }
0x1fd: {  	v8 =	vor.u32 v3, v8;
	_ =	sdelay $0x4  }
0x1fe: {  	v8 =	vld.idx.msk [tilespmem:v8+s20+$0x0], $0xffff;
	_ =	sdelay $0x4  }
0x1ff: {  	[tilespmem:$0x1A830] =	vst v8  }
0x200: {  	v8 =	vld [tilespmem:s31+$0x240];
	_ =	sdelay $0x4  }
0x201: {  	v8 =	vand.u32 $0xF, v8  }
0x202: {  	v8 =	vor.u32 v4, v8;
	_ =	sdelay $0x4  }
0x203: {  	v8 =	vld.idx.msk [tilespmem:v8+s20+$0x0], $0xffff;
	_ =	sdelay $0x4  }
0x204: {  	[tilespmem:$0x1A840] =	vst v8  }
0x205: {  	v8 =	vld [tilespmem:s31+$0x250];
	_ =	sdelay $0x4  }
0x206: {  	v8 =	vand.u32 $0xF, v8  }
0x207: {  	v8 =	vor.u32 v5, v8;
	_ =	sdelay $0x4  }
0x208: {  	v8 =	vld.idx.msk [tilespmem:v8+s20+$0x0], $0xffff;
	_ =	sdelay $0x4  }
0x209: {  	[tilespmem:$0x1A850] =	vst v8  }
0x20a: {  	v8 =	vld [tilespmem:s31+$0x260];
	_ =	sdelay $0x4  }
0x20b: {  	v8 =	vand.u32 $0xF, v8  }
0x20c: {  	v8 =	vor.u32 v6, v8;
	_ =	sdelay $0x4  }
0x20d: {  	v8 =	vld.idx.msk [tilespmem:v8+s20+$0x0], $0xffff;
	_ =	sdelay $0x4  }
0x20e: {  	[tilespmem:$0x1A860] =	vst v8  }
0x20f: {  	v8 =	vld [tilespmem:s31+$0x270];
	_ =	sdelay $0x4  }
0x210: {  	v8 =	vand.u32 $0xF, v8  }
0x211: {  	v8 =	vor.u32 v7, v8;
	_ =	sdelay $0x4  }
0x212: {  	v8 =	vld.idx.msk [tilespmem:v8+s20+$0x0], $0xffff;
	_ =	sdelay $0x3  }
0x213: {  	s1 =	rddreg [dreg:$0xb]  }
0x214: {  	s0 =	sadd.s32 s28, s1;
	[tilespmem:$0x1A870] =	vst v8  }
0x215: {  	[hbm4b:s0+s3] =	stream.linear.scatter [tilespmem:s30], [sflag:$0x11], $0x80, $0x38;
	[tilespmem:$0x1A880] =	vst v63  }
0x216: {  	_ =	swait.ge [sflag:s9], $0x80  }
0x217: {  	[sflag:s9] =	ssyncset.done $0x0  }
0x218: {  	s1 =	simm.s32 $0x6;
	[sflag:s9] =	ssyncadd.s32 $0xFFFFFF80  }
0x219: {  	_ =	swait.ge [sflag:s1], $0x2000  }
0x21a: {  	s0 =	rddreg [dreg:$0x9];
	[sflag:s1] =	ssyncset.done $0x0  }
0x21b: {  	[sflag:s1] =	ssyncadd.s32 $0xFFFFE000;
	s0 =	sadd.s32 s25, s0  }
0x21c: {  	[hbm4b:s0+s3] =	stream.linear.scatter [tilespmem:s19], [sflag:$0x11], $0x2000, $0x38;
	[tilespmem:$0x1A880] =	vst v63  }
0x21d: {  	_ =	swait.ge [sflag:s9], $0x2000  }
0x21e: {  	[sflag:s9] =	ssyncset.done $0x0  }
0x21f: {  	s1 =	simm.s32 $0xE;
	[sflag:s9] =	ssyncadd.s32 $0xFFFFE000  }
0x220: {  	_ =	swait.ge [sflag:s1], $0x800  }
0x221: {  	[sflag:s1] =	ssyncset.done $0x0  }
0x222: {  	[sflag:s1] =	ssyncadd.s32 $0xFFFFF800  }
0x223: {  	v8 =	vld [tilespmem:s31+$0x280];
	_ =	sdelay $0x4  }
0x224: {  	v8 =	vand.u32 $0xF, v8  }
0x225: {  	v8 =	vor.u32 v0, v8;
	_ =	sdelay $0x4  }
0x226: {  	v8 =	vld.idx.msk [tilespmem:v8+s22+$0x0], $0xffff;
	_ =	sdelay $0x4  }
0x227: {  	[tilespmem:$0x1A800] =	vst v8  }
0x228: {  	v8 =	vld [tilespmem:s31+$0x290];
	_ =	sdelay $0x4  }
0x229: {  	v8 =	vand.u32 $0xF, v8  }
0x22a: {  	v8 =	vor.u32 v1, v8;
	_ =	sdelay $0x4  }
0x22b: {  	v8 =	vld.idx.msk [tilespmem:v8+s22+$0x0], $0xffff;
	_ =	sdelay $0x4  }
0x22c: {  	[tilespmem:$0x1A810] =	vst v8  }
0x22d: {  	v8 =	vld [tilespmem:s31+$0x2A0];
	_ =	sdelay $0x4  }
0x22e: {  	v8 =	vand.u32 $0xF, v8  }
0x22f: {  	v8 =	vor.u32 v2, v8;
	_ =	sdelay $0x4  }
0x230: {  	v8 =	vld.idx.msk [tilespmem:v8+s22+$0x0], $0xffff;
	_ =	sdelay $0x4  }
0x231: {  	[tilespmem:$0x1A820] =	vst v8  }
0x232: {  	v8 =	vld [tilespmem:s31+$0x2B0];
	_ =	sdelay $0x4  }
0x233: {  	v8 =	vand.u32 $0xF, v8  }
0x234: {  	v8 =	vor.u32 v3, v8;
	_ =	sdelay $0x4  }
0x235: {  	v8 =	vld.idx.msk [tilespmem:v8+s22+$0x0], $0xffff;
	_ =	sdelay $0x4  }
0x236: {  	[tilespmem:$0x1A830] =	vst v8  }
0x237: {  	v8 =	vld [tilespmem:s31+$0x2C0];
	_ =	sdelay $0x4  }
0x238: {  	v8 =	vand.u32 $0xF, v8  }
0x239: {  	v8 =	vor.u32 v4, v8;
	_ =	sdelay $0x4  }
0x23a: {  	v8 =	vld.idx.msk [tilespmem:v8+s22+$0x0], $0xffff;
	_ =	sdelay $0x4  }
0x23b: {  	[tilespmem:$0x1A840] =	vst v8  }
0x23c: {  	v8 =	vld [tilespmem:s31+$0x2D0];
	_ =	sdelay $0x4  }
0x23d: {  	v8 =	vand.u32 $0xF, v8  }
0x23e: {  	v8 =	vor.u32 v5, v8;
	_ =	sdelay $0x4  }
0x23f: {  	v8 =	vld.idx.msk [tilespmem:v8+s22+$0x0], $0xffff;
	_ =	sdelay $0x4  }
0x240: {  	[tilespmem:$0x1A850] =	vst v8  }
0x241: {  	v8 =	vld [tilespmem:s31+$0x2E0];
	_ =	sdelay $0x4  }
0x242: {  	v8 =	vand.u32 $0xF, v8  }
0x243: {  	v8 =	vor.u32 v6, v8;
	_ =	sdelay $0x4  }
0x244: {  	v8 =	vld.idx.msk [tilespmem:v8+s22+$0x0], $0xffff;
	_ =	sdelay $0x4  }
0x245: {  	[tilespmem:$0x1A860] =	vst v8  }
0x246: {  	v8 =	vld [tilespmem:s31+$0x2F0];
	_ =	sdelay $0x4  }
0x247: {  	v8 =	vand.u32 $0xF, v8  }
0x248: {  	v8 =	vor.u32 v7, v8;
	_ =	sdelay $0x4  }
0x249: {  	v8 =	vld.idx.msk [tilespmem:v8+s22+$0x0], $0xffff;
	_ =	sdelay $0x3  }
0x24a: {  	s1 =	rddreg [dreg:$0x8]  }
0x24b: {  	s0 =	sadd.s32 s28, s1;
	[tilespmem:$0x1A870] =	vst v8  }
0x24c: {  	[hbm4b:s0+s3] =	stream.linear.scatter [tilespmem:s30], [sflag:$0x11], $0x80, $0x38;
	[tilespmem:$0x1A880] =	vst v63  }
0x24d: {  	_ =	swait.ge [sflag:s9], $0x80  }
0x24e: {  	[sflag:s9] =	ssyncset.done $0x0  }
0x24f: {  	s1 =	simm.s32 $0x7;
	[sflag:s9] =	ssyncadd.s32 $0xFFFFFF80  }
0x250: {  	_ =	swait.ge [sflag:s1], $0x2000  }
0x251: {  	s0 =	rddreg [dreg:$0x7];
	[sflag:s1] =	ssyncset.done $0x0  }
0x252: {  	[sflag:s1] =	ssyncadd.s32 $0xFFFFE000;
	s0 =	sadd.s32 s25, s0  }
0x253: {  	[hbm4b:s0+s3] =	stream.linear.scatter [tilespmem:s21], [sflag:$0x11], $0x2000, $0x38;
	[tilespmem:$0x1A880] =	vst v63  }
0x254: {  	_ =	swait.ge [sflag:s9], $0x2000  }
0x255: {  	[sflag:s9] =	ssyncset.done $0x0  }
0x256: {  	[sflag:s9] =	ssyncadd.s32 $0xFFFFE000  }
0x257: {  	_ =	swait.ge [sflag:s2], $0x800  }
0x258: {  	[sflag:s2] =	ssyncset.done $0x0  }
0x259: {  	[sflag:s2] =	ssyncadd.s32 $0xFFFFF800  }
0x25a: {  	v8 =	vld [tilespmem:s31+$0x300];
	_ =	sdelay $0x4  }
0x25b: {  	v8 =	vand.u32 $0xF, v8  }
0x25c: {  	v8 =	vor.u32 v0, v8;
	_ =	sdelay $0x4  }
0x25d: {  	v8 =	vld.idx.msk [tilespmem:v8+s24+$0x0], $0xffff;
	_ =	sdelay $0x4  }
0x25e: {  	[tilespmem:$0x1A800] =	vst v8  }
0x25f: {  	v8 =	vld [tilespmem:s31+$0x310];
	_ =	sdelay $0x4  }
0x260: {  	v8 =	vand.u32 $0xF, v8  }
0x261: {  	v8 =	vor.u32 v1, v8;
	_ =	sdelay $0x4  }
0x262: {  	v8 =	vld.idx.msk [tilespmem:v8+s24+$0x0], $0xffff;
	_ =	sdelay $0x4  }
0x263: {  	[tilespmem:$0x1A810] =	vst v8  }
0x264: {  	v8 =	vld [tilespmem:s31+$0x320];
	_ =	sdelay $0x4  }
0x265: {  	v8 =	vand.u32 $0xF, v8  }
0x266: {  	v8 =	vor.u32 v2, v8;
	_ =	sdelay $0x4  }
0x267: {  	v8 =	vld.idx.msk [tilespmem:v8+s24+$0x0], $0xffff;
	_ =	sdelay $0x4  }
0x268: {  	[tilespmem:$0x1A820] =	vst v8  }
0x269: {  	v8 =	vld [tilespmem:s31+$0x330];
	_ =	sdelay $0x4  }
0x26a: {  	v8 =	vand.u32 $0xF, v8  }
0x26b: {  	v8 =	vor.u32 v3, v8;
	_ =	sdelay $0x4  }
0x26c: {  	v8 =	vld.idx.msk [tilespmem:v8+s24+$0x0], $0xffff;
	_ =	sdelay $0x4  }
0x26d: {  	[tilespmem:$0x1A830] =	vst v8  }
0x26e: {  	v8 =	vld [tilespmem:s31+$0x340];
	_ =	sdelay $0x4  }
0x26f: {  	v8 =	vand.u32 $0xF, v8  }
0x270: {  	v8 =	vor.u32 v4, v8;
	_ =	sdelay $0x4  }
0x271: {  	v8 =	vld.idx.msk [tilespmem:v8+s24+$0x0], $0xffff;
	_ =	sdelay $0x4  }
0x272: {  	[tilespmem:$0x1A840] =	vst v8  }
0x273: {  	v8 =	vld [tilespmem:s31+$0x350];
	_ =	sdelay $0x4  }
0x274: {  	v8 =	vand.u32 $0xF, v8  }
0x275: {  	v8 =	vor.u32 v5, v8;
	_ =	sdelay $0x4  }
0x276: {  	v8 =	vld.idx.msk [tilespmem:v8+s24+$0x0], $0xffff;
	_ =	sdelay $0x4  }
0x277: {  	[tilespmem:$0x1A850] =	vst v8  }
0x278: {  	v8 =	vld [tilespmem:s31+$0x360];
	_ =	sdelay $0x4  }
0x279: {  	v8 =	vand.u32 $0xF, v8  }
0x27a: {  	v8 =	vor.u32 v6, v8;
	_ =	sdelay $0x4  }
0x27b: {  	v8 =	vld.idx.msk [tilespmem:v8+s24+$0x0], $0xffff;
	_ =	sdelay $0x4  }
0x27c: {  	[tilespmem:$0x1A860] =	vst v8  }
0x27d: {  	v8 =	vld [tilespmem:s31+$0x370];
	_ =	sdelay $0x4  }
0x27e: {  	v8 =	vand.u32 $0xF, v8  }
0x27f: {  	v8 =	vor.u32 v7, v8;
	_ =	sdelay $0x4  }
0x280: {  	v8 =	vld.idx.msk [tilespmem:v8+s24+$0x0], $0xffff;
	_ =	sdelay $0x3  }
0x281: {  	s1 =	rddreg [dreg:$0x6]  }
0x282: {  	s0 =	sadd.s32 s28, s1;
	[tilespmem:$0x1A870] =	vst v8  }
0x283: {  	[hbm4b:s0+s3] =	stream.linear.scatter [tilespmem:s30], [sflag:$0x11], $0x80, $0x38;
	[tilespmem:$0x1A880] =	vst v63  }
0x284: {  	_ =	swait.ge [sflag:s9], $0x80  }
0x285: {  	[sflag:s9] =	ssyncset.done $0x0  }
0x286: {  	[sflag:s9] =	ssyncadd.s32 $0xFFFFFF80  }
0x287: {  	_ =	swait.ge [sflag:s6], $0x2000  }
0x288: {  	s1 =	rddreg [dreg:$0xa];
	[sflag:s6] =	ssyncset.done $0x0  }
0x289: {  	[sflag:s6] =	ssyncadd.s32 $0xFFFFE000;
	s0 =	sadd.s32 s25, s1  }
0x28a: {  	[hbm4b:s0+s3] =	stream.linear.scatter [tilespmem:s23], [sflag:$0x11], $0x2000, $0x38;
	[tilespmem:$0x1A880] =	vst v63  }
0x28b: {  	_ =	swait.ge [sflag:s9], $0x2000  }
0x28c: {  	[sflag:s9] =	ssyncset.done $0x0  }
0x28d: {  	[sflag:s9] =	ssyncadd.s32 $0xFFFFE000  }
0x28e: {  	_ =	swait.ge [sflag:s7], $0x800  }
0x28f: {  	[sflag:s7] =	ssyncset.done $0x0  }
0x290: {  	[sflag:s7] =	ssyncadd.s32 $0xFFFFF800  }
0x291: {  	v8 =	vld [tilespmem:s31+$0x380];
	_ =	sdelay $0x4  }
0x292: {  	v8 =	vand.u32 $0xF, v8  }
0x293: {  	v8 =	vor.u32 v0, v8;
	_ =	sdelay $0x4  }
0x294: {  	v8 =	vld.idx.msk [tilespmem:v8+s26+$0x0], $0xffff;
	_ =	sdelay $0x4  }
0x295: {  	[tilespmem:$0x1A800] =	vst v8  }
0x296: {  	v8 =	vld [tilespmem:s31+$0x390];
	_ =	sdelay $0x4  }
0x297: {  	v8 =	vand.u32 $0xF, v8  }
0x298: {  	v8 =	vor.u32 v1, v8;
	_ =	sdelay $0x4  }
0x299: {  	v8 =	vld.idx.msk [tilespmem:v8+s26+$0x0], $0xffff;
	_ =	sdelay $0x4  }
0x29a: {  	[tilespmem:$0x1A810] =	vst v8  }
0x29b: {  	v8 =	vld [tilespmem:s31+$0x3A0];
	_ =	sdelay $0x4  }
0x29c: {  	v8 =	vand.u32 $0xF, v8  }
0x29d: {  	v8 =	vor.u32 v2, v8;
	_ =	sdelay $0x4  }
0x29e: {  	v8 =	vld.idx.msk [tilespmem:v8+s26+$0x0], $0xffff;
	_ =	sdelay $0x4  }
0x29f: {  	[tilespmem:$0x1A820] =	vst v8  }
0x2a0: {  	v8 =	vld [tilespmem:s31+$0x3B0];
	_ =	sdelay $0x4  }
0x2a1: {  	v8 =	vand.u32 $0xF, v8  }
0x2a2: {  	v8 =	vor.u32 v3, v8;
	_ =	sdelay $0x4  }
0x2a3: {  	v8 =	vld.idx.msk [tilespmem:v8+s26+$0x0], $0xffff;
	_ =	sdelay $0x4  }
0x2a4: {  	[tilespmem:$0x1A830] =	vst v8  }
0x2a5: {  	v8 =	vld [tilespmem:s31+$0x3C0];
	_ =	sdelay $0x4  }
0x2a6: {  	v8 =	vand.u32 $0xF, v8  }
0x2a7: {  	v8 =	vor.u32 v4, v8;
	_ =	sdelay $0x4  }
0x2a8: {  	v8 =	vld.idx.msk [tilespmem:v8+s26+$0x0], $0xffff;
	_ =	sdelay $0x4  }
0x2a9: {  	[tilespmem:$0x1A840] =	vst v8  }
0x2aa: {  	v8 =	vld [tilespmem:s31+$0x3D0];
	_ =	sdelay $0x4  }
0x2ab: {  	v8 =	vand.u32 $0xF, v8  }
0x2ac: {  	v8 =	vor.u32 v5, v8;
	_ =	sdelay $0x4  }
0x2ad: {  	v8 =	vld.idx.msk [tilespmem:v8+s26+$0x0], $0xffff;
	_ =	sdelay $0x4  }
0x2ae: {  	[tilespmem:$0x1A850] =	vst v8  }
0x2af: {  	v8 =	vld [tilespmem:s31+$0x3E0];
	_ =	sdelay $0x4  }
0x2b0: {  	v8 =	vand.u32 $0xF, v8  }
0x2b1: {  	v8 =	vor.u32 v6, v8;
	_ =	sdelay $0x4  }
0x2b2: {  	v8 =	vld.idx.msk [tilespmem:v8+s26+$0x0], $0xffff;
	_ =	sdelay $0x4  }
0x2b3: {  	[tilespmem:$0x1A860] =	vst v8  }
0x2b4: {  	v8 =	vld [tilespmem:s31+$0x3F0];
	_ =	sdelay $0x4  }
0x2b5: {  	v8 =	vand.u32 $0xF, v8  }
0x2b6: {  	v8 =	vor.u32 v7, v8;
	_ =	sdelay $0x4  }
0x2b7: {  	v8 =	vld.idx.msk [tilespmem:v8+s26+$0x0], $0xffff;
	_ =	sdelay $0x3  }
0x2b8: {  	p0 =	sne.s32 s29, $0x18000;
	s31 =	rddreg [dreg:$0xd]  }
.Ltmp0:
0x2b9: {  	s0 =	sadd.s32 s28, s31;
	[tilespmem:$0x1A870] =	vst v8;
	(pc) =	sbr.rel @p0 .LBB2_2-.Ltmp0, $4  }
0x2ba: {  	[hbm4b:s0+s3] =	stream.linear.scatter [tilespmem:s30], [sflag:$0x11], $0x80, $0x38;
	[tilespmem:$0x1A880] =	vst v63  }
0x2bb: {  	_ =	swait.ge [sflag:s9], $0x80  }
0x2bc: {  	s29 =	sadd.s32 $0x1000, s29;
	[sflag:s9] =	ssyncset.done $0x0  }
0x2bd: {  	s25 =	sadd.s32 $0x2000, s25;
	s28 =	sadd.s32 $0x80, s28;
	[sflag:s9] =	ssyncadd.s32 $0xFFFFFF80  }
0x2be: {  	s1 =	rddreg [dreg:$0x1f]  }
0x2bf: {  	s0 =	rddreg [dreg:$0x1e];
	s1 =	sadd.s32 $0x1, s1  }
0x2c0: {  	p0 =	sne.s32 s1, s0  }
.Ltmp1:
0x2c1: {  	_ = 	snop;
	(pc) =	sbr.rel @p0 .LBB2_1-.Ltmp1, $1  }
0x2c2: {  	_ =	sdelay $0x3  }
0x2c3: {  	_ =	sfence.sel $0x180000  }
0x2c4: {  	[bflag:$0x0] =	sbarrier.arrive $0xFFFF  }
0x2c5: {  	_ =	strace $0x90000047  }
0x2c6: {  	s0 =	stileid.u32;
	[bflag:$0x2] =	sbarrier.arrive $0xFFFF  }
0x2c7: {  	p0 =	sne.s32 s0, $0x0;
	s0 =	rddreg [dreg:$0x3]  }
0x2c8: {  	s0 =	sadd.s32 @!p0 $0x100000, s0  }
0x2c9: {  	[sflag:s0] =	ssyncadd.tile.s32 @!p0 $0x1;
	_ =	shalt  }
.Lfunc_end2:
_tile_overlayer_lowered:
.L_overlay_start_2:
0x2ca: {  	(tag) =	ssettag $0x2  }
0x2cb: {  	s0 =	rddreg [dreg:$0x0];
	s2 =	stileid.u32  }
0x2cc: {  	s1 =	rddreg [dreg:$0x1];
	p0 =	sne.s32 s2, $0x0  }
0x2cd: {  	s3 =	rddreg [dreg:$0x2];
	[bflag:$0x3] =	sbarrier.arrive $0xFFFF;
	s2 =	simm.s32 @!p0 $0x1C11  }
0x2ce: {  	[timem:s3], [sflag:s2] =	dma.local @!p0 [hbm:s0], s1  }
0x2cf: {  	s0 =	simm.s32 @!p0 $0x11  }
0x2d0: {  	_ =	swait.ge @!p0 [sflag:s0], s1  }
0x2d1: {  	s1 =	ssub.s32 @!p0 $0x0, s1;
	[sflag:s0] =	ssyncset.done @!p0 $0x0  }
0x2d2: {  	[sflag:s0] =	ssyncadd.s32 @!p0 s1  }
0x2d3: {  	[bflag:$0x3] =	sbarrier.arrive $0xFFFF  }
0x2d4: {  	_ =	shalt  }

// kernel: sparse-core-data-format-call.cloned.1.call-start
scs
called_computation_lowered:
.L_overlay_start_0:
0x0: {  	s2 =	sld [smem:$0x3FD9]  }
0x1: {  	s3 =	sld [smem:$0x3FFE];
	_ =	sdelay $0x1  }
0x2: {  	s1 =	srdreg.scid  }
0x3: {  	s0 =	sand.u32 $0x1, s1  }
0x4: {  	s15 =	sshll.u32 s0, $0xA;
	s2 =	sadd.s32 s3, s2  }
0x5: {  	s2 =	sadd.s32 s2, s15  }
0x6: {  	[smem:$0x3FC5] =	sst s2  }
0x7: {  	_ = 	snop  }
0x8: {  	s2 =	sld [smem:$0x3FD0];
	_ =	sdelay $0x2  }
0x9: {  	s16 =	simm.s32 $0xA;
	s4 =	simm.s32 $0x10  }
0xa: {  	[smem:s4], [sflag:s16] =	dma.local [hbm:s2], $0x1  }
0xb: {  	_ =	swait.eq [sflag:s16], $0x1  }
0xc: {  	[sflag:s16] =	ssyncset.done $0x0  }
0xd: {  	[sflag:s16] =	ssyncadd.s32 $0xFFFFFFFF  }
0xe: {  	s17 =	sld [smem:$0x10];
	(tm) =	ssettm $0x1  }
0xf: {  	s18 =	sld [smem:$0x3FFB];
	_ =	sdelay $0x3  }
0x10: {  	_ =	strace s18  }
0x11: {  	s3 =	sld [smem:$0x3FFC];
	_ =	sdelay $0x3  }
0x12: {  	_ =	strace s3  }
0x13: {  	s3 =	sld [smem:$0x3FFD];
	_ =	sdelay $0x3  }
0x14: {  	_ =	strace s3  }
0x15: {  	_ =	strace $0x8FFFFFFF  }
0x16: {  	s19 =	sld [smem:$0x3FDB];
	_ =	sdelay $0x1  }
0x17: {  	s20 =	simm.s32 $_scs_section_size  }
0x18: {  	s5 =	simm.s32 $_size__tile_overlayer_lowered;
	s6 =	simm.s32 $_tile_overlayer_lowered  }
0x19: {  	s23 =	simm.s32 $0x1BFF;
	s22 =	sshll.u32 s6, $0x1;
	s3 =	sadd.s32 s20, s19  }
0x1a: {  	s7 =	simm.s32 $0x0;
	s21 =	sshll.u32 s5, $0x1;
	s5 =	sadd.s32 s22, s3  }
0x1b: {  	[timem:s7], [sflag:s23] =	dma.local [hbm:s5], s21  }
0x1c: {  	_ =	swait.ge [sflag:s23], s21  }
0x1d: {  	s4 =	ssub.s32 $0x0, s21;
	[sflag:s23] =	ssyncset.done $0x0  }
0x1e: {  	[sflag:s23] =	ssyncadd.s32 s4;
	_ =	sdelay $0x1  }
0x1f: {  	s24 =	simm.s32 $0x1B8B  }
0x20: {  	_ =	swait.ge [sflag:s24], $0x1  }
0x21: {  	[sflag:s24] =	ssyncset.done $0x0  }
0x22: {  	s26 =	simm.s32 $0x1B8E;
	s25 =	sld [smem:$0x3FFE];
	[sflag:s24] =	ssyncadd.s32 $0xFFFFFFFF  }
0x23: {  	s27 =	simm.s32 $execute0_lowered;
	[smem:$0x3FD2] =	sst s26  }
0x24: {  	s5 =	sshll.u32 s27, $0x1;
	_ =	strace $0x80000049;
	[dreg:$0x1] =	wrdreg $0xFFFFFFFF  }
0x25: {  	s28 =	simm.s32 $_size_execute0_lowered;
	s3 =	sadd.s32 s3, s5;
	[dreg:$0x0] =	wrdreg $0x0  }
0x26: {  	s5 =	sshll.u32 s28, $0x1;
	[dreg:$0x2] =	wrdreg s3  }
0x27: {  	[dreg:$0x3] =	wrdreg s5  }
0x28: {  	[dreg:$0x4] =	wrdreg $0xC0  }
0x29: {  	_ =	task [dreg:s7], $0x5FFFF  }
0x2a: {  	[dreg:$0x1] =	wrdreg $0xFFFFFFFF  }
0x2b: {  	[dreg:$0x0] =	wrdreg $0x60  }
0x2c: {  	[dreg:$0x2] =	wrdreg s25  }
0x2d: {  	[dreg:$0x3] =	wrdreg s17  }
0x2e: {  	[dreg:$0x4] =	wrdreg $0x9  }
0x2f: {  	_ =	task.clear_ibuf [dreg:s7], $0x5FFFF;
	_ =	strace $0x90000049  }
0x30: {  	s29 =	simm.s32 $0x9;
	_ =	strace $0x8000004B  }
0x31: {  	_ =	swait.ge [sflag:s29], $0x1  }
0x32: {  	[sflag:s29] =	ssyncadd.s32 $0xFFFFFFFF  }
0x33: {  	_ =	strace $0x9000004B  }
0x34: {  	_ =	sfence  }
0x35: {  	s30 =	sld [smem:$0x0];
	_ =	sdelay $0x2  }
0x36: {  	s31 =	sshll.u32 s1, $0xD;
	s1 =	sshrl.u32 s1, $0x2  }
0x37: {  	s3 =	sand.u32 $0x4000, s31;
	s1 =	sadd.s32 s1, s30  }
0x38: {  	s0 =	sor.u32 s3, s0;
	s1 =	sshll.u32 s1, $0x11  }
0x39: {  	s0 =	sor.u32 s1, s0  }
0x3a: {  	s0 =	sadd.s32 $0x8F2B, s0  }
0x3b: {  	[sflag:s0] =	ssyncadd.remote.s32 $0x1  }
0x3c: {  	_ =	sfence.sel $0xFFFF  }
0x3d: {  	[dreg:$0x0] =	wrdreg $0xFFFFFFFF;
	(pc) =	sbr.abs _section_cstart, $3  }
0x3e: {  	[dreg:$0x1] =	wrdreg $0xFFFFFFFF  }
0x3f: {  	_ =	task.clear_ibuf [dreg:s7], $0x2FFFF;
	_ =	strace $0x9FFFFFFF  }
0x40: {  	(tm) =	ssettm $0x7FFFFFFF  }
0x41: {  	_ =	shalt  }
tec
execute0_lowered:
.L_overlay_start_1:
0x0: {  	(tag) =	ssettag $0x1  }
0x1: {  	s0 =	srdreg.scid  }
0x2: {  	s1 =	sshll.u32 s0, $0x4  }
0x3: {  	s0 =	stileid.u32;
	s1 =	sand.u32 $0x10, s1  }
0x4: {  	s1 =	sor.u32 s0, s1  }
0x5: {  	s6 =	rddreg [dreg:$0x0];
	s4 =	simm.s32 $0x1;
	s2 =	sshll.u32 s1, $0x7  }
0x6: {  	s7 =	simm.s32 $0x2;
	s12 =	simm.s32 $0x0;
	s1 =	ssub.s32 $0x4000, s2  }
0x7: {  	s8 =	simm.s32 $0x20000;
	s13 =	simm.s32 $0x0;
	s3 =	sand.u32 $0xF80, s1  }
0x8: {  	s9 =	simm.s32 $0x0;
	s5 =	sshrl.u32 s1, $0xC;
	p0 =	sne.s32 s3, $0x0  }
.Ltmp0:
0x9: {  	s1 =	rddreg [dreg:$0x2];
	s4 =	simm.s32 @!p0 $0x0;
	(pc) =	sbr.rel .LBB1_1-.Ltmp0, $4  }
0xa: {  	s11 =	simm.s32 $0x0;
	s3 =	rddreg [dreg:$0x1];
	s5 =	sadd.s32 s4, s5  }
0xb: {  	_ =	strace $0x8000004A;
	s4 =	simm.s32 $0x1;
	s5 =	smul.u32 $0x32, s5  }
0xc: {  	s6 =	sadd.s32 $0x38800, s6;
	s10 =	smov.u32 s2;
	[sflag:s4] =	ssyncpa.u1 $0x0  }
0xd: {  	p0 =	por $0x0, $0x0;
	[sflag:s7] =	ssyncpa.u1 $0x0;
	s7 =	sor.u32 $0x1, s5  }
.LBB1_4:
0xe: {  	s16 =	sshll.u32 s13, $0x3;
	s17 =	sand.u32 $0x78, s13  }
0xf: {  	s30 =	sand.u32 $0x1F800, s13;
	s12 =	sshll.u32 s12, $0x11;
	s16 =	sand.u32 $0x3C00, s16  }
0x10: {  	[tilespmem:s15+$0x810 ss:$0x81] =	vst.msk $0xffff, v2;
	s31 =	sand.u32 $0x7, s13;
	s16 =	sor.u32 s17, s16;
	s17 =	sadd.s32 s3, s30  }
0x11: {  	[tilespmem:s15+$0x1020 ss:$0x81] =	vst.msk $0xffff, v0;
	s13 =	sshll.u32 s31, $0x12;
	s12 =	sadd.s32 s12, s17;
	s16 =	sshrl.u32 s16, $0x3  }
0x12: {  	[tilespmem:s15+$0x0 ss:$0x81] =	vst.msk $0xffff, v1;
	s13 =	sor.u32 $0x400, s13;
	s12 =	sadd.s32 s16, s12  }
0x13: {  	[hbm4b:s12+s13] =	stream.strided.scatter [tilespmem:s14], [sflag:$0x2], $0x2000, s8, s13, $0x20;
	[tilespmem:$0x8080] =	vst v63  }
.LBB1_5:
0x14: {  	s14 =	sadd.s32 $0x1, s9  }
0x15: {  	s12 =	sadd.s32 $0x1000, s10;
	s16 =	smov.u32 s10;
	p2 =	sgt.s32 s14, $0x31  }
0x16: {  	s16 =	smov.u32 @p2 s12  }
0x17: {  	s14 =	simm.s32 @p2 $0x0;
	p2 =	sgt.s32 s16, $0x3FFF  }
0x18: {  	s16 =	smov.u32 @p2 s2;
	p2 =	sne.s32 s11, s7  }
.Ltmp1:
0x19: {  	p1 =	slt.u32 s11, $0x2;
	(pc) =	sbr.rel @!p2 .LBB1_6-.Ltmp1, $4  }
0x1a: {  	s15 =	simm.s32 @!p1 $0x2  }
0x1b: {  	s13 =	smov.u32 s10;
	p0 =	por !p0, !p0;
	_ =	swait.ge @!p1 [sflag:s15], $0x2000  }
0x1c: {  	s12 =	smov.u32 s9;
	[sflag:s15] =	ssyncset.done @!p1 $0x0;
	s9 =	smov.u32 s14  }
0x1d: {  	s11 =	sadd.s32 $0x1, s11;
	[sflag:s15] =	ssyncadd.s32 @!p1 $0xFFFFE000;
	s10 =	smov.u32 s16  }
.LBB1_1:
0x1e: {  	p1 =	sge.u32 s11, s5  }
0x1f: {  	s14 =	sand.u32 @!p1 $0x1FFFFFF, s9  }
0x20: {  	s15 =	smulhi.u32 @!p1 $0x4924925, s14;
	_ =	sdelay $0x1  }
0x21: {  	s15 =	smul.u32 @!p1 $0x38, s15  }
0x22: {  	s16 =	sxor.u32 @!p1 $0xFFFFFFFF, s11;
	s17 =	smul.u32 @!p1 $0x380, s10  }
0x23: {  	s31 =	sadd.s32 $0xFFFFFFFF, s11;
	s16 =	sshll.u32 @!p1 s16, $0xD;
	s14 =	ssub.s32 @!p1 s14, s15  }
0x24: {  	s15 =	sand.u32 @!p1 $0x2000, s16;
	s16 =	sadd.s32 @!p1 s6, s17;
	s14 =	sshll.u32 @!p1 s14, $0x4  }
0x25: {  	s17 =	simm.s32 @!p1 $0x1C00;
	s14 =	sadd.s32 @!p1 s14, s16;
	s16 =	simm.s32 @!p1 $0x40  }
0x26: {  	[tilespmem:s15], [sflag:$0x1] =	stream.strided.gather @!p1 [hbm4b:s14+s16], $0x2000, s17, s16, $0x38;
	[tilespmem:$0x8080] =	vst v63  }
0x27: {  	p1 =	sge.u32 s31, s5  }
.Ltmp2:
0x28: {  	_ = 	snop;
	(pc) =	sbr.rel @p1 .LBB1_5-.Ltmp2, $1  }
0x29: {  	_ =	sdelay $0x3  }
0x2a: {  	s14 =	simm.s32 $0x1  }
0x2b: {  	_ =	swait.ge [sflag:s4], $0x2000;
	s14 =	simm.s32 @!p0 $0x0  }
0x2c: {  	[sflag:s4] =	ssyncset.done $0x0;
	s15 =	sshll.u32 s14, $0xD  }
0x2d: {  	[sflag:s4] =	ssyncadd.s32 $0xFFFFE000;
	s18 =	sor.u32 $0x20, s15  }
0x2e: {  	s14 =	smul.u32 $0x8100, s14;
	v3 =	vld [tilespmem:s18+$0x10]  }
0x2f: {  	s30 =	sand.u32 $0x1, s11;
	v2 =	vld [tilespmem:s18+$0xFFFFFFF0]  }
0x30: {  	s15 =	smul.u32 $0x8100, s30;
	s14 =	sshrl.u32 s14, $0x2;
	v0 =	vld [tilespmem:s18+$0x0]  }
0x31: {  	v1 =	vld [tilespmem:s18+$0xFFFFFFE0];
	s16 =	sor.u32 $0x4000, s14  }
0x32: {  	s31 =	sshrl.u32 s15, $0x2;
	s15 =	sadd.s32 $0x0, s16  }
0x33: {  	s17 =	simm.s32 $0x4;
	s18 =	sadd.s32 $0x40, s18;
	s14 =	sor.u32 $0x4000, s31;
	[tilespmem:s15+$0x1830 ss:$0x81] =	vst.msk $0xffff, v3  }
.LBB1_3:
0x34: {  	v3 =	vld [tilespmem:s18+$0x10];
	p1 =	sne.s32 s17, $0x1FC;
	[tilespmem:s15+$0x810 ss:$0x81] =	vst.msk $0xffff, v2;
	s19 =	smov.u32 s17;
	s17 =	sadd.s32 $0x4, s17  }
.Ltmp3:
0x35: {  	v2 =	vld [tilespmem:s18+$0xFFFFFFF0];
	[tilespmem:s15+$0x1020 ss:$0x81] =	vst.msk $0xffff, v0;
	(pc) =	sbr.rel @p1 .LBB1_3-.Ltmp3, $4  }
0x36: {  	v0 =	vld [tilespmem:s18+$0x0];
	[tilespmem:s15+$0x0 ss:$0x81] =	vst.msk $0xffff, v1  }
0x37: {  	s15 =	sshra.s32 s19, $0x2;
	v1 =	vld [tilespmem:s18+$0xFFFFFFE0]  }
0x38: {  	s15 =	sadd.s32 s15, s16  }
0x39: {  	s18 =	sadd.s32 $0x40, s18;
	[tilespmem:s15+$0x1830 ss:$0x81] =	vst.msk $0xffff, v3  }
.Ltmp4:
0x3a: {  	_ = 	snop;
	(pc) =	sbr.rel .LBB1_4-.Ltmp4, $1  }
0x3b: {  	_ =	sdelay $0x3  }
.LBB1_6:
0x3c: {  	_ =	sfence.sel $0x180000  }
0x3d: {  	s2 =	simm.s32 $0x1;
	[bflag:$0x0] =	sbarrier.arrive $0xFFFF  }
0x3e: {  	s31 =	simm.s32 $0x2;
	[sflag:s2] =	ssyncpa.u1 $0x1  }
0x3f: {  	[sflag:s31] =	ssyncpa.u1 $0x1  }
0x40: {  	p0 =	sne.s32 s0, $0x0;
	_ =	strace $0x9000004A  }
0x41: {  	s0 =	sadd.s32 @!p0 $0x100000, s1;
	[bflag:$0x2] =	sbarrier.arrive $0xFFFF  }
0x42: {  	[sflag:s0] =	ssyncadd.tile.s32 @!p0 $0x1;
	_ =	shalt  }
.Lfunc_end1:
_tile_overlayer_lowered:
.L_overlay_start_2:
0x43: {  	(tag) =	ssettag $0x2  }
0x44: {  	s0 =	rddreg [dreg:$0x0];
	s2 =	stileid.u32  }
0x45: {  	s1 =	rddreg [dreg:$0x1];
	p0 =	sne.s32 s2, $0x0  }
0x46: {  	s3 =	rddreg [dreg:$0x2];
	[bflag:$0x3] =	sbarrier.arrive $0xFFFF;
	s2 =	simm.s32 @!p0 $0x1C01  }
0x47: {  	[timem:s3], [sflag:s2] =	dma.local @!p0 [hbm:s0], s1  }
0x48: {  	s0 =	simm.s32 @!p0 $0x1  }
0x49: {  	_ =	swait.ge @!p0 [sflag:s0], s1  }
0x4a: {  	s1 =	ssub.s32 @!p0 $0x0, s1;
	[sflag:s0] =	ssyncset.done @!p0 $0x0  }
0x4b: {  	[sflag:s0] =	ssyncadd.s32 @!p0 s1  }
0x4c: {  	[bflag:$0x3] =	sbarrier.arrive $0xFFFF  }
0x4d: {  	_ =	shalt  }

</sc_bundles>
